<compile_context>
chip_gen: v7x
topology: tpu7x:2x2x1
jax: 0.10.2.dev20260603
libtpu: 0.0.44.dev20260713+nightly
codegen_flags: <defaults>
</compile_context>

<pallas_src>
import jax
import jax.numpy as jnp
from jax import lax
from jax.experimental import pallas as pl
from jax.experimental.pallas import tpu as pltpu
from jax.experimental.pallas import tpu_sc as plsc

EPS = 1e-5
NC = 2
NS = 16
NW = NC * NS
KE = 128
BROWS = 1000


def _make_spmm(n_acc, d, iters):
    rpt = n_acc // NS
    nbuf = 4 if iters % 4 == 0 else (2 if iters % 2 == 0 else 1)
    mesh = plsc.VectorSubcoreMesh(core_axis_name="c", subcore_axis_name="s")

    def body(zp, src3, dst3, zeros, out, src_v, dst_v, rows_v, acc, *sems):
        cid = lax.axis_index("c")
        sid = lax.axis_index("s")
        wid = cid * NS + sid
        pltpu.sync_copy(zeros.at[pl.ds(sid * rpt, rpt)], acc.at[pl.ds(sid * rpt, rpt)])
        pltpu.sync_copy(src3.at[wid], src_v)
        pltpu.sync_copy(dst3.at[wid], dst_v)
        plsc.subcore_barrier()

        for b in range(nbuf):
            pltpu.async_copy(zp.at[src_v.at[b]], rows_v.at[b], sems[b])

        def step(i2, c):
            for b in range(nbuf):
                i = i2 * nbuf + b
                pltpu.make_async_copy(zp.at[src_v.at[i]], rows_v.at[b],
                                      sems[b]).wait()
                pltpu.sync_copy(rows_v.at[b], acc.at[dst_v.at[i]], add=True)
                nxt = i + nbuf

                @pl.when(nxt < iters)
                def _():
                    pltpu.async_copy(zp.at[src_v.at[nxt]], rows_v.at[b], sems[b])
            return c

        lax.fori_loop(0, iters // nbuf, step, 0)
        plsc.subcore_barrier()
        pltpu.sync_copy(acc.at[pl.ds(sid * rpt, rpt)],
                        out.at[cid, pl.ds(sid * rpt, rpt)])

    return pl.kernel(
        body,
        out_type=jax.ShapeDtypeStruct((NC, n_acc, d), jnp.float32),
        mesh=mesh,
        scratch_types=[
            pltpu.VMEM((iters, KE), jnp.int32),
            pltpu.VMEM((iters, KE), jnp.int32),
            pltpu.VMEM((nbuf, KE, d), jnp.float32),
            pltpu.VMEM_SHARED((n_acc, d), jnp.float32),
        ] + [pltpu.SemaphoreType.DMA] * nbuf,
    )


def _make_spmm_multi(n_acc, iters, nchunks, d=128):
    rpt = n_acc // NS
    nbuf = 4 if iters % 4 == 0 else (2 if iters % 2 == 0 else 1)
    mesh = plsc.VectorSubcoreMesh(core_axis_name="c", subcore_axis_name="s")

    def body(*refs):
        zps = refs[:nchunks]
        src3, dst3, zeros = refs[nchunks:nchunks + 3]
        outs = refs[nchunks + 3:2 * nchunks + 3]
        src_v, dst_v, rows_v, acc = refs[2 * nchunks + 3:2 * nchunks + 7]
        sems = refs[2 * nchunks + 7:]
        cid = lax.axis_index("c")
        sid = lax.axis_index("s")
        wid = cid * NS + sid
        pltpu.sync_copy(src3.at[wid], src_v)
        pltpu.sync_copy(dst3.at[wid], dst_v)

        for c in range(nchunks):
            zp = zps[c]
            pltpu.sync_copy(zeros.at[pl.ds(sid * rpt, rpt)],
                            acc.at[pl.ds(sid * rpt, rpt)])
            plsc.subcore_barrier()

            for b in range(nbuf):
                pltpu.async_copy(zp.at[src_v.at[b]], rows_v.at[b], sems[b])

            def step(i2, cc):
                for b in range(nbuf):
                    i = i2 * nbuf + b
                    pltpu.make_async_copy(zp.at[src_v.at[i]], rows_v.at[b],
                                          sems[b]).wait()
                    pltpu.sync_copy(rows_v.at[b], acc.at[dst_v.at[i]], add=True)
                    nxt = i + nbuf

                    @pl.when(nxt < iters)
                    def _():
                        pltpu.async_copy(zp.at[src_v.at[nxt]], rows_v.at[b],
                                         sems[b])
                return cc

            lax.fori_loop(0, iters // nbuf, step, 0)
            plsc.subcore_barrier()
            pltpu.sync_copy(acc.at[pl.ds(sid * rpt, rpt)],
                            outs[c].at[cid, pl.ds(sid * rpt, rpt)])

    return pl.kernel(
        body,
        out_type=[jax.ShapeDtypeStruct((NC, n_acc, d), jnp.float32)] * nchunks,
        mesh=mesh,
        scratch_types=[
            pltpu.VMEM((iters, KE), jnp.int32),
            pltpu.VMEM((iters, KE), jnp.int32),
            pltpu.VMEM((nbuf, KE, d), jnp.float32),
            pltpu.VMEM_SHARED((n_acc, d), jnp.float32),
        ] + [pltpu.SemaphoreType.DMA] * nbuf,
    )


def _make_deg(n_acc, iters):
    dd = 16
    rpt = n_acc // NS
    mesh = plsc.VectorSubcoreMesh(core_axis_name="c", subcore_axis_name="s")

    def body(ones, dst3, zeros, out, ones_v, dst_v, acc):
        cid = lax.axis_index("c")
        sid = lax.axis_index("s")
        wid = cid * NS + sid
        pltpu.sync_copy(zeros.at[pl.ds(sid * rpt, rpt)], acc.at[pl.ds(sid * rpt, rpt)])
        pltpu.sync_copy(dst3.at[wid], dst_v)
        pltpu.sync_copy(ones, ones_v)
        plsc.subcore_barrier()

        def step(i, c):
            pltpu.sync_copy(ones_v, acc.at[dst_v.at[i]], add=True)
            return c

        lax.fori_loop(0, iters, step, 0)
        plsc.subcore_barrier()
        pltpu.sync_copy(acc.at[pl.ds(sid * rpt, rpt)],
                        out.at[cid, pl.ds(sid * rpt, rpt)])

    return pl.kernel(
        body,
        out_type=jax.ShapeDtypeStruct((NC, n_acc, dd), jnp.float32),
        mesh=mesh,
        scratch_types=[
            pltpu.VMEM((KE, dd), jnp.float32),
            pltpu.VMEM((iters, KE), jnp.int32),
            pltpu.VMEM_SHARED((n_acc, dd), jnp.float32),
        ],
    )


def _dinv(dp):
    return 1.0 / jnp.sqrt(dp[0, :, 0:1] + dp[1, :, 0:1] + 1.0)


def _mm(mode, a_list, s_list, gbe_list, deg_p, w, dout, n):
    cin = len(a_list)
    cw = a_list[0].shape[1]
    nblk = n // BROWS
    dcs = [128] * (dout // 128) + ([dout % 128] if dout % 128 else [])

    in_specs = [pl.BlockSpec((2, BROWS, 16), lambda i: (0, i, 0))]
    args = [deg_p]
    for c in range(cin):
        in_specs.append(pl.BlockSpec((BROWS, cw), lambda i: (i, 0)))
        args.append(a_list[c])
        if mode != "id":
            in_specs.append(pl.BlockSpec((8, cw), lambda i: (0, 0)))
            args.append(s_list[c])
            in_specs.append(pl.BlockSpec((8, cw), lambda i: (0, 0)))
            args.append(gbe_list[c])
    in_specs.append(pl.BlockSpec(w.shape, lambda i: (0, 0)))
    args.append(w)
    out_specs = [pl.BlockSpec((BROWS, dc), lambda i: (i, 0)) for dc in dcs]
    out_shape = [jax.ShapeDtypeStruct((n, dc), jnp.float32) for dc in dcs]
    inv_n = 1.0 / n

    def body(*refs):
        dp = refs[0][...]
        dinv = _dinv(dp)
        k = 1
        us = []
        for _ in range(cin):
            a = refs[k][...]
            k += 1
            if mode == "id":
                u = a
            else:
                s = refs[k][...]
                k += 1
                gbe = refs[k][...]
                k += 1
                m = s[0] * inv_n
                var = s[1] * inv_n - m * m
                istd = 1.0 / jnp.sqrt(var + EPS)
                if mode == "mu":
                    u = jnp.maximum((a - m) * istd * gbe[0] + gbe[1], 0.0)
                else:
                    u = (jnp.maximum(a, 0.0) - m) * istd * gbe[0] + gbe[1]
            us.append(u)
        wv = refs[k][...]
        k += 1
        z = jnp.dot(us[0], wv[0:cw], preferred_element_type=jnp.float32)
        for c in range(1, cin):
            z = z + jnp.dot(us[c], wv[cw * c:cw * (c + 1)],
                            preferred_element_type=jnp.float32)
        z = z * dinv
        off = 0
        for o, dc in zip(refs[k:], dcs):
            o[...] = z[:, off:off + dc]
            off += dc

    outs = pl.pallas_call(body, grid=(nblk,), in_specs=in_specs,
                          out_specs=out_specs, out_shape=out_shape)(*args)
    return outs


def _combine(mode, z, p, deg_p, bpk, n, p_col_off=0):
    d = z.shape[1]
    dp_full = p.shape[2]
    nblk = n // BROWS
    stats = mode != "none"
    out_shape = [jax.ShapeDtypeStruct((n, d), jnp.float32)]
    out_specs = [pl.BlockSpec((BROWS, d), lambda i: (i, 0))]
    if stats:
        out_shape.append(jax.ShapeDtypeStruct((8, d), jnp.float32))
        out_specs.append(pl.BlockSpec((8, d), lambda i: (0, 0)))

    def body(z_ref, p_ref, dp_ref, b_ref, a_ref, *s_refs):
        i = pl.program_id(0)
        dinv = _dinv(dp_ref[...])
        pv = p_ref[...][:, :, p_col_off:p_col_off + d]
        a = dinv * (pv[0] + pv[1] + z_ref[...]) + b_ref[...][0]
        a_ref[...] = a
        if stats:
            s_ref = s_refs[0]
            t = a if mode == "mu" else jnp.maximum(a, 0.0)
            upd = jnp.concatenate(
                [jnp.sum(t, axis=0, keepdims=True),
                 jnp.sum(t * t, axis=0, keepdims=True),
                 jnp.zeros((6, d), jnp.float32)], axis=0)

            @pl.when(i == 0)
            def _():
                s_ref[...] = upd

            @pl.when(i != 0)
            def _():
                s_ref[...] = s_ref[...] + upd

    in_specs = [
        pl.BlockSpec((BROWS, d), lambda i: (i, 0)),
        pl.BlockSpec((2, BROWS, dp_full), lambda i: (0, i, 0)),
        pl.BlockSpec((2, BROWS, 16), lambda i: (0, i, 0)),
        pl.BlockSpec((8, d), lambda i: (0, 0)),
    ]
    res = pl.pallas_call(body, grid=(nblk,), in_specs=in_specs,
                         out_specs=out_specs, out_shape=out_shape)(z, p, deg_p, bpk)
    return res if stats else res[0]


def _pk8(v):
    return jnp.zeros((8, v.shape[0]), jnp.float32).at[0].set(v)


def _gbe(g, be):
    return jnp.zeros((8, g.shape[0]), jnp.float32).at[0].set(g).at[1].set(be)


def kernel(x, edge_index,
           mu_W1, mu_b1, mu_W2, mu_b2, mu_W3, mu_b3, mu_g1, mu_be1, mu_g2, mu_be2,
           log_W1, log_b1, log_W2, log_b2, log_W3, log_b3, log_g1, log_be1, log_g2, log_be2):
    n = x.shape[0]
    e = edge_index.shape[1]
    src = edge_index[0].astype(jnp.int32)
    dst = edge_index[1].astype(jnp.int32)

    per = NW * KE
    e_pad = ((e + per - 1) // per) * per
    iters = e_pad // per
    pad = e_pad - e
    n_acc = ((n + 1 + 127) // 128) * 128
    pad_i = jnp.arange(pad, dtype=jnp.int32)
    src3 = jnp.concatenate([src, pad_i % n]).reshape(NW, iters, KE)
    dst3 = jnp.concatenate([dst, n + pad_i % (n_acc - n)]).reshape(NW, iters, KE)

    zeros128 = jnp.zeros((n_acc, 128), jnp.float32)

    deg_p = _make_deg(n_acc, iters)(
        jnp.ones((KE, 16), jnp.float32), dst3,
        jnp.zeros((n_acc, 16), jnp.float32))

    w1 = jnp.concatenate([mu_W1, log_W1], axis=1)
    z_mu1, z_log1 = _mm("id", [x], None, None, deg_p, w1, 256, n)
    spmm1 = _make_spmm_multi(n_acc, iters, 1)
    (p_mu1,) = spmm1(z_mu1, src3, dst3, zeros128)
    (p_log1,) = spmm1(z_log1, src3, dst3, zeros128)
    a_mu1, s_mu1 = _combine("mu", z_mu1, p_mu1, deg_p, _pk8(mu_b1), n)
    a_log1, s_log1 = _combine("log", z_log1, p_log1, deg_p, _pk8(log_b1), n)

    z2_mu = _mm("mu", [a_mu1], [s_mu1], [_gbe(mu_g1, mu_be1)],
                deg_p, mu_W2, 256, n)
    z2_log = _mm("log", [a_log1], [s_log1], [_gbe(log_g1, log_be1)],
                 deg_p, log_W2, 256, n)
    z2 = list(z2_mu) + list(z2_log)
    p2 = [spmm1(zc, src3, dst3, zeros128)[0] for zc in z2]
    bs2 = [mu_b2[:128], mu_b2[128:], log_b2[:128], log_b2[128:]]
    a2, s2 = [], []
    for c in range(4):
        ac, sc = _combine("mu" if c < 2 else "log", z2[c], p2[c], deg_p,
                          _pk8(bs2[c]), n)
        a2.append(ac)
        s2.append(sc)

    g2s = [_gbe(mu_g2[:128], mu_be2[:128]), _gbe(mu_g2[128:], mu_be2[128:])]
    g2sl = [_gbe(log_g2[:128], log_be2[:128]), _gbe(log_g2[128:], log_be2[128:])]
    (z_mu3,) = _mm("mu", a2[:2], s2[:2], g2s, deg_p, mu_W3, 64, n)
    (z_log3,) = _mm("log", a2[2:], s2[2:], g2sl, deg_p, log_W3, 64, n)
    z3 = jnp.concatenate([z_mu3, z_log3], axis=1)
    (p3,) = spmm1(z3, src3, dst3, zeros128)
    mu = _combine("none", z_mu3, p3, deg_p, _pk8(mu_b3), n, p_col_off=0)
    log = _combine("none", z_log3, p3, deg_p, _pk8(log_b3), n, p_col_off=64)
    return (mu, log)

# --- scband reference (transcript-rebuilt; emitter-appended) ---
"""Pipeline reference for scband-encoder-33148557590872 (READ-ONLY COPY).

The authoritative reference and input builder live on the scoring server;
editing this copy changes nothing except your own understanding.
"""

import jax, jax.numpy as jnp
import numpy as np

N = 10000
E = 320000
D_IN = 128
CAP = 1
H1 = D_IN * CAP
H2 = D_IN * CAP * 2
LATENT = 64
EPS = 1e-5


def _glorot(key, shape):
    fan_in, fan_out = shape
    lim = (6.0 / (fan_in + fan_out)) ** 0.5
    return jax.random.uniform(key, shape, minval=-lim, maxval=lim, dtype=jnp.float32)


def setup_inputs(seed: int = 0) -> dict:
    key = jax.random.key(seed)
    inp = {}
    inp["x"] = jax.random.normal(jax.random.fold_in(key, 0), (N, D_IN), dtype=jnp.float32)
    inp["edge_index"] = jax.random.randint(jax.random.fold_in(key, 1), (2, E), 0, N).astype(jnp.int64)
    dims = [(D_IN, H1), (H1, H2), (H2, LATENT)]
    i = 10
    for br in ("mu", "log"):
        for li, (fi, fo) in enumerate(dims, start=1):
            inp[f"{br}_W{li}"] = _glorot(jax.random.fold_in(key, i), (fi, fo)); i += 1
            inp[f"{br}_b{li}"] = jnp.zeros((fo,), jnp.float32)
        for li, fo in enumerate([H1, H2], start=1):
            inp[f"{br}_g{li}"] = jnp.ones((fo,), jnp.float32)
            inp[f"{br}_be{li}"] = jnp.zeros((fo,), jnp.float32)
    return inp


def _gcn(x, W, b, src, dst):
    n = x.shape[0]
    loop = jnp.arange(n)
    s = jnp.concatenate([src, loop])
    d = jnp.concatenate([dst, loop])
    deg = jnp.zeros((n,), x.dtype).at[d].add(1.0)
    dinv = 1.0 / jnp.sqrt(deg)
    norm = dinv[s] * dinv[d]
    h = x @ W
    out = jnp.zeros((n, W.shape[1]), x.dtype).at[d].add(h[s] * norm[:, None])
    return out + b


def _bn(x, g, b):
    m = x.mean(0)
    v = x.var(0)
    return (x - m) / jnp.sqrt(v + EPS) * g + b


def reference(x, edge_index,
              mu_W1, mu_b1, mu_W2, mu_b2, mu_W3, mu_b3, mu_g1, mu_be1, mu_g2, mu_be2,
              log_W1, log_b1, log_W2, log_b2, log_W3, log_b3, log_g1, log_be1, log_g2, log_be2):
    src, dst = edge_index[0], edge_index[1]
    h = _gcn(x, mu_W1, mu_b1, src, dst)
    h = _bn(h, mu_g1, mu_be1)
    h = jax.nn.relu(h)
    h = _gcn(h, mu_W2, mu_b2, src, dst)
    h = _bn(h, mu_g2, mu_be2)
    h = jax.nn.relu(h)
    mu = _gcn(h, mu_W3, mu_b3, src, dst)

    g = _gcn(x, log_W1, log_b1, src, dst)
    g = jax.nn.relu(g)
    g = _bn(g, log_g1, log_be1)
    g = _gcn(g, log_W2, log_b2, src, dst)
    g = jax.nn.relu(g)
    g = _bn(g, log_g2, log_be2)
    log = _gcn(g, log_W3, log_b3, src, dst)
    return (mu, log)

if __name__ == "__main__":
    import jax
    _d = setup_inputs()
    print(jax.jit(kernel)(*tuple(_d.values())))

</pallas_src>

<mosaic_0001>
#map = affine_map<(d0, d1) -> (0, 0)>
#map1 = affine_map<(d0, d1) -> (0, 0, 0)>
module attributes {stable_mosaic.version = 14 : i64} {
  func.func @body(%arg0: i32, %arg1: i32, %arg2: memref<10000x128xf32, #tpu.memory_space<hbm>>, %arg3: memref<32x79x128xi32, #tpu.memory_space<hbm>>, %arg4: memref<32x79x128xi32, #tpu.memory_space<hbm>>, %arg5: memref<10112x128xf32, #tpu.memory_space<hbm>>, %arg6: memref<2x10112x128xf32, #tpu.memory_space<hbm>>, %arg7: memref<79x128xi32, #tpu.memory_space<vmem>>, %arg8: memref<79x128xi32, #tpu.memory_space<vmem>>, %arg9: memref<1x128x128xf32, #tpu.memory_space<vmem>>, %arg10: memref<10112x128xf32, #tpu.memory_space<vmem_shared>>, %arg11: memref<!tpu.dma_semaphore, #tpu.memory_space<semaphore_mem>>) attributes {dimension_semantics = [#tpu.dimension_semantics<core_parallel>, #tpu.dimension_semantics<subcore_parallel>], iteration_bounds = array<i64: 2, 16>, scalar_prefetch = 0 : i64, scratch_operands = 5 : i64, tpu.core_type = #tpu.core_type<sc_vector_subcore>, window_params = [{transform_indices = #map}, {transform_indices = #map1}, {transform_indices = #map1}, {transform_indices = #map}, {transform_indices = #map1}]} {
    %mul3A = arith.constant 16 : i32
    %mul3A_0 = arith.muli %arg0, %mul3A : i32
    %add3A = arith.addi %mul3A_0, %arg1 : i32
    "tpu.region"() ({
      %run_scoped3A = tpu.sem_alloc : memref<!tpu.dma_semaphore, #tpu.memory_space<semaphore_mem>>
      %dma_start3A_26 = arith.constant 0 : i32
      %dma_start3A_27 = arith.constant 0 : i32
      %dma_start3A_28 = tpu.memref_slice %arg3[%add3A, %dma_start3A_26, %dma_start3A_27] : memref<32x79x128xi32, #tpu.memory_space<hbm>> -> memref<1x79x128xi32, #tpu.memory_space<hbm>>
      %dma_start3A_29 = tpu.memref_squeeze %dma_start3A_28 : memref<1x79x128xi32, #tpu.memory_space<hbm>> -> memref<79x128xi32, #tpu.memory_space<hbm>>
      %dma_start3A_30 = arith.constant 0 : i32
      %dma_start3A_31 = arith.constant 0 : i32
      %dma_start3A_32 = tpu.memref_slice %arg3[%add3A, %dma_start3A_30, %dma_start3A_31] : memref<32x79x128xi32, #tpu.memory_space<hbm>> -> memref<1x79x128xi32, #tpu.memory_space<hbm>>
      %dma_start3A_33 = tpu.memref_squeeze %dma_start3A_32 : memref<1x79x128xi32, #tpu.memory_space<hbm>> -> memref<79x128xi32, #tpu.memory_space<hbm>>
      tpu.enqueue_dma source(%dma_start3A_33 : memref<79x128xi32, #tpu.memory_space<hbm>>) target(%arg7 : memref<79x128xi32, #tpu.memory_space<vmem>>) target_semaphore(%run_scoped3A : memref<!tpu.dma_semaphore, #tpu.memory_space<semaphore_mem>>)
      %dma_wait3A = arith.constant 0 : i32
      %dma_wait3A_34 = arith.constant 0 : i32
      %dma_wait3A_35 = tpu.memref_slice %arg3[%add3A, %dma_wait3A, %dma_wait3A_34] : memref<32x79x128xi32, #tpu.memory_space<hbm>> -> memref<1x79x128xi32, #tpu.memory_space<hbm>>
      %dma_wait3A_36 = tpu.memref_squeeze %dma_wait3A_35 : memref<1x79x128xi32, #tpu.memory_space<hbm>> -> memref<79x128xi32, #tpu.memory_space<hbm>>
      %dma_wait3A_37 = arith.constant 0 : i32
      %dma_wait3A_38 = arith.constant 0 : i32
      %dma_wait3A_39 = tpu.memref_slice %arg3[%add3A, %dma_wait3A_37, %dma_wait3A_38] : memref<32x79x128xi32, #tpu.memory_space<hbm>> -> memref<1x79x128xi32, #tpu.memory_space<hbm>>
      %dma_wait3A_40 = tpu.memref_squeeze %dma_wait3A_39 : memref<1x79x128xi32, #tpu.memory_space<hbm>> -> memref<79x128xi32, #tpu.memory_space<hbm>>
      tpu.wait_dma2 semaphore(%run_scoped3A : memref<!tpu.dma_semaphore, #tpu.memory_space<semaphore_mem>>) src(%dma_wait3A_40 : memref<79x128xi32, #tpu.memory_space<hbm>>) dst(%arg7 : memref<79x128xi32, #tpu.memory_space<vmem>>)
      tpu.yield
    }) : () -> ()
    "tpu.region"() ({
      %run_scoped3A = tpu.sem_alloc : memref<!tpu.dma_semaphore, #tpu.memory_space<semaphore_mem>>
      %dma_start3A_26 = arith.constant 0 : i32
      %dma_start3A_27 = arith.constant 0 : i32
      %dma_start3A_28 = tpu.memref_slice %arg4[%add3A, %dma_start3A_26, %dma_start3A_27] : memref<32x79x128xi32, #tpu.memory_space<hbm>> -> memref<1x79x128xi32, #tpu.memory_space<hbm>>
      %dma_start3A_29 = tpu.memref_squeeze %dma_start3A_28 : memref<1x79x128xi32, #tpu.memory_space<hbm>> -> memref<79x128xi32, #tpu.memory_space<hbm>>
      %dma_start3A_30 = arith.constant 0 : i32
      %dma_start3A_31 = arith.constant 0 : i32
      %dma_start3A_32 = tpu.memref_slice %arg4[%add3A, %dma_start3A_30, %dma_start3A_31] : memref<32x79x128xi32, #tpu.memory_space<hbm>> -> memref<1x79x128xi32, #tpu.memory_space<hbm>>
      %dma_start3A_33 = tpu.memref_squeeze %dma_start3A_32 : memref<1x79x128xi32, #tpu.memory_space<hbm>> -> memref<79x128xi32, #tpu.memory_space<hbm>>
      tpu.enqueue_dma source(%dma_start3A_33 : memref<79x128xi32, #tpu.memory_space<hbm>>) target(%arg8 : memref<79x128xi32, #tpu.memory_space<vmem>>) target_semaphore(%run_scoped3A : memref<!tpu.dma_semaphore, #tpu.memory_space<semaphore_mem>>)
      %dma_wait3A = arith.constant 0 : i32
      %dma_wait3A_34 = arith.constant 0 : i32
      %dma_wait3A_35 = tpu.memref_slice %arg4[%add3A, %dma_wait3A, %dma_wait3A_34] : memref<32x79x128xi32, #tpu.memory_space<hbm>> -> memref<1x79x128xi32, #tpu.memory_space<hbm>>
      %dma_wait3A_36 = tpu.memref_squeeze %dma_wait3A_35 : memref<1x79x128xi32, #tpu.memory_space<hbm>> -> memref<79x128xi32, #tpu.memory_space<hbm>>
      %dma_wait3A_37 = arith.constant 0 : i32
      %dma_wait3A_38 = arith.constant 0 : i32
      %dma_wait3A_39 = tpu.memref_slice %arg4[%add3A, %dma_wait3A_37, %dma_wait3A_38] : memref<32x79x128xi32, #tpu.memory_space<hbm>> -> memref<1x79x128xi32, #tpu.memory_space<hbm>>
      %dma_wait3A_40 = tpu.memref_squeeze %dma_wait3A_39 : memref<1x79x128xi32, #tpu.memory_space<hbm>> -> memref<79x128xi32, #tpu.memory_space<hbm>>
      tpu.wait_dma2 semaphore(%run_scoped3A : memref<!tpu.dma_semaphore, #tpu.memory_space<semaphore_mem>>) src(%dma_wait3A_40 : memref<79x128xi32, #tpu.memory_space<hbm>>) dst(%arg8 : memref<79x128xi32, #tpu.memory_space<vmem>>)
      tpu.yield
    }) : () -> ()
    %mul3A_1 = arith.constant 632 : i32
    %mul3A_2 = arith.muli %arg1, %mul3A_1 : i32
    %mul3A_3 = arith.constant 632 : i32
    %mul3A_4 = arith.muli %arg1, %mul3A_3 : i32
    "tpu.region"() ({
      %run_scoped3A = tpu.sem_alloc : memref<!tpu.dma_semaphore, #tpu.memory_space<semaphore_mem>>
      %dma_start3A_26 = arith.constant 0 : i32
      %dma_start3A_27 = tpu.memref_slice %arg10[%mul3A_4, %dma_start3A_26] : memref<10112x128xf32, #tpu.memory_space<vmem_shared>> -> memref<632x128xf32, #tpu.memory_space<vmem_shared>>
      %dma_start3A_28 = arith.constant 0 : i32
      %dma_start3A_29 = tpu.memref_slice %arg5[%mul3A_2, %dma_start3A_28] : memref<10112x128xf32, #tpu.memory_space<hbm>> -> memref<632x128xf32, #tpu.memory_space<hbm>>
      tpu.enqueue_dma source(%dma_start3A_29 : memref<632x128xf32, #tpu.memory_space<hbm>>) target(%dma_start3A_27 : memref<632x128xf32, #tpu.memory_space<vmem_shared>>) target_semaphore(%run_scoped3A : memref<!tpu.dma_semaphore, #tpu.memory_space<semaphore_mem>>)
      %dma_wait3A = arith.constant 0 : i32
      %dma_wait3A_30 = tpu.memref_slice %arg10[%mul3A_4, %dma_wait3A] : memref<10112x128xf32, #tpu.memory_space<vmem_shared>> -> memref<632x128xf32, #tpu.memory_space<vmem_shared>>
      %dma_wait3A_31 = arith.constant 0 : i32
      %dma_wait3A_32 = tpu.memref_slice %arg5[%mul3A_2, %dma_wait3A_31] : memref<10112x128xf32, #tpu.memory_space<hbm>> -> memref<632x128xf32, #tpu.memory_space<hbm>>
      tpu.wait_dma2 semaphore(%run_scoped3A : memref<!tpu.dma_semaphore, #tpu.memory_space<semaphore_mem>>) src(%dma_wait3A_32 : memref<632x128xf32, #tpu.memory_space<hbm>>) dst(%dma_wait3A_30 : memref<632x128xf32, #tpu.memory_space<vmem_shared>>)
      tpu.yield
    }) : () -> ()
    %barrier3A = arith.constant 0 : index
    tpu.barrier barrier_id(%barrier3A)
    %dma_start3A = arith.constant 0 : i32
    %dma_start3A_5 = arith.constant 0 : i32
    %dma_start3A_6 = arith.constant 0 : i32
    %dma_start3A_7 = arith.constant 0 : i32
    %dma_start3A_8 = tpu.memref_slice %arg9[%dma_start3A_5, %dma_start3A_6, %dma_start3A_7] : memref<1x128x128xf32, #tpu.memory_space<vmem>> -> memref<1x128x128xf32, #tpu.memory_space<vmem>>
    %dma_start3A_9 = tpu.memref_squeeze %dma_start3A_8 : memref<1x128x128xf32, #tpu.memory_space<vmem>> -> memref<128x128xf32, #tpu.memory_space<vmem>>
    %dma_start3A_10 = arith.constant 0 : i32
    %dma_start3A_11 = tpu.memref_slice %arg7[%dma_start3A, %dma_start3A_10] : memref<79x128xi32, #tpu.memory_space<vmem>> -> memref<1x128xi32, #tpu.memory_space<vmem>>
    %dma_start3A_12 = tpu.memref_squeeze %dma_start3A_11 : memref<1x128xi32, #tpu.memory_space<vmem>> -> memref<128xi32, #tpu.memory_space<vmem>>
    %dma_start3A_13 = arith.constant 0 : i32
    %dma_start3A_14 = arith.constant 0 : i32
    %dma_start3A_15 = tpu.memref_slice %arg2[%dma_start3A_13, %dma_start3A_14] : memref<10000x128xf32, #tpu.memory_space<hbm>> -> memref<10000x128xf32, #tpu.memory_space<hbm>>
    tpu.enqueue_indirect_dma source(%dma_start3A_15 : memref<10000x128xf32, #tpu.memory_space<hbm>>) target(%dma_start3A_9 : memref<128x128xf32, #tpu.memory_space<vmem>>) offsets(%dma_start3A_12 : memref<128xi32, #tpu.memory_space<vmem>>) semaphore(%arg11 : memref<!tpu.dma_semaphore, #tpu.memory_space<semaphore_mem>>)
    %scan3A = arith.constant 0 : i32
    %scan3A_16 = arith.constant 0 : i32
    %scan3A_17 = arith.constant 79 : i32
    %scan3A_18 = arith.addi %scan3A_16, %scan3A_17 : i32
    %scan3A_19 = arith.constant 1 : i32
    scf.for %scan3A_26 = %scan3A_16 to %scan3A_18 step %scan3A_19  : i32 {
      %mul3A_27 = arith.constant 1 : i32
      %mul3A_28 = arith.muli %scan3A_26, %mul3A_27 : i32
      %add3A_29 = arith.constant 0 : i32
      %add3A_30 = arith.addi %mul3A_28, %add3A_29 : i32
      %dma_wait3A = arith.constant 0 : i32
      %dma_wait3A_31 = arith.constant 0 : i32
      %dma_wait3A_32 = arith.constant 0 : i32
      %dma_wait3A_33 = tpu.memref_slice %arg9[%dma_wait3A, %dma_wait3A_31, %dma_wait3A_32] : memref<1x128x128xf32, #tpu.memory_space<vmem>> -> memref<1x128x128xf32, #tpu.memory_space<vmem>>
      %dma_wait3A_34 = tpu.memref_squeeze %dma_wait3A_33 : memref<1x128x128xf32, #tpu.memory_space<vmem>> -> memref<128x128xf32, #tpu.memory_space<vmem>>
      %dma_wait3A_35 = arith.constant 0 : i32
      %dma_wait3A_36 = tpu.memref_slice %arg7[%add3A_30, %dma_wait3A_35] : memref<79x128xi32, #tpu.memory_space<vmem>> -> memref<1x128xi32, #tpu.memory_space<vmem>>
      %dma_wait3A_37 = tpu.memref_squeeze %dma_wait3A_36 : memref<1x128xi32, #tpu.memory_space<vmem>> -> memref<128xi32, #tpu.memory_space<vmem>>
      %dma_wait3A_38 = arith.constant 0 : i32
      %dma_wait3A_39 = arith.constant 0 : i32
      %dma_wait3A_40 = tpu.memref_slice %arg2[%dma_wait3A_38, %dma_wait3A_39] : memref<10000x128xf32, #tpu.memory_space<hbm>> -> memref<10000x128xf32, #tpu.memory_space<hbm>>
      tpu.wait_indirect_dma semaphore(%arg11 : memref<!tpu.dma_semaphore, #tpu.memory_space<semaphore_mem>>) src(%dma_wait3A_40 : memref<10000x128xf32, #tpu.memory_space<hbm>>) dst(%dma_wait3A_34 : memref<128x128xf32, #tpu.memory_space<vmem>>)
      %run_scoped3A = arith.constant 0 : i32
      "tpu.region"() ({
        %run_scoped3A_45 = tpu.sem_alloc : memref<!tpu.dma_semaphore, #tpu.memory_space<semaphore_mem>>
        %dma_start3A_46 = arith.constant 0 : i32
        %dma_start3A_47 = arith.constant 0 : i32
        %dma_start3A_48 = tpu.memref_slice %arg9[%run_scoped3A, %dma_start3A_46, %dma_start3A_47] : memref<1x128x128xf32, #tpu.memory_space<vmem>> -> memref<1x128x128xf32, #tpu.memory_space<vmem>>
        %dma_start3A_49 = tpu.memref_squeeze %dma_start3A_48 : memref<1x128x128xf32, #tpu.memory_space<vmem>> -> memref<128x128xf32, #tpu.memory_space<vmem>>
        %dma_start3A_50 = arith.constant 0 : i32
        %dma_start3A_51 = tpu.memref_slice %arg8[%add3A_30, %dma_start3A_50] : memref<79x128xi32, #tpu.memory_space<vmem>> -> memref<1x128xi32, #tpu.memory_space<vmem>>
        %dma_start3A_52 = tpu.memref_squeeze %dma_start3A_51 : memref<1x128xi32, #tpu.memory_space<vmem>> -> memref<128xi32, #tpu.memory_space<vmem>>
        %dma_start3A_53 = arith.constant 0 : i32
        %dma_start3A_54 = arith.constant 0 : i32
        %dma_start3A_55 = tpu.memref_slice %arg10[%dma_start3A_53, %dma_start3A_54] : memref<10112x128xf32, #tpu.memory_space<vmem_shared>> -> memref<10112x128xf32, #tpu.memory_space<vmem_shared>>
        tpu.enqueue_indirect_dma source(%dma_start3A_49 : memref<128x128xf32, #tpu.memory_space<vmem>>) target(%dma_start3A_55 : memref<10112x128xf32, #tpu.memory_space<vmem_shared>>) offsets(%dma_start3A_52 : memref<128xi32, #tpu.memory_space<vmem>>) semaphore(%run_scoped3A_45 : memref<!tpu.dma_semaphore, #tpu.memory_space<semaphore_mem>>) {add = true}
        %dma_wait3A_56 = arith.constant 0 : i32
        %dma_wait3A_57 = arith.constant 0 : i32
        %dma_wait3A_58 = tpu.memref_slice %arg9[%run_scoped3A, %dma_wait3A_56, %dma_wait3A_57] : memref<1x128x128xf32, #tpu.memory_space<vmem>> -> memref<1x128x128xf32, #tpu.memory_space<vmem>>
        %dma_wait3A_59 = tpu.memref_squeeze %dma_wait3A_58 : memref<1x128x128xf32, #tpu.memory_space<vmem>> -> memref<128x128xf32, #tpu.memory_space<vmem>>
        %dma_wait3A_60 = arith.constant 0 : i32
        %dma_wait3A_61 = tpu.memref_slice %arg8[%add3A_30, %dma_wait3A_60] : memref<79x128xi32, #tpu.memory_space<vmem>> -> memref<1x128xi32, #tpu.memory_space<vmem>>
        %dma_wait3A_62 = tpu.memref_squeeze %dma_wait3A_61 : memref<1x128xi32, #tpu.memory_space<vmem>> -> memref<128xi32, #tpu.memory_space<vmem>>
        %dma_wait3A_63 = arith.constant 0 : i32
        %dma_wait3A_64 = arith.constant 0 : i32
        %dma_wait3A_65 = tpu.memref_slice %arg10[%dma_wait3A_63, %dma_wait3A_64] : memref<10112x128xf32, #tpu.memory_space<vmem_shared>> -> memref<10112x128xf32, #tpu.memory_space<vmem_shared>>
        tpu.wait_indirect_dma semaphore(%run_scoped3A_45 : memref<!tpu.dma_semaphore, #tpu.memory_space<semaphore_mem>>) src(%dma_wait3A_59 : memref<128x128xf32, #tpu.memory_space<vmem>>) dst(%dma_wait3A_65 : memref<10112x128xf32, #tpu.memory_space<vmem_shared>>)
        tpu.yield
      }) : () -> ()
      %add3A_41 = arith.constant 1 : i32
      %add3A_42 = arith.addi %add3A_30, %add3A_41 : i32
      %lt3A = arith.constant 79 : i32
      %lt3A_43 = arith.cmpi slt, %add3A_42, %lt3A : i32
      %convert_element_type3A = arith.extui %lt3A_43 : i1 to i32
      %cond3A = arith.constant 0 : i32
      %cond3A_44 = arith.cmpi ne, %convert_element_type3A, %cond3A : i32
      scf.if %cond3A_44 {
        %dma_start3A_45 = arith.constant 0 : i32
        %dma_start3A_46 = arith.constant 0 : i32
        %dma_start3A_47 = arith.constant 0 : i32
        %dma_start3A_48 = tpu.memref_slice %arg9[%dma_start3A_45, %dma_start3A_46, %dma_start3A_47] : memref<1x128x128xf32, #tpu.memory_space<vmem>> -> memref<1x128x128xf32, #tpu.memory_space<vmem>>
        %dma_start3A_49 = tpu.memref_squeeze %dma_start3A_48 : memref<1x128x128xf32, #tpu.memory_space<vmem>> -> memref<128x128xf32, #tpu.memory_space<vmem>>
        %dma_start3A_50 = arith.constant 0 : i32
        %dma_start3A_51 = tpu.memref_slice %arg7[%add3A_42, %dma_start3A_50] : memref<79x128xi32, #tpu.memory_space<vmem>> -> memref<1x128xi32, #tpu.memory_space<vmem>>
        %dma_start3A_52 = tpu.memref_squeeze %dma_start3A_51 : memref<1x128xi32, #tpu.memory_space<vmem>> -> memref<128xi32, #tpu.memory_space<vmem>>
        %dma_start3A_53 = arith.constant 0 : i32
        %dma_start3A_54 = arith.constant 0 : i32
        %dma_start3A_55 = tpu.memref_slice %arg2[%dma_start3A_53, %dma_start3A_54] : memref<10000x128xf32, #tpu.memory_space<hbm>> -> memref<10000x128xf32, #tpu.memory_space<hbm>>
        tpu.enqueue_indirect_dma source(%dma_start3A_55 : memref<10000x128xf32, #tpu.memory_space<hbm>>) target(%dma_start3A_49 : memref<128x128xf32, #tpu.memory_space<vmem>>) offsets(%dma_start3A_52 : memref<128xi32, #tpu.memory_space<vmem>>) semaphore(%arg11 : memref<!tpu.dma_semaphore, #tpu.memory_space<semaphore_mem>>)
      } else {
      }
    }
    %scan3A_20 = arith.constant 79 : i32
    %barrier3A_21 = arith.constant 0 : index
    tpu.barrier barrier_id(%barrier3A_21)
    %mul3A_22 = arith.constant 632 : i32
    %mul3A_23 = arith.muli %arg1, %mul3A_22 : i32
    %mul3A_24 = arith.constant 632 : i32
    %mul3A_25 = arith.muli %arg1, %mul3A_24 : i32
    "tpu.region"() ({
      %run_scoped3A = tpu.sem_alloc : memref<!tpu.dma_semaphore, #tpu.memory_space<semaphore_mem>>
      %dma_start3A_26 = arith.constant 0 : i32
      %dma_start3A_27 = tpu.memref_slice %arg6[%arg0, %mul3A_25, %dma_start3A_26] : memref<2x10112x128xf32, #tpu.memory_space<hbm>> -> memref<1x632x128xf32, #tpu.memory_space<hbm>>
      %dma_start3A_28 = tpu.memref_squeeze %dma_start3A_27 : memref<1x632x128xf32, #tpu.memory_space<hbm>> -> memref<632x128xf32, #tpu.memory_space<hbm>>
      %dma_start3A_29 = arith.constant 0 : i32
      %dma_start3A_30 = tpu.memref_slice %arg10[%mul3A_23, %dma_start3A_29] : memref<10112x128xf32, #tpu.memory_space<vmem_shared>> -> memref<632x128xf32, #tpu.memory_space<vmem_shared>>
      tpu.enqueue_dma source(%dma_start3A_30 : memref<632x128xf32, #tpu.memory_space<vmem_shared>>) target(%dma_start3A_28 : memref<632x128xf32, #tpu.memory_space<hbm>>) target_semaphore(%run_scoped3A : memref<!tpu.dma_semaphore, #tpu.memory_space<semaphore_mem>>)
      %dma_wait3A = arith.constant 0 : i32
      %dma_wait3A_31 = tpu.memref_slice %arg6[%arg0, %mul3A_25, %dma_wait3A] : memref<2x10112x128xf32, #tpu.memory_space<hbm>> -> memref<1x632x128xf32, #tpu.memory_space<hbm>>
      %dma_wait3A_32 = tpu.memref_squeeze %dma_wait3A_31 : memref<1x632x128xf32, #tpu.memory_space<hbm>> -> memref<632x128xf32, #tpu.memory_space<hbm>>
      %dma_wait3A_33 = arith.constant 0 : i32
      %dma_wait3A_34 = tpu.memref_slice %arg10[%mul3A_23, %dma_wait3A_33] : memref<10112x128xf32, #tpu.memory_space<vmem_shared>> -> memref<632x128xf32, #tpu.memory_space<vmem_shared>>
      tpu.wait_dma2 semaphore(%run_scoped3A : memref<!tpu.dma_semaphore, #tpu.memory_space<semaphore_mem>>) src(%dma_wait3A_34 : memref<632x128xf32, #tpu.memory_space<vmem_shared>>) dst(%dma_wait3A_32 : memref<632x128xf32, #tpu.memory_space<hbm>>)
      tpu.yield
    }) : () -> ()
    return
  }
}

#map = affine_map<(d0, d1) -> (0, 0)>
#map1 = affine_map<(d0, d1) -> (0, 0, 0)>
module attributes {stable_mosaic.version = 14 : i64} {
  func.func @body(%arg0: i32, %arg1: i32, %arg2: memref<128x16xf32, #tpu.memory_space<hbm>>, %arg3: memref<32x79x128xi32, #tpu.memory_space<hbm>>, %arg4: memref<10112x16xf32, #tpu.memory_space<hbm>>, %arg5: memref<2x10112x16xf32, #tpu.memory_space<hbm>>, %arg6: memref<128x16xf32, #tpu.memory_space<vmem>>, %arg7: memref<79x128xi32, #tpu.memory_space<vmem>>, %arg8: memref<10112x16xf32, #tpu.memory_space<vmem_shared>>) attributes {dimension_semantics = [#tpu.dimension_semantics<core_parallel>, #tpu.dimension_semantics<subcore_parallel>], iteration_bounds = array<i64: 2, 16>, scalar_prefetch = 0 : i64, scratch_operands = 3 : i64, tpu.core_type = #tpu.core_type<sc_vector_subcore>, window_params = [{transform_indices = #map}, {transform_indices = #map1}, {transform_indices = #map}, {transform_indices = #map1}]} {
    %mul3A = arith.constant 16 : i32
    %mul3A_0 = arith.muli %arg0, %mul3A : i32
    %add3A = arith.addi %mul3A_0, %arg1 : i32
    %mul3A_1 = arith.constant 632 : i32
    %mul3A_2 = arith.muli %arg1, %mul3A_1 : i32
    %mul3A_3 = arith.constant 632 : i32
    %mul3A_4 = arith.muli %arg1, %mul3A_3 : i32
    "tpu.region"() ({
      %run_scoped3A = tpu.sem_alloc : memref<!tpu.dma_semaphore, #tpu.memory_space<semaphore_mem>>
      %dma_start3A = arith.constant 0 : i32
      %dma_start3A_15 = tpu.memref_slice %arg8[%mul3A_4, %dma_start3A] : memref<10112x16xf32, #tpu.memory_space<vmem_shared>> -> memref<632x16xf32, #tpu.memory_space<vmem_shared>>
      %dma_start3A_16 = arith.constant 0 : i32
      %dma_start3A_17 = tpu.memref_slice %arg4[%mul3A_2, %dma_start3A_16] : memref<10112x16xf32, #tpu.memory_space<hbm>> -> memref<632x16xf32, #tpu.memory_space<hbm>>
      tpu.enqueue_dma source(%dma_start3A_17 : memref<632x16xf32, #tpu.memory_space<hbm>>) target(%dma_start3A_15 : memref<632x16xf32, #tpu.memory_space<vmem_shared>>) target_semaphore(%run_scoped3A : memref<!tpu.dma_semaphore, #tpu.memory_space<semaphore_mem>>)
      %dma_wait3A = arith.constant 0 : i32
      %dma_wait3A_18 = tpu.memref_slice %arg8[%mul3A_4, %dma_wait3A] : memref<10112x16xf32, #tpu.memory_space<vmem_shared>> -> memref<632x16xf32, #tpu.memory_space<vmem_shared>>
      %dma_wait3A_19 = arith.constant 0 : i32
      %dma_wait3A_20 = tpu.memref_slice %arg4[%mul3A_2, %dma_wait3A_19] : memref<10112x16xf32, #tpu.memory_space<hbm>> -> memref<632x16xf32, #tpu.memory_space<hbm>>
      tpu.wait_dma2 semaphore(%run_scoped3A : memref<!tpu.dma_semaphore, #tpu.memory_space<semaphore_mem>>) src(%dma_wait3A_20 : memref<632x16xf32, #tpu.memory_space<hbm>>) dst(%dma_wait3A_18 : memref<632x16xf32, #tpu.memory_space<vmem_shared>>)
      tpu.yield
    }) : () -> ()
    "tpu.region"() ({
      %run_scoped3A = tpu.sem_alloc : memref<!tpu.dma_semaphore, #tpu.memory_space<semaphore_mem>>
      %dma_start3A = arith.constant 0 : i32
      %dma_start3A_15 = arith.constant 0 : i32
      %dma_start3A_16 = tpu.memref_slice %arg3[%add3A, %dma_start3A, %dma_start3A_15] : memref<32x79x128xi32, #tpu.memory_space<hbm>> -> memref<1x79x128xi32, #tpu.memory_space<hbm>>
      %dma_start3A_17 = tpu.memref_squeeze %dma_start3A_16 : memref<1x79x128xi32, #tpu.memory_space<hbm>> -> memref<79x128xi32, #tpu.memory_space<hbm>>
      %dma_start3A_18 = arith.constant 0 : i32
      %dma_start3A_19 = arith.constant 0 : i32
      %dma_start3A_20 = tpu.memref_slice %arg3[%add3A, %dma_start3A_18, %dma_start3A_19] : memref<32x79x128xi32, #tpu.memory_space<hbm>> -> memref<1x79x128xi32, #tpu.memory_space<hbm>>
      %dma_start3A_21 = tpu.memref_squeeze %dma_start3A_20 : memref<1x79x128xi32, #tpu.memory_space<hbm>> -> memref<79x128xi32, #tpu.memory_space<hbm>>
      tpu.enqueue_dma source(%dma_start3A_21 : memref<79x128xi32, #tpu.memory_space<hbm>>) target(%arg7 : memref<79x128xi32, #tpu.memory_space<vmem>>) target_semaphore(%run_scoped3A : memref<!tpu.dma_semaphore, #tpu.memory_space<semaphore_mem>>)
      %dma_wait3A = arith.constant 0 : i32
      %dma_wait3A_22 = arith.constant 0 : i32
      %dma_wait3A_23 = tpu.memref_slice %arg3[%add3A, %dma_wait3A, %dma_wait3A_22] : memref<32x79x128xi32, #tpu.memory_space<hbm>> -> memref<1x79x128xi32, #tpu.memory_space<hbm>>
      %dma_wait3A_24 = tpu.memref_squeeze %dma_wait3A_23 : memref<1x79x128xi32, #tpu.memory_space<hbm>> -> memref<79x128xi32, #tpu.memory_space<hbm>>
      %dma_wait3A_25 = arith.constant 0 : i32
      %dma_wait3A_26 = arith.constant 0 : i32
      %dma_wait3A_27 = tpu.memref_slice %arg3[%add3A, %dma_wait3A_25, %dma_wait3A_26] : memref<32x79x128xi32, #tpu.memory_space<hbm>> -> memref<1x79x128xi32, #tpu.memory_space<hbm>>
      %dma_wait3A_28 = tpu.memref_squeeze %dma_wait3A_27 : memref<1x79x128xi32, #tpu.memory_space<hbm>> -> memref<79x128xi32, #tpu.memory_space<hbm>>
      tpu.wait_dma2 semaphore(%run_scoped3A : memref<!tpu.dma_semaphore, #tpu.memory_space<semaphore_mem>>) src(%dma_wait3A_28 : memref<79x128xi32, #tpu.memory_space<hbm>>) dst(%arg7 : memref<79x128xi32, #tpu.memory_space<vmem>>)
      tpu.yield
    }) : () -> ()
    "tpu.region"() ({
      %run_scoped3A = tpu.sem_alloc : memref<!tpu.dma_semaphore, #tpu.memory_space<semaphore_mem>>
      tpu.enqueue_dma source(%arg2 : memref<128x16xf32, #tpu.memory_space<hbm>>) target(%arg6 : memref<128x16xf32, #tpu.memory_space<vmem>>) target_semaphore(%run_scoped3A : memref<!tpu.dma_semaphore, #tpu.memory_space<semaphore_mem>>)
      tpu.wait_dma2 semaphore(%run_scoped3A : memref<!tpu.dma_semaphore, #tpu.memory_space<semaphore_mem>>) src(%arg2 : memref<128x16xf32, #tpu.memory_space<hbm>>) dst(%arg6 : memref<128x16xf32, #tpu.memory_space<vmem>>)
      tpu.yield
    }) : () -> ()
    %barrier3A = arith.constant 0 : index
    tpu.barrier barrier_id(%barrier3A)
    %scan3A = arith.constant 0 : i32
    %scan3A_5 = arith.constant 0 : i32
    %scan3A_6 = arith.constant 79 : i32
    %scan3A_7 = arith.addi %scan3A_5, %scan3A_6 : i32
    %scan3A_8 = arith.constant 1 : i32
    scf.for %scan3A_15 = %scan3A_5 to %scan3A_7 step %scan3A_8  : i32 {
      "tpu.region"() ({
        %run_scoped3A = tpu.sem_alloc : memref<!tpu.dma_semaphore, #tpu.memory_space<semaphore_mem>>
        %dma_start3A = arith.constant 0 : i32
        %dma_start3A_16 = tpu.memref_slice %arg7[%scan3A_15, %dma_start3A] : memref<79x128xi32, #tpu.memory_space<vmem>> -> memref<1x128xi32, #tpu.memory_space<vmem>>
        %dma_start3A_17 = tpu.memref_squeeze %dma_start3A_16 : memref<1x128xi32, #tpu.memory_space<vmem>> -> memref<128xi32, #tpu.memory_space<vmem>>
        %dma_start3A_18 = arith.constant 0 : i32
        %dma_start3A_19 = arith.constant 0 : i32
        %dma_start3A_20 = tpu.memref_slice %arg8[%dma_start3A_18, %dma_start3A_19] : memref<10112x16xf32, #tpu.memory_space<vmem_shared>> -> memref<10112x16xf32, #tpu.memory_space<vmem_shared>>
        tpu.enqueue_indirect_dma source(%arg6 : memref<128x16xf32, #tpu.memory_space<vmem>>) target(%dma_start3A_20 : memref<10112x16xf32, #tpu.memory_space<vmem_shared>>) offsets(%dma_start3A_17 : memref<128xi32, #tpu.memory_space<vmem>>) semaphore(%run_scoped3A : memref<!tpu.dma_semaphore, #tpu.memory_space<semaphore_mem>>) {add = true}
        %dma_wait3A = arith.constant 0 : i32
        %dma_wait3A_21 = tpu.memref_slice %arg7[%scan3A_15, %dma_wait3A] : memref<79x128xi32, #tpu.memory_space<vmem>> -> memref<1x128xi32, #tpu.memory_space<vmem>>
        %dma_wait3A_22 = tpu.memref_squeeze %dma_wait3A_21 : memref<1x128xi32, #tpu.memory_space<vmem>> -> memref<128xi32, #tpu.memory_space<vmem>>
        %dma_wait3A_23 = arith.constant 0 : i32
        %dma_wait3A_24 = arith.constant 0 : i32
        %dma_wait3A_25 = tpu.memref_slice %arg8[%dma_wait3A_23, %dma_wait3A_24] : memref<10112x16xf32, #tpu.memory_space<vmem_shared>> -> memref<10112x16xf32, #tpu.memory_space<vmem_shared>>
        tpu.wait_indirect_dma semaphore(%run_scoped3A : memref<!tpu.dma_semaphore, #tpu.memory_space<semaphore_mem>>) src(%arg6 : memref<128x16xf32, #tpu.memory_space<vmem>>) dst(%dma_wait3A_25 : memref<10112x16xf32, #tpu.memory_space<vmem_shared>>)
        tpu.yield
      }) : () -> ()
    }
    %scan3A_9 = arith.constant 79 : i32
    %barrier3A_10 = arith.constant 0 : index
    tpu.barrier barrier_id(%barrier3A_10)
    %mul3A_11 = arith.constant 632 : i32
    %mul3A_12 = arith.muli %arg1, %mul3A_11 : i32
    %mul3A_13 = arith.constant 632 : i32
    %mul3A_14 = arith.muli %arg1, %mul3A_13 : i32
    "tpu.region"() ({
      %run_scoped3A = tpu.sem_alloc : memref<!tpu.dma_semaphore, #tpu.memory_space<semaphore_mem>>
      %dma_start3A = arith.constant 0 : i32
      %dma_start3A_15 = tpu.memref_slice %arg5[%arg0, %mul3A_14, %dma_start3A] : memref<2x10112x16xf32, #tpu.memory_space<hbm>> -> memref<1x632x16xf32, #tpu.memory_space<hbm>>
      %dma_start3A_16 = tpu.memref_squeeze %dma_start3A_15 : memref<1x632x16xf32, #tpu.memory_space<hbm>> -> memref<632x16xf32, #tpu.memory_space<hbm>>
      %dma_start3A_17 = arith.constant 0 : i32
      %dma_start3A_18 = tpu.memref_slice %arg8[%mul3A_12, %dma_start3A_17] : memref<10112x16xf32, #tpu.memory_space<vmem_shared>> -> memref<632x16xf32, #tpu.memory_space<vmem_shared>>
      tpu.enqueue_dma source(%dma_start3A_18 : memref<632x16xf32, #tpu.memory_space<vmem_shared>>) target(%dma_start3A_16 : memref<632x16xf32, #tpu.memory_space<hbm>>) target_semaphore(%run_scoped3A : memref<!tpu.dma_semaphore, #tpu.memory_space<semaphore_mem>>)
      %dma_wait3A = arith.constant 0 : i32
      %dma_wait3A_19 = tpu.memref_slice %arg5[%arg0, %mul3A_14, %dma_wait3A] : memref<2x10112x16xf32, #tpu.memory_space<hbm>> -> memref<1x632x16xf32, #tpu.memory_space<hbm>>
      %dma_wait3A_20 = tpu.memref_squeeze %dma_wait3A_19 : memref<1x632x16xf32, #tpu.memory_space<hbm>> -> memref<632x16xf32, #tpu.memory_space<hbm>>
      %dma_wait3A_21 = arith.constant 0 : i32
      %dma_wait3A_22 = tpu.memref_slice %arg8[%mul3A_12, %dma_wait3A_21] : memref<10112x16xf32, #tpu.memory_space<vmem_shared>> -> memref<632x16xf32, #tpu.memory_space<vmem_shared>>
      tpu.wait_dma2 semaphore(%run_scoped3A : memref<!tpu.dma_semaphore, #tpu.memory_space<semaphore_mem>>) src(%dma_wait3A_22 : memref<632x16xf32, #tpu.memory_space<vmem_shared>>) dst(%dma_wait3A_20 : memref<632x16xf32, #tpu.memory_space<hbm>>)
      tpu.yield
    }) : () -> ()
    return
  }
}

#map = affine_map<(d0, d1) -> (0, 0)>
#map1 = affine_map<(d0, d1) -> (0, 0, 0)>
module attributes {stable_mosaic.version = 14 : i64} {
  func.func @body(%arg0: i32, %arg1: i32, %arg2: memref<10000x128xf32, #tpu.memory_space<hbm>>, %arg3: memref<32x79x128xi32, #tpu.memory_space<hbm>>, %arg4: memref<32x79x128xi32, #tpu.memory_space<hbm>>, %arg5: memref<10112x128xf32, #tpu.memory_space<hbm>>, %arg6: memref<2x10112x128xf32, #tpu.memory_space<hbm>>, %arg7: memref<79x128xi32, #tpu.memory_space<vmem>>, %arg8: memref<79x128xi32, #tpu.memory_space<vmem>>, %arg9: memref<1x128x128xf32, #tpu.memory_space<vmem>>, %arg10: memref<10112x128xf32, #tpu.memory_space<vmem_shared>>, %arg11: memref<!tpu.dma_semaphore, #tpu.memory_space<semaphore_mem>>) attributes {dimension_semantics = [#tpu.dimension_semantics<core_parallel>, #tpu.dimension_semantics<subcore_parallel>], iteration_bounds = array<i64: 2, 16>, scalar_prefetch = 0 : i64, scratch_operands = 5 : i64, tpu.core_type = #tpu.core_type<sc_vector_subcore>, window_params = [{transform_indices = #map}, {transform_indices = #map1}, {transform_indices = #map1}, {transform_indices = #map}, {transform_indices = #map1}]} {
    %mul3A = arith.constant 16 : i32
    %mul3A_0 = arith.muli %arg0, %mul3A : i32
    %add3A = arith.addi %mul3A_0, %arg1 : i32
    "tpu.region"() ({
      %run_scoped3A = tpu.sem_alloc : memref<!tpu.dma_semaphore, #tpu.memory_space<semaphore_mem>>
      %dma_start3A_26 = arith.constant 0 : i32
      %dma_start3A_27 = arith.constant 0 : i32
      %dma_start3A_28 = tpu.memref_slice %arg3[%add3A, %dma_start3A_26, %dma_start3A_27] : memref<32x79x128xi32, #tpu.memory_space<hbm>> -> memref<1x79x128xi32, #tpu.memory_space<hbm>>
      %dma_start3A_29 = tpu.memref_squeeze %dma_start3A_28 : memref<1x79x128xi32, #tpu.memory_space<hbm>> -> memref<79x128xi32, #tpu.memory_space<hbm>>
      %dma_start3A_30 = arith.constant 0 : i32
      %dma_start3A_31 = arith.constant 0 : i32
      %dma_start3A_32 = tpu.memref_slice %arg3[%add3A, %dma_start3A_30, %dma_start3A_31] : memref<32x79x128xi32, #tpu.memory_space<hbm>> -> memref<1x79x128xi32, #tpu.memory_space<hbm>>
      %dma_start3A_33 = tpu.memref_squeeze %dma_start3A_32 : memref<1x79x128xi32, #tpu.memory_space<hbm>> -> memref<79x128xi32, #tpu.memory_space<hbm>>
      tpu.enqueue_dma source(%dma_start3A_33 : memref<79x128xi32, #tpu.memory_space<hbm>>) target(%arg7 : memref<79x128xi32, #tpu.memory_space<vmem>>) target_semaphore(%run_scoped3A : memref<!tpu.dma_semaphore, #tpu.memory_space<semaphore_mem>>)
      %dma_wait3A = arith.constant 0 : i32
      %dma_wait3A_34 = arith.constant 0 : i32
      %dma_wait3A_35 = tpu.memref_slice %arg3[%add3A, %dma_wait3A, %dma_wait3A_34] : memref<32x79x128xi32, #tpu.memory_space<hbm>> -> memref<1x79x128xi32, #tpu.memory_space<hbm>>
      %dma_wait3A_36 = tpu.memref_squeeze %dma_wait3A_35 : memref<1x79x128xi32, #tpu.memory_space<hbm>> -> memref<79x128xi32, #tpu.memory_space<hbm>>
      %dma_wait3A_37 = arith.constant 0 : i32
      %dma_wait3A_38 = arith.constant 0 : i32
      %dma_wait3A_39 = tpu.memref_slice %arg3[%add3A, %dma_wait3A_37, %dma_wait3A_38] : memref<32x79x128xi32, #tpu.memory_space<hbm>> -> memref<1x79x128xi32, #tpu.memory_space<hbm>>
      %dma_wait3A_40 = tpu.memref_squeeze %dma_wait3A_39 : memref<1x79x128xi32, #tpu.memory_space<hbm>> -> memref<79x128xi32, #tpu.memory_space<hbm>>
      tpu.wait_dma2 semaphore(%run_scoped3A : memref<!tpu.dma_semaphore, #tpu.memory_space<semaphore_mem>>) src(%dma_wait3A_40 : memref<79x128xi32, #tpu.memory_space<hbm>>) dst(%arg7 : memref<79x128xi32, #tpu.memory_space<vmem>>)
      tpu.yield
    }) : () -> ()
    "tpu.region"() ({
      %run_scoped3A = tpu.sem_alloc : memref<!tpu.dma_semaphore, #tpu.memory_space<semaphore_mem>>
      %dma_start3A_26 = arith.constant 0 : i32
      %dma_start3A_27 = arith.constant 0 : i32
      %dma_start3A_28 = tpu.memref_slice %arg4[%add3A, %dma_start3A_26, %dma_start3A_27] : memref<32x79x128xi32, #tpu.memory_space<hbm>> -> memref<1x79x128xi32, #tpu.memory_space<hbm>>
      %dma_start3A_29 = tpu.memref_squeeze %dma_start3A_28 : memref<1x79x128xi32, #tpu.memory_space<hbm>> -> memref<79x128xi32, #tpu.memory_space<hbm>>
      %dma_start3A_30 = arith.constant 0 : i32
      %dma_start3A_31 = arith.constant 0 : i32
      %dma_start3A_32 = tpu.memref_slice %arg4[%add3A, %dma_start3A_30, %dma_start3A_31] : memref<32x79x128xi32, #tpu.memory_space<hbm>> -> memref<1x79x128xi32, #tpu.memory_space<hbm>>
      %dma_start3A_33 = tpu.memref_squeeze %dma_start3A_32 : memref<1x79x128xi32, #tpu.memory_space<hbm>> -> memref<79x128xi32, #tpu.memory_space<hbm>>
      tpu.enqueue_dma source(%dma_start3A_33 : memref<79x128xi32, #tpu.memory_space<hbm>>) target(%arg8 : memref<79x128xi32, #tpu.memory_space<vmem>>) target_semaphore(%run_scoped3A : memref<!tpu.dma_semaphore, #tpu.memory_space<semaphore_mem>>)
      %dma_wait3A = arith.constant 0 : i32
      %dma_wait3A_34 = arith.constant 0 : i32
      %dma_wait3A_35 = tpu.memref_slice %arg4[%add3A, %dma_wait3A, %dma_wait3A_34] : memref<32x79x128xi32, #tpu.memory_space<hbm>> -> memref<1x79x128xi32, #tpu.memory_space<hbm>>
      %dma_wait3A_36 = tpu.memref_squeeze %dma_wait3A_35 : memref<1x79x128xi32, #tpu.memory_space<hbm>> -> memref<79x128xi32, #tpu.memory_space<hbm>>
      %dma_wait3A_37 = arith.constant 0 : i32
      %dma_wait3A_38 = arith.constant 0 : i32
      %dma_wait3A_39 = tpu.memref_slice %arg4[%add3A, %dma_wait3A_37, %dma_wait3A_38] : memref<32x79x128xi32, #tpu.memory_space<hbm>> -> memref<1x79x128xi32, #tpu.memory_space<hbm>>
      %dma_wait3A_40 = tpu.memref_squeeze %dma_wait3A_39 : memref<1x79x128xi32, #tpu.memory_space<hbm>> -> memref<79x128xi32, #tpu.memory_space<hbm>>
      tpu.wait_dma2 semaphore(%run_scoped3A : memref<!tpu.dma_semaphore, #tpu.memory_space<semaphore_mem>>) src(%dma_wait3A_40 : memref<79x128xi32, #tpu.memory_space<hbm>>) dst(%arg8 : memref<79x128xi32, #tpu.memory_space<vmem>>)
      tpu.yield
    }) : () -> ()
    %mul3A_1 = arith.constant 632 : i32
    %mul3A_2 = arith.muli %arg1, %mul3A_1 : i32
    %mul3A_3 = arith.constant 632 : i32
    %mul3A_4 = arith.muli %arg1, %mul3A_3 : i32
    "tpu.region"() ({
      %run_scoped3A = tpu.sem_alloc : memref<!tpu.dma_semaphore, #tpu.memory_space<semaphore_mem>>
      %dma_start3A_26 = arith.constant 0 : i32
      %dma_start3A_27 = tpu.memref_slice %arg10[%mul3A_4, %dma_start3A_26] : memref<10112x128xf32, #tpu.memory_space<vmem_shared>> -> memref<632x128xf32, #tpu.memory_space<vmem_shared>>
      %dma_start3A_28 = arith.constant 0 : i32
      %dma_start3A_29 = tpu.memref_slice %arg5[%mul3A_2, %dma_start3A_28] : memref<10112x128xf32, #tpu.memory_space<hbm>> -> memref<632x128xf32, #tpu.memory_space<hbm>>
      tpu.enqueue_dma source(%dma_start3A_29 : memref<632x128xf32, #tpu.memory_space<hbm>>) target(%dma_start3A_27 : memref<632x128xf32, #tpu.memory_space<vmem_shared>>) target_semaphore(%run_scoped3A : memref<!tpu.dma_semaphore, #tpu.memory_space<semaphore_mem>>)
      %dma_wait3A = arith.constant 0 : i32
      %dma_wait3A_30 = tpu.memref_slice %arg10[%mul3A_4, %dma_wait3A] : memref<10112x128xf32, #tpu.memory_space<vmem_shared>> -> memref<632x128xf32, #tpu.memory_space<vmem_shared>>
      %dma_wait3A_31 = arith.constant 0 : i32
      %dma_wait3A_32 = tpu.memref_slice %arg5[%mul3A_2, %dma_wait3A_31] : memref<10112x128xf32, #tpu.memory_space<hbm>> -> memref<632x128xf32, #tpu.memory_space<hbm>>
      tpu.wait_dma2 semaphore(%run_scoped3A : memref<!tpu.dma_semaphore, #tpu.memory_space<semaphore_mem>>) src(%dma_wait3A_32 : memref<632x128xf32, #tpu.memory_space<hbm>>) dst(%dma_wait3A_30 : memref<632x128xf32, #tpu.memory_space<vmem_shared>>)
      tpu.yield
    }) : () -> ()
    %barrier3A = arith.constant 0 : index
    tpu.barrier barrier_id(%barrier3A)
    %dma_start3A = arith.constant 0 : i32
    %dma_start3A_5 = arith.constant 0 : i32
    %dma_start3A_6 = arith.constant 0 : i32
    %dma_start3A_7 = arith.constant 0 : i32
    %dma_start3A_8 = tpu.memref_slice %arg9[%dma_start3A_5, %dma_start3A_6, %dma_start3A_7] : memref<1x128x128xf32, #tpu.memory_space<vmem>> -> memref<1x128x128xf32, #tpu.memory_space<vmem>>
    %dma_start3A_9 = tpu.memref_squeeze %dma_start3A_8 : memref<1x128x128xf32, #tpu.memory_space<vmem>> -> memref<128x128xf32, #tpu.memory_space<vmem>>
    %dma_start3A_10 = arith.constant 0 : i32
    %dma_start3A_11 = tpu.memref_slice %arg7[%dma_start3A, %dma_start3A_10] : memref<79x128xi32, #tpu.memory_space<vmem>> -> memref<1x128xi32, #tpu.memory_space<vmem>>
    %dma_start3A_12 = tpu.memref_squeeze %dma_start3A_11 : memref<1x128xi32, #tpu.memory_space<vmem>> -> memref<128xi32, #tpu.memory_space<vmem>>
    %dma_start3A_13 = arith.constant 0 : i32
    %dma_start3A_14 = arith.constant 0 : i32
    %dma_start3A_15 = tpu.memref_slice %arg2[%dma_start3A_13, %dma_start3A_14] : memref<10000x128xf32, #tpu.memory_space<hbm>> -> memref<10000x128xf32, #tpu.memory_space<hbm>>
    tpu.enqueue_indirect_dma source(%dma_start3A_15 : memref<10000x128xf32, #tpu.memory_space<hbm>>) target(%dma_start3A_9 : memref<128x128xf32, #tpu.memory_space<vmem>>) offsets(%dma_start3A_12 : memref<128xi32, #tpu.memory_space<vmem>>) semaphore(%arg11 : memref<!tpu.dma_semaphore, #tpu.memory_space<semaphore_mem>>)
    %scan3A = arith.constant 0 : i32
    %scan3A_16 = arith.constant 0 : i32
    %scan3A_17 = arith.constant 79 : i32
    %scan3A_18 = arith.addi %scan3A_16, %scan3A_17 : i32
    %scan3A_19 = arith.constant 1 : i32
    scf.for %scan3A_26 = %scan3A_16 to %scan3A_18 step %scan3A_19  : i32 {
      %mul3A_27 = arith.constant 1 : i32
      %mul3A_28 = arith.muli %scan3A_26, %mul3A_27 : i32
      %add3A_29 = arith.constant 0 : i32
      %add3A_30 = arith.addi %mul3A_28, %add3A_29 : i32
      %dma_wait3A = arith.constant 0 : i32
      %dma_wait3A_31 = arith.constant 0 : i32
      %dma_wait3A_32 = arith.constant 0 : i32
      %dma_wait3A_33 = tpu.memref_slice %arg9[%dma_wait3A, %dma_wait3A_31, %dma_wait3A_32] : memref<1x128x128xf32, #tpu.memory_space<vmem>> -> memref<1x128x128xf32, #tpu.memory_space<vmem>>
      %dma_wait3A_34 = tpu.memref_squeeze %dma_wait3A_33 : memref<1x128x128xf32, #tpu.memory_space<vmem>> -> memref<128x128xf32, #tpu.memory_space<vmem>>
      %dma_wait3A_35 = arith.constant 0 : i32
      %dma_wait3A_36 = tpu.memref_slice %arg7[%add3A_30, %dma_wait3A_35] : memref<79x128xi32, #tpu.memory_space<vmem>> -> memref<1x128xi32, #tpu.memory_space<vmem>>
      %dma_wait3A_37 = tpu.memref_squeeze %dma_wait3A_36 : memref<1x128xi32, #tpu.memory_space<vmem>> -> memref<128xi32, #tpu.memory_space<vmem>>
      %dma_wait3A_38 = arith.constant 0 : i32
      %dma_wait3A_39 = arith.constant 0 : i32
      %dma_wait3A_40 = tpu.memref_slice %arg2[%dma_wait3A_38, %dma_wait3A_39] : memref<10000x128xf32, #tpu.memory_space<hbm>> -> memref<10000x128xf32, #tpu.memory_space<hbm>>
      tpu.wait_indirect_dma semaphore(%arg11 : memref<!tpu.dma_semaphore, #tpu.memory_space<semaphore_mem>>) src(%dma_wait3A_40 : memref<10000x128xf32, #tpu.memory_space<hbm>>) dst(%dma_wait3A_34 : memref<128x128xf32, #tpu.memory_space<vmem>>)
      %run_scoped3A = arith.constant 0 : i32
      "tpu.region"() ({
        %run_scoped3A_45 = tpu.sem_alloc : memref<!tpu.dma_semaphore, #tpu.memory_space<semaphore_mem>>
        %dma_start3A_46 = arith.constant 0 : i32
        %dma_start3A_47 = arith.constant 0 : i32
        %dma_start3A_48 = tpu.memref_slice %arg9[%run_scoped3A, %dma_start3A_46, %dma_start3A_47] : memref<1x128x128xf32, #tpu.memory_space<vmem>> -> memref<1x128x128xf32, #tpu.memory_space<vmem>>
        %dma_start3A_49 = tpu.memref_squeeze %dma_start3A_48 : memref<1x128x128xf32, #tpu.memory_space<vmem>> -> memref<128x128xf32, #tpu.memory_space<vmem>>
        %dma_start3A_50 = arith.constant 0 : i32
        %dma_start3A_51 = tpu.memref_slice %arg8[%add3A_30, %dma_start3A_50] : memref<79x128xi32, #tpu.memory_space<vmem>> -> memref<1x128xi32, #tpu.memory_space<vmem>>
        %dma_start3A_52 = tpu.memref_squeeze %dma_start3A_51 : memref<1x128xi32, #tpu.memory_space<vmem>> -> memref<128xi32, #tpu.memory_space<vmem>>
        %dma_start3A_53 = arith.constant 0 : i32
        %dma_start3A_54 = arith.constant 0 : i32
        %dma_start3A_55 = tpu.memref_slice %arg10[%dma_start3A_53, %dma_start3A_54] : memref<10112x128xf32, #tpu.memory_space<vmem_shared>> -> memref<10112x128xf32, #tpu.memory_space<vmem_shared>>
        tpu.enqueue_indirect_dma source(%dma_start3A_49 : memref<128x128xf32, #tpu.memory_space<vmem>>) target(%dma_start3A_55 : memref<10112x128xf32, #tpu.memory_space<vmem_shared>>) offsets(%dma_start3A_52 : memref<128xi32, #tpu.memory_space<vmem>>) semaphore(%run_scoped3A_45 : memref<!tpu.dma_semaphore, #tpu.memory_space<semaphore_mem>>) {add = true}
        %dma_wait3A_56 = arith.constant 0 : i32
        %dma_wait3A_57 = arith.constant 0 : i32
        %dma_wait3A_58 = tpu.memref_slice %arg9[%run_scoped3A, %dma_wait3A_56, %dma_wait3A_57] : memref<1x128x128xf32, #tpu.memory_space<vmem>> -> memref<1x128x128xf32, #tpu.memory_space<vmem>>
        %dma_wait3A_59 = tpu.memref_squeeze %dma_wait3A_58 : memref<1x128x128xf32, #tpu.memory_space<vmem>> -> memref<128x128xf32, #tpu.memory_space<vmem>>
        %dma_wait3A_60 = arith.constant 0 : i32
        %dma_wait3A_61 = tpu.memref_slice %arg8[%add3A_30, %dma_wait3A_60] : memref<79x128xi32, #tpu.memory_space<vmem>> -> memref<1x128xi32, #tpu.memory_space<vmem>>
        %dma_wait3A_62 = tpu.memref_squeeze %dma_wait3A_61 : memref<1x128xi32, #tpu.memory_space<vmem>> -> memref<128xi32, #tpu.memory_space<vmem>>
        %dma_wait3A_63 = arith.constant 0 : i32
        %dma_wait3A_64 = arith.constant 0 : i32
        %dma_wait3A_65 = tpu.memref_slice %arg10[%dma_wait3A_63, %dma_wait3A_64] : memref<10112x128xf32, #tpu.memory_space<vmem_shared>> -> memref<10112x128xf32, #tpu.memory_space<vmem_shared>>
        tpu.wait_indirect_dma semaphore(%run_scoped3A_45 : memref<!tpu.dma_semaphore, #tpu.memory_space<semaphore_mem>>) src(%dma_wait3A_59 : memref<128x128xf32, #tpu.memory_space<vmem>>) dst(%dma_wait3A_65 : memref<10112x128xf32, #tpu.memory_space<vmem_shared>>)
        tpu.yield
      }) : () -> ()
      %add3A_41 = arith.constant 1 : i32
      %add3A_42 = arith.addi %add3A_30, %add3A_41 : i32
      %lt3A = arith.constant 79 : i32
      %lt3A_43 = arith.cmpi slt, %add3A_42, %lt3A : i32
      %convert_element_type3A = arith.extui %lt3A_43 : i1 to i32
      %cond3A = arith.constant 0 : i32
      %cond3A_44 = arith.cmpi ne, %convert_element_type3A, %cond3A : i32
      scf.if %cond3A_44 {
        %dma_start3A_45 = arith.constant 0 : i32
        %dma_start3A_46 = arith.constant 0 : i32
        %dma_start3A_47 = arith.constant 0 : i32
        %dma_start3A_48 = tpu.memref_slice %arg9[%dma_start3A_45, %dma_start3A_46, %dma_start3A_47] : memref<1x128x128xf32, #tpu.memory_space<vmem>> -> memref<1x128x128xf32, #tpu.memory_space<vmem>>
        %dma_start3A_49 = tpu.memref_squeeze %dma_start3A_48 : memref<1x128x128xf32, #tpu.memory_space<vmem>> -> memref<128x128xf32, #tpu.memory_space<vmem>>
        %dma_start3A_50 = arith.constant 0 : i32
        %dma_start3A_51 = tpu.memref_slice %arg7[%add3A_42, %dma_start3A_50] : memref<79x128xi32, #tpu.memory_space<vmem>> -> memref<1x128xi32, #tpu.memory_space<vmem>>
        %dma_start3A_52 = tpu.memref_squeeze %dma_start3A_51 : memref<1x128xi32, #tpu.memory_space<vmem>> -> memref<128xi32, #tpu.memory_space<vmem>>
        %dma_start3A_53 = arith.constant 0 : i32
        %dma_start3A_54 = arith.constant 0 : i32
        %dma_start3A_55 = tpu.memref_slice %arg2[%dma_start3A_53, %dma_start3A_54] : memref<10000x128xf32, #tpu.memory_space<hbm>> -> memref<10000x128xf32, #tpu.memory_space<hbm>>
        tpu.enqueue_indirect_dma source(%dma_start3A_55 : memref<10000x128xf32, #tpu.memory_space<hbm>>) target(%dma_start3A_49 : memref<128x128xf32, #tpu.memory_space<vmem>>) offsets(%dma_start3A_52 : memref<128xi32, #tpu.memory_space<vmem>>) semaphore(%arg11 : memref<!tpu.dma_semaphore, #tpu.memory_space<semaphore_mem>>)
      } else {
      }
    }
    %scan3A_20 = arith.constant 79 : i32
    %barrier3A_21 = arith.constant 0 : index
    tpu.barrier barrier_id(%barrier3A_21)
    %mul3A_22 = arith.constant 632 : i32
    %mul3A_23 = arith.muli %arg1, %mul3A_22 : i32
    %mul3A_24 = arith.constant 632 : i32
    %mul3A_25 = arith.muli %arg1, %mul3A_24 : i32
    "tpu.region"() ({
      %run_scoped3A = tpu.sem_alloc : memref<!tpu.dma_semaphore, #tpu.memory_space<semaphore_mem>>
      %dma_start3A_26 = arith.constant 0 : i32
      %dma_start3A_27 = tpu.memref_slice %arg6[%arg0, %mul3A_25, %dma_start3A_26] : memref<2x10112x128xf32, #tpu.memory_space<hbm>> -> memref<1x632x128xf32, #tpu.memory_space<hbm>>
      %dma_start3A_28 = tpu.memref_squeeze %dma_start3A_27 : memref<1x632x128xf32, #tpu.memory_space<hbm>> -> memref<632x128xf32, #tpu.memory_space<hbm>>
      %dma_start3A_29 = arith.constant 0 : i32
      %dma_start3A_30 = tpu.memref_slice %arg10[%mul3A_23, %dma_start3A_29] : memref<10112x128xf32, #tpu.memory_space<vmem_shared>> -> memref<632x128xf32, #tpu.memory_space<vmem_shared>>
      tpu.enqueue_dma source(%dma_start3A_30 : memref<632x128xf32, #tpu.memory_space<vmem_shared>>) target(%dma_start3A_28 : memref<632x128xf32, #tpu.memory_space<hbm>>) target_semaphore(%run_scoped3A : memref<!tpu.dma_semaphore, #tpu.memory_space<semaphore_mem>>)
      %dma_wait3A = arith.constant 0 : i32
      %dma_wait3A_31 = tpu.memref_slice %arg6[%arg0, %mul3A_25, %dma_wait3A] : memref<2x10112x128xf32, #tpu.memory_space<hbm>> -> memref<1x632x128xf32, #tpu.memory_space<hbm>>
      %dma_wait3A_32 = tpu.memref_squeeze %dma_wait3A_31 : memref<1x632x128xf32, #tpu.memory_space<hbm>> -> memref<632x128xf32, #tpu.memory_space<hbm>>
      %dma_wait3A_33 = arith.constant 0 : i32
      %dma_wait3A_34 = tpu.memref_slice %arg10[%mul3A_23, %dma_wait3A_33] : memref<10112x128xf32, #tpu.memory_space<vmem_shared>> -> memref<632x128xf32, #tpu.memory_space<vmem_shared>>
      tpu.wait_dma2 semaphore(%run_scoped3A : memref<!tpu.dma_semaphore, #tpu.memory_space<semaphore_mem>>) src(%dma_wait3A_34 : memref<632x128xf32, #tpu.memory_space<vmem_shared>>) dst(%dma_wait3A_32 : memref<632x128xf32, #tpu.memory_space<hbm>>)
      tpu.yield
    }) : () -> ()
    return
  }
}

#map = affine_map<(d0, d1) -> (0, 0)>
#map1 = affine_map<(d0, d1) -> (0, 0, 0)>
module attributes {stable_mosaic.version = 14 : i64} {
  func.func @body(%arg0: i32, %arg1: i32, %arg2: memref<10000x128xf32, #tpu.memory_space<hbm>>, %arg3: memref<32x79x128xi32, #tpu.memory_space<hbm>>, %arg4: memref<32x79x128xi32, #tpu.memory_space<hbm>>, %arg5: memref<10112x128xf32, #tpu.memory_space<hbm>>, %arg6: memref<2x10112x128xf32, #tpu.memory_space<hbm>>, %arg7: memref<79x128xi32, #tpu.memory_space<vmem>>, %arg8: memref<79x128xi32, #tpu.memory_space<vmem>>, %arg9: memref<1x128x128xf32, #tpu.memory_space<vmem>>, %arg10: memref<10112x128xf32, #tpu.memory_space<vmem_shared>>, %arg11: memref<!tpu.dma_semaphore, #tpu.memory_space<semaphore_mem>>) attributes {dimension_semantics = [#tpu.dimension_semantics<core_parallel>, #tpu.dimension_semantics<subcore_parallel>], iteration_bounds = array<i64: 2, 16>, scalar_prefetch = 0 : i64, scratch_operands = 5 : i64, tpu.core_type = #tpu.core_type<sc_vector_subcore>, window_params = [{transform_indices = #map}, {transform_indices = #map1}, {transform_indices = #map1}, {transform_indices = #map}, {transform_indices = #map1}]} {
    %mul3A = arith.constant 16 : i32
    %mul3A_0 = arith.muli %arg0, %mul3A : i32
    %add3A = arith.addi %mul3A_0, %arg1 : i32
    "tpu.region"() ({
      %run_scoped3A = tpu.sem_alloc : memref<!tpu.dma_semaphore, #tpu.memory_space<semaphore_mem>>
      %dma_start3A_26 = arith.constant 0 : i32
      %dma_start3A_27 = arith.constant 0 : i32
      %dma_start3A_28 = tpu.memref_slice %arg3[%add3A, %dma_start3A_26, %dma_start3A_27] : memref<32x79x128xi32, #tpu.memory_space<hbm>> -> memref<1x79x128xi32, #tpu.memory_space<hbm>>
      %dma_start3A_29 = tpu.memref_squeeze %dma_start3A_28 : memref<1x79x128xi32, #tpu.memory_space<hbm>> -> memref<79x128xi32, #tpu.memory_space<hbm>>
      %dma_start3A_30 = arith.constant 0 : i32
      %dma_start3A_31 = arith.constant 0 : i32
      %dma_start3A_32 = tpu.memref_slice %arg3[%add3A, %dma_start3A_30, %dma_start3A_31] : memref<32x79x128xi32, #tpu.memory_space<hbm>> -> memref<1x79x128xi32, #tpu.memory_space<hbm>>
      %dma_start3A_33 = tpu.memref_squeeze %dma_start3A_32 : memref<1x79x128xi32, #tpu.memory_space<hbm>> -> memref<79x128xi32, #tpu.memory_space<hbm>>
      tpu.enqueue_dma source(%dma_start3A_33 : memref<79x128xi32, #tpu.memory_space<hbm>>) target(%arg7 : memref<79x128xi32, #tpu.memory_space<vmem>>) target_semaphore(%run_scoped3A : memref<!tpu.dma_semaphore, #tpu.memory_space<semaphore_mem>>)
      %dma_wait3A = arith.constant 0 : i32
      %dma_wait3A_34 = arith.constant 0 : i32
      %dma_wait3A_35 = tpu.memref_slice %arg3[%add3A, %dma_wait3A, %dma_wait3A_34] : memref<32x79x128xi32, #tpu.memory_space<hbm>> -> memref<1x79x128xi32, #tpu.memory_space<hbm>>
      %dma_wait3A_36 = tpu.memref_squeeze %dma_wait3A_35 : memref<1x79x128xi32, #tpu.memory_space<hbm>> -> memref<79x128xi32, #tpu.memory_space<hbm>>
      %dma_wait3A_37 = arith.constant 0 : i32
      %dma_wait3A_38 = arith.constant 0 : i32
      %dma_wait3A_39 = tpu.memref_slice %arg3[%add3A, %dma_wait3A_37, %dma_wait3A_38] : memref<32x79x128xi32, #tpu.memory_space<hbm>> -> memref<1x79x128xi32, #tpu.memory_space<hbm>>
      %dma_wait3A_40 = tpu.memref_squeeze %dma_wait3A_39 : memref<1x79x128xi32, #tpu.memory_space<hbm>> -> memref<79x128xi32, #tpu.memory_space<hbm>>
      tpu.wait_dma2 semaphore(%run_scoped3A : memref<!tpu.dma_semaphore, #tpu.memory_space<semaphore_mem>>) src(%dma_wait3A_40 : memref<79x128xi32, #tpu.memory_space<hbm>>) dst(%arg7 : memref<79x128xi32, #tpu.memory_space<vmem>>)
      tpu.yield
    }) : () -> ()
    "tpu.region"() ({
      %run_scoped3A = tpu.sem_alloc : memref<!tpu.dma_semaphore, #tpu.memory_space<semaphore_mem>>
      %dma_start3A_26 = arith.constant 0 : i32
      %dma_start3A_27 = arith.constant 0 : i32
      %dma_start3A_28 = tpu.memref_slice %arg4[%add3A, %dma_start3A_26, %dma_start3A_27] : memref<32x79x128xi32, #tpu.memory_space<hbm>> -> memref<1x79x128xi32, #tpu.memory_space<hbm>>
      %dma_start3A_29 = tpu.memref_squeeze %dma_start3A_28 : memref<1x79x128xi32, #tpu.memory_space<hbm>> -> memref<79x128xi32, #tpu.memory_space<hbm>>
      %dma_start3A_30 = arith.constant 0 : i32
      %dma_start3A_31 = arith.constant 0 : i32
      %dma_start3A_32 = tpu.memref_slice %arg4[%add3A, %dma_start3A_30, %dma_start3A_31] : memref<32x79x128xi32, #tpu.memory_space<hbm>> -> memref<1x79x128xi32, #tpu.memory_space<hbm>>
      %dma_start3A_33 = tpu.memref_squeeze %dma_start3A_32 : memref<1x79x128xi32, #tpu.memory_space<hbm>> -> memref<79x128xi32, #tpu.memory_space<hbm>>
      tpu.enqueue_dma source(%dma_start3A_33 : memref<79x128xi32, #tpu.memory_space<hbm>>) target(%arg8 : memref<79x128xi32, #tpu.memory_space<vmem>>) target_semaphore(%run_scoped3A : memref<!tpu.dma_semaphore, #tpu.memory_space<semaphore_mem>>)
      %dma_wait3A = arith.constant 0 : i32
      %dma_wait3A_34 = arith.constant 0 : i32
      %dma_wait3A_35 = tpu.memref_slice %arg4[%add3A, %dma_wait3A, %dma_wait3A_34] : memref<32x79x128xi32, #tpu.memory_space<hbm>> -> memref<1x79x128xi32, #tpu.memory_space<hbm>>
      %dma_wait3A_36 = tpu.memref_squeeze %dma_wait3A_35 : memref<1x79x128xi32, #tpu.memory_space<hbm>> -> memref<79x128xi32, #tpu.memory_space<hbm>>
      %dma_wait3A_37 = arith.constant 0 : i32
      %dma_wait3A_38 = arith.constant 0 : i32
      %dma_wait3A_39 = tpu.memref_slice %arg4[%add3A, %dma_wait3A_37, %dma_wait3A_38] : memref<32x79x128xi32, #tpu.memory_space<hbm>> -> memref<1x79x128xi32, #tpu.memory_space<hbm>>
      %dma_wait3A_40 = tpu.memref_squeeze %dma_wait3A_39 : memref<1x79x128xi32, #tpu.memory_space<hbm>> -> memref<79x128xi32, #tpu.memory_space<hbm>>
      tpu.wait_dma2 semaphore(%run_scoped3A : memref<!tpu.dma_semaphore, #tpu.memory_space<semaphore_mem>>) src(%dma_wait3A_40 : memref<79x128xi32, #tpu.memory_space<hbm>>) dst(%arg8 : memref<79x128xi32, #tpu.memory_space<vmem>>)
      tpu.yield
    }) : () -> ()
    %mul3A_1 = arith.constant 632 : i32
    %mul3A_2 = arith.muli %arg1, %mul3A_1 : i32
    %mul3A_3 = arith.constant 632 : i32
    %mul3A_4 = arith.muli %arg1, %mul3A_3 : i32
    "tpu.region"() ({
      %run_scoped3A = tpu.sem_alloc : memref<!tpu.dma_semaphore, #tpu.memory_space<semaphore_mem>>
      %dma_start3A_26 = arith.constant 0 : i32
      %dma_start3A_27 = tpu.memref_slice %arg10[%mul3A_4, %dma_start3A_26] : memref<10112x128xf32, #tpu.memory_space<vmem_shared>> -> memref<632x128xf32, #tpu.memory_space<vmem_shared>>
      %dma_start3A_28 = arith.constant 0 : i32
      %dma_start3A_29 = tpu.memref_slice %arg5[%mul3A_2, %dma_start3A_28] : memref<10112x128xf32, #tpu.memory_space<hbm>> -> memref<632x128xf32, #tpu.memory_space<hbm>>
      tpu.enqueue_dma source(%dma_start3A_29 : memref<632x128xf32, #tpu.memory_space<hbm>>) target(%dma_start3A_27 : memref<632x128xf32, #tpu.memory_space<vmem_shared>>) target_semaphore(%run_scoped3A : memref<!tpu.dma_semaphore, #tpu.memory_space<semaphore_mem>>)
      %dma_wait3A = arith.constant 0 : i32
      %dma_wait3A_30 = tpu.memref_slice %arg10[%mul3A_4, %dma_wait3A] : memref<10112x128xf32, #tpu.memory_space<vmem_shared>> -> memref<632x128xf32, #tpu.memory_space<vmem_shared>>
      %dma_wait3A_31 = arith.constant 0 : i32
      %dma_wait3A_32 = tpu.memref_slice %arg5[%mul3A_2, %dma_wait3A_31] : memref<10112x128xf32, #tpu.memory_space<hbm>> -> memref<632x128xf32, #tpu.memory_space<hbm>>
      tpu.wait_dma2 semaphore(%run_scoped3A : memref<!tpu.dma_semaphore, #tpu.memory_space<semaphore_mem>>) src(%dma_wait3A_32 : memref<632x128xf32, #tpu.memory_space<hbm>>) dst(%dma_wait3A_30 : memref<632x128xf32, #tpu.memory_space<vmem_shared>>)
      tpu.yield
    }) : () -> ()
    %barrier3A = arith.constant 0 : index
    tpu.barrier barrier_id(%barrier3A)
    %dma_start3A = arith.constant 0 : i32
    %dma_start3A_5 = arith.constant 0 : i32
    %dma_start3A_6 = arith.constant 0 : i32
    %dma_start3A_7 = arith.constant 0 : i32
    %dma_start3A_8 = tpu.memref_slice %arg9[%dma_start3A_5, %dma_start3A_6, %dma_start3A_7] : memref<1x128x128xf32, #tpu.memory_space<vmem>> -> memref<1x128x128xf32, #tpu.memory_space<vmem>>
    %dma_start3A_9 = tpu.memref_squeeze %dma_start3A_8 : memref<1x128x128xf32, #tpu.memory_space<vmem>> -> memref<128x128xf32, #tpu.memory_space<vmem>>
    %dma_start3A_10 = arith.constant 0 : i32
    %dma_start3A_11 = tpu.memref_slice %arg7[%dma_start3A, %dma_start3A_10] : memref<79x128xi32, #tpu.memory_space<vmem>> -> memref<1x128xi32, #tpu.memory_space<vmem>>
    %dma_start3A_12 = tpu.memref_squeeze %dma_start3A_11 : memref<1x128xi32, #tpu.memory_space<vmem>> -> memref<128xi32, #tpu.memory_space<vmem>>
    %dma_start3A_13 = arith.constant 0 : i32
    %dma_start3A_14 = arith.constant 0 : i32
    %dma_start3A_15 = tpu.memref_slice %arg2[%dma_start3A_13, %dma_start3A_14] : memref<10000x128xf32, #tpu.memory_space<hbm>> -> memref<10000x128xf32, #tpu.memory_space<hbm>>
    tpu.enqueue_indirect_dma source(%dma_start3A_15 : memref<10000x128xf32, #tpu.memory_space<hbm>>) target(%dma_start3A_9 : memref<128x128xf32, #tpu.memory_space<vmem>>) offsets(%dma_start3A_12 : memref<128xi32, #tpu.memory_space<vmem>>) semaphore(%arg11 : memref<!tpu.dma_semaphore, #tpu.memory_space<semaphore_mem>>)
    %scan3A = arith.constant 0 : i32
    %scan3A_16 = arith.constant 0 : i32
    %scan3A_17 = arith.constant 79 : i32
    %scan3A_18 = arith.addi %scan3A_16, %scan3A_17 : i32
    %scan3A_19 = arith.constant 1 : i32
    scf.for %scan3A_26 = %scan3A_16 to %scan3A_18 step %scan3A_19  : i32 {
      %mul3A_27 = arith.constant 1 : i32
      %mul3A_28 = arith.muli %scan3A_26, %mul3A_27 : i32
      %add3A_29 = arith.constant 0 : i32
      %add3A_30 = arith.addi %mul3A_28, %add3A_29 : i32
      %dma_wait3A = arith.constant 0 : i32
      %dma_wait3A_31 = arith.constant 0 : i32
      %dma_wait3A_32 = arith.constant 0 : i32
      %dma_wait3A_33 = tpu.memref_slice %arg9[%dma_wait3A, %dma_wait3A_31, %dma_wait3A_32] : memref<1x128x128xf32, #tpu.memory_space<vmem>> -> memref<1x128x128xf32, #tpu.memory_space<vmem>>
      %dma_wait3A_34 = tpu.memref_squeeze %dma_wait3A_33 : memref<1x128x128xf32, #tpu.memory_space<vmem>> -> memref<128x128xf32, #tpu.memory_space<vmem>>
      %dma_wait3A_35 = arith.constant 0 : i32
      %dma_wait3A_36 = tpu.memref_slice %arg7[%add3A_30, %dma_wait3A_35] : memref<79x128xi32, #tpu.memory_space<vmem>> -> memref<1x128xi32, #tpu.memory_space<vmem>>
      %dma_wait3A_37 = tpu.memref_squeeze %dma_wait3A_36 : memref<1x128xi32, #tpu.memory_space<vmem>> -> memref<128xi32, #tpu.memory_space<vmem>>
      %dma_wait3A_38 = arith.constant 0 : i32
      %dma_wait3A_39 = arith.constant 0 : i32
      %dma_wait3A_40 = tpu.memref_slice %arg2[%dma_wait3A_38, %dma_wait3A_39] : memref<10000x128xf32, #tpu.memory_space<hbm>> -> memref<10000x128xf32, #tpu.memory_space<hbm>>
      tpu.wait_indirect_dma semaphore(%arg11 : memref<!tpu.dma_semaphore, #tpu.memory_space<semaphore_mem>>) src(%dma_wait3A_40 : memref<10000x128xf32, #tpu.memory_space<hbm>>) dst(%dma_wait3A_34 : memref<128x128xf32, #tpu.memory_space<vmem>>)
      %run_scoped3A = arith.constant 0 : i32
      "tpu.region"() ({
        %run_scoped3A_45 = tpu.sem_alloc : memref<!tpu.dma_semaphore, #tpu.memory_space<semaphore_mem>>
        %dma_start3A_46 = arith.constant 0 : i32
        %dma_start3A_47 = arith.constant 0 : i32
        %dma_start3A_48 = tpu.memref_slice %arg9[%run_scoped3A, %dma_start3A_46, %dma_start3A_47] : memref<1x128x128xf32, #tpu.memory_space<vmem>> -> memref<1x128x128xf32, #tpu.memory_space<vmem>>
        %dma_start3A_49 = tpu.memref_squeeze %dma_start3A_48 : memref<1x128x128xf32, #tpu.memory_space<vmem>> -> memref<128x128xf32, #tpu.memory_space<vmem>>
        %dma_start3A_50 = arith.constant 0 : i32
        %dma_start3A_51 = tpu.memref_slice %arg8[%add3A_30, %dma_start3A_50] : memref<79x128xi32, #tpu.memory_space<vmem>> -> memref<1x128xi32, #tpu.memory_space<vmem>>
        %dma_start3A_52 = tpu.memref_squeeze %dma_start3A_51 : memref<1x128xi32, #tpu.memory_space<vmem>> -> memref<128xi32, #tpu.memory_space<vmem>>
        %dma_start3A_53 = arith.constant 0 : i32
        %dma_start3A_54 = arith.constant 0 : i32
        %dma_start3A_55 = tpu.memref_slice %arg10[%dma_start3A_53, %dma_start3A_54] : memref<10112x128xf32, #tpu.memory_space<vmem_shared>> -> memref<10112x128xf32, #tpu.memory_space<vmem_shared>>
        tpu.enqueue_indirect_dma source(%dma_start3A_49 : memref<128x128xf32, #tpu.memory_space<vmem>>) target(%dma_start3A_55 : memref<10112x128xf32, #tpu.memory_space<vmem_shared>>) offsets(%dma_start3A_52 : memref<128xi32, #tpu.memory_space<vmem>>) semaphore(%run_scoped3A_45 : memref<!tpu.dma_semaphore, #tpu.memory_space<semaphore_mem>>) {add = true}
        %dma_wait3A_56 = arith.constant 0 : i32
        %dma_wait3A_57 = arith.constant 0 : i32
        %dma_wait3A_58 = tpu.memref_slice %arg9[%run_scoped3A, %dma_wait3A_56, %dma_wait3A_57] : memref<1x128x128xf32, #tpu.memory_space<vmem>> -> memref<1x128x128xf32, #tpu.memory_space<vmem>>
        %dma_wait3A_59 = tpu.memref_squeeze %dma_wait3A_58 : memref<1x128x128xf32, #tpu.memory_space<vmem>> -> memref<128x128xf32, #tpu.memory_space<vmem>>
        %dma_wait3A_60 = arith.constant 0 : i32
        %dma_wait3A_61 = tpu.memref_slice %arg8[%add3A_30, %dma_wait3A_60] : memref<79x128xi32, #tpu.memory_space<vmem>> -> memref<1x128xi32, #tpu.memory_space<vmem>>
        %dma_wait3A_62 = tpu.memref_squeeze %dma_wait3A_61 : memref<1x128xi32, #tpu.memory_space<vmem>> -> memref<128xi32, #tpu.memory_space<vmem>>
        %dma_wait3A_63 = arith.constant 0 : i32
        %dma_wait3A_64 = arith.constant 0 : i32
        %dma_wait3A_65 = tpu.memref_slice %arg10[%dma_wait3A_63, %dma_wait3A_64] : memref<10112x128xf32, #tpu.memory_space<vmem_shared>> -> memref<10112x128xf32, #tpu.memory_space<vmem_shared>>
        tpu.wait_indirect_dma semaphore(%run_scoped3A_45 : memref<!tpu.dma_semaphore, #tpu.memory_space<semaphore_mem>>) src(%dma_wait3A_59 : memref<128x128xf32, #tpu.memory_space<vmem>>) dst(%dma_wait3A_65 : memref<10112x128xf32, #tpu.memory_space<vmem_shared>>)
        tpu.yield
      }) : () -> ()
      %add3A_41 = arith.constant 1 : i32
      %add3A_42 = arith.addi %add3A_30, %add3A_41 : i32
      %lt3A = arith.constant 79 : i32
      %lt3A_43 = arith.cmpi slt, %add3A_42, %lt3A : i32
      %convert_element_type3A = arith.extui %lt3A_43 : i1 to i32
      %cond3A = arith.constant 0 : i32
      %cond3A_44 = arith.cmpi ne, %convert_element_type3A, %cond3A : i32
      scf.if %cond3A_44 {
        %dma_start3A_45 = arith.constant 0 : i32
        %dma_start3A_46 = arith.constant 0 : i32
        %dma_start3A_47 = arith.constant 0 : i32
        %dma_start3A_48 = tpu.memref_slice %arg9[%dma_start3A_45, %dma_start3A_46, %dma_start3A_47] : memref<1x128x128xf32, #tpu.memory_space<vmem>> -> memref<1x128x128xf32, #tpu.memory_space<vmem>>
        %dma_start3A_49 = tpu.memref_squeeze %dma_start3A_48 : memref<1x128x128xf32, #tpu.memory_space<vmem>> -> memref<128x128xf32, #tpu.memory_space<vmem>>
        %dma_start3A_50 = arith.constant 0 : i32
        %dma_start3A_51 = tpu.memref_slice %arg7[%add3A_42, %dma_start3A_50] : memref<79x128xi32, #tpu.memory_space<vmem>> -> memref<1x128xi32, #tpu.memory_space<vmem>>
        %dma_start3A_52 = tpu.memref_squeeze %dma_start3A_51 : memref<1x128xi32, #tpu.memory_space<vmem>> -> memref<128xi32, #tpu.memory_space<vmem>>
        %dma_start3A_53 = arith.constant 0 : i32
        %dma_start3A_54 = arith.constant 0 : i32
        %dma_start3A_55 = tpu.memref_slice %arg2[%dma_start3A_53, %dma_start3A_54] : memref<10000x128xf32, #tpu.memory_space<hbm>> -> memref<10000x128xf32, #tpu.memory_space<hbm>>
        tpu.enqueue_indirect_dma source(%dma_start3A_55 : memref<10000x128xf32, #tpu.memory_space<hbm>>) target(%dma_start3A_49 : memref<128x128xf32, #tpu.memory_space<vmem>>) offsets(%dma_start3A_52 : memref<128xi32, #tpu.memory_space<vmem>>) semaphore(%arg11 : memref<!tpu.dma_semaphore, #tpu.memory_space<semaphore_mem>>)
      } else {
      }
    }
    %scan3A_20 = arith.constant 79 : i32
    %barrier3A_21 = arith.constant 0 : index
    tpu.barrier barrier_id(%barrier3A_21)
    %mul3A_22 = arith.constant 632 : i32
    %mul3A_23 = arith.muli %arg1, %mul3A_22 : i32
    %mul3A_24 = arith.constant 632 : i32
    %mul3A_25 = arith.muli %arg1, %mul3A_24 : i32
    "tpu.region"() ({
      %run_scoped3A = tpu.sem_alloc : memref<!tpu.dma_semaphore, #tpu.memory_space<semaphore_mem>>
      %dma_start3A_26 = arith.constant 0 : i32
      %dma_start3A_27 = tpu.memref_slice %arg6[%arg0, %mul3A_25, %dma_start3A_26] : memref<2x10112x128xf32, #tpu.memory_space<hbm>> -> memref<1x632x128xf32, #tpu.memory_space<hbm>>
      %dma_start3A_28 = tpu.memref_squeeze %dma_start3A_27 : memref<1x632x128xf32, #tpu.memory_space<hbm>> -> memref<632x128xf32, #tpu.memory_space<hbm>>
      %dma_start3A_29 = arith.constant 0 : i32
      %dma_start3A_30 = tpu.memref_slice %arg10[%mul3A_23, %dma_start3A_29] : memref<10112x128xf32, #tpu.memory_space<vmem_shared>> -> memref<632x128xf32, #tpu.memory_space<vmem_shared>>
      tpu.enqueue_dma source(%dma_start3A_30 : memref<632x128xf32, #tpu.memory_space<vmem_shared>>) target(%dma_start3A_28 : memref<632x128xf32, #tpu.memory_space<hbm>>) target_semaphore(%run_scoped3A : memref<!tpu.dma_semaphore, #tpu.memory_space<semaphore_mem>>)
      %dma_wait3A = arith.constant 0 : i32
      %dma_wait3A_31 = tpu.memref_slice %arg6[%arg0, %mul3A_25, %dma_wait3A] : memref<2x10112x128xf32, #tpu.memory_space<hbm>> -> memref<1x632x128xf32, #tpu.memory_space<hbm>>
      %dma_wait3A_32 = tpu.memref_squeeze %dma_wait3A_31 : memref<1x632x128xf32, #tpu.memory_space<hbm>> -> memref<632x128xf32, #tpu.memory_space<hbm>>
      %dma_wait3A_33 = arith.constant 0 : i32
      %dma_wait3A_34 = tpu.memref_slice %arg10[%mul3A_23, %dma_wait3A_33] : memref<10112x128xf32, #tpu.memory_space<vmem_shared>> -> memref<632x128xf32, #tpu.memory_space<vmem_shared>>
      tpu.wait_dma2 semaphore(%run_scoped3A : memref<!tpu.dma_semaphore, #tpu.memory_space<semaphore_mem>>) src(%dma_wait3A_34 : memref<632x128xf32, #tpu.memory_space<vmem_shared>>) dst(%dma_wait3A_32 : memref<632x128xf32, #tpu.memory_space<hbm>>)
      tpu.yield
    }) : () -> ()
    return
  }
}

#map = affine_map<(d0, d1) -> (0, 0)>
#map1 = affine_map<(d0, d1) -> (0, 0, 0)>
module attributes {stable_mosaic.version = 14 : i64} {
  func.func @body(%arg0: i32, %arg1: i32, %arg2: memref<10000x128xf32, #tpu.memory_space<hbm>>, %arg3: memref<32x79x128xi32, #tpu.memory_space<hbm>>, %arg4: memref<32x79x128xi32, #tpu.memory_space<hbm>>, %arg5: memref<10112x128xf32, #tpu.memory_space<hbm>>, %arg6: memref<2x10112x128xf32, #tpu.memory_space<hbm>>, %arg7: memref<79x128xi32, #tpu.memory_space<vmem>>, %arg8: memref<79x128xi32, #tpu.memory_space<vmem>>, %arg9: memref<1x128x128xf32, #tpu.memory_space<vmem>>, %arg10: memref<10112x128xf32, #tpu.memory_space<vmem_shared>>, %arg11: memref<!tpu.dma_semaphore, #tpu.memory_space<semaphore_mem>>) attributes {dimension_semantics = [#tpu.dimension_semantics<core_parallel>, #tpu.dimension_semantics<subcore_parallel>], iteration_bounds = array<i64: 2, 16>, scalar_prefetch = 0 : i64, scratch_operands = 5 : i64, tpu.core_type = #tpu.core_type<sc_vector_subcore>, window_params = [{transform_indices = #map}, {transform_indices = #map1}, {transform_indices = #map1}, {transform_indices = #map}, {transform_indices = #map1}]} {
    %mul3A = arith.constant 16 : i32
    %mul3A_0 = arith.muli %arg0, %mul3A : i32
    %add3A = arith.addi %mul3A_0, %arg1 : i32
    "tpu.region"() ({
      %run_scoped3A = tpu.sem_alloc : memref<!tpu.dma_semaphore, #tpu.memory_space<semaphore_mem>>
      %dma_start3A_26 = arith.constant 0 : i32
      %dma_start3A_27 = arith.constant 0 : i32
      %dma_start3A_28 = tpu.memref_slice %arg3[%add3A, %dma_start3A_26, %dma_start3A_27] : memref<32x79x128xi32, #tpu.memory_space<hbm>> -> memref<1x79x128xi32, #tpu.memory_space<hbm>>
      %dma_start3A_29 = tpu.memref_squeeze %dma_start3A_28 : memref<1x79x128xi32, #tpu.memory_space<hbm>> -> memref<79x128xi32, #tpu.memory_space<hbm>>
      %dma_start3A_30 = arith.constant 0 : i32
      %dma_start3A_31 = arith.constant 0 : i32
      %dma_start3A_32 = tpu.memref_slice %arg3[%add3A, %dma_start3A_30, %dma_start3A_31] : memref<32x79x128xi32, #tpu.memory_space<hbm>> -> memref<1x79x128xi32, #tpu.memory_space<hbm>>
      %dma_start3A_33 = tpu.memref_squeeze %dma_start3A_32 : memref<1x79x128xi32, #tpu.memory_space<hbm>> -> memref<79x128xi32, #tpu.memory_space<hbm>>
      tpu.enqueue_dma source(%dma_start3A_33 : memref<79x128xi32, #tpu.memory_space<hbm>>) target(%arg7 : memref<79x128xi32, #tpu.memory_space<vmem>>) target_semaphore(%run_scoped3A : memref<!tpu.dma_semaphore, #tpu.memory_space<semaphore_mem>>)
      %dma_wait3A = arith.constant 0 : i32
      %dma_wait3A_34 = arith.constant 0 : i32
      %dma_wait3A_35 = tpu.memref_slice %arg3[%add3A, %dma_wait3A, %dma_wait3A_34] : memref<32x79x128xi32, #tpu.memory_space<hbm>> -> memref<1x79x128xi32, #tpu.memory_space<hbm>>
      %dma_wait3A_36 = tpu.memref_squeeze %dma_wait3A_35 : memref<1x79x128xi32, #tpu.memory_space<hbm>> -> memref<79x128xi32, #tpu.memory_space<hbm>>
      %dma_wait3A_37 = arith.constant 0 : i32
      %dma_wait3A_38 = arith.constant 0 : i32
      %dma_wait3A_39 = tpu.memref_slice %arg3[%add3A, %dma_wait3A_37, %dma_wait3A_38] : memref<32x79x128xi32, #tpu.memory_space<hbm>> -> memref<1x79x128xi32, #tpu.memory_space<hbm>>
      %dma_wait3A_40 = tpu.memref_squeeze %dma_wait3A_39 : memref<1x79x128xi32, #tpu.memory_space<hbm>> -> memref<79x128xi32, #tpu.memory_space<hbm>>
      tpu.wait_dma2 semaphore(%run_scoped3A : memref<!tpu.dma_semaphore, #tpu.memory_space<semaphore_mem>>) src(%dma_wait3A_40 : memref<79x128xi32, #tpu.memory_space<hbm>>) dst(%arg7 : memref<79x128xi32, #tpu.memory_space<vmem>>)
      tpu.yield
    }) : () -> ()
    "tpu.region"() ({
      %run_scoped3A = tpu.sem_alloc : memref<!tpu.dma_semaphore, #tpu.memory_space<semaphore_mem>>
      %dma_start3A_26 = arith.constant 0 : i32
      %dma_start3A_27 = arith.constant 0 : i32
      %dma_start3A_28 = tpu.memref_slice %arg4[%add3A, %dma_start3A_26, %dma_start3A_27] : memref<32x79x128xi32, #tpu.memory_space<hbm>> -> memref<1x79x128xi32, #tpu.memory_space<hbm>>
      %dma_start3A_29 = tpu.memref_squeeze %dma_start3A_28 : memref<1x79x128xi32, #tpu.memory_space<hbm>> -> memref<79x128xi32, #tpu.memory_space<hbm>>
      %dma_start3A_30 = arith.constant 0 : i32
      %dma_start3A_31 = arith.constant 0 : i32
      %dma_start3A_32 = tpu.memref_slice %arg4[%add3A, %dma_start3A_30, %dma_start3A_31] : memref<32x79x128xi32, #tpu.memory_space<hbm>> -> memref<1x79x128xi32, #tpu.memory_space<hbm>>
      %dma_start3A_33 = tpu.memref_squeeze %dma_start3A_32 : memref<1x79x128xi32, #tpu.memory_space<hbm>> -> memref<79x128xi32, #tpu.memory_space<hbm>>
      tpu.enqueue_dma source(%dma_start3A_33 : memref<79x128xi32, #tpu.memory_space<hbm>>) target(%arg8 : memref<79x128xi32, #tpu.memory_space<vmem>>) target_semaphore(%run_scoped3A : memref<!tpu.dma_semaphore, #tpu.memory_space<semaphore_mem>>)
      %dma_wait3A = arith.constant 0 : i32
      %dma_wait3A_34 = arith.constant 0 : i32
      %dma_wait3A_35 = tpu.memref_slice %arg4[%add3A, %dma_wait3A, %dma_wait3A_34] : memref<32x79x128xi32, #tpu.memory_space<hbm>> -> memref<1x79x128xi32, #tpu.memory_space<hbm>>
      %dma_wait3A_36 = tpu.memref_squeeze %dma_wait3A_35 : memref<1x79x128xi32, #tpu.memory_space<hbm>> -> memref<79x128xi32, #tpu.memory_space<hbm>>
      %dma_wait3A_37 = arith.constant 0 : i32
      %dma_wait3A_38 = arith.constant 0 : i32
      %dma_wait3A_39 = tpu.memref_slice %arg4[%add3A, %dma_wait3A_37, %dma_wait3A_38] : memref<32x79x128xi32, #tpu.memory_space<hbm>> -> memref<1x79x128xi32, #tpu.memory_space<hbm>>
      %dma_wait3A_40 = tpu.memref_squeeze %dma_wait3A_39 : memref<1x79x128xi32, #tpu.memory_space<hbm>> -> memref<79x128xi32, #tpu.memory_space<hbm>>
      tpu.wait_dma2 semaphore(%run_scoped3A : memref<!tpu.dma_semaphore, #tpu.memory_space<semaphore_mem>>) src(%dma_wait3A_40 : memref<79x128xi32, #tpu.memory_space<hbm>>) dst(%arg8 : memref<79x128xi32, #tpu.memory_space<vmem>>)
      tpu.yield
    }) : () -> ()
    %mul3A_1 = arith.constant 632 : i32
    %mul3A_2 = arith.muli %arg1, %mul3A_1 : i32
    %mul3A_3 = arith.constant 632 : i32
    %mul3A_4 = arith.muli %arg1, %mul3A_3 : i32
    "tpu.region"() ({
      %run_scoped3A = tpu.sem_alloc : memref<!tpu.dma_semaphore, #tpu.memory_space<semaphore_mem>>
      %dma_start3A_26 = arith.constant 0 : i32
      %dma_start3A_27 = tpu.memref_slice %arg10[%mul3A_4, %dma_start3A_26] : memref<10112x128xf32, #tpu.memory_space<vmem_shared>> -> memref<632x128xf32, #tpu.memory_space<vmem_shared>>
      %dma_start3A_28 = arith.constant 0 : i32
      %dma_start3A_29 = tpu.memref_slice %arg5[%mul3A_2, %dma_start3A_28] : memref<10112x128xf32, #tpu.memory_space<hbm>> -> memref<632x128xf32, #tpu.memory_space<hbm>>
      tpu.enqueue_dma source(%dma_start3A_29 : memref<632x128xf32, #tpu.memory_space<hbm>>) target(%dma_start3A_27 : memref<632x128xf32, #tpu.memory_space<vmem_shared>>) target_semaphore(%run_scoped3A : memref<!tpu.dma_semaphore, #tpu.memory_space<semaphore_mem>>)
      %dma_wait3A = arith.constant 0 : i32
      %dma_wait3A_30 = tpu.memref_slice %arg10[%mul3A_4, %dma_wait3A] : memref<10112x128xf32, #tpu.memory_space<vmem_shared>> -> memref<632x128xf32, #tpu.memory_space<vmem_shared>>
      %dma_wait3A_31 = arith.constant 0 : i32
      %dma_wait3A_32 = tpu.memref_slice %arg5[%mul3A_2, %dma_wait3A_31] : memref<10112x128xf32, #tpu.memory_space<hbm>> -> memref<632x128xf32, #tpu.memory_space<hbm>>
      tpu.wait_dma2 semaphore(%run_scoped3A : memref<!tpu.dma_semaphore, #tpu.memory_space<semaphore_mem>>) src(%dma_wait3A_32 : memref<632x128xf32, #tpu.memory_space<hbm>>) dst(%dma_wait3A_30 : memref<632x128xf32, #tpu.memory_space<vmem_shared>>)
      tpu.yield
    }) : () -> ()
    %barrier3A = arith.constant 0 : index
    tpu.barrier barrier_id(%barrier3A)
    %dma_start3A = arith.constant 0 : i32
    %dma_start3A_5 = arith.constant 0 : i32
    %dma_start3A_6 = arith.constant 0 : i32
    %dma_start3A_7 = arith.constant 0 : i32
    %dma_start3A_8 = tpu.memref_slice %arg9[%dma_start3A_5, %dma_start3A_6, %dma_start3A_7] : memref<1x128x128xf32, #tpu.memory_space<vmem>> -> memref<1x128x128xf32, #tpu.memory_space<vmem>>
    %dma_start3A_9 = tpu.memref_squeeze %dma_start3A_8 : memref<1x128x128xf32, #tpu.memory_space<vmem>> -> memref<128x128xf32, #tpu.memory_space<vmem>>
    %dma_start3A_10 = arith.constant 0 : i32
    %dma_start3A_11 = tpu.memref_slice %arg7[%dma_start3A, %dma_start3A_10] : memref<79x128xi32, #tpu.memory_space<vmem>> -> memref<1x128xi32, #tpu.memory_space<vmem>>
    %dma_start3A_12 = tpu.memref_squeeze %dma_start3A_11 : memref<1x128xi32, #tpu.memory_space<vmem>> -> memref<128xi32, #tpu.memory_space<vmem>>
    %dma_start3A_13 = arith.constant 0 : i32
    %dma_start3A_14 = arith.constant 0 : i32
    %dma_start3A_15 = tpu.memref_slice %arg2[%dma_start3A_13, %dma_start3A_14] : memref<10000x128xf32, #tpu.memory_space<hbm>> -> memref<10000x128xf32, #tpu.memory_space<hbm>>
    tpu.enqueue_indirect_dma source(%dma_start3A_15 : memref<10000x128xf32, #tpu.memory_space<hbm>>) target(%dma_start3A_9 : memref<128x128xf32, #tpu.memory_space<vmem>>) offsets(%dma_start3A_12 : memref<128xi32, #tpu.memory_space<vmem>>) semaphore(%arg11 : memref<!tpu.dma_semaphore, #tpu.memory_space<semaphore_mem>>)
    %scan3A = arith.constant 0 : i32
    %scan3A_16 = arith.constant 0 : i32
    %scan3A_17 = arith.constant 79 : i32
    %scan3A_18 = arith.addi %scan3A_16, %scan3A_17 : i32
    %scan3A_19 = arith.constant 1 : i32
    scf.for %scan3A_26 = %scan3A_16 to %scan3A_18 step %scan3A_19  : i32 {
      %mul3A_27 = arith.constant 1 : i32
      %mul3A_28 = arith.muli %scan3A_26, %mul3A_27 : i32
      %add3A_29 = arith.constant 0 : i32
      %add3A_30 = arith.addi %mul3A_28, %add3A_29 : i32
      %dma_wait3A = arith.constant 0 : i32
      %dma_wait3A_31 = arith.constant 0 : i32
      %dma_wait3A_32 = arith.constant 0 : i32
      %dma_wait3A_33 = tpu.memref_slice %arg9[%dma_wait3A, %dma_wait3A_31, %dma_wait3A_32] : memref<1x128x128xf32, #tpu.memory_space<vmem>> -> memref<1x128x128xf32, #tpu.memory_space<vmem>>
      %dma_wait3A_34 = tpu.memref_squeeze %dma_wait3A_33 : memref<1x128x128xf32, #tpu.memory_space<vmem>> -> memref<128x128xf32, #tpu.memory_space<vmem>>
      %dma_wait3A_35 = arith.constant 0 : i32
      %dma_wait3A_36 = tpu.memref_slice %arg7[%add3A_30, %dma_wait3A_35] : memref<79x128xi32, #tpu.memory_space<vmem>> -> memref<1x128xi32, #tpu.memory_space<vmem>>
      %dma_wait3A_37 = tpu.memref_squeeze %dma_wait3A_36 : memref<1x128xi32, #tpu.memory_space<vmem>> -> memref<128xi32, #tpu.memory_space<vmem>>
      %dma_wait3A_38 = arith.constant 0 : i32
      %dma_wait3A_39 = arith.constant 0 : i32
      %dma_wait3A_40 = tpu.memref_slice %arg2[%dma_wait3A_38, %dma_wait3A_39] : memref<10000x128xf32, #tpu.memory_space<hbm>> -> memref<10000x128xf32, #tpu.memory_space<hbm>>
      tpu.wait_indirect_dma semaphore(%arg11 : memref<!tpu.dma_semaphore, #tpu.memory_space<semaphore_mem>>) src(%dma_wait3A_40 : memref<10000x128xf32, #tpu.memory_space<hbm>>) dst(%dma_wait3A_34 : memref<128x128xf32, #tpu.memory_space<vmem>>)
      %run_scoped3A = arith.constant 0 : i32
      "tpu.region"() ({
        %run_scoped3A_45 = tpu.sem_alloc : memref<!tpu.dma_semaphore, #tpu.memory_space<semaphore_mem>>
        %dma_start3A_46 = arith.constant 0 : i32
        %dma_start3A_47 = arith.constant 0 : i32
        %dma_start3A_48 = tpu.memref_slice %arg9[%run_scoped3A, %dma_start3A_46, %dma_start3A_47] : memref<1x128x128xf32, #tpu.memory_space<vmem>> -> memref<1x128x128xf32, #tpu.memory_space<vmem>>
        %dma_start3A_49 = tpu.memref_squeeze %dma_start3A_48 : memref<1x128x128xf32, #tpu.memory_space<vmem>> -> memref<128x128xf32, #tpu.memory_space<vmem>>
        %dma_start3A_50 = arith.constant 0 : i32
        %dma_start3A_51 = tpu.memref_slice %arg8[%add3A_30, %dma_start3A_50] : memref<79x128xi32, #tpu.memory_space<vmem>> -> memref<1x128xi32, #tpu.memory_space<vmem>>
        %dma_start3A_52 = tpu.memref_squeeze %dma_start3A_51 : memref<1x128xi32, #tpu.memory_space<vmem>> -> memref<128xi32, #tpu.memory_space<vmem>>
        %dma_start3A_53 = arith.constant 0 : i32
        %dma_start3A_54 = arith.constant 0 : i32
        %dma_start3A_55 = tpu.memref_slice %arg10[%dma_start3A_53, %dma_start3A_54] : memref<10112x128xf32, #tpu.memory_space<vmem_shared>> -> memref<10112x128xf32, #tpu.memory_space<vmem_shared>>
        tpu.enqueue_indirect_dma source(%dma_start3A_49 : memref<128x128xf32, #tpu.memory_space<vmem>>) target(%dma_start3A_55 : memref<10112x128xf32, #tpu.memory_space<vmem_shared>>) offsets(%dma_start3A_52 : memref<128xi32, #tpu.memory_space<vmem>>) semaphore(%run_scoped3A_45 : memref<!tpu.dma_semaphore, #tpu.memory_space<semaphore_mem>>) {add = true}
        %dma_wait3A_56 = arith.constant 0 : i32
        %dma_wait3A_57 = arith.constant 0 : i32
        %dma_wait3A_58 = tpu.memref_slice %arg9[%run_scoped3A, %dma_wait3A_56, %dma_wait3A_57] : memref<1x128x128xf32, #tpu.memory_space<vmem>> -> memref<1x128x128xf32, #tpu.memory_space<vmem>>
        %dma_wait3A_59 = tpu.memref_squeeze %dma_wait3A_58 : memref<1x128x128xf32, #tpu.memory_space<vmem>> -> memref<128x128xf32, #tpu.memory_space<vmem>>
        %dma_wait3A_60 = arith.constant 0 : i32
        %dma_wait3A_61 = tpu.memref_slice %arg8[%add3A_30, %dma_wait3A_60] : memref<79x128xi32, #tpu.memory_space<vmem>> -> memref<1x128xi32, #tpu.memory_space<vmem>>
        %dma_wait3A_62 = tpu.memref_squeeze %dma_wait3A_61 : memref<1x128xi32, #tpu.memory_space<vmem>> -> memref<128xi32, #tpu.memory_space<vmem>>
        %dma_wait3A_63 = arith.constant 0 : i32
        %dma_wait3A_64 = arith.constant 0 : i32
        %dma_wait3A_65 = tpu.memref_slice %arg10[%dma_wait3A_63, %dma_wait3A_64] : memref<10112x128xf32, #tpu.memory_space<vmem_shared>> -> memref<10112x128xf32, #tpu.memory_space<vmem_shared>>
        tpu.wait_indirect_dma semaphore(%run_scoped3A_45 : memref<!tpu.dma_semaphore, #tpu.memory_space<semaphore_mem>>) src(%dma_wait3A_59 : memref<128x128xf32, #tpu.memory_space<vmem>>) dst(%dma_wait3A_65 : memref<10112x128xf32, #tpu.memory_space<vmem_shared>>)
        tpu.yield
      }) : () -> ()
      %add3A_41 = arith.constant 1 : i32
      %add3A_42 = arith.addi %add3A_30, %add3A_41 : i32
      %lt3A = arith.constant 79 : i32
      %lt3A_43 = arith.cmpi slt, %add3A_42, %lt3A : i32
      %convert_element_type3A = arith.extui %lt3A_43 : i1 to i32
      %cond3A = arith.constant 0 : i32
      %cond3A_44 = arith.cmpi ne, %convert_element_type3A, %cond3A : i32
      scf.if %cond3A_44 {
        %dma_start3A_45 = arith.constant 0 : i32
        %dma_start3A_46 = arith.constant 0 : i32
        %dma_start3A_47 = arith.constant 0 : i32
        %dma_start3A_48 = tpu.memref_slice %arg9[%dma_start3A_45, %dma_start3A_46, %dma_start3A_47] : memref<1x128x128xf32, #tpu.memory_space<vmem>> -> memref<1x128x128xf32, #tpu.memory_space<vmem>>
        %dma_start3A_49 = tpu.memref_squeeze %dma_start3A_48 : memref<1x128x128xf32, #tpu.memory_space<vmem>> -> memref<128x128xf32, #tpu.memory_space<vmem>>
        %dma_start3A_50 = arith.constant 0 : i32
        %dma_start3A_51 = tpu.memref_slice %arg7[%add3A_42, %dma_start3A_50] : memref<79x128xi32, #tpu.memory_space<vmem>> -> memref<1x128xi32, #tpu.memory_space<vmem>>
        %dma_start3A_52 = tpu.memref_squeeze %dma_start3A_51 : memref<1x128xi32, #tpu.memory_space<vmem>> -> memref<128xi32, #tpu.memory_space<vmem>>
        %dma_start3A_53 = arith.constant 0 : i32
        %dma_start3A_54 = arith.constant 0 : i32
        %dma_start3A_55 = tpu.memref_slice %arg2[%dma_start3A_53, %dma_start3A_54] : memref<10000x128xf32, #tpu.memory_space<hbm>> -> memref<10000x128xf32, #tpu.memory_space<hbm>>
        tpu.enqueue_indirect_dma source(%dma_start3A_55 : memref<10000x128xf32, #tpu.memory_space<hbm>>) target(%dma_start3A_49 : memref<128x128xf32, #tpu.memory_space<vmem>>) offsets(%dma_start3A_52 : memref<128xi32, #tpu.memory_space<vmem>>) semaphore(%arg11 : memref<!tpu.dma_semaphore, #tpu.memory_space<semaphore_mem>>)
      } else {
      }
    }
    %scan3A_20 = arith.constant 79 : i32
    %barrier3A_21 = arith.constant 0 : index
    tpu.barrier barrier_id(%barrier3A_21)
    %mul3A_22 = arith.constant 632 : i32
    %mul3A_23 = arith.muli %arg1, %mul3A_22 : i32
    %mul3A_24 = arith.constant 632 : i32
    %mul3A_25 = arith.muli %arg1, %mul3A_24 : i32
    "tpu.region"() ({
      %run_scoped3A = tpu.sem_alloc : memref<!tpu.dma_semaphore, #tpu.memory_space<semaphore_mem>>
      %dma_start3A_26 = arith.constant 0 : i32
      %dma_start3A_27 = tpu.memref_slice %arg6[%arg0, %mul3A_25, %dma_start3A_26] : memref<2x10112x128xf32, #tpu.memory_space<hbm>> -> memref<1x632x128xf32, #tpu.memory_space<hbm>>
      %dma_start3A_28 = tpu.memref_squeeze %dma_start3A_27 : memref<1x632x128xf32, #tpu.memory_space<hbm>> -> memref<632x128xf32, #tpu.memory_space<hbm>>
      %dma_start3A_29 = arith.constant 0 : i32
      %dma_start3A_30 = tpu.memref_slice %arg10[%mul3A_23, %dma_start3A_29] : memref<10112x128xf32, #tpu.memory_space<vmem_shared>> -> memref<632x128xf32, #tpu.memory_space<vmem_shared>>
      tpu.enqueue_dma source(%dma_start3A_30 : memref<632x128xf32, #tpu.memory_space<vmem_shared>>) target(%dma_start3A_28 : memref<632x128xf32, #tpu.memory_space<hbm>>) target_semaphore(%run_scoped3A : memref<!tpu.dma_semaphore, #tpu.memory_space<semaphore_mem>>)
      %dma_wait3A = arith.constant 0 : i32
      %dma_wait3A_31 = tpu.memref_slice %arg6[%arg0, %mul3A_25, %dma_wait3A] : memref<2x10112x128xf32, #tpu.memory_space<hbm>> -> memref<1x632x128xf32, #tpu.memory_space<hbm>>
      %dma_wait3A_32 = tpu.memref_squeeze %dma_wait3A_31 : memref<1x632x128xf32, #tpu.memory_space<hbm>> -> memref<632x128xf32, #tpu.memory_space<hbm>>
      %dma_wait3A_33 = arith.constant 0 : i32
      %dma_wait3A_34 = tpu.memref_slice %arg10[%mul3A_23, %dma_wait3A_33] : memref<10112x128xf32, #tpu.memory_space<vmem_shared>> -> memref<632x128xf32, #tpu.memory_space<vmem_shared>>
      tpu.wait_dma2 semaphore(%run_scoped3A : memref<!tpu.dma_semaphore, #tpu.memory_space<semaphore_mem>>) src(%dma_wait3A_34 : memref<632x128xf32, #tpu.memory_space<vmem_shared>>) dst(%dma_wait3A_32 : memref<632x128xf32, #tpu.memory_space<hbm>>)
      tpu.yield
    }) : () -> ()
    return
  }
}

#map = affine_map<(d0, d1) -> (0, 0)>
#map1 = affine_map<(d0, d1) -> (0, 0, 0)>
module attributes {stable_mosaic.version = 14 : i64} {
  func.func @body(%arg0: i32, %arg1: i32, %arg2: memref<10000x128xf32, #tpu.memory_space<hbm>>, %arg3: memref<32x79x128xi32, #tpu.memory_space<hbm>>, %arg4: memref<32x79x128xi32, #tpu.memory_space<hbm>>, %arg5: memref<10112x128xf32, #tpu.memory_space<hbm>>, %arg6: memref<2x10112x128xf32, #tpu.memory_space<hbm>>, %arg7: memref<79x128xi32, #tpu.memory_space<vmem>>, %arg8: memref<79x128xi32, #tpu.memory_space<vmem>>, %arg9: memref<1x128x128xf32, #tpu.memory_space<vmem>>, %arg10: memref<10112x128xf32, #tpu.memory_space<vmem_shared>>, %arg11: memref<!tpu.dma_semaphore, #tpu.memory_space<semaphore_mem>>) attributes {dimension_semantics = [#tpu.dimension_semantics<core_parallel>, #tpu.dimension_semantics<subcore_parallel>], iteration_bounds = array<i64: 2, 16>, scalar_prefetch = 0 : i64, scratch_operands = 5 : i64, tpu.core_type = #tpu.core_type<sc_vector_subcore>, window_params = [{transform_indices = #map}, {transform_indices = #map1}, {transform_indices = #map1}, {transform_indices = #map}, {transform_indices = #map1}]} {
    %mul3A = arith.constant 16 : i32
    %mul3A_0 = arith.muli %arg0, %mul3A : i32
    %add3A = arith.addi %mul3A_0, %arg1 : i32
    "tpu.region"() ({
      %run_scoped3A = tpu.sem_alloc : memref<!tpu.dma_semaphore, #tpu.memory_space<semaphore_mem>>
      %dma_start3A_26 = arith.constant 0 : i32
      %dma_start3A_27 = arith.constant 0 : i32
      %dma_start3A_28 = tpu.memref_slice %arg3[%add3A, %dma_start3A_26, %dma_start3A_27] : memref<32x79x128xi32, #tpu.memory_space<hbm>> -> memref<1x79x128xi32, #tpu.memory_space<hbm>>
      %dma_start3A_29 = tpu.memref_squeeze %dma_start3A_28 : memref<1x79x128xi32, #tpu.memory_space<hbm>> -> memref<79x128xi32, #tpu.memory_space<hbm>>
      %dma_start3A_30 = arith.constant 0 : i32
      %dma_start3A_31 = arith.constant 0 : i32
      %dma_start3A_32 = tpu.memref_slice %arg3[%add3A, %dma_start3A_30, %dma_start3A_31] : memref<32x79x128xi32, #tpu.memory_space<hbm>> -> memref<1x79x128xi32, #tpu.memory_space<hbm>>
      %dma_start3A_33 = tpu.memref_squeeze %dma_start3A_32 : memref<1x79x128xi32, #tpu.memory_space<hbm>> -> memref<79x128xi32, #tpu.memory_space<hbm>>
      tpu.enqueue_dma source(%dma_start3A_33 : memref<79x128xi32, #tpu.memory_space<hbm>>) target(%arg7 : memref<79x128xi32, #tpu.memory_space<vmem>>) target_semaphore(%run_scoped3A : memref<!tpu.dma_semaphore, #tpu.memory_space<semaphore_mem>>)
      %dma_wait3A = arith.constant 0 : i32
      %dma_wait3A_34 = arith.constant 0 : i32
      %dma_wait3A_35 = tpu.memref_slice %arg3[%add3A, %dma_wait3A, %dma_wait3A_34] : memref<32x79x128xi32, #tpu.memory_space<hbm>> -> memref<1x79x128xi32, #tpu.memory_space<hbm>>
      %dma_wait3A_36 = tpu.memref_squeeze %dma_wait3A_35 : memref<1x79x128xi32, #tpu.memory_space<hbm>> -> memref<79x128xi32, #tpu.memory_space<hbm>>
      %dma_wait3A_37 = arith.constant 0 : i32
      %dma_wait3A_38 = arith.constant 0 : i32
      %dma_wait3A_39 = tpu.memref_slice %arg3[%add3A, %dma_wait3A_37, %dma_wait3A_38] : memref<32x79x128xi32, #tpu.memory_space<hbm>> -> memref<1x79x128xi32, #tpu.memory_space<hbm>>
      %dma_wait3A_40 = tpu.memref_squeeze %dma_wait3A_39 : memref<1x79x128xi32, #tpu.memory_space<hbm>> -> memref<79x128xi32, #tpu.memory_space<hbm>>
      tpu.wait_dma2 semaphore(%run_scoped3A : memref<!tpu.dma_semaphore, #tpu.memory_space<semaphore_mem>>) src(%dma_wait3A_40 : memref<79x128xi32, #tpu.memory_space<hbm>>) dst(%arg7 : memref<79x128xi32, #tpu.memory_space<vmem>>)
      tpu.yield
    }) : () -> ()
    "tpu.region"() ({
      %run_scoped3A = tpu.sem_alloc : memref<!tpu.dma_semaphore, #tpu.memory_space<semaphore_mem>>
      %dma_start3A_26 = arith.constant 0 : i32
      %dma_start3A_27 = arith.constant 0 : i32
      %dma_start3A_28 = tpu.memref_slice %arg4[%add3A, %dma_start3A_26, %dma_start3A_27] : memref<32x79x128xi32, #tpu.memory_space<hbm>> -> memref<1x79x128xi32, #tpu.memory_space<hbm>>
      %dma_start3A_29 = tpu.memref_squeeze %dma_start3A_28 : memref<1x79x128xi32, #tpu.memory_space<hbm>> -> memref<79x128xi32, #tpu.memory_space<hbm>>
      %dma_start3A_30 = arith.constant 0 : i32
      %dma_start3A_31 = arith.constant 0 : i32
      %dma_start3A_32 = tpu.memref_slice %arg4[%add3A, %dma_start3A_30, %dma_start3A_31] : memref<32x79x128xi32, #tpu.memory_space<hbm>> -> memref<1x79x128xi32, #tpu.memory_space<hbm>>
      %dma_start3A_33 = tpu.memref_squeeze %dma_start3A_32 : memref<1x79x128xi32, #tpu.memory_space<hbm>> -> memref<79x128xi32, #tpu.memory_space<hbm>>
      tpu.enqueue_dma source(%dma_start3A_33 : memref<79x128xi32, #tpu.memory_space<hbm>>) target(%arg8 : memref<79x128xi32, #tpu.memory_space<vmem>>) target_semaphore(%run_scoped3A : memref<!tpu.dma_semaphore, #tpu.memory_space<semaphore_mem>>)
      %dma_wait3A = arith.constant 0 : i32
      %dma_wait3A_34 = arith.constant 0 : i32
      %dma_wait3A_35 = tpu.memref_slice %arg4[%add3A, %dma_wait3A, %dma_wait3A_34] : memref<32x79x128xi32, #tpu.memory_space<hbm>> -> memref<1x79x128xi32, #tpu.memory_space<hbm>>
      %dma_wait3A_36 = tpu.memref_squeeze %dma_wait3A_35 : memref<1x79x128xi32, #tpu.memory_space<hbm>> -> memref<79x128xi32, #tpu.memory_space<hbm>>
      %dma_wait3A_37 = arith.constant 0 : i32
      %dma_wait3A_38 = arith.constant 0 : i32
      %dma_wait3A_39 = tpu.memref_slice %arg4[%add3A, %dma_wait3A_37, %dma_wait3A_38] : memref<32x79x128xi32, #tpu.memory_space<hbm>> -> memref<1x79x128xi32, #tpu.memory_space<hbm>>
      %dma_wait3A_40 = tpu.memref_squeeze %dma_wait3A_39 : memref<1x79x128xi32, #tpu.memory_space<hbm>> -> memref<79x128xi32, #tpu.memory_space<hbm>>
      tpu.wait_dma2 semaphore(%run_scoped3A : memref<!tpu.dma_semaphore, #tpu.memory_space<semaphore_mem>>) src(%dma_wait3A_40 : memref<79x128xi32, #tpu.memory_space<hbm>>) dst(%arg8 : memref<79x128xi32, #tpu.memory_space<vmem>>)
      tpu.yield
    }) : () -> ()
    %mul3A_1 = arith.constant 632 : i32
    %mul3A_2 = arith.muli %arg1, %mul3A_1 : i32
    %mul3A_3 = arith.constant 632 : i32
    %mul3A_4 = arith.muli %arg1, %mul3A_3 : i32
    "tpu.region"() ({
      %run_scoped3A = tpu.sem_alloc : memref<!tpu.dma_semaphore, #tpu.memory_space<semaphore_mem>>
      %dma_start3A_26 = arith.constant 0 : i32
      %dma_start3A_27 = tpu.memref_slice %arg10[%mul3A_4, %dma_start3A_26] : memref<10112x128xf32, #tpu.memory_space<vmem_shared>> -> memref<632x128xf32, #tpu.memory_space<vmem_shared>>
      %dma_start3A_28 = arith.constant 0 : i32
      %dma_start3A_29 = tpu.memref_slice %arg5[%mul3A_2, %dma_start3A_28] : memref<10112x128xf32, #tpu.memory_space<hbm>> -> memref<632x128xf32, #tpu.memory_space<hbm>>
      tpu.enqueue_dma source(%dma_start3A_29 : memref<632x128xf32, #tpu.memory_space<hbm>>) target(%dma_start3A_27 : memref<632x128xf32, #tpu.memory_space<vmem_shared>>) target_semaphore(%run_scoped3A : memref<!tpu.dma_semaphore, #tpu.memory_space<semaphore_mem>>)
      %dma_wait3A = arith.constant 0 : i32
      %dma_wait3A_30 = tpu.memref_slice %arg10[%mul3A_4, %dma_wait3A] : memref<10112x128xf32, #tpu.memory_space<vmem_shared>> -> memref<632x128xf32, #tpu.memory_space<vmem_shared>>
      %dma_wait3A_31 = arith.constant 0 : i32
      %dma_wait3A_32 = tpu.memref_slice %arg5[%mul3A_2, %dma_wait3A_31] : memref<10112x128xf32, #tpu.memory_space<hbm>> -> memref<632x128xf32, #tpu.memory_space<hbm>>
      tpu.wait_dma2 semaphore(%run_scoped3A : memref<!tpu.dma_semaphore, #tpu.memory_space<semaphore_mem>>) src(%dma_wait3A_32 : memref<632x128xf32, #tpu.memory_space<hbm>>) dst(%dma_wait3A_30 : memref<632x128xf32, #tpu.memory_space<vmem_shared>>)
      tpu.yield
    }) : () -> ()
    %barrier3A = arith.constant 0 : index
    tpu.barrier barrier_id(%barrier3A)
    %dma_start3A = arith.constant 0 : i32
    %dma_start3A_5 = arith.constant 0 : i32
    %dma_start3A_6 = arith.constant 0 : i32
    %dma_start3A_7 = arith.constant 0 : i32
    %dma_start3A_8 = tpu.memref_slice %arg9[%dma_start3A_5, %dma_start3A_6, %dma_start3A_7] : memref<1x128x128xf32, #tpu.memory_space<vmem>> -> memref<1x128x128xf32, #tpu.memory_space<vmem>>
    %dma_start3A_9 = tpu.memref_squeeze %dma_start3A_8 : memref<1x128x128xf32, #tpu.memory_space<vmem>> -> memref<128x128xf32, #tpu.memory_space<vmem>>
    %dma_start3A_10 = arith.constant 0 : i32
    %dma_start3A_11 = tpu.memref_slice %arg7[%dma_start3A, %dma_start3A_10] : memref<79x128xi32, #tpu.memory_space<vmem>> -> memref<1x128xi32, #tpu.memory_space<vmem>>
    %dma_start3A_12 = tpu.memref_squeeze %dma_start3A_11 : memref<1x128xi32, #tpu.memory_space<vmem>> -> memref<128xi32, #tpu.memory_space<vmem>>
    %dma_start3A_13 = arith.constant 0 : i32
    %dma_start3A_14 = arith.constant 0 : i32
    %dma_start3A_15 = tpu.memref_slice %arg2[%dma_start3A_13, %dma_start3A_14] : memref<10000x128xf32, #tpu.memory_space<hbm>> -> memref<10000x128xf32, #tpu.memory_space<hbm>>
    tpu.enqueue_indirect_dma source(%dma_start3A_15 : memref<10000x128xf32, #tpu.memory_space<hbm>>) target(%dma_start3A_9 : memref<128x128xf32, #tpu.memory_space<vmem>>) offsets(%dma_start3A_12 : memref<128xi32, #tpu.memory_space<vmem>>) semaphore(%arg11 : memref<!tpu.dma_semaphore, #tpu.memory_space<semaphore_mem>>)
    %scan3A = arith.constant 0 : i32
    %scan3A_16 = arith.constant 0 : i32
    %scan3A_17 = arith.constant 79 : i32
    %scan3A_18 = arith.addi %scan3A_16, %scan3A_17 : i32
    %scan3A_19 = arith.constant 1 : i32
    scf.for %scan3A_26 = %scan3A_16 to %scan3A_18 step %scan3A_19  : i32 {
      %mul3A_27 = arith.constant 1 : i32
      %mul3A_28 = arith.muli %scan3A_26, %mul3A_27 : i32
      %add3A_29 = arith.constant 0 : i32
      %add3A_30 = arith.addi %mul3A_28, %add3A_29 : i32
      %dma_wait3A = arith.constant 0 : i32
      %dma_wait3A_31 = arith.constant 0 : i32
      %dma_wait3A_32 = arith.constant 0 : i32
      %dma_wait3A_33 = tpu.memref_slice %arg9[%dma_wait3A, %dma_wait3A_31, %dma_wait3A_32] : memref<1x128x128xf32, #tpu.memory_space<vmem>> -> memref<1x128x128xf32, #tpu.memory_space<vmem>>
      %dma_wait3A_34 = tpu.memref_squeeze %dma_wait3A_33 : memref<1x128x128xf32, #tpu.memory_space<vmem>> -> memref<128x128xf32, #tpu.memory_space<vmem>>
      %dma_wait3A_35 = arith.constant 0 : i32
      %dma_wait3A_36 = tpu.memref_slice %arg7[%add3A_30, %dma_wait3A_35] : memref<79x128xi32, #tpu.memory_space<vmem>> -> memref<1x128xi32, #tpu.memory_space<vmem>>
      %dma_wait3A_37 = tpu.memref_squeeze %dma_wait3A_36 : memref<1x128xi32, #tpu.memory_space<vmem>> -> memref<128xi32, #tpu.memory_space<vmem>>
      %dma_wait3A_38 = arith.constant 0 : i32
      %dma_wait3A_39 = arith.constant 0 : i32
      %dma_wait3A_40 = tpu.memref_slice %arg2[%dma_wait3A_38, %dma_wait3A_39] : memref<10000x128xf32, #tpu.memory_space<hbm>> -> memref<10000x128xf32, #tpu.memory_space<hbm>>
      tpu.wait_indirect_dma semaphore(%arg11 : memref<!tpu.dma_semaphore, #tpu.memory_space<semaphore_mem>>) src(%dma_wait3A_40 : memref<10000x128xf32, #tpu.memory_space<hbm>>) dst(%dma_wait3A_34 : memref<128x128xf32, #tpu.memory_space<vmem>>)
      %run_scoped3A = arith.constant 0 : i32
      "tpu.region"() ({
        %run_scoped3A_45 = tpu.sem_alloc : memref<!tpu.dma_semaphore, #tpu.memory_space<semaphore_mem>>
        %dma_start3A_46 = arith.constant 0 : i32
        %dma_start3A_47 = arith.constant 0 : i32
        %dma_start3A_48 = tpu.memref_slice %arg9[%run_scoped3A, %dma_start3A_46, %dma_start3A_47] : memref<1x128x128xf32, #tpu.memory_space<vmem>> -> memref<1x128x128xf32, #tpu.memory_space<vmem>>
        %dma_start3A_49 = tpu.memref_squeeze %dma_start3A_48 : memref<1x128x128xf32, #tpu.memory_space<vmem>> -> memref<128x128xf32, #tpu.memory_space<vmem>>
        %dma_start3A_50 = arith.constant 0 : i32
        %dma_start3A_51 = tpu.memref_slice %arg8[%add3A_30, %dma_start3A_50] : memref<79x128xi32, #tpu.memory_space<vmem>> -> memref<1x128xi32, #tpu.memory_space<vmem>>
        %dma_start3A_52 = tpu.memref_squeeze %dma_start3A_51 : memref<1x128xi32, #tpu.memory_space<vmem>> -> memref<128xi32, #tpu.memory_space<vmem>>
        %dma_start3A_53 = arith.constant 0 : i32
        %dma_start3A_54 = arith.constant 0 : i32
        %dma_start3A_55 = tpu.memref_slice %arg10[%dma_start3A_53, %dma_start3A_54] : memref<10112x128xf32, #tpu.memory_space<vmem_shared>> -> memref<10112x128xf32, #tpu.memory_space<vmem_shared>>
        tpu.enqueue_indirect_dma source(%dma_start3A_49 : memref<128x128xf32, #tpu.memory_space<vmem>>) target(%dma_start3A_55 : memref<10112x128xf32, #tpu.memory_space<vmem_shared>>) offsets(%dma_start3A_52 : memref<128xi32, #tpu.memory_space<vmem>>) semaphore(%run_scoped3A_45 : memref<!tpu.dma_semaphore, #tpu.memory_space<semaphore_mem>>) {add = true}
        %dma_wait3A_56 = arith.constant 0 : i32
        %dma_wait3A_57 = arith.constant 0 : i32
        %dma_wait3A_58 = tpu.memref_slice %arg9[%run_scoped3A, %dma_wait3A_56, %dma_wait3A_57] : memref<1x128x128xf32, #tpu.memory_space<vmem>> -> memref<1x128x128xf32, #tpu.memory_space<vmem>>
        %dma_wait3A_59 = tpu.memref_squeeze %dma_wait3A_58 : memref<1x128x128xf32, #tpu.memory_space<vmem>> -> memref<128x128xf32, #tpu.memory_space<vmem>>
        %dma_wait3A_60 = arith.constant 0 : i32
        %dma_wait3A_61 = tpu.memref_slice %arg8[%add3A_30, %dma_wait3A_60] : memref<79x128xi32, #tpu.memory_space<vmem>> -> memref<1x128xi32, #tpu.memory_space<vmem>>
        %dma_wait3A_62 = tpu.memref_squeeze %dma_wait3A_61 : memref<1x128xi32, #tpu.memory_space<vmem>> -> memref<128xi32, #tpu.memory_space<vmem>>
        %dma_wait3A_63 = arith.constant 0 : i32
        %dma_wait3A_64 = arith.constant 0 : i32
        %dma_wait3A_65 = tpu.memref_slice %arg10[%dma_wait3A_63, %dma_wait3A_64] : memref<10112x128xf32, #tpu.memory_space<vmem_shared>> -> memref<10112x128xf32, #tpu.memory_space<vmem_shared>>
        tpu.wait_indirect_dma semaphore(%run_scoped3A_45 : memref<!tpu.dma_semaphore, #tpu.memory_space<semaphore_mem>>) src(%dma_wait3A_59 : memref<128x128xf32, #tpu.memory_space<vmem>>) dst(%dma_wait3A_65 : memref<10112x128xf32, #tpu.memory_space<vmem_shared>>)
        tpu.yield
      }) : () -> ()
      %add3A_41 = arith.constant 1 : i32
      %add3A_42 = arith.addi %add3A_30, %add3A_41 : i32
      %lt3A = arith.constant 79 : i32
      %lt3A_43 = arith.cmpi slt, %add3A_42, %lt3A : i32
      %convert_element_type3A = arith.extui %lt3A_43 : i1 to i32
      %cond3A = arith.constant 0 : i32
      %cond3A_44 = arith.cmpi ne, %convert_element_type3A, %cond3A : i32
      scf.if %cond3A_44 {
        %dma_start3A_45 = arith.constant 0 : i32
        %dma_start3A_46 = arith.constant 0 : i32
        %dma_start3A_47 = arith.constant 0 : i32
        %dma_start3A_48 = tpu.memref_slice %arg9[%dma_start3A_45, %dma_start3A_46, %dma_start3A_47] : memref<1x128x128xf32, #tpu.memory_space<vmem>> -> memref<1x128x128xf32, #tpu.memory_space<vmem>>
        %dma_start3A_49 = tpu.memref_squeeze %dma_start3A_48 : memref<1x128x128xf32, #tpu.memory_space<vmem>> -> memref<128x128xf32, #tpu.memory_space<vmem>>
        %dma_start3A_50 = arith.constant 0 : i32
        %dma_start3A_51 = tpu.memref_slice %arg7[%add3A_42, %dma_start3A_50] : memref<79x128xi32, #tpu.memory_space<vmem>> -> memref<1x128xi32, #tpu.memory_space<vmem>>
        %dma_start3A_52 = tpu.memref_squeeze %dma_start3A_51 : memref<1x128xi32, #tpu.memory_space<vmem>> -> memref<128xi32, #tpu.memory_space<vmem>>
        %dma_start3A_53 = arith.constant 0 : i32
        %dma_start3A_54 = arith.constant 0 : i32
        %dma_start3A_55 = tpu.memref_slice %arg2[%dma_start3A_53, %dma_start3A_54] : memref<10000x128xf32, #tpu.memory_space<hbm>> -> memref<10000x128xf32, #tpu.memory_space<hbm>>
        tpu.enqueue_indirect_dma source(%dma_start3A_55 : memref<10000x128xf32, #tpu.memory_space<hbm>>) target(%dma_start3A_49 : memref<128x128xf32, #tpu.memory_space<vmem>>) offsets(%dma_start3A_52 : memref<128xi32, #tpu.memory_space<vmem>>) semaphore(%arg11 : memref<!tpu.dma_semaphore, #tpu.memory_space<semaphore_mem>>)
      } else {
      }
    }
    %scan3A_20 = arith.constant 79 : i32
    %barrier3A_21 = arith.constant 0 : index
    tpu.barrier barrier_id(%barrier3A_21)
    %mul3A_22 = arith.constant 632 : i32
    %mul3A_23 = arith.muli %arg1, %mul3A_22 : i32
    %mul3A_24 = arith.constant 632 : i32
    %mul3A_25 = arith.muli %arg1, %mul3A_24 : i32
    "tpu.region"() ({
      %run_scoped3A = tpu.sem_alloc : memref<!tpu.dma_semaphore, #tpu.memory_space<semaphore_mem>>
      %dma_start3A_26 = arith.constant 0 : i32
      %dma_start3A_27 = tpu.memref_slice %arg6[%arg0, %mul3A_25, %dma_start3A_26] : memref<2x10112x128xf32, #tpu.memory_space<hbm>> -> memref<1x632x128xf32, #tpu.memory_space<hbm>>
      %dma_start3A_28 = tpu.memref_squeeze %dma_start3A_27 : memref<1x632x128xf32, #tpu.memory_space<hbm>> -> memref<632x128xf32, #tpu.memory_space<hbm>>
      %dma_start3A_29 = arith.constant 0 : i32
      %dma_start3A_30 = tpu.memref_slice %arg10[%mul3A_23, %dma_start3A_29] : memref<10112x128xf32, #tpu.memory_space<vmem_shared>> -> memref<632x128xf32, #tpu.memory_space<vmem_shared>>
      tpu.enqueue_dma source(%dma_start3A_30 : memref<632x128xf32, #tpu.memory_space<vmem_shared>>) target(%dma_start3A_28 : memref<632x128xf32, #tpu.memory_space<hbm>>) target_semaphore(%run_scoped3A : memref<!tpu.dma_semaphore, #tpu.memory_space<semaphore_mem>>)
      %dma_wait3A = arith.constant 0 : i32
      %dma_wait3A_31 = tpu.memref_slice %arg6[%arg0, %mul3A_25, %dma_wait3A] : memref<2x10112x128xf32, #tpu.memory_space<hbm>> -> memref<1x632x128xf32, #tpu.memory_space<hbm>>
      %dma_wait3A_32 = tpu.memref_squeeze %dma_wait3A_31 : memref<1x632x128xf32, #tpu.memory_space<hbm>> -> memref<632x128xf32, #tpu.memory_space<hbm>>
      %dma_wait3A_33 = arith.constant 0 : i32
      %dma_wait3A_34 = tpu.memref_slice %arg10[%mul3A_23, %dma_wait3A_33] : memref<10112x128xf32, #tpu.memory_space<vmem_shared>> -> memref<632x128xf32, #tpu.memory_space<vmem_shared>>
      tpu.wait_dma2 semaphore(%run_scoped3A : memref<!tpu.dma_semaphore, #tpu.memory_space<semaphore_mem>>) src(%dma_wait3A_34 : memref<632x128xf32, #tpu.memory_space<vmem_shared>>) dst(%dma_wait3A_32 : memref<632x128xf32, #tpu.memory_space<hbm>>)
      tpu.yield
    }) : () -> ()
    return
  }
}

#map = affine_map<(d0, d1) -> (0, 0)>
#map1 = affine_map<(d0, d1) -> (0, 0, 0)>
module attributes {stable_mosaic.version = 14 : i64} {
  func.func @body(%arg0: i32, %arg1: i32, %arg2: memref<10000x128xf32, #tpu.memory_space<hbm>>, %arg3: memref<32x79x128xi32, #tpu.memory_space<hbm>>, %arg4: memref<32x79x128xi32, #tpu.memory_space<hbm>>, %arg5: memref<10112x128xf32, #tpu.memory_space<hbm>>, %arg6: memref<2x10112x128xf32, #tpu.memory_space<hbm>>, %arg7: memref<79x128xi32, #tpu.memory_space<vmem>>, %arg8: memref<79x128xi32, #tpu.memory_space<vmem>>, %arg9: memref<1x128x128xf32, #tpu.memory_space<vmem>>, %arg10: memref<10112x128xf32, #tpu.memory_space<vmem_shared>>, %arg11: memref<!tpu.dma_semaphore, #tpu.memory_space<semaphore_mem>>) attributes {dimension_semantics = [#tpu.dimension_semantics<core_parallel>, #tpu.dimension_semantics<subcore_parallel>], iteration_bounds = array<i64: 2, 16>, scalar_prefetch = 0 : i64, scratch_operands = 5 : i64, tpu.core_type = #tpu.core_type<sc_vector_subcore>, window_params = [{transform_indices = #map}, {transform_indices = #map1}, {transform_indices = #map1}, {transform_indices = #map}, {transform_indices = #map1}]} {
    %mul3A = arith.constant 16 : i32
    %mul3A_0 = arith.muli %arg0, %mul3A : i32
    %add3A = arith.addi %mul3A_0, %arg1 : i32
    "tpu.region"() ({
      %run_scoped3A = tpu.sem_alloc : memref<!tpu.dma_semaphore, #tpu.memory_space<semaphore_mem>>
      %dma_start3A_26 = arith.constant 0 : i32
      %dma_start3A_27 = arith.constant 0 : i32
      %dma_start3A_28 = tpu.memref_slice %arg3[%add3A, %dma_start3A_26, %dma_start3A_27] : memref<32x79x128xi32, #tpu.memory_space<hbm>> -> memref<1x79x128xi32, #tpu.memory_space<hbm>>
      %dma_start3A_29 = tpu.memref_squeeze %dma_start3A_28 : memref<1x79x128xi32, #tpu.memory_space<hbm>> -> memref<79x128xi32, #tpu.memory_space<hbm>>
      %dma_start3A_30 = arith.constant 0 : i32
      %dma_start3A_31 = arith.constant 0 : i32
      %dma_start3A_32 = tpu.memref_slice %arg3[%add3A, %dma_start3A_30, %dma_start3A_31] : memref<32x79x128xi32, #tpu.memory_space<hbm>> -> memref<1x79x128xi32, #tpu.memory_space<hbm>>
      %dma_start3A_33 = tpu.memref_squeeze %dma_start3A_32 : memref<1x79x128xi32, #tpu.memory_space<hbm>> -> memref<79x128xi32, #tpu.memory_space<hbm>>
      tpu.enqueue_dma source(%dma_start3A_33 : memref<79x128xi32, #tpu.memory_space<hbm>>) target(%arg7 : memref<79x128xi32, #tpu.memory_space<vmem>>) target_semaphore(%run_scoped3A : memref<!tpu.dma_semaphore, #tpu.memory_space<semaphore_mem>>)
      %dma_wait3A = arith.constant 0 : i32
      %dma_wait3A_34 = arith.constant 0 : i32
      %dma_wait3A_35 = tpu.memref_slice %arg3[%add3A, %dma_wait3A, %dma_wait3A_34] : memref<32x79x128xi32, #tpu.memory_space<hbm>> -> memref<1x79x128xi32, #tpu.memory_space<hbm>>
      %dma_wait3A_36 = tpu.memref_squeeze %dma_wait3A_35 : memref<1x79x128xi32, #tpu.memory_space<hbm>> -> memref<79x128xi32, #tpu.memory_space<hbm>>
      %dma_wait3A_37 = arith.constant 0 : i32
      %dma_wait3A_38 = arith.constant 0 : i32
      %dma_wait3A_39 = tpu.memref_slice %arg3[%add3A, %dma_wait3A_37, %dma_wait3A_38] : memref<32x79x128xi32, #tpu.memory_space<hbm>> -> memref<1x79x128xi32, #tpu.memory_space<hbm>>
      %dma_wait3A_40 = tpu.memref_squeeze %dma_wait3A_39 : memref<1x79x128xi32, #tpu.memory_space<hbm>> -> memref<79x128xi32, #tpu.memory_space<hbm>>
      tpu.wait_dma2 semaphore(%run_scoped3A : memref<!tpu.dma_semaphore, #tpu.memory_space<semaphore_mem>>) src(%dma_wait3A_40 : memref<79x128xi32, #tpu.memory_space<hbm>>) dst(%arg7 : memref<79x128xi32, #tpu.memory_space<vmem>>)
      tpu.yield
    }) : () -> ()
    "tpu.region"() ({
      %run_scoped3A = tpu.sem_alloc : memref<!tpu.dma_semaphore, #tpu.memory_space<semaphore_mem>>
      %dma_start3A_26 = arith.constant 0 : i32
      %dma_start3A_27 = arith.constant 0 : i32
      %dma_start3A_28 = tpu.memref_slice %arg4[%add3A, %dma_start3A_26, %dma_start3A_27] : memref<32x79x128xi32, #tpu.memory_space<hbm>> -> memref<1x79x128xi32, #tpu.memory_space<hbm>>
      %dma_start3A_29 = tpu.memref_squeeze %dma_start3A_28 : memref<1x79x128xi32, #tpu.memory_space<hbm>> -> memref<79x128xi32, #tpu.memory_space<hbm>>
      %dma_start3A_30 = arith.constant 0 : i32
      %dma_start3A_31 = arith.constant 0 : i32
      %dma_start3A_32 = tpu.memref_slice %arg4[%add3A, %dma_start3A_30, %dma_start3A_31] : memref<32x79x128xi32, #tpu.memory_space<hbm>> -> memref<1x79x128xi32, #tpu.memory_space<hbm>>
      %dma_start3A_33 = tpu.memref_squeeze %dma_start3A_32 : memref<1x79x128xi32, #tpu.memory_space<hbm>> -> memref<79x128xi32, #tpu.memory_space<hbm>>
      tpu.enqueue_dma source(%dma_start3A_33 : memref<79x128xi32, #tpu.memory_space<hbm>>) target(%arg8 : memref<79x128xi32, #tpu.memory_space<vmem>>) target_semaphore(%run_scoped3A : memref<!tpu.dma_semaphore, #tpu.memory_space<semaphore_mem>>)
      %dma_wait3A = arith.constant 0 : i32
      %dma_wait3A_34 = arith.constant 0 : i32
      %dma_wait3A_35 = tpu.memref_slice %arg4[%add3A, %dma_wait3A, %dma_wait3A_34] : memref<32x79x128xi32, #tpu.memory_space<hbm>> -> memref<1x79x128xi32, #tpu.memory_space<hbm>>
      %dma_wait3A_36 = tpu.memref_squeeze %dma_wait3A_35 : memref<1x79x128xi32, #tpu.memory_space<hbm>> -> memref<79x128xi32, #tpu.memory_space<hbm>>
      %dma_wait3A_37 = arith.constant 0 : i32
      %dma_wait3A_38 = arith.constant 0 : i32
      %dma_wait3A_39 = tpu.memref_slice %arg4[%add3A, %dma_wait3A_37, %dma_wait3A_38] : memref<32x79x128xi32, #tpu.memory_space<hbm>> -> memref<1x79x128xi32, #tpu.memory_space<hbm>>
      %dma_wait3A_40 = tpu.memref_squeeze %dma_wait3A_39 : memref<1x79x128xi32, #tpu.memory_space<hbm>> -> memref<79x128xi32, #tpu.memory_space<hbm>>
      tpu.wait_dma2 semaphore(%run_scoped3A : memref<!tpu.dma_semaphore, #tpu.memory_space<semaphore_mem>>) src(%dma_wait3A_40 : memref<79x128xi32, #tpu.memory_space<hbm>>) dst(%arg8 : memref<79x128xi32, #tpu.memory_space<vmem>>)
      tpu.yield
    }) : () -> ()
    %mul3A_1 = arith.constant 632 : i32
    %mul3A_2 = arith.muli %arg1, %mul3A_1 : i32
    %mul3A_3 = arith.constant 632 : i32
    %mul3A_4 = arith.muli %arg1, %mul3A_3 : i32
    "tpu.region"() ({
      %run_scoped3A = tpu.sem_alloc : memref<!tpu.dma_semaphore, #tpu.memory_space<semaphore_mem>>
      %dma_start3A_26 = arith.constant 0 : i32
      %dma_start3A_27 = tpu.memref_slice %arg10[%mul3A_4, %dma_start3A_26] : memref<10112x128xf32, #tpu.memory_space<vmem_shared>> -> memref<632x128xf32, #tpu.memory_space<vmem_shared>>
      %dma_start3A_28 = arith.constant 0 : i32
      %dma_start3A_29 = tpu.memref_slice %arg5[%mul3A_2, %dma_start3A_28] : memref<10112x128xf32, #tpu.memory_space<hbm>> -> memref<632x128xf32, #tpu.memory_space<hbm>>
      tpu.enqueue_dma source(%dma_start3A_29 : memref<632x128xf32, #tpu.memory_space<hbm>>) target(%dma_start3A_27 : memref<632x128xf32, #tpu.memory_space<vmem_shared>>) target_semaphore(%run_scoped3A : memref<!tpu.dma_semaphore, #tpu.memory_space<semaphore_mem>>)
      %dma_wait3A = arith.constant 0 : i32
      %dma_wait3A_30 = tpu.memref_slice %arg10[%mul3A_4, %dma_wait3A] : memref<10112x128xf32, #tpu.memory_space<vmem_shared>> -> memref<632x128xf32, #tpu.memory_space<vmem_shared>>
      %dma_wait3A_31 = arith.constant 0 : i32
      %dma_wait3A_32 = tpu.memref_slice %arg5[%mul3A_2, %dma_wait3A_31] : memref<10112x128xf32, #tpu.memory_space<hbm>> -> memref<632x128xf32, #tpu.memory_space<hbm>>
      tpu.wait_dma2 semaphore(%run_scoped3A : memref<!tpu.dma_semaphore, #tpu.memory_space<semaphore_mem>>) src(%dma_wait3A_32 : memref<632x128xf32, #tpu.memory_space<hbm>>) dst(%dma_wait3A_30 : memref<632x128xf32, #tpu.memory_space<vmem_shared>>)
      tpu.yield
    }) : () -> ()
    %barrier3A = arith.constant 0 : index
    tpu.barrier barrier_id(%barrier3A)
    %dma_start3A = arith.constant 0 : i32
    %dma_start3A_5 = arith.constant 0 : i32
    %dma_start3A_6 = arith.constant 0 : i32
    %dma_start3A_7 = arith.constant 0 : i32
    %dma_start3A_8 = tpu.memref_slice %arg9[%dma_start3A_5, %dma_start3A_6, %dma_start3A_7] : memref<1x128x128xf32, #tpu.memory_space<vmem>> -> memref<1x128x128xf32, #tpu.memory_space<vmem>>
    %dma_start3A_9 = tpu.memref_squeeze %dma_start3A_8 : memref<1x128x128xf32, #tpu.memory_space<vmem>> -> memref<128x128xf32, #tpu.memory_space<vmem>>
    %dma_start3A_10 = arith.constant 0 : i32
    %dma_start3A_11 = tpu.memref_slice %arg7[%dma_start3A, %dma_start3A_10] : memref<79x128xi32, #tpu.memory_space<vmem>> -> memref<1x128xi32, #tpu.memory_space<vmem>>
    %dma_start3A_12 = tpu.memref_squeeze %dma_start3A_11 : memref<1x128xi32, #tpu.memory_space<vmem>> -> memref<128xi32, #tpu.memory_space<vmem>>
    %dma_start3A_13 = arith.constant 0 : i32
    %dma_start3A_14 = arith.constant 0 : i32
    %dma_start3A_15 = tpu.memref_slice %arg2[%dma_start3A_13, %dma_start3A_14] : memref<10000x128xf32, #tpu.memory_space<hbm>> -> memref<10000x128xf32, #tpu.memory_space<hbm>>
    tpu.enqueue_indirect_dma source(%dma_start3A_15 : memref<10000x128xf32, #tpu.memory_space<hbm>>) target(%dma_start3A_9 : memref<128x128xf32, #tpu.memory_space<vmem>>) offsets(%dma_start3A_12 : memref<128xi32, #tpu.memory_space<vmem>>) semaphore(%arg11 : memref<!tpu.dma_semaphore, #tpu.memory_space<semaphore_mem>>)
    %scan3A = arith.constant 0 : i32
    %scan3A_16 = arith.constant 0 : i32
    %scan3A_17 = arith.constant 79 : i32
    %scan3A_18 = arith.addi %scan3A_16, %scan3A_17 : i32
    %scan3A_19 = arith.constant 1 : i32
    scf.for %scan3A_26 = %scan3A_16 to %scan3A_18 step %scan3A_19  : i32 {
      %mul3A_27 = arith.constant 1 : i32
      %mul3A_28 = arith.muli %scan3A_26, %mul3A_27 : i32
      %add3A_29 = arith.constant 0 : i32
      %add3A_30 = arith.addi %mul3A_28, %add3A_29 : i32
      %dma_wait3A = arith.constant 0 : i32
      %dma_wait3A_31 = arith.constant 0 : i32
      %dma_wait3A_32 = arith.constant 0 : i32
      %dma_wait3A_33 = tpu.memref_slice %arg9[%dma_wait3A, %dma_wait3A_31, %dma_wait3A_32] : memref<1x128x128xf32, #tpu.memory_space<vmem>> -> memref<1x128x128xf32, #tpu.memory_space<vmem>>
      %dma_wait3A_34 = tpu.memref_squeeze %dma_wait3A_33 : memref<1x128x128xf32, #tpu.memory_space<vmem>> -> memref<128x128xf32, #tpu.memory_space<vmem>>
      %dma_wait3A_35 = arith.constant 0 : i32
      %dma_wait3A_36 = tpu.memref_slice %arg7[%add3A_30, %dma_wait3A_35] : memref<79x128xi32, #tpu.memory_space<vmem>> -> memref<1x128xi32, #tpu.memory_space<vmem>>
      %dma_wait3A_37 = tpu.memref_squeeze %dma_wait3A_36 : memref<1x128xi32, #tpu.memory_space<vmem>> -> memref<128xi32, #tpu.memory_space<vmem>>
      %dma_wait3A_38 = arith.constant 0 : i32
      %dma_wait3A_39 = arith.constant 0 : i32
      %dma_wait3A_40 = tpu.memref_slice %arg2[%dma_wait3A_38, %dma_wait3A_39] : memref<10000x128xf32, #tpu.memory_space<hbm>> -> memref<10000x128xf32, #tpu.memory_space<hbm>>
      tpu.wait_indirect_dma semaphore(%arg11 : memref<!tpu.dma_semaphore, #tpu.memory_space<semaphore_mem>>) src(%dma_wait3A_40 : memref<10000x128xf32, #tpu.memory_space<hbm>>) dst(%dma_wait3A_34 : memref<128x128xf32, #tpu.memory_space<vmem>>)
      %run_scoped3A = arith.constant 0 : i32
      "tpu.region"() ({
        %run_scoped3A_45 = tpu.sem_alloc : memref<!tpu.dma_semaphore, #tpu.memory_space<semaphore_mem>>
        %dma_start3A_46 = arith.constant 0 : i32
        %dma_start3A_47 = arith.constant 0 : i32
        %dma_start3A_48 = tpu.memref_slice %arg9[%run_scoped3A, %dma_start3A_46, %dma_start3A_47] : memref<1x128x128xf32, #tpu.memory_space<vmem>> -> memref<1x128x128xf32, #tpu.memory_space<vmem>>
        %dma_start3A_49 = tpu.memref_squeeze %dma_start3A_48 : memref<1x128x128xf32, #tpu.memory_space<vmem>> -> memref<128x128xf32, #tpu.memory_space<vmem>>
        %dma_start3A_50 = arith.constant 0 : i32
        %dma_start3A_51 = tpu.memref_slice %arg8[%add3A_30, %dma_start3A_50] : memref<79x128xi32, #tpu.memory_space<vmem>> -> memref<1x128xi32, #tpu.memory_space<vmem>>
        %dma_start3A_52 = tpu.memref_squeeze %dma_start3A_51 : memref<1x128xi32, #tpu.memory_space<vmem>> -> memref<128xi32, #tpu.memory_space<vmem>>
        %dma_start3A_53 = arith.constant 0 : i32
        %dma_start3A_54 = arith.constant 0 : i32
        %dma_start3A_55 = tpu.memref_slice %arg10[%dma_start3A_53, %dma_start3A_54] : memref<10112x128xf32, #tpu.memory_space<vmem_shared>> -> memref<10112x128xf32, #tpu.memory_space<vmem_shared>>
        tpu.enqueue_indirect_dma source(%dma_start3A_49 : memref<128x128xf32, #tpu.memory_space<vmem>>) target(%dma_start3A_55 : memref<10112x128xf32, #tpu.memory_space<vmem_shared>>) offsets(%dma_start3A_52 : memref<128xi32, #tpu.memory_space<vmem>>) semaphore(%run_scoped3A_45 : memref<!tpu.dma_semaphore, #tpu.memory_space<semaphore_mem>>) {add = true}
        %dma_wait3A_56 = arith.constant 0 : i32
        %dma_wait3A_57 = arith.constant 0 : i32
        %dma_wait3A_58 = tpu.memref_slice %arg9[%run_scoped3A, %dma_wait3A_56, %dma_wait3A_57] : memref<1x128x128xf32, #tpu.memory_space<vmem>> -> memref<1x128x128xf32, #tpu.memory_space<vmem>>
        %dma_wait3A_59 = tpu.memref_squeeze %dma_wait3A_58 : memref<1x128x128xf32, #tpu.memory_space<vmem>> -> memref<128x128xf32, #tpu.memory_space<vmem>>
        %dma_wait3A_60 = arith.constant 0 : i32
        %dma_wait3A_61 = tpu.memref_slice %arg8[%add3A_30, %dma_wait3A_60] : memref<79x128xi32, #tpu.memory_space<vmem>> -> memref<1x128xi32, #tpu.memory_space<vmem>>
        %dma_wait3A_62 = tpu.memref_squeeze %dma_wait3A_61 : memref<1x128xi32, #tpu.memory_space<vmem>> -> memref<128xi32, #tpu.memory_space<vmem>>
        %dma_wait3A_63 = arith.constant 0 : i32
        %dma_wait3A_64 = arith.constant 0 : i32
        %dma_wait3A_65 = tpu.memref_slice %arg10[%dma_wait3A_63, %dma_wait3A_64] : memref<10112x128xf32, #tpu.memory_space<vmem_shared>> -> memref<10112x128xf32, #tpu.memory_space<vmem_shared>>
        tpu.wait_indirect_dma semaphore(%run_scoped3A_45 : memref<!tpu.dma_semaphore, #tpu.memory_space<semaphore_mem>>) src(%dma_wait3A_59 : memref<128x128xf32, #tpu.memory_space<vmem>>) dst(%dma_wait3A_65 : memref<10112x128xf32, #tpu.memory_space<vmem_shared>>)
        tpu.yield
      }) : () -> ()
      %add3A_41 = arith.constant 1 : i32
      %add3A_42 = arith.addi %add3A_30, %add3A_41 : i32
      %lt3A = arith.constant 79 : i32
      %lt3A_43 = arith.cmpi slt, %add3A_42, %lt3A : i32
      %convert_element_type3A = arith.extui %lt3A_43 : i1 to i32
      %cond3A = arith.constant 0 : i32
      %cond3A_44 = arith.cmpi ne, %convert_element_type3A, %cond3A : i32
      scf.if %cond3A_44 {
        %dma_start3A_45 = arith.constant 0 : i32
        %dma_start3A_46 = arith.constant 0 : i32
        %dma_start3A_47 = arith.constant 0 : i32
        %dma_start3A_48 = tpu.memref_slice %arg9[%dma_start3A_45, %dma_start3A_46, %dma_start3A_47] : memref<1x128x128xf32, #tpu.memory_space<vmem>> -> memref<1x128x128xf32, #tpu.memory_space<vmem>>
        %dma_start3A_49 = tpu.memref_squeeze %dma_start3A_48 : memref<1x128x128xf32, #tpu.memory_space<vmem>> -> memref<128x128xf32, #tpu.memory_space<vmem>>
        %dma_start3A_50 = arith.constant 0 : i32
        %dma_start3A_51 = tpu.memref_slice %arg7[%add3A_42, %dma_start3A_50] : memref<79x128xi32, #tpu.memory_space<vmem>> -> memref<1x128xi32, #tpu.memory_space<vmem>>
        %dma_start3A_52 = tpu.memref_squeeze %dma_start3A_51 : memref<1x128xi32, #tpu.memory_space<vmem>> -> memref<128xi32, #tpu.memory_space<vmem>>
        %dma_start3A_53 = arith.constant 0 : i32
        %dma_start3A_54 = arith.constant 0 : i32
        %dma_start3A_55 = tpu.memref_slice %arg2[%dma_start3A_53, %dma_start3A_54] : memref<10000x128xf32, #tpu.memory_space<hbm>> -> memref<10000x128xf32, #tpu.memory_space<hbm>>
        tpu.enqueue_indirect_dma source(%dma_start3A_55 : memref<10000x128xf32, #tpu.memory_space<hbm>>) target(%dma_start3A_49 : memref<128x128xf32, #tpu.memory_space<vmem>>) offsets(%dma_start3A_52 : memref<128xi32, #tpu.memory_space<vmem>>) semaphore(%arg11 : memref<!tpu.dma_semaphore, #tpu.memory_space<semaphore_mem>>)
      } else {
      }
    }
    %scan3A_20 = arith.constant 79 : i32
    %barrier3A_21 = arith.constant 0 : index
    tpu.barrier barrier_id(%barrier3A_21)
    %mul3A_22 = arith.constant 632 : i32
    %mul3A_23 = arith.muli %arg1, %mul3A_22 : i32
    %mul3A_24 = arith.constant 632 : i32
    %mul3A_25 = arith.muli %arg1, %mul3A_24 : i32
    "tpu.region"() ({
      %run_scoped3A = tpu.sem_alloc : memref<!tpu.dma_semaphore, #tpu.memory_space<semaphore_mem>>
      %dma_start3A_26 = arith.constant 0 : i32
      %dma_start3A_27 = tpu.memref_slice %arg6[%arg0, %mul3A_25, %dma_start3A_26] : memref<2x10112x128xf32, #tpu.memory_space<hbm>> -> memref<1x632x128xf32, #tpu.memory_space<hbm>>
      %dma_start3A_28 = tpu.memref_squeeze %dma_start3A_27 : memref<1x632x128xf32, #tpu.memory_space<hbm>> -> memref<632x128xf32, #tpu.memory_space<hbm>>
      %dma_start3A_29 = arith.constant 0 : i32
      %dma_start3A_30 = tpu.memref_slice %arg10[%mul3A_23, %dma_start3A_29] : memref<10112x128xf32, #tpu.memory_space<vmem_shared>> -> memref<632x128xf32, #tpu.memory_space<vmem_shared>>
      tpu.enqueue_dma source(%dma_start3A_30 : memref<632x128xf32, #tpu.memory_space<vmem_shared>>) target(%dma_start3A_28 : memref<632x128xf32, #tpu.memory_space<hbm>>) target_semaphore(%run_scoped3A : memref<!tpu.dma_semaphore, #tpu.memory_space<semaphore_mem>>)
      %dma_wait3A = arith.constant 0 : i32
      %dma_wait3A_31 = tpu.memref_slice %arg6[%arg0, %mul3A_25, %dma_wait3A] : memref<2x10112x128xf32, #tpu.memory_space<hbm>> -> memref<1x632x128xf32, #tpu.memory_space<hbm>>
      %dma_wait3A_32 = tpu.memref_squeeze %dma_wait3A_31 : memref<1x632x128xf32, #tpu.memory_space<hbm>> -> memref<632x128xf32, #tpu.memory_space<hbm>>
      %dma_wait3A_33 = arith.constant 0 : i32
      %dma_wait3A_34 = tpu.memref_slice %arg10[%mul3A_23, %dma_wait3A_33] : memref<10112x128xf32, #tpu.memory_space<vmem_shared>> -> memref<632x128xf32, #tpu.memory_space<vmem_shared>>
      tpu.wait_dma2 semaphore(%run_scoped3A : memref<!tpu.dma_semaphore, #tpu.memory_space<semaphore_mem>>) src(%dma_wait3A_34 : memref<632x128xf32, #tpu.memory_space<vmem_shared>>) dst(%dma_wait3A_32 : memref<632x128xf32, #tpu.memory_space<hbm>>)
      tpu.yield
    }) : () -> ()
    return
  }
}

#map = affine_map<(d0, d1) -> (0, 0)>
#map1 = affine_map<(d0, d1) -> (0, 0, 0)>
module attributes {stable_mosaic.version = 14 : i64} {
  func.func @body(%arg0: i32, %arg1: i32, %arg2: memref<10000x128xf32, #tpu.memory_space<hbm>>, %arg3: memref<32x79x128xi32, #tpu.memory_space<hbm>>, %arg4: memref<32x79x128xi32, #tpu.memory_space<hbm>>, %arg5: memref<10112x128xf32, #tpu.memory_space<hbm>>, %arg6: memref<2x10112x128xf32, #tpu.memory_space<hbm>>, %arg7: memref<79x128xi32, #tpu.memory_space<vmem>>, %arg8: memref<79x128xi32, #tpu.memory_space<vmem>>, %arg9: memref<1x128x128xf32, #tpu.memory_space<vmem>>, %arg10: memref<10112x128xf32, #tpu.memory_space<vmem_shared>>, %arg11: memref<!tpu.dma_semaphore, #tpu.memory_space<semaphore_mem>>) attributes {dimension_semantics = [#tpu.dimension_semantics<core_parallel>, #tpu.dimension_semantics<subcore_parallel>], iteration_bounds = array<i64: 2, 16>, scalar_prefetch = 0 : i64, scratch_operands = 5 : i64, tpu.core_type = #tpu.core_type<sc_vector_subcore>, window_params = [{transform_indices = #map}, {transform_indices = #map1}, {transform_indices = #map1}, {transform_indices = #map}, {transform_indices = #map1}]} {
    %mul3A = arith.constant 16 : i32
    %mul3A_0 = arith.muli %arg0, %mul3A : i32
    %add3A = arith.addi %mul3A_0, %arg1 : i32
    "tpu.region"() ({
      %run_scoped3A = tpu.sem_alloc : memref<!tpu.dma_semaphore, #tpu.memory_space<semaphore_mem>>
      %dma_start3A_26 = arith.constant 0 : i32
      %dma_start3A_27 = arith.constant 0 : i32
      %dma_start3A_28 = tpu.memref_slice %arg3[%add3A, %dma_start3A_26, %dma_start3A_27] : memref<32x79x128xi32, #tpu.memory_space<hbm>> -> memref<1x79x128xi32, #tpu.memory_space<hbm>>
      %dma_start3A_29 = tpu.memref_squeeze %dma_start3A_28 : memref<1x79x128xi32, #tpu.memory_space<hbm>> -> memref<79x128xi32, #tpu.memory_space<hbm>>
      %dma_start3A_30 = arith.constant 0 : i32
      %dma_start3A_31 = arith.constant 0 : i32
      %dma_start3A_32 = tpu.memref_slice %arg3[%add3A, %dma_start3A_30, %dma_start3A_31] : memref<32x79x128xi32, #tpu.memory_space<hbm>> -> memref<1x79x128xi32, #tpu.memory_space<hbm>>
      %dma_start3A_33 = tpu.memref_squeeze %dma_start3A_32 : memref<1x79x128xi32, #tpu.memory_space<hbm>> -> memref<79x128xi32, #tpu.memory_space<hbm>>
      tpu.enqueue_dma source(%dma_start3A_33 : memref<79x128xi32, #tpu.memory_space<hbm>>) target(%arg7 : memref<79x128xi32, #tpu.memory_space<vmem>>) target_semaphore(%run_scoped3A : memref<!tpu.dma_semaphore, #tpu.memory_space<semaphore_mem>>)
      %dma_wait3A = arith.constant 0 : i32
      %dma_wait3A_34 = arith.constant 0 : i32
      %dma_wait3A_35 = tpu.memref_slice %arg3[%add3A, %dma_wait3A, %dma_wait3A_34] : memref<32x79x128xi32, #tpu.memory_space<hbm>> -> memref<1x79x128xi32, #tpu.memory_space<hbm>>
      %dma_wait3A_36 = tpu.memref_squeeze %dma_wait3A_35 : memref<1x79x128xi32, #tpu.memory_space<hbm>> -> memref<79x128xi32, #tpu.memory_space<hbm>>
      %dma_wait3A_37 = arith.constant 0 : i32
      %dma_wait3A_38 = arith.constant 0 : i32
      %dma_wait3A_39 = tpu.memref_slice %arg3[%add3A, %dma_wait3A_37, %dma_wait3A_38] : memref<32x79x128xi32, #tpu.memory_space<hbm>> -> memref<1x79x128xi32, #tpu.memory_space<hbm>>
      %dma_wait3A_40 = tpu.memref_squeeze %dma_wait3A_39 : memref<1x79x128xi32, #tpu.memory_space<hbm>> -> memref<79x128xi32, #tpu.memory_space<hbm>>
      tpu.wait_dma2 semaphore(%run_scoped3A : memref<!tpu.dma_semaphore, #tpu.memory_space<semaphore_mem>>) src(%dma_wait3A_40 : memref<79x128xi32, #tpu.memory_space<hbm>>) dst(%arg7 : memref<79x128xi32, #tpu.memory_space<vmem>>)
      tpu.yield
    }) : () -> ()
    "tpu.region"() ({
      %run_scoped3A = tpu.sem_alloc : memref<!tpu.dma_semaphore, #tpu.memory_space<semaphore_mem>>
      %dma_start3A_26 = arith.constant 0 : i32
      %dma_start3A_27 = arith.constant 0 : i32
      %dma_start3A_28 = tpu.memref_slice %arg4[%add3A, %dma_start3A_26, %dma_start3A_27] : memref<32x79x128xi32, #tpu.memory_space<hbm>> -> memref<1x79x128xi32, #tpu.memory_space<hbm>>
      %dma_start3A_29 = tpu.memref_squeeze %dma_start3A_28 : memref<1x79x128xi32, #tpu.memory_space<hbm>> -> memref<79x128xi32, #tpu.memory_space<hbm>>
      %dma_start3A_30 = arith.constant 0 : i32
      %dma_start3A_31 = arith.constant 0 : i32
      %dma_start3A_32 = tpu.memref_slice %arg4[%add3A, %dma_start3A_30, %dma_start3A_31] : memref<32x79x128xi32, #tpu.memory_space<hbm>> -> memref<1x79x128xi32, #tpu.memory_space<hbm>>
      %dma_start3A_33 = tpu.memref_squeeze %dma_start3A_32 : memref<1x79x128xi32, #tpu.memory_space<hbm>> -> memref<79x128xi32, #tpu.memory_space<hbm>>
      tpu.enqueue_dma source(%dma_start3A_33 : memref<79x128xi32, #tpu.memory_space<hbm>>) target(%arg8 : memref<79x128xi32, #tpu.memory_space<vmem>>) target_semaphore(%run_scoped3A : memref<!tpu.dma_semaphore, #tpu.memory_space<semaphore_mem>>)
      %dma_wait3A = arith.constant 0 : i32
      %dma_wait3A_34 = arith.constant 0 : i32
      %dma_wait3A_35 = tpu.memref_slice %arg4[%add3A, %dma_wait3A, %dma_wait3A_34] : memref<32x79x128xi32, #tpu.memory_space<hbm>> -> memref<1x79x128xi32, #tpu.memory_space<hbm>>
      %dma_wait3A_36 = tpu.memref_squeeze %dma_wait3A_35 : memref<1x79x128xi32, #tpu.memory_space<hbm>> -> memref<79x128xi32, #tpu.memory_space<hbm>>
      %dma_wait3A_37 = arith.constant 0 : i32
      %dma_wait3A_38 = arith.constant 0 : i32
      %dma_wait3A_39 = tpu.memref_slice %arg4[%add3A, %dma_wait3A_37, %dma_wait3A_38] : memref<32x79x128xi32, #tpu.memory_space<hbm>> -> memref<1x79x128xi32, #tpu.memory_space<hbm>>
      %dma_wait3A_40 = tpu.memref_squeeze %dma_wait3A_39 : memref<1x79x128xi32, #tpu.memory_space<hbm>> -> memref<79x128xi32, #tpu.memory_space<hbm>>
      tpu.wait_dma2 semaphore(%run_scoped3A : memref<!tpu.dma_semaphore, #tpu.memory_space<semaphore_mem>>) src(%dma_wait3A_40 : memref<79x128xi32, #tpu.memory_space<hbm>>) dst(%arg8 : memref<79x128xi32, #tpu.memory_space<vmem>>)
      tpu.yield
    }) : () -> ()
    %mul3A_1 = arith.constant 632 : i32
    %mul3A_2 = arith.muli %arg1, %mul3A_1 : i32
    %mul3A_3 = arith.constant 632 : i32
    %mul3A_4 = arith.muli %arg1, %mul3A_3 : i32
    "tpu.region"() ({
      %run_scoped3A = tpu.sem_alloc : memref<!tpu.dma_semaphore, #tpu.memory_space<semaphore_mem>>
      %dma_start3A_26 = arith.constant 0 : i32
      %dma_start3A_27 = tpu.memref_slice %arg10[%mul3A_4, %dma_start3A_26] : memref<10112x128xf32, #tpu.memory_space<vmem_shared>> -> memref<632x128xf32, #tpu.memory_space<vmem_shared>>
      %dma_start3A_28 = arith.constant 0 : i32
      %dma_start3A_29 = tpu.memref_slice %arg5[%mul3A_2, %dma_start3A_28] : memref<10112x128xf32, #tpu.memory_space<hbm>> -> memref<632x128xf32, #tpu.memory_space<hbm>>
      tpu.enqueue_dma source(%dma_start3A_29 : memref<632x128xf32, #tpu.memory_space<hbm>>) target(%dma_start3A_27 : memref<632x128xf32, #tpu.memory_space<vmem_shared>>) target_semaphore(%run_scoped3A : memref<!tpu.dma_semaphore, #tpu.memory_space<semaphore_mem>>)
      %dma_wait3A = arith.constant 0 : i32
      %dma_wait3A_30 = tpu.memref_slice %arg10[%mul3A_4, %dma_wait3A] : memref<10112x128xf32, #tpu.memory_space<vmem_shared>> -> memref<632x128xf32, #tpu.memory_space<vmem_shared>>
      %dma_wait3A_31 = arith.constant 0 : i32
      %dma_wait3A_32 = tpu.memref_slice %arg5[%mul3A_2, %dma_wait3A_31] : memref<10112x128xf32, #tpu.memory_space<hbm>> -> memref<632x128xf32, #tpu.memory_space<hbm>>
      tpu.wait_dma2 semaphore(%run_scoped3A : memref<!tpu.dma_semaphore, #tpu.memory_space<semaphore_mem>>) src(%dma_wait3A_32 : memref<632x128xf32, #tpu.memory_space<hbm>>) dst(%dma_wait3A_30 : memref<632x128xf32, #tpu.memory_space<vmem_shared>>)
      tpu.yield
    }) : () -> ()
    %barrier3A = arith.constant 0 : index
    tpu.barrier barrier_id(%barrier3A)
    %dma_start3A = arith.constant 0 : i32
    %dma_start3A_5 = arith.constant 0 : i32
    %dma_start3A_6 = arith.constant 0 : i32
    %dma_start3A_7 = arith.constant 0 : i32
    %dma_start3A_8 = tpu.memref_slice %arg9[%dma_start3A_5, %dma_start3A_6, %dma_start3A_7] : memref<1x128x128xf32, #tpu.memory_space<vmem>> -> memref<1x128x128xf32, #tpu.memory_space<vmem>>
    %dma_start3A_9 = tpu.memref_squeeze %dma_start3A_8 : memref<1x128x128xf32, #tpu.memory_space<vmem>> -> memref<128x128xf32, #tpu.memory_space<vmem>>
    %dma_start3A_10 = arith.constant 0 : i32
    %dma_start3A_11 = tpu.memref_slice %arg7[%dma_start3A, %dma_start3A_10] : memref<79x128xi32, #tpu.memory_space<vmem>> -> memref<1x128xi32, #tpu.memory_space<vmem>>
    %dma_start3A_12 = tpu.memref_squeeze %dma_start3A_11 : memref<1x128xi32, #tpu.memory_space<vmem>> -> memref<128xi32, #tpu.memory_space<vmem>>
    %dma_start3A_13 = arith.constant 0 : i32
    %dma_start3A_14 = arith.constant 0 : i32
    %dma_start3A_15 = tpu.memref_slice %arg2[%dma_start3A_13, %dma_start3A_14] : memref<10000x128xf32, #tpu.memory_space<hbm>> -> memref<10000x128xf32, #tpu.memory_space<hbm>>
    tpu.enqueue_indirect_dma source(%dma_start3A_15 : memref<10000x128xf32, #tpu.memory_space<hbm>>) target(%dma_start3A_9 : memref<128x128xf32, #tpu.memory_space<vmem>>) offsets(%dma_start3A_12 : memref<128xi32, #tpu.memory_space<vmem>>) semaphore(%arg11 : memref<!tpu.dma_semaphore, #tpu.memory_space<semaphore_mem>>)
    %scan3A = arith.constant 0 : i32
    %scan3A_16 = arith.constant 0 : i32
    %scan3A_17 = arith.constant 79 : i32
    %scan3A_18 = arith.addi %scan3A_16, %scan3A_17 : i32
    %scan3A_19 = arith.constant 1 : i32
    scf.for %scan3A_26 = %scan3A_16 to %scan3A_18 step %scan3A_19  : i32 {
      %mul3A_27 = arith.constant 1 : i32
      %mul3A_28 = arith.muli %scan3A_26, %mul3A_27 : i32
      %add3A_29 = arith.constant 0 : i32
      %add3A_30 = arith.addi %mul3A_28, %add3A_29 : i32
      %dma_wait3A = arith.constant 0 : i32
      %dma_wait3A_31 = arith.constant 0 : i32
      %dma_wait3A_32 = arith.constant 0 : i32
      %dma_wait3A_33 = tpu.memref_slice %arg9[%dma_wait3A, %dma_wait3A_31, %dma_wait3A_32] : memref<1x128x128xf32, #tpu.memory_space<vmem>> -> memref<1x128x128xf32, #tpu.memory_space<vmem>>
      %dma_wait3A_34 = tpu.memref_squeeze %dma_wait3A_33 : memref<1x128x128xf32, #tpu.memory_space<vmem>> -> memref<128x128xf32, #tpu.memory_space<vmem>>
      %dma_wait3A_35 = arith.constant 0 : i32
      %dma_wait3A_36 = tpu.memref_slice %arg7[%add3A_30, %dma_wait3A_35] : memref<79x128xi32, #tpu.memory_space<vmem>> -> memref<1x128xi32, #tpu.memory_space<vmem>>
      %dma_wait3A_37 = tpu.memref_squeeze %dma_wait3A_36 : memref<1x128xi32, #tpu.memory_space<vmem>> -> memref<128xi32, #tpu.memory_space<vmem>>
      %dma_wait3A_38 = arith.constant 0 : i32
      %dma_wait3A_39 = arith.constant 0 : i32
      %dma_wait3A_40 = tpu.memref_slice %arg2[%dma_wait3A_38, %dma_wait3A_39] : memref<10000x128xf32, #tpu.memory_space<hbm>> -> memref<10000x128xf32, #tpu.memory_space<hbm>>
      tpu.wait_indirect_dma semaphore(%arg11 : memref<!tpu.dma_semaphore, #tpu.memory_space<semaphore_mem>>) src(%dma_wait3A_40 : memref<10000x128xf32, #tpu.memory_space<hbm>>) dst(%dma_wait3A_34 : memref<128x128xf32, #tpu.memory_space<vmem>>)
      %run_scoped3A = arith.constant 0 : i32
      "tpu.region"() ({
        %run_scoped3A_45 = tpu.sem_alloc : memref<!tpu.dma_semaphore, #tpu.memory_space<semaphore_mem>>
        %dma_start3A_46 = arith.constant 0 : i32
        %dma_start3A_47 = arith.constant 0 : i32
        %dma_start3A_48 = tpu.memref_slice %arg9[%run_scoped3A, %dma_start3A_46, %dma_start3A_47] : memref<1x128x128xf32, #tpu.memory_space<vmem>> -> memref<1x128x128xf32, #tpu.memory_space<vmem>>
        %dma_start3A_49 = tpu.memref_squeeze %dma_start3A_48 : memref<1x128x128xf32, #tpu.memory_space<vmem>> -> memref<128x128xf32, #tpu.memory_space<vmem>>
        %dma_start3A_50 = arith.constant 0 : i32
        %dma_start3A_51 = tpu.memref_slice %arg8[%add3A_30, %dma_start3A_50] : memref<79x128xi32, #tpu.memory_space<vmem>> -> memref<1x128xi32, #tpu.memory_space<vmem>>
        %dma_start3A_52 = tpu.memref_squeeze %dma_start3A_51 : memref<1x128xi32, #tpu.memory_space<vmem>> -> memref<128xi32, #tpu.memory_space<vmem>>
        %dma_start3A_53 = arith.constant 0 : i32
        %dma_start3A_54 = arith.constant 0 : i32
        %dma_start3A_55 = tpu.memref_slice %arg10[%dma_start3A_53, %dma_start3A_54] : memref<10112x128xf32, #tpu.memory_space<vmem_shared>> -> memref<10112x128xf32, #tpu.memory_space<vmem_shared>>
        tpu.enqueue_indirect_dma source(%dma_start3A_49 : memref<128x128xf32, #tpu.memory_space<vmem>>) target(%dma_start3A_55 : memref<10112x128xf32, #tpu.memory_space<vmem_shared>>) offsets(%dma_start3A_52 : memref<128xi32, #tpu.memory_space<vmem>>) semaphore(%run_scoped3A_45 : memref<!tpu.dma_semaphore, #tpu.memory_space<semaphore_mem>>) {add = true}
        %dma_wait3A_56 = arith.constant 0 : i32
        %dma_wait3A_57 = arith.constant 0 : i32
        %dma_wait3A_58 = tpu.memref_slice %arg9[%run_scoped3A, %dma_wait3A_56, %dma_wait3A_57] : memref<1x128x128xf32, #tpu.memory_space<vmem>> -> memref<1x128x128xf32, #tpu.memory_space<vmem>>
        %dma_wait3A_59 = tpu.memref_squeeze %dma_wait3A_58 : memref<1x128x128xf32, #tpu.memory_space<vmem>> -> memref<128x128xf32, #tpu.memory_space<vmem>>
        %dma_wait3A_60 = arith.constant 0 : i32
        %dma_wait3A_61 = tpu.memref_slice %arg8[%add3A_30, %dma_wait3A_60] : memref<79x128xi32, #tpu.memory_space<vmem>> -> memref<1x128xi32, #tpu.memory_space<vmem>>
        %dma_wait3A_62 = tpu.memref_squeeze %dma_wait3A_61 : memref<1x128xi32, #tpu.memory_space<vmem>> -> memref<128xi32, #tpu.memory_space<vmem>>
        %dma_wait3A_63 = arith.constant 0 : i32
        %dma_wait3A_64 = arith.constant 0 : i32
        %dma_wait3A_65 = tpu.memref_slice %arg10[%dma_wait3A_63, %dma_wait3A_64] : memref<10112x128xf32, #tpu.memory_space<vmem_shared>> -> memref<10112x128xf32, #tpu.memory_space<vmem_shared>>
        tpu.wait_indirect_dma semaphore(%run_scoped3A_45 : memref<!tpu.dma_semaphore, #tpu.memory_space<semaphore_mem>>) src(%dma_wait3A_59 : memref<128x128xf32, #tpu.memory_space<vmem>>) dst(%dma_wait3A_65 : memref<10112x128xf32, #tpu.memory_space<vmem_shared>>)
        tpu.yield
      }) : () -> ()
      %add3A_41 = arith.constant 1 : i32
      %add3A_42 = arith.addi %add3A_30, %add3A_41 : i32
      %lt3A = arith.constant 79 : i32
      %lt3A_43 = arith.cmpi slt, %add3A_42, %lt3A : i32
      %convert_element_type3A = arith.extui %lt3A_43 : i1 to i32
      %cond3A = arith.constant 0 : i32
      %cond3A_44 = arith.cmpi ne, %convert_element_type3A, %cond3A : i32
      scf.if %cond3A_44 {
        %dma_start3A_45 = arith.constant 0 : i32
        %dma_start3A_46 = arith.constant 0 : i32
        %dma_start3A_47 = arith.constant 0 : i32
        %dma_start3A_48 = tpu.memref_slice %arg9[%dma_start3A_45, %dma_start3A_46, %dma_start3A_47] : memref<1x128x128xf32, #tpu.memory_space<vmem>> -> memref<1x128x128xf32, #tpu.memory_space<vmem>>
        %dma_start3A_49 = tpu.memref_squeeze %dma_start3A_48 : memref<1x128x128xf32, #tpu.memory_space<vmem>> -> memref<128x128xf32, #tpu.memory_space<vmem>>
        %dma_start3A_50 = arith.constant 0 : i32
        %dma_start3A_51 = tpu.memref_slice %arg7[%add3A_42, %dma_start3A_50] : memref<79x128xi32, #tpu.memory_space<vmem>> -> memref<1x128xi32, #tpu.memory_space<vmem>>
        %dma_start3A_52 = tpu.memref_squeeze %dma_start3A_51 : memref<1x128xi32, #tpu.memory_space<vmem>> -> memref<128xi32, #tpu.memory_space<vmem>>
        %dma_start3A_53 = arith.constant 0 : i32
        %dma_start3A_54 = arith.constant 0 : i32
        %dma_start3A_55 = tpu.memref_slice %arg2[%dma_start3A_53, %dma_start3A_54] : memref<10000x128xf32, #tpu.memory_space<hbm>> -> memref<10000x128xf32, #tpu.memory_space<hbm>>
        tpu.enqueue_indirect_dma source(%dma_start3A_55 : memref<10000x128xf32, #tpu.memory_space<hbm>>) target(%dma_start3A_49 : memref<128x128xf32, #tpu.memory_space<vmem>>) offsets(%dma_start3A_52 : memref<128xi32, #tpu.memory_space<vmem>>) semaphore(%arg11 : memref<!tpu.dma_semaphore, #tpu.memory_space<semaphore_mem>>)
      } else {
      }
    }
    %scan3A_20 = arith.constant 79 : i32
    %barrier3A_21 = arith.constant 0 : index
    tpu.barrier barrier_id(%barrier3A_21)
    %mul3A_22 = arith.constant 632 : i32
    %mul3A_23 = arith.muli %arg1, %mul3A_22 : i32
    %mul3A_24 = arith.constant 632 : i32
    %mul3A_25 = arith.muli %arg1, %mul3A_24 : i32
    "tpu.region"() ({
      %run_scoped3A = tpu.sem_alloc : memref<!tpu.dma_semaphore, #tpu.memory_space<semaphore_mem>>
      %dma_start3A_26 = arith.constant 0 : i32
      %dma_start3A_27 = tpu.memref_slice %arg6[%arg0, %mul3A_25, %dma_start3A_26] : memref<2x10112x128xf32, #tpu.memory_space<hbm>> -> memref<1x632x128xf32, #tpu.memory_space<hbm>>
      %dma_start3A_28 = tpu.memref_squeeze %dma_start3A_27 : memref<1x632x128xf32, #tpu.memory_space<hbm>> -> memref<632x128xf32, #tpu.memory_space<hbm>>
      %dma_start3A_29 = arith.constant 0 : i32
      %dma_start3A_30 = tpu.memref_slice %arg10[%mul3A_23, %dma_start3A_29] : memref<10112x128xf32, #tpu.memory_space<vmem_shared>> -> memref<632x128xf32, #tpu.memory_space<vmem_shared>>
      tpu.enqueue_dma source(%dma_start3A_30 : memref<632x128xf32, #tpu.memory_space<vmem_shared>>) target(%dma_start3A_28 : memref<632x128xf32, #tpu.memory_space<hbm>>) target_semaphore(%run_scoped3A : memref<!tpu.dma_semaphore, #tpu.memory_space<semaphore_mem>>)
      %dma_wait3A = arith.constant 0 : i32
      %dma_wait3A_31 = tpu.memref_slice %arg6[%arg0, %mul3A_25, %dma_wait3A] : memref<2x10112x128xf32, #tpu.memory_space<hbm>> -> memref<1x632x128xf32, #tpu.memory_space<hbm>>
      %dma_wait3A_32 = tpu.memref_squeeze %dma_wait3A_31 : memref<1x632x128xf32, #tpu.memory_space<hbm>> -> memref<632x128xf32, #tpu.memory_space<hbm>>
      %dma_wait3A_33 = arith.constant 0 : i32
      %dma_wait3A_34 = tpu.memref_slice %arg10[%mul3A_23, %dma_wait3A_33] : memref<10112x128xf32, #tpu.memory_space<vmem_shared>> -> memref<632x128xf32, #tpu.memory_space<vmem_shared>>
      tpu.wait_dma2 semaphore(%run_scoped3A : memref<!tpu.dma_semaphore, #tpu.memory_space<semaphore_mem>>) src(%dma_wait3A_34 : memref<632x128xf32, #tpu.memory_space<vmem_shared>>) dst(%dma_wait3A_32 : memref<632x128xf32, #tpu.memory_space<hbm>>)
      tpu.yield
    }) : () -> ()
    return
  }
}

module attributes {stable_mosaic.version = 14 : i64} {
  func.func @body(%arg0: i32, %arg1: memref<1000x128xf32, #tpu.memory_space<vmem>>, %arg2: memref<2x1000x128xf32, #tpu.memory_space<vmem>>, %arg3: memref<2x1000x16xf32, #tpu.memory_space<vmem>>, %arg4: memref<8x128xf32, #tpu.memory_space<vmem>>, %arg5: memref<1000x128xf32, #tpu.memory_space<vmem>>, %arg6: memref<8x128xf32, #tpu.memory_space<vmem>>) attributes {dimension_semantics = [#tpu.dimension_semantics<arbitrary>], iteration_bounds = array<i64: 10>, scalar_prefetch = 0 : i64, scratch_operands = 0 : i64, tpu.core_type = #tpu.core_type<tc>, window_params = [{transform_indices = @transform_0, window_bounds = array<i64: 1000, 128>}, {transform_indices = @transform_1, window_bounds = array<i64: 2, 1000, 128>}, {transform_indices = @transform_2, window_bounds = array<i64: 2, 1000, 16>}, {pipeline_mode = #tpu.pipeline_mode<synchronous>, transform_indices = @transform_3, window_bounds = array<i64: 8, 128>}, {transform_indices = @transform_4, window_bounds = array<i64: 1000, 128>}, {pipeline_mode = #tpu.pipeline_mode<synchronous>, transform_indices = @transform_5, window_bounds = array<i64: 8, 128>}]} {
    %get3A = arith.constant 0 : index
    %get3A_0 = arith.constant 0 : index
    %get3A_1 = arith.constant 0 : index
    %get3A_2 = vector.load %arg3[%get3A, %get3A_0, %get3A_1] : memref<2x1000x16xf32, #tpu.memory_space<vmem>>, vector<2x1000x16xf32>
    %slice3A = vector.extract_strided_slice %get3A_2 {offsets = [0, 0, 0], sizes = [1, 1000, 1], strides = [1, 1, 1]} : vector<2x1000x16xf32> to vector<1x1000x1xf32>
    %squeeze3A = vector.shape_cast %slice3A : vector<1x1000x1xf32> to vector<1000x1xf32>
    %slice3A_3 = vector.extract_strided_slice %get3A_2 {offsets = [1, 0, 0], sizes = [1, 1000, 1], strides = [1, 1, 1]} : vector<2x1000x16xf32> to vector<1x1000x1xf32>
    %squeeze3A_4 = vector.shape_cast %slice3A_3 : vector<1x1000x1xf32> to vector<1000x1xf32>
    %add3A = arith.addf %squeeze3A, %squeeze3A_4 : vector<1000x1xf32>
    %add3A_5 = arith.constant 1.000000e+00 : f32
    %add3A_6 = vector.broadcast %add3A_5 : f32 to vector<1000x1xf32>
    %add3A_7 = arith.addf %add3A, %add3A_6 : vector<1000x1xf32>
    %sqrt3A = math.sqrt %add3A_7 : vector<1000x1xf32>
    %div3A = arith.constant 1.000000e+00 : f32
    %div3A_8 = vector.broadcast %div3A : f32 to vector<1000x1xf32>
    %div3A_9 = arith.divf %div3A_8, %sqrt3A : vector<1000x1xf32>
    %get3A_10 = arith.constant 0 : index
    %get3A_11 = arith.constant 0 : index
    %get3A_12 = arith.constant 0 : index
    %get3A_13 = vector.load %arg2[%get3A_10, %get3A_11, %get3A_12] : memref<2x1000x128xf32, #tpu.memory_space<vmem>>, vector<2x1000x128xf32>
    %slice3A_14 = vector.extract_strided_slice %get3A_13 {offsets = [0, 0, 0], sizes = [1, 1000, 128], strides = [1, 1, 1]} : vector<2x1000x128xf32> to vector<1x1000x128xf32>
    %squeeze3A_15 = vector.shape_cast %slice3A_14 : vector<1x1000x128xf32> to vector<1000x128xf32>
    %slice3A_16 = vector.extract_strided_slice %get3A_13 {offsets = [1, 0, 0], sizes = [1, 1000, 128], strides = [1, 1, 1]} : vector<2x1000x128xf32> to vector<1x1000x128xf32>
    %squeeze3A_17 = vector.shape_cast %slice3A_16 : vector<1x1000x128xf32> to vector<1000x128xf32>
    %add3A_18 = arith.addf %squeeze3A_15, %squeeze3A_17 : vector<1000x128xf32>
    %get3A_19 = arith.constant 0 : index
    %get3A_20 = arith.constant 0 : index
    %get3A_21 = vector.load %arg1[%get3A_19, %get3A_20] : memref<1000x128xf32, #tpu.memory_space<vmem>>, vector<1000x128xf32>
    %add3A_22 = arith.addf %add3A_18, %get3A_21 : vector<1000x128xf32>
    %mul3A = vector.broadcast %div3A_9 : vector<1000x1xf32> to vector<1000x128xf32>
    %mul3A_23 = arith.mulf %mul3A, %add3A_22 : vector<1000x128xf32>
    %get3A_24 = arith.constant 0 : index
    %get3A_25 = arith.constant 0 : index
    %get3A_26 = vector.load %arg4[%get3A_24, %get3A_25] : memref<8x128xf32, #tpu.memory_space<vmem>>, vector<8x128xf32>
    %slice3A_27 = vector.extract_strided_slice %get3A_26 {offsets = [0, 0], sizes = [1, 128], strides = [1, 1]} : vector<8x128xf32> to vector<1x128xf32>
    %squeeze3A_28 = vector.shape_cast %slice3A_27 : vector<1x128xf32> to vector<128xf32>
    %broadcast_in_dim3A = vector.shape_cast %squeeze3A_28 : vector<128xf32> to vector<1x128xf32>
    %add3A_29 = vector.broadcast %broadcast_in_dim3A : vector<1x128xf32> to vector<1000x128xf32>
    %add3A_30 = arith.addf %mul3A_23, %add3A_29 : vector<1000x128xf32>
    %swap3A = arith.constant 0 : index
    %swap3A_31 = arith.constant 0 : index
    %swap3A_32 = vector.load %arg5[%swap3A, %swap3A_31] : memref<1000x128xf32, #tpu.memory_space<vmem>>, vector<1000x128xf32>
    tpu.vector_store %arg5[%swap3A, %swap3A_31], %add3A_30 {strides = array<i32>} : memref<1000x128xf32, #tpu.memory_space<vmem>>, vector<1000x128xf32>,
    %max3A = arith.constant 0.000000e+00 : f32
    %max3A_33 = vector.broadcast %max3A : f32 to vector<1000x128xf32>
    %max3A_34 = arith.maximumf %add3A_30, %max3A_33 : vector<1000x128xf32>
    %reduce_sum3A = arith.constant dense<0.000000e+00> : vector<128xf32>
    %reduce_sum3A_35 = vector.multi_reduction <add>, %max3A_34, %reduce_sum3A [0] : vector<1000x128xf32> to vector<128xf32>
    %broadcast_in_dim3A_36 = vector.shape_cast %reduce_sum3A_35 : vector<128xf32> to vector<1x128xf32>
    %mul3A_37 = arith.mulf %max3A_34, %max3A_34 : vector<1000x128xf32>
    %reduce_sum3A_38 = arith.constant dense<0.000000e+00> : vector<128xf32>
    %reduce_sum3A_39 = vector.multi_reduction <add>, %mul3A_37, %reduce_sum3A_38 [0] : vector<1000x128xf32> to vector<128xf32>
    %broadcast_in_dim3A_40 = vector.shape_cast %reduce_sum3A_39 : vector<128xf32> to vector<1x128xf32>
    %broadcast_in_dim3A_41 = arith.constant 0.000000e+00 : f32
    %broadcast_in_dim3A_42 = vector.broadcast %broadcast_in_dim3A_41 : f32 to vector<6x128xf32>
    %concatenate3A = tpu.concatenate %broadcast_in_dim3A_36, %broadcast_in_dim3A_40, %broadcast_in_dim3A_42 in 0 : vector<1x128xf32>, vector<1x128xf32>, vector<6x128xf32> -> vector<8x128xf32>
    %eq3A = arith.constant 0 : i32
    %eq3A_43 = arith.cmpi eq, %arg0, %eq3A : i32
    %convert_element_type3A = arith.extui %eq3A_43 : i1 to i32
    %cond3A = arith.constant 0 : i32
    %cond3A_44 = arith.cmpi ne, %convert_element_type3A, %cond3A : i32
    scf.if %cond3A_44 {
      %swap3A_49 = arith.constant 0 : index
      %swap3A_50 = arith.constant 0 : index
      %swap3A_51 = vector.load %arg6[%swap3A_49, %swap3A_50] : memref<8x128xf32, #tpu.memory_space<vmem>>, vector<8x128xf32>
      tpu.vector_store %arg6[%swap3A_49, %swap3A_50], %concatenate3A {strides = array<i32>} : memref<8x128xf32, #tpu.memory_space<vmem>>, vector<8x128xf32>,
    } else {
    }
    %ne3A = arith.constant 0 : i32
    %ne3A_45 = arith.cmpi ne, %arg0, %ne3A : i32
    %convert_element_type3A_46 = arith.extui %ne3A_45 : i1 to i32
    %cond3A_47 = arith.constant 0 : i32
    %cond3A_48 = arith.cmpi ne, %convert_element_type3A_46, %cond3A_47 : i32
    scf.if %cond3A_48 {
      %get3A_49 = arith.constant 0 : index
      %get3A_50 = arith.constant 0 : index
      %get3A_51 = vector.load %arg6[%get3A_49, %get3A_50] : memref<8x128xf32, #tpu.memory_space<vmem>>, vector<8x128xf32>
      %add3A_52 = arith.addf %get3A_51, %concatenate3A : vector<8x128xf32>
      %swap3A_53 = arith.constant 0 : index
      %swap3A_54 = arith.constant 0 : index
      %swap3A_55 = vector.load %arg6[%swap3A_53, %swap3A_54] : memref<8x128xf32, #tpu.memory_space<vmem>>, vector<8x128xf32>
      tpu.vector_store %arg6[%swap3A_53, %swap3A_54], %add3A_52 {strides = array<i32>} : memref<8x128xf32, #tpu.memory_space<vmem>>, vector<8x128xf32>,
    } else {
    }
    return
  }
  func.func @transform_0(%arg0: i32) -> (i32, i32) {
    %c0_i32 = arith.constant 0 : i32
    %c0_i32_0 = arith.constant 0 : i32
    return %arg0, %c0_i32 : i32, i32
  }
  func.func @transform_1(%arg0: i32) -> (i32, i32, i32) {
    %c0_i32 = arith.constant 0 : i32
    %c0_i32_0 = arith.constant 0 : i32
    %c0_i32_1 = arith.constant 0 : i32
    return %c0_i32, %arg0, %c0_i32_0 : i32, i32, i32
  }
  func.func @transform_2(%arg0: i32) -> (i32, i32, i32) {
    %c0_i32 = arith.constant 0 : i32
    %c0_i32_0 = arith.constant 0 : i32
    %c0_i32_1 = arith.constant 0 : i32
    return %c0_i32, %arg0, %c0_i32_0 : i32, i32, i32
  }
  func.func @transform_3(%arg0: i32) -> (i32, i32) {
    %c0_i32 = arith.constant 0 : i32
    %c0_i32_0 = arith.constant 0 : i32
    %c0_i32_1 = arith.constant 0 : i32
    return %c0_i32, %c0_i32_0 : i32, i32
  }
  func.func @transform_4(%arg0: i32) -> (i32, i32) {
    %c0_i32 = arith.constant 0 : i32
    %c0_i32_0 = arith.constant 0 : i32
    return %arg0, %c0_i32 : i32, i32
  }
  func.func @transform_5(%arg0: i32) -> (i32, i32) {
    %c0_i32 = arith.constant 0 : i32
    %c0_i32_0 = arith.constant 0 : i32
    %c0_i32_1 = arith.constant 0 : i32
    return %c0_i32, %c0_i32_0 : i32, i32
  }
}

module attributes {stable_mosaic.version = 14 : i64} {
  func.func @body(%arg0: i32, %arg1: memref<2x1000x16xf32, #tpu.memory_space<vmem>>, %arg2: memref<1000x128xf32, #tpu.memory_space<vmem>>, %arg3: memref<128x256xf32, #tpu.memory_space<vmem>>, %arg4: memref<1000x128xf32, #tpu.memory_space<vmem>>, %arg5: memref<1000x128xf32, #tpu.memory_space<vmem>>) attributes {dimension_semantics = [#tpu.dimension_semantics<arbitrary>], iteration_bounds = array<i64: 10>, scalar_prefetch = 0 : i64, scratch_operands = 0 : i64, tpu.core_type = #tpu.core_type<tc>, window_params = [{transform_indices = @transform_0, window_bounds = array<i64: 2, 1000, 16>}, {transform_indices = @transform_1, window_bounds = array<i64: 1000, 128>}, {pipeline_mode = #tpu.pipeline_mode<synchronous>, transform_indices = @transform_2, window_bounds = array<i64: 128, 256>}, {transform_indices = @transform_3, window_bounds = array<i64: 1000, 128>}, {transform_indices = @transform_4, window_bounds = array<i64: 1000, 128>}]} {
    %get3A = arith.constant 0 : index
    %get3A_0 = arith.constant 0 : index
    %get3A_1 = arith.constant 0 : index
    %get3A_2 = vector.load %arg1[%get3A, %get3A_0, %get3A_1] : memref<2x1000x16xf32, #tpu.memory_space<vmem>>, vector<2x1000x16xf32>
    %slice3A = vector.extract_strided_slice %get3A_2 {offsets = [0, 0, 0], sizes = [1, 1000, 1], strides = [1, 1, 1]} : vector<2x1000x16xf32> to vector<1x1000x1xf32>
    %squeeze3A = vector.shape_cast %slice3A : vector<1x1000x1xf32> to vector<1000x1xf32>
    %slice3A_3 = vector.extract_strided_slice %get3A_2 {offsets = [1, 0, 0], sizes = [1, 1000, 1], strides = [1, 1, 1]} : vector<2x1000x16xf32> to vector<1x1000x1xf32>
    %squeeze3A_4 = vector.shape_cast %slice3A_3 : vector<1x1000x1xf32> to vector<1000x1xf32>
    %add3A = arith.addf %squeeze3A, %squeeze3A_4 : vector<1000x1xf32>
    %add3A_5 = arith.constant 1.000000e+00 : f32
    %add3A_6 = vector.broadcast %add3A_5 : f32 to vector<1000x1xf32>
    %add3A_7 = arith.addf %add3A, %add3A_6 : vector<1000x1xf32>
    %sqrt3A = math.sqrt %add3A_7 : vector<1000x1xf32>
    %div3A = arith.constant 1.000000e+00 : f32
    %div3A_8 = vector.broadcast %div3A : f32 to vector<1000x1xf32>
    %div3A_9 = arith.divf %div3A_8, %sqrt3A : vector<1000x1xf32>
    %get3A_10 = arith.constant 0 : index
    %get3A_11 = arith.constant 0 : index
    %get3A_12 = vector.load %arg2[%get3A_10, %get3A_11] : memref<1000x128xf32, #tpu.memory_space<vmem>>, vector<1000x128xf32>
    %get3A_13 = arith.constant 0 : index
    %get3A_14 = arith.constant 0 : index
    %get3A_15 = vector.load %arg3[%get3A_13, %get3A_14] : memref<128x256xf32, #tpu.memory_space<vmem>>, vector<128x256xf32>
    %dot_general3A = arith.constant dense<0.000000e+00> : vector<1000x256xf32>
    %dot_general3A_16 = tpu.matmul %get3A_12, %get3A_15, %dot_general3A {dimension_numbers = #tpu.dot_dimension_numbers<[1], [0], [0], [1], [0, 0, 1, 1], [], []>, transpose_lhs_hint = false} : vector<1000x128xf32>, vector<128x256xf32>, vector<1000x256xf32> -> vector<1000x256xf32>
    %mul3A = vector.broadcast %div3A_9 : vector<1000x1xf32> to vector<1000x256xf32>
    %mul3A_17 = arith.mulf %dot_general3A_16, %mul3A : vector<1000x256xf32>
    %slice3A_18 = vector.extract_strided_slice %mul3A_17 {offsets = [0, 0], sizes = [1000, 128], strides = [1, 1]} : vector<1000x256xf32> to vector<1000x128xf32>
    %swap3A = arith.constant 0 : index
    %swap3A_19 = arith.constant 0 : index
    %swap3A_20 = vector.load %arg4[%swap3A, %swap3A_19] : memref<1000x128xf32, #tpu.memory_space<vmem>>, vector<1000x128xf32>
    tpu.vector_store %arg4[%swap3A, %swap3A_19], %slice3A_18 {strides = array<i32>} : memref<1000x128xf32, #tpu.memory_space<vmem>>, vector<1000x128xf32>,
    %slice3A_21 = vector.extract_strided_slice %mul3A_17 {offsets = [0, 128], sizes = [1000, 128], strides = [1, 1]} : vector<1000x256xf32> to vector<1000x128xf32>
    %swap3A_22 = arith.constant 0 : index
    %swap3A_23 = arith.constant 0 : index
    %swap3A_24 = vector.load %arg5[%swap3A_22, %swap3A_23] : memref<1000x128xf32, #tpu.memory_space<vmem>>, vector<1000x128xf32>
    tpu.vector_store %arg5[%swap3A_22, %swap3A_23], %slice3A_21 {strides = array<i32>} : memref<1000x128xf32, #tpu.memory_space<vmem>>, vector<1000x128xf32>,
    return
  }
  func.func @transform_0(%arg0: i32) -> (i32, i32, i32) {
    %c0_i32 = arith.constant 0 : i32
    %c0_i32_0 = arith.constant 0 : i32
    %c0_i32_1 = arith.constant 0 : i32
    return %c0_i32, %arg0, %c0_i32_0 : i32, i32, i32
  }
  func.func @transform_1(%arg0: i32) -> (i32, i32) {
    %c0_i32 = arith.constant 0 : i32
    %c0_i32_0 = arith.constant 0 : i32
    return %arg0, %c0_i32 : i32, i32
  }
  func.func @transform_2(%arg0: i32) -> (i32, i32) {
    %c0_i32 = arith.constant 0 : i32
    %c0_i32_0 = arith.constant 0 : i32
    %c0_i32_1 = arith.constant 0 : i32
    return %c0_i32, %c0_i32_0 : i32, i32
  }
  func.func @transform_3(%arg0: i32) -> (i32, i32) {
    %c0_i32 = arith.constant 0 : i32
    %c0_i32_0 = arith.constant 0 : i32
    return %arg0, %c0_i32 : i32, i32
  }
  func.func @transform_4(%arg0: i32) -> (i32, i32) {
    %c0_i32 = arith.constant 0 : i32
    %c0_i32_0 = arith.constant 0 : i32
    return %arg0, %c0_i32 : i32, i32
  }
}

module attributes {stable_mosaic.version = 14 : i64} {
  func.func @body(%arg0: i32, %arg1: memref<2x1000x16xf32, #tpu.memory_space<vmem>>, %arg2: memref<1000x128xf32, #tpu.memory_space<vmem>>, %arg3: memref<8x128xf32, #tpu.memory_space<vmem>>, %arg4: memref<8x128xf32, #tpu.memory_space<vmem>>, %arg5: memref<128x256xf32, #tpu.memory_space<vmem>>, %arg6: memref<1000x128xf32, #tpu.memory_space<vmem>>, %arg7: memref<1000x128xf32, #tpu.memory_space<vmem>>) attributes {dimension_semantics = [#tpu.dimension_semantics<arbitrary>], iteration_bounds = array<i64: 10>, scalar_prefetch = 0 : i64, scratch_operands = 0 : i64, tpu.core_type = #tpu.core_type<tc>, window_params = [{transform_indices = @transform_0, window_bounds = array<i64: 2, 1000, 16>}, {transform_indices = @transform_1, window_bounds = array<i64: 1000, 128>}, {pipeline_mode = #tpu.pipeline_mode<synchronous>, transform_indices = @transform_2, window_bounds = array<i64: 8, 128>}, {pipeline_mode = #tpu.pipeline_mode<synchronous>, transform_indices = @transform_3, window_bounds = array<i64: 8, 128>}, {pipeline_mode = #tpu.pipeline_mode<synchronous>, transform_indices = @transform_4, window_bounds = array<i64: 128, 256>}, {transform_indices = @transform_5, window_bounds = array<i64: 1000, 128>}, {transform_indices = @transform_6, window_bounds = array<i64: 1000, 128>}]} {
    %get3A = arith.constant 0 : index
    %get3A_0 = arith.constant 0 : index
    %get3A_1 = arith.constant 0 : index
    %get3A_2 = vector.load %arg1[%get3A, %get3A_0, %get3A_1] : memref<2x1000x16xf32, #tpu.memory_space<vmem>>, vector<2x1000x16xf32>
    %slice3A = vector.extract_strided_slice %get3A_2 {offsets = [0, 0, 0], sizes = [1, 1000, 1], strides = [1, 1, 1]} : vector<2x1000x16xf32> to vector<1x1000x1xf32>
    %squeeze3A = vector.shape_cast %slice3A : vector<1x1000x1xf32> to vector<1000x1xf32>
    %slice3A_3 = vector.extract_strided_slice %get3A_2 {offsets = [1, 0, 0], sizes = [1, 1000, 1], strides = [1, 1, 1]} : vector<2x1000x16xf32> to vector<1x1000x1xf32>
    %squeeze3A_4 = vector.shape_cast %slice3A_3 : vector<1x1000x1xf32> to vector<1000x1xf32>
    %add3A = arith.addf %squeeze3A, %squeeze3A_4 : vector<1000x1xf32>
    %add3A_5 = arith.constant 1.000000e+00 : f32
    %add3A_6 = vector.broadcast %add3A_5 : f32 to vector<1000x1xf32>
    %add3A_7 = arith.addf %add3A, %add3A_6 : vector<1000x1xf32>
    %sqrt3A = math.sqrt %add3A_7 : vector<1000x1xf32>
    %div3A = arith.constant 1.000000e+00 : f32
    %div3A_8 = vector.broadcast %div3A : f32 to vector<1000x1xf32>
    %div3A_9 = arith.divf %div3A_8, %sqrt3A : vector<1000x1xf32>
    %get3A_10 = arith.constant 0 : index
    %get3A_11 = arith.constant 0 : index
    %get3A_12 = vector.load %arg2[%get3A_10, %get3A_11] : memref<1000x128xf32, #tpu.memory_space<vmem>>, vector<1000x128xf32>
    %get3A_13 = arith.constant 0 : index
    %get3A_14 = arith.constant 0 : index
    %get3A_15 = vector.load %arg3[%get3A_13, %get3A_14] : memref<8x128xf32, #tpu.memory_space<vmem>>, vector<8x128xf32>
    %get3A_16 = arith.constant 0 : index
    %get3A_17 = arith.constant 0 : index
    %get3A_18 = vector.load %arg4[%get3A_16, %get3A_17] : memref<8x128xf32, #tpu.memory_space<vmem>>, vector<8x128xf32>
    %slice3A_19 = vector.extract_strided_slice %get3A_15 {offsets = [0, 0], sizes = [1, 128], strides = [1, 1]} : vector<8x128xf32> to vector<1x128xf32>
    %squeeze3A_20 = vector.shape_cast %slice3A_19 : vector<1x128xf32> to vector<128xf32>
    %mul3A = arith.constant 9.99999974E-5 : f32
    %mul3A_21 = vector.broadcast %mul3A : f32 to vector<128xf32>
    %mul3A_22 = arith.mulf %squeeze3A_20, %mul3A_21 : vector<128xf32>
    %slice3A_23 = vector.extract_strided_slice %get3A_15 {offsets = [1, 0], sizes = [1, 128], strides = [1, 1]} : vector<8x128xf32> to vector<1x128xf32>
    %squeeze3A_24 = vector.shape_cast %slice3A_23 : vector<1x128xf32> to vector<128xf32>
    %mul3A_25 = arith.constant 9.99999974E-5 : f32
    %mul3A_26 = vector.broadcast %mul3A_25 : f32 to vector<128xf32>
    %mul3A_27 = arith.mulf %squeeze3A_24, %mul3A_26 : vector<128xf32>
    %mul3A_28 = arith.mulf %mul3A_22, %mul3A_22 : vector<128xf32>
    %sub3A = arith.subf %mul3A_27, %mul3A_28 : vector<128xf32>
    %add3A_29 = arith.constant 9.99999974E-6 : f32
    %add3A_30 = vector.broadcast %add3A_29 : f32 to vector<128xf32>
    %add3A_31 = arith.addf %sub3A, %add3A_30 : vector<128xf32>
    %sqrt3A_32 = math.sqrt %add3A_31 : vector<128xf32>
    %div3A_33 = arith.constant 1.000000e+00 : f32
    %div3A_34 = vector.broadcast %div3A_33 : f32 to vector<128xf32>
    %div3A_35 = arith.divf %div3A_34, %sqrt3A_32 : vector<128xf32>
    %max3A = arith.constant 0.000000e+00 : f32
    %max3A_36 = vector.broadcast %max3A : f32 to vector<1000x128xf32>
    %max3A_37 = arith.maximumf %get3A_12, %max3A_36 : vector<1000x128xf32>
    %broadcast_in_dim3A = vector.shape_cast %mul3A_22 : vector<128xf32> to vector<1x128xf32>
    %sub3A_38 = vector.broadcast %broadcast_in_dim3A : vector<1x128xf32> to vector<1000x128xf32>
    %sub3A_39 = arith.subf %max3A_37, %sub3A_38 : vector<1000x128xf32>
    %broadcast_in_dim3A_40 = vector.shape_cast %div3A_35 : vector<128xf32> to vector<1x128xf32>
    %mul3A_41 = vector.broadcast %broadcast_in_dim3A_40 : vector<1x128xf32> to vector<1000x128xf32>
    %mul3A_42 = arith.mulf %sub3A_39, %mul3A_41 : vector<1000x128xf32>
    %slice3A_43 = vector.extract_strided_slice %get3A_18 {offsets = [0, 0], sizes = [1, 128], strides = [1, 1]} : vector<8x128xf32> to vector<1x128xf32>
    %squeeze3A_44 = vector.shape_cast %slice3A_43 : vector<1x128xf32> to vector<128xf32>
    %broadcast_in_dim3A_45 = vector.shape_cast %squeeze3A_44 : vector<128xf32> to vector<1x128xf32>
    %mul3A_46 = vector.broadcast %broadcast_in_dim3A_45 : vector<1x128xf32> to vector<1000x128xf32>
    %mul3A_47 = arith.mulf %mul3A_42, %mul3A_46 : vector<1000x128xf32>
    %slice3A_48 = vector.extract_strided_slice %get3A_18 {offsets = [1, 0], sizes = [1, 128], strides = [1, 1]} : vector<8x128xf32> to vector<1x128xf32>
    %squeeze3A_49 = vector.shape_cast %slice3A_48 : vector<1x128xf32> to vector<128xf32>
    %broadcast_in_dim3A_50 = vector.shape_cast %squeeze3A_49 : vector<128xf32> to vector<1x128xf32>
    %add3A_51 = vector.broadcast %broadcast_in_dim3A_50 : vector<1x128xf32> to vector<1000x128xf32>
    %add3A_52 = arith.addf %mul3A_47, %add3A_51 : vector<1000x128xf32>
    %get3A_53 = arith.constant 0 : index
    %get3A_54 = arith.constant 0 : index
    %get3A_55 = vector.load %arg5[%get3A_53, %get3A_54] : memref<128x256xf32, #tpu.memory_space<vmem>>, vector<128x256xf32>
    %dot_general3A = arith.constant dense<0.000000e+00> : vector<1000x256xf32>
    %dot_general3A_56 = tpu.matmul %add3A_52, %get3A_55, %dot_general3A {dimension_numbers = #tpu.dot_dimension_numbers<[1], [0], [0], [1], [0, 0, 1, 1], [], []>, transpose_lhs_hint = false} : vector<1000x128xf32>, vector<128x256xf32>, vector<1000x256xf32> -> vector<1000x256xf32>
    %mul3A_57 = vector.broadcast %div3A_9 : vector<1000x1xf32> to vector<1000x256xf32>
    %mul3A_58 = arith.mulf %dot_general3A_56, %mul3A_57 : vector<1000x256xf32>
    %slice3A_59 = vector.extract_strided_slice %mul3A_58 {offsets = [0, 0], sizes = [1000, 128], strides = [1, 1]} : vector<1000x256xf32> to vector<1000x128xf32>
    %swap3A = arith.constant 0 : index
    %swap3A_60 = arith.constant 0 : index
    %swap3A_61 = vector.load %arg6[%swap3A, %swap3A_60] : memref<1000x128xf32, #tpu.memory_space<vmem>>, vector<1000x128xf32>
    tpu.vector_store %arg6[%swap3A, %swap3A_60], %slice3A_59 {strides = array<i32>} : memref<1000x128xf32, #tpu.memory_space<vmem>>, vector<1000x128xf32>,
    %slice3A_62 = vector.extract_strided_slice %mul3A_58 {offsets = [0, 128], sizes = [1000, 128], strides = [1, 1]} : vector<1000x256xf32> to vector<1000x128xf32>
    %swap3A_63 = arith.constant 0 : index
    %swap3A_64 = arith.constant 0 : index
    %swap3A_65 = vector.load %arg7[%swap3A_63, %swap3A_64] : memref<1000x128xf32, #tpu.memory_space<vmem>>, vector<1000x128xf32>
    tpu.vector_store %arg7[%swap3A_63, %swap3A_64], %slice3A_62 {strides = array<i32>} : memref<1000x128xf32, #tpu.memory_space<vmem>>, vector<1000x128xf32>,
    return
  }
  func.func @transform_0(%arg0: i32) -> (i32, i32, i32) {
    %c0_i32 = arith.constant 0 : i32
    %c0_i32_0 = arith.constant 0 : i32
    %c0_i32_1 = arith.constant 0 : i32
    return %c0_i32, %arg0, %c0_i32_0 : i32, i32, i32
  }
  func.func @transform_1(%arg0: i32) -> (i32, i32) {
    %c0_i32 = arith.constant 0 : i32
    %c0_i32_0 = arith.constant 0 : i32
    return %arg0, %c0_i32 : i32, i32
  }
  func.func @transform_2(%arg0: i32) -> (i32, i32) {
    %c0_i32 = arith.constant 0 : i32
    %c0_i32_0 = arith.constant 0 : i32
    %c0_i32_1 = arith.constant 0 : i32
    return %c0_i32, %c0_i32_0 : i32, i32
  }
  func.func @transform_3(%arg0: i32) -> (i32, i32) {
    %c0_i32 = arith.constant 0 : i32
    %c0_i32_0 = arith.constant 0 : i32
    %c0_i32_1 = arith.constant 0 : i32
    return %c0_i32, %c0_i32_0 : i32, i32
  }
  func.func @transform_4(%arg0: i32) -> (i32, i32) {
    %c0_i32 = arith.constant 0 : i32
    %c0_i32_0 = arith.constant 0 : i32
    %c0_i32_1 = arith.constant 0 : i32
    return %c0_i32, %c0_i32_0 : i32, i32
  }
  func.func @transform_5(%arg0: i32) -> (i32, i32) {
    %c0_i32 = arith.constant 0 : i32
    %c0_i32_0 = arith.constant 0 : i32
    return %arg0, %c0_i32 : i32, i32
  }
  func.func @transform_6(%arg0: i32) -> (i32, i32) {
    %c0_i32 = arith.constant 0 : i32
    %c0_i32_0 = arith.constant 0 : i32
    return %arg0, %c0_i32 : i32, i32
  }
}

module attributes {stable_mosaic.version = 14 : i64} {
  func.func @body(%arg0: i32, %arg1: memref<1000x128xf32, #tpu.memory_space<vmem>>, %arg2: memref<2x1000x128xf32, #tpu.memory_space<vmem>>, %arg3: memref<2x1000x16xf32, #tpu.memory_space<vmem>>, %arg4: memref<8x128xf32, #tpu.memory_space<vmem>>, %arg5: memref<1000x128xf32, #tpu.memory_space<vmem>>, %arg6: memref<8x128xf32, #tpu.memory_space<vmem>>) attributes {dimension_semantics = [#tpu.dimension_semantics<arbitrary>], iteration_bounds = array<i64: 10>, scalar_prefetch = 0 : i64, scratch_operands = 0 : i64, tpu.core_type = #tpu.core_type<tc>, window_params = [{transform_indices = @transform_0, window_bounds = array<i64: 1000, 128>}, {transform_indices = @transform_1, window_bounds = array<i64: 2, 1000, 128>}, {transform_indices = @transform_2, window_bounds = array<i64: 2, 1000, 16>}, {pipeline_mode = #tpu.pipeline_mode<synchronous>, transform_indices = @transform_3, window_bounds = array<i64: 8, 128>}, {transform_indices = @transform_4, window_bounds = array<i64: 1000, 128>}, {pipeline_mode = #tpu.pipeline_mode<synchronous>, transform_indices = @transform_5, window_bounds = array<i64: 8, 128>}]} {
    %get3A = arith.constant 0 : index
    %get3A_0 = arith.constant 0 : index
    %get3A_1 = arith.constant 0 : index
    %get3A_2 = vector.load %arg3[%get3A, %get3A_0, %get3A_1] : memref<2x1000x16xf32, #tpu.memory_space<vmem>>, vector<2x1000x16xf32>
    %slice3A = vector.extract_strided_slice %get3A_2 {offsets = [0, 0, 0], sizes = [1, 1000, 1], strides = [1, 1, 1]} : vector<2x1000x16xf32> to vector<1x1000x1xf32>
    %squeeze3A = vector.shape_cast %slice3A : vector<1x1000x1xf32> to vector<1000x1xf32>
    %slice3A_3 = vector.extract_strided_slice %get3A_2 {offsets = [1, 0, 0], sizes = [1, 1000, 1], strides = [1, 1, 1]} : vector<2x1000x16xf32> to vector<1x1000x1xf32>
    %squeeze3A_4 = vector.shape_cast %slice3A_3 : vector<1x1000x1xf32> to vector<1000x1xf32>
    %add3A = arith.addf %squeeze3A, %squeeze3A_4 : vector<1000x1xf32>
    %add3A_5 = arith.constant 1.000000e+00 : f32
    %add3A_6 = vector.broadcast %add3A_5 : f32 to vector<1000x1xf32>
    %add3A_7 = arith.addf %add3A, %add3A_6 : vector<1000x1xf32>
    %sqrt3A = math.sqrt %add3A_7 : vector<1000x1xf32>
    %div3A = arith.constant 1.000000e+00 : f32
    %div3A_8 = vector.broadcast %div3A : f32 to vector<1000x1xf32>
    %div3A_9 = arith.divf %div3A_8, %sqrt3A : vector<1000x1xf32>
    %get3A_10 = arith.constant 0 : index
    %get3A_11 = arith.constant 0 : index
    %get3A_12 = arith.constant 0 : index
    %get3A_13 = vector.load %arg2[%get3A_10, %get3A_11, %get3A_12] : memref<2x1000x128xf32, #tpu.memory_space<vmem>>, vector<2x1000x128xf32>
    %slice3A_14 = vector.extract_strided_slice %get3A_13 {offsets = [0, 0, 0], sizes = [1, 1000, 128], strides = [1, 1, 1]} : vector<2x1000x128xf32> to vector<1x1000x128xf32>
    %squeeze3A_15 = vector.shape_cast %slice3A_14 : vector<1x1000x128xf32> to vector<1000x128xf32>
    %slice3A_16 = vector.extract_strided_slice %get3A_13 {offsets = [1, 0, 0], sizes = [1, 1000, 128], strides = [1, 1, 1]} : vector<2x1000x128xf32> to vector<1x1000x128xf32>
    %squeeze3A_17 = vector.shape_cast %slice3A_16 : vector<1x1000x128xf32> to vector<1000x128xf32>
    %add3A_18 = arith.addf %squeeze3A_15, %squeeze3A_17 : vector<1000x128xf32>
    %get3A_19 = arith.constant 0 : index
    %get3A_20 = arith.constant 0 : index
    %get3A_21 = vector.load %arg1[%get3A_19, %get3A_20] : memref<1000x128xf32, #tpu.memory_space<vmem>>, vector<1000x128xf32>
    %add3A_22 = arith.addf %add3A_18, %get3A_21 : vector<1000x128xf32>
    %mul3A = vector.broadcast %div3A_9 : vector<1000x1xf32> to vector<1000x128xf32>
    %mul3A_23 = arith.mulf %mul3A, %add3A_22 : vector<1000x128xf32>
    %get3A_24 = arith.constant 0 : index
    %get3A_25 = arith.constant 0 : index
    %get3A_26 = vector.load %arg4[%get3A_24, %get3A_25] : memref<8x128xf32, #tpu.memory_space<vmem>>, vector<8x128xf32>
    %slice3A_27 = vector.extract_strided_slice %get3A_26 {offsets = [0, 0], sizes = [1, 128], strides = [1, 1]} : vector<8x128xf32> to vector<1x128xf32>
    %squeeze3A_28 = vector.shape_cast %slice3A_27 : vector<1x128xf32> to vector<128xf32>
    %broadcast_in_dim3A = vector.shape_cast %squeeze3A_28 : vector<128xf32> to vector<1x128xf32>
    %add3A_29 = vector.broadcast %broadcast_in_dim3A : vector<1x128xf32> to vector<1000x128xf32>
    %add3A_30 = arith.addf %mul3A_23, %add3A_29 : vector<1000x128xf32>
    %swap3A = arith.constant 0 : index
    %swap3A_31 = arith.constant 0 : index
    %swap3A_32 = vector.load %arg5[%swap3A, %swap3A_31] : memref<1000x128xf32, #tpu.memory_space<vmem>>, vector<1000x128xf32>
    tpu.vector_store %arg5[%swap3A, %swap3A_31], %add3A_30 {strides = array<i32>} : memref<1000x128xf32, #tpu.memory_space<vmem>>, vector<1000x128xf32>,
    %reduce_sum3A = arith.constant dense<0.000000e+00> : vector<128xf32>
    %reduce_sum3A_33 = vector.multi_reduction <add>, %add3A_30, %reduce_sum3A [0] : vector<1000x128xf32> to vector<128xf32>
    %broadcast_in_dim3A_34 = vector.shape_cast %reduce_sum3A_33 : vector<128xf32> to vector<1x128xf32>
    %mul3A_35 = arith.mulf %add3A_30, %add3A_30 : vector<1000x128xf32>
    %reduce_sum3A_36 = arith.constant dense<0.000000e+00> : vector<128xf32>
    %reduce_sum3A_37 = vector.multi_reduction <add>, %mul3A_35, %reduce_sum3A_36 [0] : vector<1000x128xf32> to vector<128xf32>
    %broadcast_in_dim3A_38 = vector.shape_cast %reduce_sum3A_37 : vector<128xf32> to vector<1x128xf32>
    %broadcast_in_dim3A_39 = arith.constant 0.000000e+00 : f32
    %broadcast_in_dim3A_40 = vector.broadcast %broadcast_in_dim3A_39 : f32 to vector<6x128xf32>
    %concatenate3A = tpu.concatenate %broadcast_in_dim3A_34, %broadcast_in_dim3A_38, %broadcast_in_dim3A_40 in 0 : vector<1x128xf32>, vector<1x128xf32>, vector<6x128xf32> -> vector<8x128xf32>
    %eq3A = arith.constant 0 : i32
    %eq3A_41 = arith.cmpi eq, %arg0, %eq3A : i32
    %convert_element_type3A = arith.extui %eq3A_41 : i1 to i32
    %cond3A = arith.constant 0 : i32
    %cond3A_42 = arith.cmpi ne, %convert_element_type3A, %cond3A : i32
    scf.if %cond3A_42 {
      %swap3A_47 = arith.constant 0 : index
      %swap3A_48 = arith.constant 0 : index
      %swap3A_49 = vector.load %arg6[%swap3A_47, %swap3A_48] : memref<8x128xf32, #tpu.memory_space<vmem>>, vector<8x128xf32>
      tpu.vector_store %arg6[%swap3A_47, %swap3A_48], %concatenate3A {strides = array<i32>} : memref<8x128xf32, #tpu.memory_space<vmem>>, vector<8x128xf32>,
    } else {
    }
    %ne3A = arith.constant 0 : i32
    %ne3A_43 = arith.cmpi ne, %arg0, %ne3A : i32
    %convert_element_type3A_44 = arith.extui %ne3A_43 : i1 to i32
    %cond3A_45 = arith.constant 0 : i32
    %cond3A_46 = arith.cmpi ne, %convert_element_type3A_44, %cond3A_45 : i32
    scf.if %cond3A_46 {
      %get3A_47 = arith.constant 0 : index
      %get3A_48 = arith.constant 0 : index
      %get3A_49 = vector.load %arg6[%get3A_47, %get3A_48] : memref<8x128xf32, #tpu.memory_space<vmem>>, vector<8x128xf32>
      %add3A_50 = arith.addf %get3A_49, %concatenate3A : vector<8x128xf32>
      %swap3A_51 = arith.constant 0 : index
      %swap3A_52 = arith.constant 0 : index
      %swap3A_53 = vector.load %arg6[%swap3A_51, %swap3A_52] : memref<8x128xf32, #tpu.memory_space<vmem>>, vector<8x128xf32>
      tpu.vector_store %arg6[%swap3A_51, %swap3A_52], %add3A_50 {strides = array<i32>} : memref<8x128xf32, #tpu.memory_space<vmem>>, vector<8x128xf32>,
    } else {
    }
    return
  }
  func.func @transform_0(%arg0: i32) -> (i32, i32) {
    %c0_i32 = arith.constant 0 : i32
    %c0_i32_0 = arith.constant 0 : i32
    return %arg0, %c0_i32 : i32, i32
  }
  func.func @transform_1(%arg0: i32) -> (i32, i32, i32) {
    %c0_i32 = arith.constant 0 : i32
    %c0_i32_0 = arith.constant 0 : i32
    %c0_i32_1 = arith.constant 0 : i32
    return %c0_i32, %arg0, %c0_i32_0 : i32, i32, i32
  }
  func.func @transform_2(%arg0: i32) -> (i32, i32, i32) {
    %c0_i32 = arith.constant 0 : i32
    %c0_i32_0 = arith.constant 0 : i32
    %c0_i32_1 = arith.constant 0 : i32
    return %c0_i32, %arg0, %c0_i32_0 : i32, i32, i32
  }
  func.func @transform_3(%arg0: i32) -> (i32, i32) {
    %c0_i32 = arith.constant 0 : i32
    %c0_i32_0 = arith.constant 0 : i32
    %c0_i32_1 = arith.constant 0 : i32
    return %c0_i32, %c0_i32_0 : i32, i32
  }
  func.func @transform_4(%arg0: i32) -> (i32, i32) {
    %c0_i32 = arith.constant 0 : i32
    %c0_i32_0 = arith.constant 0 : i32
    return %arg0, %c0_i32 : i32, i32
  }
  func.func @transform_5(%arg0: i32) -> (i32, i32) {
    %c0_i32 = arith.constant 0 : i32
    %c0_i32_0 = arith.constant 0 : i32
    %c0_i32_1 = arith.constant 0 : i32
    return %c0_i32, %c0_i32_0 : i32, i32
  }
}

module attributes {stable_mosaic.version = 14 : i64} {
  func.func @body(%arg0: i32, %arg1: memref<2x1000x16xf32, #tpu.memory_space<vmem>>, %arg2: memref<1000x128xf32, #tpu.memory_space<vmem>>, %arg3: memref<8x128xf32, #tpu.memory_space<vmem>>, %arg4: memref<8x128xf32, #tpu.memory_space<vmem>>, %arg5: memref<128x256xf32, #tpu.memory_space<vmem>>, %arg6: memref<1000x128xf32, #tpu.memory_space<vmem>>, %arg7: memref<1000x128xf32, #tpu.memory_space<vmem>>) attributes {dimension_semantics = [#tpu.dimension_semantics<arbitrary>], iteration_bounds = array<i64: 10>, scalar_prefetch = 0 : i64, scratch_operands = 0 : i64, tpu.core_type = #tpu.core_type<tc>, window_params = [{transform_indices = @transform_0, window_bounds = array<i64: 2, 1000, 16>}, {transform_indices = @transform_1, window_bounds = array<i64: 1000, 128>}, {pipeline_mode = #tpu.pipeline_mode<synchronous>, transform_indices = @transform_2, window_bounds = array<i64: 8, 128>}, {pipeline_mode = #tpu.pipeline_mode<synchronous>, transform_indices = @transform_3, window_bounds = array<i64: 8, 128>}, {pipeline_mode = #tpu.pipeline_mode<synchronous>, transform_indices = @transform_4, window_bounds = array<i64: 128, 256>}, {transform_indices = @transform_5, window_bounds = array<i64: 1000, 128>}, {transform_indices = @transform_6, window_bounds = array<i64: 1000, 128>}]} {
    %get3A = arith.constant 0 : index
    %get3A_0 = arith.constant 0 : index
    %get3A_1 = arith.constant 0 : index
    %get3A_2 = vector.load %arg1[%get3A, %get3A_0, %get3A_1] : memref<2x1000x16xf32, #tpu.memory_space<vmem>>, vector<2x1000x16xf32>
    %slice3A = vector.extract_strided_slice %get3A_2 {offsets = [0, 0, 0], sizes = [1, 1000, 1], strides = [1, 1, 1]} : vector<2x1000x16xf32> to vector<1x1000x1xf32>
    %squeeze3A = vector.shape_cast %slice3A : vector<1x1000x1xf32> to vector<1000x1xf32>
    %slice3A_3 = vector.extract_strided_slice %get3A_2 {offsets = [1, 0, 0], sizes = [1, 1000, 1], strides = [1, 1, 1]} : vector<2x1000x16xf32> to vector<1x1000x1xf32>
    %squeeze3A_4 = vector.shape_cast %slice3A_3 : vector<1x1000x1xf32> to vector<1000x1xf32>
    %add3A = arith.addf %squeeze3A, %squeeze3A_4 : vector<1000x1xf32>
    %add3A_5 = arith.constant 1.000000e+00 : f32
    %add3A_6 = vector.broadcast %add3A_5 : f32 to vector<1000x1xf32>
    %add3A_7 = arith.addf %add3A, %add3A_6 : vector<1000x1xf32>
    %sqrt3A = math.sqrt %add3A_7 : vector<1000x1xf32>
    %div3A = arith.constant 1.000000e+00 : f32
    %div3A_8 = vector.broadcast %div3A : f32 to vector<1000x1xf32>
    %div3A_9 = arith.divf %div3A_8, %sqrt3A : vector<1000x1xf32>
    %get3A_10 = arith.constant 0 : index
    %get3A_11 = arith.constant 0 : index
    %get3A_12 = vector.load %arg2[%get3A_10, %get3A_11] : memref<1000x128xf32, #tpu.memory_space<vmem>>, vector<1000x128xf32>
    %get3A_13 = arith.constant 0 : index
    %get3A_14 = arith.constant 0 : index
    %get3A_15 = vector.load %arg3[%get3A_13, %get3A_14] : memref<8x128xf32, #tpu.memory_space<vmem>>, vector<8x128xf32>
    %get3A_16 = arith.constant 0 : index
    %get3A_17 = arith.constant 0 : index
    %get3A_18 = vector.load %arg4[%get3A_16, %get3A_17] : memref<8x128xf32, #tpu.memory_space<vmem>>, vector<8x128xf32>
    %slice3A_19 = vector.extract_strided_slice %get3A_15 {offsets = [0, 0], sizes = [1, 128], strides = [1, 1]} : vector<8x128xf32> to vector<1x128xf32>
    %squeeze3A_20 = vector.shape_cast %slice3A_19 : vector<1x128xf32> to vector<128xf32>
    %mul3A = arith.constant 9.99999974E-5 : f32
    %mul3A_21 = vector.broadcast %mul3A : f32 to vector<128xf32>
    %mul3A_22 = arith.mulf %squeeze3A_20, %mul3A_21 : vector<128xf32>
    %slice3A_23 = vector.extract_strided_slice %get3A_15 {offsets = [1, 0], sizes = [1, 128], strides = [1, 1]} : vector<8x128xf32> to vector<1x128xf32>
    %squeeze3A_24 = vector.shape_cast %slice3A_23 : vector<1x128xf32> to vector<128xf32>
    %mul3A_25 = arith.constant 9.99999974E-5 : f32
    %mul3A_26 = vector.broadcast %mul3A_25 : f32 to vector<128xf32>
    %mul3A_27 = arith.mulf %squeeze3A_24, %mul3A_26 : vector<128xf32>
    %mul3A_28 = arith.mulf %mul3A_22, %mul3A_22 : vector<128xf32>
    %sub3A = arith.subf %mul3A_27, %mul3A_28 : vector<128xf32>
    %add3A_29 = arith.constant 9.99999974E-6 : f32
    %add3A_30 = vector.broadcast %add3A_29 : f32 to vector<128xf32>
    %add3A_31 = arith.addf %sub3A, %add3A_30 : vector<128xf32>
    %sqrt3A_32 = math.sqrt %add3A_31 : vector<128xf32>
    %div3A_33 = arith.constant 1.000000e+00 : f32
    %div3A_34 = vector.broadcast %div3A_33 : f32 to vector<128xf32>
    %div3A_35 = arith.divf %div3A_34, %sqrt3A_32 : vector<128xf32>
    %broadcast_in_dim3A = vector.shape_cast %mul3A_22 : vector<128xf32> to vector<1x128xf32>
    %sub3A_36 = vector.broadcast %broadcast_in_dim3A : vector<1x128xf32> to vector<1000x128xf32>
    %sub3A_37 = arith.subf %get3A_12, %sub3A_36 : vector<1000x128xf32>
    %broadcast_in_dim3A_38 = vector.shape_cast %div3A_35 : vector<128xf32> to vector<1x128xf32>
    %mul3A_39 = vector.broadcast %broadcast_in_dim3A_38 : vector<1x128xf32> to vector<1000x128xf32>
    %mul3A_40 = arith.mulf %sub3A_37, %mul3A_39 : vector<1000x128xf32>
    %slice3A_41 = vector.extract_strided_slice %get3A_18 {offsets = [0, 0], sizes = [1, 128], strides = [1, 1]} : vector<8x128xf32> to vector<1x128xf32>
    %squeeze3A_42 = vector.shape_cast %slice3A_41 : vector<1x128xf32> to vector<128xf32>
    %broadcast_in_dim3A_43 = vector.shape_cast %squeeze3A_42 : vector<128xf32> to vector<1x128xf32>
    %mul3A_44 = vector.broadcast %broadcast_in_dim3A_43 : vector<1x128xf32> to vector<1000x128xf32>
    %mul3A_45 = arith.mulf %mul3A_40, %mul3A_44 : vector<1000x128xf32>
    %slice3A_46 = vector.extract_strided_slice %get3A_18 {offsets = [1, 0], sizes = [1, 128], strides = [1, 1]} : vector<8x128xf32> to vector<1x128xf32>
    %squeeze3A_47 = vector.shape_cast %slice3A_46 : vector<1x128xf32> to vector<128xf32>
    %broadcast_in_dim3A_48 = vector.shape_cast %squeeze3A_47 : vector<128xf32> to vector<1x128xf32>
    %add3A_49 = vector.broadcast %broadcast_in_dim3A_48 : vector<1x128xf32> to vector<1000x128xf32>
    %add3A_50 = arith.addf %mul3A_45, %add3A_49 : vector<1000x128xf32>
    %max3A = arith.constant 0.000000e+00 : f32
    %max3A_51 = vector.broadcast %max3A : f32 to vector<1000x128xf32>
    %max3A_52 = arith.maximumf %add3A_50, %max3A_51 : vector<1000x128xf32>
    %get3A_53 = arith.constant 0 : index
    %get3A_54 = arith.constant 0 : index
    %get3A_55 = vector.load %arg5[%get3A_53, %get3A_54] : memref<128x256xf32, #tpu.memory_space<vmem>>, vector<128x256xf32>
    %dot_general3A = arith.constant dense<0.000000e+00> : vector<1000x256xf32>
    %dot_general3A_56 = tpu.matmul %max3A_52, %get3A_55, %dot_general3A {dimension_numbers = #tpu.dot_dimension_numbers<[1], [0], [0], [1], [0, 0, 1, 1], [], []>, transpose_lhs_hint = false} : vector<1000x128xf32>, vector<128x256xf32>, vector<1000x256xf32> -> vector<1000x256xf32>
    %mul3A_57 = vector.broadcast %div3A_9 : vector<1000x1xf32> to vector<1000x256xf32>
    %mul3A_58 = arith.mulf %dot_general3A_56, %mul3A_57 : vector<1000x256xf32>
    %slice3A_59 = vector.extract_strided_slice %mul3A_58 {offsets = [0, 0], sizes = [1000, 128], strides = [1, 1]} : vector<1000x256xf32> to vector<1000x128xf32>
    %swap3A = arith.constant 0 : index
    %swap3A_60 = arith.constant 0 : index
    %swap3A_61 = vector.load %arg6[%swap3A, %swap3A_60] : memref<1000x128xf32, #tpu.memory_space<vmem>>, vector<1000x128xf32>
    tpu.vector_store %arg6[%swap3A, %swap3A_60], %slice3A_59 {strides = array<i32>} : memref<1000x128xf32, #tpu.memory_space<vmem>>, vector<1000x128xf32>,
    %slice3A_62 = vector.extract_strided_slice %mul3A_58 {offsets = [0, 128], sizes = [1000, 128], strides = [1, 1]} : vector<1000x256xf32> to vector<1000x128xf32>
    %swap3A_63 = arith.constant 0 : index
    %swap3A_64 = arith.constant 0 : index
    %swap3A_65 = vector.load %arg7[%swap3A_63, %swap3A_64] : memref<1000x128xf32, #tpu.memory_space<vmem>>, vector<1000x128xf32>
    tpu.vector_store %arg7[%swap3A_63, %swap3A_64], %slice3A_62 {strides = array<i32>} : memref<1000x128xf32, #tpu.memory_space<vmem>>, vector<1000x128xf32>,
    return
  }
  func.func @transform_0(%arg0: i32) -> (i32, i32, i32) {
    %c0_i32 = arith.constant 0 : i32
    %c0_i32_0 = arith.constant 0 : i32
    %c0_i32_1 = arith.constant 0 : i32
    return %c0_i32, %arg0, %c0_i32_0 : i32, i32, i32
  }
  func.func @transform_1(%arg0: i32) -> (i32, i32) {
    %c0_i32 = arith.constant 0 : i32
    %c0_i32_0 = arith.constant 0 : i32
    return %arg0, %c0_i32 : i32, i32
  }
  func.func @transform_2(%arg0: i32) -> (i32, i32) {
    %c0_i32 = arith.constant 0 : i32
    %c0_i32_0 = arith.constant 0 : i32
    %c0_i32_1 = arith.constant 0 : i32
    return %c0_i32, %c0_i32_0 : i32, i32
  }
  func.func @transform_3(%arg0: i32) -> (i32, i32) {
    %c0_i32 = arith.constant 0 : i32
    %c0_i32_0 = arith.constant 0 : i32
    %c0_i32_1 = arith.constant 0 : i32
    return %c0_i32, %c0_i32_0 : i32, i32
  }
  func.func @transform_4(%arg0: i32) -> (i32, i32) {
    %c0_i32 = arith.constant 0 : i32
    %c0_i32_0 = arith.constant 0 : i32
    %c0_i32_1 = arith.constant 0 : i32
    return %c0_i32, %c0_i32_0 : i32, i32
  }
  func.func @transform_5(%arg0: i32) -> (i32, i32) {
    %c0_i32 = arith.constant 0 : i32
    %c0_i32_0 = arith.constant 0 : i32
    return %arg0, %c0_i32 : i32, i32
  }
  func.func @transform_6(%arg0: i32) -> (i32, i32) {
    %c0_i32 = arith.constant 0 : i32
    %c0_i32_0 = arith.constant 0 : i32
    return %arg0, %c0_i32 : i32, i32
  }
}

module attributes {stable_mosaic.version = 14 : i64} {
  func.func @body(%arg0: i32, %arg1: memref<2x1000x16xf32, #tpu.memory_space<vmem>>, %arg2: memref<1000x128xf32, #tpu.memory_space<vmem>>, %arg3: memref<8x128xf32, #tpu.memory_space<vmem>>, %arg4: memref<8x128xf32, #tpu.memory_space<vmem>>, %arg5: memref<1000x128xf32, #tpu.memory_space<vmem>>, %arg6: memref<8x128xf32, #tpu.memory_space<vmem>>, %arg7: memref<8x128xf32, #tpu.memory_space<vmem>>, %arg8: memref<256x64xf32, #tpu.memory_space<vmem>>, %arg9: memref<1000x64xf32, #tpu.memory_space<vmem>>) attributes {dimension_semantics = [#tpu.dimension_semantics<arbitrary>], iteration_bounds = array<i64: 10>, scalar_prefetch = 0 : i64, scratch_operands = 0 : i64, tpu.core_type = #tpu.core_type<tc>, window_params = [{transform_indices = @transform_0, window_bounds = array<i64: 2, 1000, 16>}, {transform_indices = @transform_1, window_bounds = array<i64: 1000, 128>}, {pipeline_mode = #tpu.pipeline_mode<synchronous>, transform_indices = @transform_2, window_bounds = array<i64: 8, 128>}, {pipeline_mode = #tpu.pipeline_mode<synchronous>, transform_indices = @transform_3, window_bounds = array<i64: 8, 128>}, {transform_indices = @transform_4, window_bounds = array<i64: 1000, 128>}, {pipeline_mode = #tpu.pipeline_mode<synchronous>, transform_indices = @transform_5, window_bounds = array<i64: 8, 128>}, {pipeline_mode = #tpu.pipeline_mode<synchronous>, transform_indices = @transform_6, window_bounds = array<i64: 8, 128>}, {pipeline_mode = #tpu.pipeline_mode<synchronous>, transform_indices = @transform_7, window_bounds = array<i64: 256, 64>}, {transform_indices = @transform_8, window_bounds = array<i64: 1000, 64>}]} {
    %get3A = arith.constant 0 : index
    %get3A_0 = arith.constant 0 : index
    %get3A_1 = arith.constant 0 : index
    %get3A_2 = vector.load %arg1[%get3A, %get3A_0, %get3A_1] : memref<2x1000x16xf32, #tpu.memory_space<vmem>>, vector<2x1000x16xf32>
    %slice3A = vector.extract_strided_slice %get3A_2 {offsets = [0, 0, 0], sizes = [1, 1000, 1], strides = [1, 1, 1]} : vector<2x1000x16xf32> to vector<1x1000x1xf32>
    %squeeze3A = vector.shape_cast %slice3A : vector<1x1000x1xf32> to vector<1000x1xf32>
    %slice3A_3 = vector.extract_strided_slice %get3A_2 {offsets = [1, 0, 0], sizes = [1, 1000, 1], strides = [1, 1, 1]} : vector<2x1000x16xf32> to vector<1x1000x1xf32>
    %squeeze3A_4 = vector.shape_cast %slice3A_3 : vector<1x1000x1xf32> to vector<1000x1xf32>
    %add3A = arith.addf %squeeze3A, %squeeze3A_4 : vector<1000x1xf32>
    %add3A_5 = arith.constant 1.000000e+00 : f32
    %add3A_6 = vector.broadcast %add3A_5 : f32 to vector<1000x1xf32>
    %add3A_7 = arith.addf %add3A, %add3A_6 : vector<1000x1xf32>
    %sqrt3A = math.sqrt %add3A_7 : vector<1000x1xf32>
    %div3A = arith.constant 1.000000e+00 : f32
    %div3A_8 = vector.broadcast %div3A : f32 to vector<1000x1xf32>
    %div3A_9 = arith.divf %div3A_8, %sqrt3A : vector<1000x1xf32>
    %get3A_10 = arith.constant 0 : index
    %get3A_11 = arith.constant 0 : index
    %get3A_12 = vector.load %arg2[%get3A_10, %get3A_11] : memref<1000x128xf32, #tpu.memory_space<vmem>>, vector<1000x128xf32>
    %get3A_13 = arith.constant 0 : index
    %get3A_14 = arith.constant 0 : index
    %get3A_15 = vector.load %arg3[%get3A_13, %get3A_14] : memref<8x128xf32, #tpu.memory_space<vmem>>, vector<8x128xf32>
    %get3A_16 = arith.constant 0 : index
    %get3A_17 = arith.constant 0 : index
    %get3A_18 = vector.load %arg4[%get3A_16, %get3A_17] : memref<8x128xf32, #tpu.memory_space<vmem>>, vector<8x128xf32>
    %slice3A_19 = vector.extract_strided_slice %get3A_15 {offsets = [0, 0], sizes = [1, 128], strides = [1, 1]} : vector<8x128xf32> to vector<1x128xf32>
    %squeeze3A_20 = vector.shape_cast %slice3A_19 : vector<1x128xf32> to vector<128xf32>
    %mul3A = arith.constant 9.99999974E-5 : f32
    %mul3A_21 = vector.broadcast %mul3A : f32 to vector<128xf32>
    %mul3A_22 = arith.mulf %squeeze3A_20, %mul3A_21 : vector<128xf32>
    %slice3A_23 = vector.extract_strided_slice %get3A_15 {offsets = [1, 0], sizes = [1, 128], strides = [1, 1]} : vector<8x128xf32> to vector<1x128xf32>
    %squeeze3A_24 = vector.shape_cast %slice3A_23 : vector<1x128xf32> to vector<128xf32>
    %mul3A_25 = arith.constant 9.99999974E-5 : f32
    %mul3A_26 = vector.broadcast %mul3A_25 : f32 to vector<128xf32>
    %mul3A_27 = arith.mulf %squeeze3A_24, %mul3A_26 : vector<128xf32>
    %mul3A_28 = arith.mulf %mul3A_22, %mul3A_22 : vector<128xf32>
    %sub3A = arith.subf %mul3A_27, %mul3A_28 : vector<128xf32>
    %add3A_29 = arith.constant 9.99999974E-6 : f32
    %add3A_30 = vector.broadcast %add3A_29 : f32 to vector<128xf32>
    %add3A_31 = arith.addf %sub3A, %add3A_30 : vector<128xf32>
    %sqrt3A_32 = math.sqrt %add3A_31 : vector<128xf32>
    %div3A_33 = arith.constant 1.000000e+00 : f32
    %div3A_34 = vector.broadcast %div3A_33 : f32 to vector<128xf32>
    %div3A_35 = arith.divf %div3A_34, %sqrt3A_32 : vector<128xf32>
    %max3A = arith.constant 0.000000e+00 : f32
    %max3A_36 = vector.broadcast %max3A : f32 to vector<1000x128xf32>
    %max3A_37 = arith.maximumf %get3A_12, %max3A_36 : vector<1000x128xf32>
    %broadcast_in_dim3A = vector.shape_cast %mul3A_22 : vector<128xf32> to vector<1x128xf32>
    %sub3A_38 = vector.broadcast %broadcast_in_dim3A : vector<1x128xf32> to vector<1000x128xf32>
    %sub3A_39 = arith.subf %max3A_37, %sub3A_38 : vector<1000x128xf32>
    %broadcast_in_dim3A_40 = vector.shape_cast %div3A_35 : vector<128xf32> to vector<1x128xf32>
    %mul3A_41 = vector.broadcast %broadcast_in_dim3A_40 : vector<1x128xf32> to vector<1000x128xf32>
    %mul3A_42 = arith.mulf %sub3A_39, %mul3A_41 : vector<1000x128xf32>
    %slice3A_43 = vector.extract_strided_slice %get3A_18 {offsets = [0, 0], sizes = [1, 128], strides = [1, 1]} : vector<8x128xf32> to vector<1x128xf32>
    %squeeze3A_44 = vector.shape_cast %slice3A_43 : vector<1x128xf32> to vector<128xf32>
    %broadcast_in_dim3A_45 = vector.shape_cast %squeeze3A_44 : vector<128xf32> to vector<1x128xf32>
    %mul3A_46 = vector.broadcast %broadcast_in_dim3A_45 : vector<1x128xf32> to vector<1000x128xf32>
    %mul3A_47 = arith.mulf %mul3A_42, %mul3A_46 : vector<1000x128xf32>
    %slice3A_48 = vector.extract_strided_slice %get3A_18 {offsets = [1, 0], sizes = [1, 128], strides = [1, 1]} : vector<8x128xf32> to vector<1x128xf32>
    %squeeze3A_49 = vector.shape_cast %slice3A_48 : vector<1x128xf32> to vector<128xf32>
    %broadcast_in_dim3A_50 = vector.shape_cast %squeeze3A_49 : vector<128xf32> to vector<1x128xf32>
    %add3A_51 = vector.broadcast %broadcast_in_dim3A_50 : vector<1x128xf32> to vector<1000x128xf32>
    %add3A_52 = arith.addf %mul3A_47, %add3A_51 : vector<1000x128xf32>
    %get3A_53 = arith.constant 0 : index
    %get3A_54 = arith.constant 0 : index
    %get3A_55 = vector.load %arg5[%get3A_53, %get3A_54] : memref<1000x128xf32, #tpu.memory_space<vmem>>, vector<1000x128xf32>
    %get3A_56 = arith.constant 0 : index
    %get3A_57 = arith.constant 0 : index
    %get3A_58 = vector.load %arg6[%get3A_56, %get3A_57] : memref<8x128xf32, #tpu.memory_space<vmem>>, vector<8x128xf32>
    %get3A_59 = arith.constant 0 : index
    %get3A_60 = arith.constant 0 : index
    %get3A_61 = vector.load %arg7[%get3A_59, %get3A_60] : memref<8x128xf32, #tpu.memory_space<vmem>>, vector<8x128xf32>
    %slice3A_62 = vector.extract_strided_slice %get3A_58 {offsets = [0, 0], sizes = [1, 128], strides = [1, 1]} : vector<8x128xf32> to vector<1x128xf32>
    %squeeze3A_63 = vector.shape_cast %slice3A_62 : vector<1x128xf32> to vector<128xf32>
    %mul3A_64 = arith.constant 9.99999974E-5 : f32
    %mul3A_65 = vector.broadcast %mul3A_64 : f32 to vector<128xf32>
    %mul3A_66 = arith.mulf %squeeze3A_63, %mul3A_65 : vector<128xf32>
    %slice3A_67 = vector.extract_strided_slice %get3A_58 {offsets = [1, 0], sizes = [1, 128], strides = [1, 1]} : vector<8x128xf32> to vector<1x128xf32>
    %squeeze3A_68 = vector.shape_cast %slice3A_67 : vector<1x128xf32> to vector<128xf32>
    %mul3A_69 = arith.constant 9.99999974E-5 : f32
    %mul3A_70 = vector.broadcast %mul3A_69 : f32 to vector<128xf32>
    %mul3A_71 = arith.mulf %squeeze3A_68, %mul3A_70 : vector<128xf32>
    %mul3A_72 = arith.mulf %mul3A_66, %mul3A_66 : vector<128xf32>
    %sub3A_73 = arith.subf %mul3A_71, %mul3A_72 : vector<128xf32>
    %add3A_74 = arith.constant 9.99999974E-6 : f32
    %add3A_75 = vector.broadcast %add3A_74 : f32 to vector<128xf32>
    %add3A_76 = arith.addf %sub3A_73, %add3A_75 : vector<128xf32>
    %sqrt3A_77 = math.sqrt %add3A_76 : vector<128xf32>
    %div3A_78 = arith.constant 1.000000e+00 : f32
    %div3A_79 = vector.broadcast %div3A_78 : f32 to vector<128xf32>
    %div3A_80 = arith.divf %div3A_79, %sqrt3A_77 : vector<128xf32>
    %max3A_81 = arith.constant 0.000000e+00 : f32
    %max3A_82 = vector.broadcast %max3A_81 : f32 to vector<1000x128xf32>
    %max3A_83 = arith.maximumf %get3A_55, %max3A_82 : vector<1000x128xf32>
    %broadcast_in_dim3A_84 = vector.shape_cast %mul3A_66 : vector<128xf32> to vector<1x128xf32>
    %sub3A_85 = vector.broadcast %broadcast_in_dim3A_84 : vector<1x128xf32> to vector<1000x128xf32>
    %sub3A_86 = arith.subf %max3A_83, %sub3A_85 : vector<1000x128xf32>
    %broadcast_in_dim3A_87 = vector.shape_cast %div3A_80 : vector<128xf32> to vector<1x128xf32>
    %mul3A_88 = vector.broadcast %broadcast_in_dim3A_87 : vector<1x128xf32> to vector<1000x128xf32>
    %mul3A_89 = arith.mulf %sub3A_86, %mul3A_88 : vector<1000x128xf32>
    %slice3A_90 = vector.extract_strided_slice %get3A_61 {offsets = [0, 0], sizes = [1, 128], strides = [1, 1]} : vector<8x128xf32> to vector<1x128xf32>
    %squeeze3A_91 = vector.shape_cast %slice3A_90 : vector<1x128xf32> to vector<128xf32>
    %broadcast_in_dim3A_92 = vector.shape_cast %squeeze3A_91 : vector<128xf32> to vector<1x128xf32>
    %mul3A_93 = vector.broadcast %broadcast_in_dim3A_92 : vector<1x128xf32> to vector<1000x128xf32>
    %mul3A_94 = arith.mulf %mul3A_89, %mul3A_93 : vector<1000x128xf32>
    %slice3A_95 = vector.extract_strided_slice %get3A_61 {offsets = [1, 0], sizes = [1, 128], strides = [1, 1]} : vector<8x128xf32> to vector<1x128xf32>
    %squeeze3A_96 = vector.shape_cast %slice3A_95 : vector<1x128xf32> to vector<128xf32>
    %broadcast_in_dim3A_97 = vector.shape_cast %squeeze3A_96 : vector<128xf32> to vector<1x128xf32>
    %add3A_98 = vector.broadcast %broadcast_in_dim3A_97 : vector<1x128xf32> to vector<1000x128xf32>
    %add3A_99 = arith.addf %mul3A_94, %add3A_98 : vector<1000x128xf32>
    %get3A_100 = arith.constant 0 : index
    %get3A_101 = arith.constant 0 : index
    %get3A_102 = vector.load %arg8[%get3A_100, %get3A_101] : memref<256x64xf32, #tpu.memory_space<vmem>>, vector<256x64xf32>
    %slice3A_103 = vector.extract_strided_slice %get3A_102 {offsets = [0, 0], sizes = [128, 64], strides = [1, 1]} : vector<256x64xf32> to vector<128x64xf32>
    %dot_general3A = arith.constant dense<0.000000e+00> : vector<1000x64xf32>
    %dot_general3A_104 = tpu.matmul %add3A_52, %slice3A_103, %dot_general3A {dimension_numbers = #tpu.dot_dimension_numbers<[1], [0], [0], [1], [0, 0, 1, 1], [], []>, transpose_lhs_hint = false} : vector<1000x128xf32>, vector<128x64xf32>, vector<1000x64xf32> -> vector<1000x64xf32>
    %slice3A_105 = vector.extract_strided_slice %get3A_102 {offsets = [128, 0], sizes = [128, 64], strides = [1, 1]} : vector<256x64xf32> to vector<128x64xf32>
    %dot_general3A_106 = arith.constant dense<0.000000e+00> : vector<1000x64xf32>
    %dot_general3A_107 = tpu.matmul %add3A_99, %slice3A_105, %dot_general3A_106 {dimension_numbers = #tpu.dot_dimension_numbers<[1], [0], [0], [1], [0, 0, 1, 1], [], []>, transpose_lhs_hint = false} : vector<1000x128xf32>, vector<128x64xf32>, vector<1000x64xf32> -> vector<1000x64xf32>
    %add3A_108 = arith.addf %dot_general3A_104, %dot_general3A_107 : vector<1000x64xf32>
    %mul3A_109 = vector.broadcast %div3A_9 : vector<1000x1xf32> to vector<1000x64xf32>
    %mul3A_110 = arith.mulf %add3A_108, %mul3A_109 : vector<1000x64xf32>
    %swap3A = arith.constant 0 : index
    %swap3A_111 = arith.constant 0 : index
    %swap3A_112 = vector.load %arg9[%swap3A, %swap3A_111] : memref<1000x64xf32, #tpu.memory_space<vmem>>, vector<1000x64xf32>
    tpu.vector_store %arg9[%swap3A, %swap3A_111], %mul3A_110 {strides = array<i32>} : memref<1000x64xf32, #tpu.memory_space<vmem>>, vector<1000x64xf32>,
    return
  }
  func.func @transform_0(%arg0: i32) -> (i32, i32, i32) {
    %c0_i32 = arith.constant 0 : i32
    %c0_i32_0 = arith.constant 0 : i32
    %c0_i32_1 = arith.constant 0 : i32
    return %c0_i32, %arg0, %c0_i32_0 : i32, i32, i32
  }
  func.func @transform_1(%arg0: i32) -> (i32, i32) {
    %c0_i32 = arith.constant 0 : i32
    %c0_i32_0 = arith.constant 0 : i32
    return %arg0, %c0_i32 : i32, i32
  }
  func.func @transform_2(%arg0: i32) -> (i32, i32) {
    %c0_i32 = arith.constant 0 : i32
    %c0_i32_0 = arith.constant 0 : i32
    %c0_i32_1 = arith.constant 0 : i32
    return %c0_i32, %c0_i32_0 : i32, i32
  }
  func.func @transform_3(%arg0: i32) -> (i32, i32) {
    %c0_i32 = arith.constant 0 : i32
    %c0_i32_0 = arith.constant 0 : i32
    %c0_i32_1 = arith.constant 0 : i32
    return %c0_i32, %c0_i32_0 : i32, i32
  }
  func.func @transform_4(%arg0: i32) -> (i32, i32) {
    %c0_i32 = arith.constant 0 : i32
    %c0_i32_0 = arith.constant 0 : i32
    return %arg0, %c0_i32 : i32, i32
  }
  func.func @transform_5(%arg0: i32) -> (i32, i32) {
    %c0_i32 = arith.constant 0 : i32
    %c0_i32_0 = arith.constant 0 : i32
    %c0_i32_1 = arith.constant 0 : i32
    return %c0_i32, %c0_i32_0 : i32, i32
  }
  func.func @transform_6(%arg0: i32) -> (i32, i32) {
    %c0_i32 = arith.constant 0 : i32
    %c0_i32_0 = arith.constant 0 : i32
    %c0_i32_1 = arith.constant 0 : i32
    return %c0_i32, %c0_i32_0 : i32, i32
  }
  func.func @transform_7(%arg0: i32) -> (i32, i32) {
    %c0_i32 = arith.constant 0 : i32
    %c0_i32_0 = arith.constant 0 : i32
    %c0_i32_1 = arith.constant 0 : i32
    return %c0_i32, %c0_i32_0 : i32, i32
  }
  func.func @transform_8(%arg0: i32) -> (i32, i32) {
    %c0_i32 = arith.constant 0 : i32
    %c0_i32_0 = arith.constant 0 : i32
    return %arg0, %c0_i32 : i32, i32
  }
}

module attributes {stable_mosaic.version = 14 : i64} {
  func.func @body(%arg0: i32, %arg1: memref<2x1000x16xf32, #tpu.memory_space<vmem>>, %arg2: memref<1000x128xf32, #tpu.memory_space<vmem>>, %arg3: memref<8x128xf32, #tpu.memory_space<vmem>>, %arg4: memref<8x128xf32, #tpu.memory_space<vmem>>, %arg5: memref<1000x128xf32, #tpu.memory_space<vmem>>, %arg6: memref<8x128xf32, #tpu.memory_space<vmem>>, %arg7: memref<8x128xf32, #tpu.memory_space<vmem>>, %arg8: memref<256x64xf32, #tpu.memory_space<vmem>>, %arg9: memref<1000x64xf32, #tpu.memory_space<vmem>>) attributes {dimension_semantics = [#tpu.dimension_semantics<arbitrary>], iteration_bounds = array<i64: 10>, scalar_prefetch = 0 : i64, scratch_operands = 0 : i64, tpu.core_type = #tpu.core_type<tc>, window_params = [{transform_indices = @transform_0, window_bounds = array<i64: 2, 1000, 16>}, {transform_indices = @transform_1, window_bounds = array<i64: 1000, 128>}, {pipeline_mode = #tpu.pipeline_mode<synchronous>, transform_indices = @transform_2, window_bounds = array<i64: 8, 128>}, {pipeline_mode = #tpu.pipeline_mode<synchronous>, transform_indices = @transform_3, window_bounds = array<i64: 8, 128>}, {transform_indices = @transform_4, window_bounds = array<i64: 1000, 128>}, {pipeline_mode = #tpu.pipeline_mode<synchronous>, transform_indices = @transform_5, window_bounds = array<i64: 8, 128>}, {pipeline_mode = #tpu.pipeline_mode<synchronous>, transform_indices = @transform_6, window_bounds = array<i64: 8, 128>}, {pipeline_mode = #tpu.pipeline_mode<synchronous>, transform_indices = @transform_7, window_bounds = array<i64: 256, 64>}, {transform_indices = @transform_8, window_bounds = array<i64: 1000, 64>}]} {
    %get3A = arith.constant 0 : index
    %get3A_0 = arith.constant 0 : index
    %get3A_1 = arith.constant 0 : index
    %get3A_2 = vector.load %arg1[%get3A, %get3A_0, %get3A_1] : memref<2x1000x16xf32, #tpu.memory_space<vmem>>, vector<2x1000x16xf32>
    %slice3A = vector.extract_strided_slice %get3A_2 {offsets = [0, 0, 0], sizes = [1, 1000, 1], strides = [1, 1, 1]} : vector<2x1000x16xf32> to vector<1x1000x1xf32>
    %squeeze3A = vector.shape_cast %slice3A : vector<1x1000x1xf32> to vector<1000x1xf32>
    %slice3A_3 = vector.extract_strided_slice %get3A_2 {offsets = [1, 0, 0], sizes = [1, 1000, 1], strides = [1, 1, 1]} : vector<2x1000x16xf32> to vector<1x1000x1xf32>
    %squeeze3A_4 = vector.shape_cast %slice3A_3 : vector<1x1000x1xf32> to vector<1000x1xf32>
    %add3A = arith.addf %squeeze3A, %squeeze3A_4 : vector<1000x1xf32>
    %add3A_5 = arith.constant 1.000000e+00 : f32
    %add3A_6 = vector.broadcast %add3A_5 : f32 to vector<1000x1xf32>
    %add3A_7 = arith.addf %add3A, %add3A_6 : vector<1000x1xf32>
    %sqrt3A = math.sqrt %add3A_7 : vector<1000x1xf32>
    %div3A = arith.constant 1.000000e+00 : f32
    %div3A_8 = vector.broadcast %div3A : f32 to vector<1000x1xf32>
    %div3A_9 = arith.divf %div3A_8, %sqrt3A : vector<1000x1xf32>
    %get3A_10 = arith.constant 0 : index
    %get3A_11 = arith.constant 0 : index
    %get3A_12 = vector.load %arg2[%get3A_10, %get3A_11] : memref<1000x128xf32, #tpu.memory_space<vmem>>, vector<1000x128xf32>
    %get3A_13 = arith.constant 0 : index
    %get3A_14 = arith.constant 0 : index
    %get3A_15 = vector.load %arg3[%get3A_13, %get3A_14] : memref<8x128xf32, #tpu.memory_space<vmem>>, vector<8x128xf32>
    %get3A_16 = arith.constant 0 : index
    %get3A_17 = arith.constant 0 : index
    %get3A_18 = vector.load %arg4[%get3A_16, %get3A_17] : memref<8x128xf32, #tpu.memory_space<vmem>>, vector<8x128xf32>
    %slice3A_19 = vector.extract_strided_slice %get3A_15 {offsets = [0, 0], sizes = [1, 128], strides = [1, 1]} : vector<8x128xf32> to vector<1x128xf32>
    %squeeze3A_20 = vector.shape_cast %slice3A_19 : vector<1x128xf32> to vector<128xf32>
    %mul3A = arith.constant 9.99999974E-5 : f32
    %mul3A_21 = vector.broadcast %mul3A : f32 to vector<128xf32>
    %mul3A_22 = arith.mulf %squeeze3A_20, %mul3A_21 : vector<128xf32>
    %slice3A_23 = vector.extract_strided_slice %get3A_15 {offsets = [1, 0], sizes = [1, 128], strides = [1, 1]} : vector<8x128xf32> to vector<1x128xf32>
    %squeeze3A_24 = vector.shape_cast %slice3A_23 : vector<1x128xf32> to vector<128xf32>
    %mul3A_25 = arith.constant 9.99999974E-5 : f32
    %mul3A_26 = vector.broadcast %mul3A_25 : f32 to vector<128xf32>
    %mul3A_27 = arith.mulf %squeeze3A_24, %mul3A_26 : vector<128xf32>
    %mul3A_28 = arith.mulf %mul3A_22, %mul3A_22 : vector<128xf32>
    %sub3A = arith.subf %mul3A_27, %mul3A_28 : vector<128xf32>
    %add3A_29 = arith.constant 9.99999974E-6 : f32
    %add3A_30 = vector.broadcast %add3A_29 : f32 to vector<128xf32>
    %add3A_31 = arith.addf %sub3A, %add3A_30 : vector<128xf32>
    %sqrt3A_32 = math.sqrt %add3A_31 : vector<128xf32>
    %div3A_33 = arith.constant 1.000000e+00 : f32
    %div3A_34 = vector.broadcast %div3A_33 : f32 to vector<128xf32>
    %div3A_35 = arith.divf %div3A_34, %sqrt3A_32 : vector<128xf32>
    %broadcast_in_dim3A = vector.shape_cast %mul3A_22 : vector<128xf32> to vector<1x128xf32>
    %sub3A_36 = vector.broadcast %broadcast_in_dim3A : vector<1x128xf32> to vector<1000x128xf32>
    %sub3A_37 = arith.subf %get3A_12, %sub3A_36 : vector<1000x128xf32>
    %broadcast_in_dim3A_38 = vector.shape_cast %div3A_35 : vector<128xf32> to vector<1x128xf32>
    %mul3A_39 = vector.broadcast %broadcast_in_dim3A_38 : vector<1x128xf32> to vector<1000x128xf32>
    %mul3A_40 = arith.mulf %sub3A_37, %mul3A_39 : vector<1000x128xf32>
    %slice3A_41 = vector.extract_strided_slice %get3A_18 {offsets = [0, 0], sizes = [1, 128], strides = [1, 1]} : vector<8x128xf32> to vector<1x128xf32>
    %squeeze3A_42 = vector.shape_cast %slice3A_41 : vector<1x128xf32> to vector<128xf32>
    %broadcast_in_dim3A_43 = vector.shape_cast %squeeze3A_42 : vector<128xf32> to vector<1x128xf32>
    %mul3A_44 = vector.broadcast %broadcast_in_dim3A_43 : vector<1x128xf32> to vector<1000x128xf32>
    %mul3A_45 = arith.mulf %mul3A_40, %mul3A_44 : vector<1000x128xf32>
    %slice3A_46 = vector.extract_strided_slice %get3A_18 {offsets = [1, 0], sizes = [1, 128], strides = [1, 1]} : vector<8x128xf32> to vector<1x128xf32>
    %squeeze3A_47 = vector.shape_cast %slice3A_46 : vector<1x128xf32> to vector<128xf32>
    %broadcast_in_dim3A_48 = vector.shape_cast %squeeze3A_47 : vector<128xf32> to vector<1x128xf32>
    %add3A_49 = vector.broadcast %broadcast_in_dim3A_48 : vector<1x128xf32> to vector<1000x128xf32>
    %add3A_50 = arith.addf %mul3A_45, %add3A_49 : vector<1000x128xf32>
    %max3A = arith.constant 0.000000e+00 : f32
    %max3A_51 = vector.broadcast %max3A : f32 to vector<1000x128xf32>
    %max3A_52 = arith.maximumf %add3A_50, %max3A_51 : vector<1000x128xf32>
    %get3A_53 = arith.constant 0 : index
    %get3A_54 = arith.constant 0 : index
    %get3A_55 = vector.load %arg5[%get3A_53, %get3A_54] : memref<1000x128xf32, #tpu.memory_space<vmem>>, vector<1000x128xf32>
    %get3A_56 = arith.constant 0 : index
    %get3A_57 = arith.constant 0 : index
    %get3A_58 = vector.load %arg6[%get3A_56, %get3A_57] : memref<8x128xf32, #tpu.memory_space<vmem>>, vector<8x128xf32>
    %get3A_59 = arith.constant 0 : index
    %get3A_60 = arith.constant 0 : index
    %get3A_61 = vector.load %arg7[%get3A_59, %get3A_60] : memref<8x128xf32, #tpu.memory_space<vmem>>, vector<8x128xf32>
    %slice3A_62 = vector.extract_strided_slice %get3A_58 {offsets = [0, 0], sizes = [1, 128], strides = [1, 1]} : vector<8x128xf32> to vector<1x128xf32>
    %squeeze3A_63 = vector.shape_cast %slice3A_62 : vector<1x128xf32> to vector<128xf32>
    %mul3A_64 = arith.constant 9.99999974E-5 : f32
    %mul3A_65 = vector.broadcast %mul3A_64 : f32 to vector<128xf32>
    %mul3A_66 = arith.mulf %squeeze3A_63, %mul3A_65 : vector<128xf32>
    %slice3A_67 = vector.extract_strided_slice %get3A_58 {offsets = [1, 0], sizes = [1, 128], strides = [1, 1]} : vector<8x128xf32> to vector<1x128xf32>
    %squeeze3A_68 = vector.shape_cast %slice3A_67 : vector<1x128xf32> to vector<128xf32>
    %mul3A_69 = arith.constant 9.99999974E-5 : f32
    %mul3A_70 = vector.broadcast %mul3A_69 : f32 to vector<128xf32>
    %mul3A_71 = arith.mulf %squeeze3A_68, %mul3A_70 : vector<128xf32>
    %mul3A_72 = arith.mulf %mul3A_66, %mul3A_66 : vector<128xf32>
    %sub3A_73 = arith.subf %mul3A_71, %mul3A_72 : vector<128xf32>
    %add3A_74 = arith.constant 9.99999974E-6 : f32
    %add3A_75 = vector.broadcast %add3A_74 : f32 to vector<128xf32>
    %add3A_76 = arith.addf %sub3A_73, %add3A_75 : vector<128xf32>
    %sqrt3A_77 = math.sqrt %add3A_76 : vector<128xf32>
    %div3A_78 = arith.constant 1.000000e+00 : f32
    %div3A_79 = vector.broadcast %div3A_78 : f32 to vector<128xf32>
    %div3A_80 = arith.divf %div3A_79, %sqrt3A_77 : vector<128xf32>
    %broadcast_in_dim3A_81 = vector.shape_cast %mul3A_66 : vector<128xf32> to vector<1x128xf32>
    %sub3A_82 = vector.broadcast %broadcast_in_dim3A_81 : vector<1x128xf32> to vector<1000x128xf32>
    %sub3A_83 = arith.subf %get3A_55, %sub3A_82 : vector<1000x128xf32>
    %broadcast_in_dim3A_84 = vector.shape_cast %div3A_80 : vector<128xf32> to vector<1x128xf32>
    %mul3A_85 = vector.broadcast %broadcast_in_dim3A_84 : vector<1x128xf32> to vector<1000x128xf32>
    %mul3A_86 = arith.mulf %sub3A_83, %mul3A_85 : vector<1000x128xf32>
    %slice3A_87 = vector.extract_strided_slice %get3A_61 {offsets = [0, 0], sizes = [1, 128], strides = [1, 1]} : vector<8x128xf32> to vector<1x128xf32>
    %squeeze3A_88 = vector.shape_cast %slice3A_87 : vector<1x128xf32> to vector<128xf32>
    %broadcast_in_dim3A_89 = vector.shape_cast %squeeze3A_88 : vector<128xf32> to vector<1x128xf32>
    %mul3A_90 = vector.broadcast %broadcast_in_dim3A_89 : vector<1x128xf32> to vector<1000x128xf32>
    %mul3A_91 = arith.mulf %mul3A_86, %mul3A_90 : vector<1000x128xf32>
    %slice3A_92 = vector.extract_strided_slice %get3A_61 {offsets = [1, 0], sizes = [1, 128], strides = [1, 1]} : vector<8x128xf32> to vector<1x128xf32>
    %squeeze3A_93 = vector.shape_cast %slice3A_92 : vector<1x128xf32> to vector<128xf32>
    %broadcast_in_dim3A_94 = vector.shape_cast %squeeze3A_93 : vector<128xf32> to vector<1x128xf32>
    %add3A_95 = vector.broadcast %broadcast_in_dim3A_94 : vector<1x128xf32> to vector<1000x128xf32>
    %add3A_96 = arith.addf %mul3A_91, %add3A_95 : vector<1000x128xf32>
    %max3A_97 = arith.constant 0.000000e+00 : f32
    %max3A_98 = vector.broadcast %max3A_97 : f32 to vector<1000x128xf32>
    %max3A_99 = arith.maximumf %add3A_96, %max3A_98 : vector<1000x128xf32>
    %get3A_100 = arith.constant 0 : index
    %get3A_101 = arith.constant 0 : index
    %get3A_102 = vector.load %arg8[%get3A_100, %get3A_101] : memref<256x64xf32, #tpu.memory_space<vmem>>, vector<256x64xf32>
    %slice3A_103 = vector.extract_strided_slice %get3A_102 {offsets = [0, 0], sizes = [128, 64], strides = [1, 1]} : vector<256x64xf32> to vector<128x64xf32>
    %dot_general3A = arith.constant dense<0.000000e+00> : vector<1000x64xf32>
    %dot_general3A_104 = tpu.matmul %max3A_52, %slice3A_103, %dot_general3A {dimension_numbers = #tpu.dot_dimension_numbers<[1], [0], [0], [1], [0, 0, 1, 1], [], []>, transpose_lhs_hint = false} : vector<1000x128xf32>, vector<128x64xf32>, vector<1000x64xf32> -> vector<1000x64xf32>
    %slice3A_105 = vector.extract_strided_slice %get3A_102 {offsets = [128, 0], sizes = [128, 64], strides = [1, 1]} : vector<256x64xf32> to vector<128x64xf32>
    %dot_general3A_106 = arith.constant dense<0.000000e+00> : vector<1000x64xf32>
    %dot_general3A_107 = tpu.matmul %max3A_99, %slice3A_105, %dot_general3A_106 {dimension_numbers = #tpu.dot_dimension_numbers<[1], [0], [0], [1], [0, 0, 1, 1], [], []>, transpose_lhs_hint = false} : vector<1000x128xf32>, vector<128x64xf32>, vector<1000x64xf32> -> vector<1000x64xf32>
    %add3A_108 = arith.addf %dot_general3A_104, %dot_general3A_107 : vector<1000x64xf32>
    %mul3A_109 = vector.broadcast %div3A_9 : vector<1000x1xf32> to vector<1000x64xf32>
    %mul3A_110 = arith.mulf %add3A_108, %mul3A_109 : vector<1000x64xf32>
    %swap3A = arith.constant 0 : index
    %swap3A_111 = arith.constant 0 : index
    %swap3A_112 = vector.load %arg9[%swap3A, %swap3A_111] : memref<1000x64xf32, #tpu.memory_space<vmem>>, vector<1000x64xf32>
    tpu.vector_store %arg9[%swap3A, %swap3A_111], %mul3A_110 {strides = array<i32>} : memref<1000x64xf32, #tpu.memory_space<vmem>>, vector<1000x64xf32>,
    return
  }
  func.func @transform_0(%arg0: i32) -> (i32, i32, i32) {
    %c0_i32 = arith.constant 0 : i32
    %c0_i32_0 = arith.constant 0 : i32
    %c0_i32_1 = arith.constant 0 : i32
    return %c0_i32, %arg0, %c0_i32_0 : i32, i32, i32
  }
  func.func @transform_1(%arg0: i32) -> (i32, i32) {
    %c0_i32 = arith.constant 0 : i32
    %c0_i32_0 = arith.constant 0 : i32
    return %arg0, %c0_i32 : i32, i32
  }
  func.func @transform_2(%arg0: i32) -> (i32, i32) {
    %c0_i32 = arith.constant 0 : i32
    %c0_i32_0 = arith.constant 0 : i32
    %c0_i32_1 = arith.constant 0 : i32
    return %c0_i32, %c0_i32_0 : i32, i32
  }
  func.func @transform_3(%arg0: i32) -> (i32, i32) {
    %c0_i32 = arith.constant 0 : i32
    %c0_i32_0 = arith.constant 0 : i32
    %c0_i32_1 = arith.constant 0 : i32
    return %c0_i32, %c0_i32_0 : i32, i32
  }
  func.func @transform_4(%arg0: i32) -> (i32, i32) {
    %c0_i32 = arith.constant 0 : i32
    %c0_i32_0 = arith.constant 0 : i32
    return %arg0, %c0_i32 : i32, i32
  }
  func.func @transform_5(%arg0: i32) -> (i32, i32) {
    %c0_i32 = arith.constant 0 : i32
    %c0_i32_0 = arith.constant 0 : i32
    %c0_i32_1 = arith.constant 0 : i32
    return %c0_i32, %c0_i32_0 : i32, i32
  }
  func.func @transform_6(%arg0: i32) -> (i32, i32) {
    %c0_i32 = arith.constant 0 : i32
    %c0_i32_0 = arith.constant 0 : i32
    %c0_i32_1 = arith.constant 0 : i32
    return %c0_i32, %c0_i32_0 : i32, i32
  }
  func.func @transform_7(%arg0: i32) -> (i32, i32) {
    %c0_i32 = arith.constant 0 : i32
    %c0_i32_0 = arith.constant 0 : i32
    %c0_i32_1 = arith.constant 0 : i32
    return %c0_i32, %c0_i32_0 : i32, i32
  }
  func.func @transform_8(%arg0: i32) -> (i32, i32) {
    %c0_i32 = arith.constant 0 : i32
    %c0_i32_0 = arith.constant 0 : i32
    return %arg0, %c0_i32 : i32, i32
  }
}

module attributes {stable_mosaic.version = 14 : i64} {
  func.func @body(%arg0: i32, %arg1: memref<1000x64xf32, #tpu.memory_space<vmem>>, %arg2: memref<2x1000x128xf32, #tpu.memory_space<vmem>>, %arg3: memref<2x1000x16xf32, #tpu.memory_space<vmem>>, %arg4: memref<8x64xf32, #tpu.memory_space<vmem>>, %arg5: memref<1000x64xf32, #tpu.memory_space<vmem>>) attributes {dimension_semantics = [#tpu.dimension_semantics<arbitrary>], iteration_bounds = array<i64: 10>, scalar_prefetch = 0 : i64, scratch_operands = 0 : i64, tpu.core_type = #tpu.core_type<tc>, window_params = [{transform_indices = @transform_0, window_bounds = array<i64: 1000, 64>}, {transform_indices = @transform_1, window_bounds = array<i64: 2, 1000, 128>}, {transform_indices = @transform_2, window_bounds = array<i64: 2, 1000, 16>}, {pipeline_mode = #tpu.pipeline_mode<synchronous>, transform_indices = @transform_3, window_bounds = array<i64: 8, 64>}, {transform_indices = @transform_4, window_bounds = array<i64: 1000, 64>}]} {
    %get3A = arith.constant 0 : index
    %get3A_0 = arith.constant 0 : index
    %get3A_1 = arith.constant 0 : index
    %get3A_2 = vector.load %arg3[%get3A, %get3A_0, %get3A_1] : memref<2x1000x16xf32, #tpu.memory_space<vmem>>, vector<2x1000x16xf32>
    %slice3A = vector.extract_strided_slice %get3A_2 {offsets = [0, 0, 0], sizes = [1, 1000, 1], strides = [1, 1, 1]} : vector<2x1000x16xf32> to vector<1x1000x1xf32>
    %squeeze3A = vector.shape_cast %slice3A : vector<1x1000x1xf32> to vector<1000x1xf32>
    %slice3A_3 = vector.extract_strided_slice %get3A_2 {offsets = [1, 0, 0], sizes = [1, 1000, 1], strides = [1, 1, 1]} : vector<2x1000x16xf32> to vector<1x1000x1xf32>
    %squeeze3A_4 = vector.shape_cast %slice3A_3 : vector<1x1000x1xf32> to vector<1000x1xf32>
    %add3A = arith.addf %squeeze3A, %squeeze3A_4 : vector<1000x1xf32>
    %add3A_5 = arith.constant 1.000000e+00 : f32
    %add3A_6 = vector.broadcast %add3A_5 : f32 to vector<1000x1xf32>
    %add3A_7 = arith.addf %add3A, %add3A_6 : vector<1000x1xf32>
    %sqrt3A = math.sqrt %add3A_7 : vector<1000x1xf32>
    %div3A = arith.constant 1.000000e+00 : f32
    %div3A_8 = vector.broadcast %div3A : f32 to vector<1000x1xf32>
    %div3A_9 = arith.divf %div3A_8, %sqrt3A : vector<1000x1xf32>
    %get3A_10 = arith.constant 0 : index
    %get3A_11 = arith.constant 0 : index
    %get3A_12 = arith.constant 0 : index
    %get3A_13 = vector.load %arg2[%get3A_10, %get3A_11, %get3A_12] : memref<2x1000x128xf32, #tpu.memory_space<vmem>>, vector<2x1000x128xf32>
    %slice3A_14 = vector.extract_strided_slice %get3A_13 {offsets = [0, 0, 64], sizes = [2, 1000, 64], strides = [1, 1, 1]} : vector<2x1000x128xf32> to vector<2x1000x64xf32>
    %slice3A_15 = vector.extract_strided_slice %slice3A_14 {offsets = [0, 0, 0], sizes = [1, 1000, 64], strides = [1, 1, 1]} : vector<2x1000x64xf32> to vector<1x1000x64xf32>
    %squeeze3A_16 = vector.shape_cast %slice3A_15 : vector<1x1000x64xf32> to vector<1000x64xf32>
    %slice3A_17 = vector.extract_strided_slice %slice3A_14 {offsets = [1, 0, 0], sizes = [1, 1000, 64], strides = [1, 1, 1]} : vector<2x1000x64xf32> to vector<1x1000x64xf32>
    %squeeze3A_18 = vector.shape_cast %slice3A_17 : vector<1x1000x64xf32> to vector<1000x64xf32>
    %add3A_19 = arith.addf %squeeze3A_16, %squeeze3A_18 : vector<1000x64xf32>
    %get3A_20 = arith.constant 0 : index
    %get3A_21 = arith.constant 0 : index
    %get3A_22 = vector.load %arg1[%get3A_20, %get3A_21] : memref<1000x64xf32, #tpu.memory_space<vmem>>, vector<1000x64xf32>
    %add3A_23 = arith.addf %add3A_19, %get3A_22 : vector<1000x64xf32>
    %mul3A = vector.broadcast %div3A_9 : vector<1000x1xf32> to vector<1000x64xf32>
    %mul3A_24 = arith.mulf %mul3A, %add3A_23 : vector<1000x64xf32>
    %get3A_25 = arith.constant 0 : index
    %get3A_26 = arith.constant 0 : index
    %get3A_27 = vector.load %arg4[%get3A_25, %get3A_26] : memref<8x64xf32, #tpu.memory_space<vmem>>, vector<8x64xf32>
    %slice3A_28 = vector.extract_strided_slice %get3A_27 {offsets = [0, 0], sizes = [1, 64], strides = [1, 1]} : vector<8x64xf32> to vector<1x64xf32>
    %squeeze3A_29 = vector.shape_cast %slice3A_28 : vector<1x64xf32> to vector<64xf32>
    %broadcast_in_dim3A = vector.shape_cast %squeeze3A_29 : vector<64xf32> to vector<1x64xf32>
    %add3A_30 = vector.broadcast %broadcast_in_dim3A : vector<1x64xf32> to vector<1000x64xf32>
    %add3A_31 = arith.addf %mul3A_24, %add3A_30 : vector<1000x64xf32>
    %swap3A = arith.constant 0 : index
    %swap3A_32 = arith.constant 0 : index
    %swap3A_33 = vector.load %arg5[%swap3A, %swap3A_32] : memref<1000x64xf32, #tpu.memory_space<vmem>>, vector<1000x64xf32>
    tpu.vector_store %arg5[%swap3A, %swap3A_32], %add3A_31 {strides = array<i32>} : memref<1000x64xf32, #tpu.memory_space<vmem>>, vector<1000x64xf32>,
    return
  }
  func.func @transform_0(%arg0: i32) -> (i32, i32) {
    %c0_i32 = arith.constant 0 : i32
    %c0_i32_0 = arith.constant 0 : i32
    return %arg0, %c0_i32 : i32, i32
  }
  func.func @transform_1(%arg0: i32) -> (i32, i32, i32) {
    %c0_i32 = arith.constant 0 : i32
    %c0_i32_0 = arith.constant 0 : i32
    %c0_i32_1 = arith.constant 0 : i32
    return %c0_i32, %arg0, %c0_i32_0 : i32, i32, i32
  }
  func.func @transform_2(%arg0: i32) -> (i32, i32, i32) {
    %c0_i32 = arith.constant 0 : i32
    %c0_i32_0 = arith.constant 0 : i32
    %c0_i32_1 = arith.constant 0 : i32
    return %c0_i32, %arg0, %c0_i32_0 : i32, i32, i32
  }
  func.func @transform_3(%arg0: i32) -> (i32, i32) {
    %c0_i32 = arith.constant 0 : i32
    %c0_i32_0 = arith.constant 0 : i32
    %c0_i32_1 = arith.constant 0 : i32
    return %c0_i32, %c0_i32_0 : i32, i32
  }
  func.func @transform_4(%arg0: i32) -> (i32, i32) {
    %c0_i32 = arith.constant 0 : i32
    %c0_i32_0 = arith.constant 0 : i32
    return %arg0, %c0_i32 : i32, i32
  }
}

module attributes {stable_mosaic.version = 14 : i64} {
  func.func @body(%arg0: i32, %arg1: memref<1000x64xf32, #tpu.memory_space<vmem>>, %arg2: memref<2x1000x128xf32, #tpu.memory_space<vmem>>, %arg3: memref<2x1000x16xf32, #tpu.memory_space<vmem>>, %arg4: memref<8x64xf32, #tpu.memory_space<vmem>>, %arg5: memref<1000x64xf32, #tpu.memory_space<vmem>>) attributes {dimension_semantics = [#tpu.dimension_semantics<arbitrary>], iteration_bounds = array<i64: 10>, scalar_prefetch = 0 : i64, scratch_operands = 0 : i64, tpu.core_type = #tpu.core_type<tc>, window_params = [{transform_indices = @transform_0, window_bounds = array<i64: 1000, 64>}, {transform_indices = @transform_1, window_bounds = array<i64: 2, 1000, 128>}, {transform_indices = @transform_2, window_bounds = array<i64: 2, 1000, 16>}, {pipeline_mode = #tpu.pipeline_mode<synchronous>, transform_indices = @transform_3, window_bounds = array<i64: 8, 64>}, {transform_indices = @transform_4, window_bounds = array<i64: 1000, 64>}]} {
    %get3A = arith.constant 0 : index
    %get3A_0 = arith.constant 0 : index
    %get3A_1 = arith.constant 0 : index
    %get3A_2 = vector.load %arg3[%get3A, %get3A_0, %get3A_1] : memref<2x1000x16xf32, #tpu.memory_space<vmem>>, vector<2x1000x16xf32>
    %slice3A = vector.extract_strided_slice %get3A_2 {offsets = [0, 0, 0], sizes = [1, 1000, 1], strides = [1, 1, 1]} : vector<2x1000x16xf32> to vector<1x1000x1xf32>
    %squeeze3A = vector.shape_cast %slice3A : vector<1x1000x1xf32> to vector<1000x1xf32>
    %slice3A_3 = vector.extract_strided_slice %get3A_2 {offsets = [1, 0, 0], sizes = [1, 1000, 1], strides = [1, 1, 1]} : vector<2x1000x16xf32> to vector<1x1000x1xf32>
    %squeeze3A_4 = vector.shape_cast %slice3A_3 : vector<1x1000x1xf32> to vector<1000x1xf32>
    %add3A = arith.addf %squeeze3A, %squeeze3A_4 : vector<1000x1xf32>
    %add3A_5 = arith.constant 1.000000e+00 : f32
    %add3A_6 = vector.broadcast %add3A_5 : f32 to vector<1000x1xf32>
    %add3A_7 = arith.addf %add3A, %add3A_6 : vector<1000x1xf32>
    %sqrt3A = math.sqrt %add3A_7 : vector<1000x1xf32>
    %div3A = arith.constant 1.000000e+00 : f32
    %div3A_8 = vector.broadcast %div3A : f32 to vector<1000x1xf32>
    %div3A_9 = arith.divf %div3A_8, %sqrt3A : vector<1000x1xf32>
    %get3A_10 = arith.constant 0 : index
    %get3A_11 = arith.constant 0 : index
    %get3A_12 = arith.constant 0 : index
    %get3A_13 = vector.load %arg2[%get3A_10, %get3A_11, %get3A_12] : memref<2x1000x128xf32, #tpu.memory_space<vmem>>, vector<2x1000x128xf32>
    %slice3A_14 = vector.extract_strided_slice %get3A_13 {offsets = [0, 0, 0], sizes = [2, 1000, 64], strides = [1, 1, 1]} : vector<2x1000x128xf32> to vector<2x1000x64xf32>
    %slice3A_15 = vector.extract_strided_slice %slice3A_14 {offsets = [0, 0, 0], sizes = [1, 1000, 64], strides = [1, 1, 1]} : vector<2x1000x64xf32> to vector<1x1000x64xf32>
    %squeeze3A_16 = vector.shape_cast %slice3A_15 : vector<1x1000x64xf32> to vector<1000x64xf32>
    %slice3A_17 = vector.extract_strided_slice %slice3A_14 {offsets = [1, 0, 0], sizes = [1, 1000, 64], strides = [1, 1, 1]} : vector<2x1000x64xf32> to vector<1x1000x64xf32>
    %squeeze3A_18 = vector.shape_cast %slice3A_17 : vector<1x1000x64xf32> to vector<1000x64xf32>
    %add3A_19 = arith.addf %squeeze3A_16, %squeeze3A_18 : vector<1000x64xf32>
    %get3A_20 = arith.constant 0 : index
    %get3A_21 = arith.constant 0 : index
    %get3A_22 = vector.load %arg1[%get3A_20, %get3A_21] : memref<1000x64xf32, #tpu.memory_space<vmem>>, vector<1000x64xf32>
    %add3A_23 = arith.addf %add3A_19, %get3A_22 : vector<1000x64xf32>
    %mul3A = vector.broadcast %div3A_9 : vector<1000x1xf32> to vector<1000x64xf32>
    %mul3A_24 = arith.mulf %mul3A, %add3A_23 : vector<1000x64xf32>
    %get3A_25 = arith.constant 0 : index
    %get3A_26 = arith.constant 0 : index
    %get3A_27 = vector.load %arg4[%get3A_25, %get3A_26] : memref<8x64xf32, #tpu.memory_space<vmem>>, vector<8x64xf32>
    %slice3A_28 = vector.extract_strided_slice %get3A_27 {offsets = [0, 0], sizes = [1, 64], strides = [1, 1]} : vector<8x64xf32> to vector<1x64xf32>
    %squeeze3A_29 = vector.shape_cast %slice3A_28 : vector<1x64xf32> to vector<64xf32>
    %broadcast_in_dim3A = vector.shape_cast %squeeze3A_29 : vector<64xf32> to vector<1x64xf32>
    %add3A_30 = vector.broadcast %broadcast_in_dim3A : vector<1x64xf32> to vector<1000x64xf32>
    %add3A_31 = arith.addf %mul3A_24, %add3A_30 : vector<1000x64xf32>
    %swap3A = arith.constant 0 : index
    %swap3A_32 = arith.constant 0 : index
    %swap3A_33 = vector.load %arg5[%swap3A, %swap3A_32] : memref<1000x64xf32, #tpu.memory_space<vmem>>, vector<1000x64xf32>
    tpu.vector_store %arg5[%swap3A, %swap3A_32], %add3A_31 {strides = array<i32>} : memref<1000x64xf32, #tpu.memory_space<vmem>>, vector<1000x64xf32>,
    return
  }
  func.func @transform_0(%arg0: i32) -> (i32, i32) {
    %c0_i32 = arith.constant 0 : i32
    %c0_i32_0 = arith.constant 0 : i32
    return %arg0, %c0_i32 : i32, i32
  }
  func.func @transform_1(%arg0: i32) -> (i32, i32, i32) {
    %c0_i32 = arith.constant 0 : i32
    %c0_i32_0 = arith.constant 0 : i32
    %c0_i32_1 = arith.constant 0 : i32
    return %c0_i32, %arg0, %c0_i32_0 : i32, i32, i32
  }
  func.func @transform_2(%arg0: i32) -> (i32, i32, i32) {
    %c0_i32 = arith.constant 0 : i32
    %c0_i32_0 = arith.constant 0 : i32
    %c0_i32_1 = arith.constant 0 : i32
    return %c0_i32, %arg0, %c0_i32_0 : i32, i32, i32
  }
  func.func @transform_3(%arg0: i32) -> (i32, i32) {
    %c0_i32 = arith.constant 0 : i32
    %c0_i32_0 = arith.constant 0 : i32
    %c0_i32_1 = arith.constant 0 : i32
    return %c0_i32, %c0_i32_0 : i32, i32
  }
  func.func @transform_4(%arg0: i32) -> (i32, i32) {
    %c0_i32 = arith.constant 0 : i32
    %c0_i32_0 = arith.constant 0 : i32
    return %arg0, %c0_i32 : i32, i32
  }
}

</mosaic_0001>

<sc_bundles>
// kernel: kernel.23.cloned.1.call-start
scs
__scs_entry_jumppad:
0x0: {  	(pc) =	sbr.rel $0x88, $3  }
0x1: {  	(tag) =	ssettag $0x0;
	lr =	simm.s32 $0x1  }
0x2: {  	[smem:$0x3F8B] =	sst lr;
	_ =	strace $0xD0000000  }
0x3: {  	_ = 	snop  }
0x4: {  	_ = 	snop  }
0x5: {  	_ = 	snop  }
0x6: {  	_ = 	snop  }
0x7: {  	_ = 	snop  }
__scs_overlays_trampoline_lowered:
0x8: {  	[smem:$0x3F9A] =	sst s0  }
0x9: {  	[smem:$0x3F9B] =	sst s1  }
0xa: {  	[smem:$0x3F9C] =	sst s2  }
0xb: {  	[smem:$0x3F9D] =	sst s3  }
0xc: {  	[smem:$0x3F9E] =	sst s4  }
0xd: {  	[smem:$0x3F9F] =	sst s5  }
0xe: {  	[smem:$0x3FA0] =	sst s6  }
0xf: {  	[smem:$0x3FA1] =	sst s7  }
0x10: {  	[smem:$0x3FA2] =	sst s8  }
0x11: {  	[smem:$0x3FA3] =	sst s9;
	s0 =	simm.s32 @!p0 $0x0  }
0x12: {  	s1 =	sld [smem:$0x3F89];
	s0 =	simm.s32 @p0 $0x1  }
0x13: {  	[smem:$0x3FA4] =	sst s0;
	s0 =	simm.s32 @!p1 $0x0  }
0x14: {  	s2 =	sld [smem:$0x3F88];
	s0 =	simm.s32 @p1 $0x1  }
0x15: {  	[smem:$0x3FA5] =	sst s0;
	s0 =	simm.s32 @!p2 $0x0  }
0x16: {  	s3 =	sld [smem:$0x3FDB];
	s0 =	simm.s32 @p2 $0x1  }
0x17: {  	s4 =	simm.s32 $0x1BF5;
	[smem:$0x3FA7] =	sst s0  }
0x18: {  	s0 =	sld [smem:$0x3F8A];
	_ =	swait.ge [sflag:s4], $0x0  }
0x19: {  	s7 =	sld [smem:$0x3F8B]  }
0x1a: {  	s8 =	sadd.s32 $0xFFFFE003, lr  }
0x1b: {  	s9 =	sadd.s32 $0xFFFFFEF7, lr;
	s5 =	simm.s32 $0xFFFFFFFF;
	p2 =	slt.u32 s8, $0xFFFFF086  }
0x1c: {  	p1 =	slt.u32 s9, $0xF7A;
	s5 =	simm.s32 @!p2 $0x0  }
0x1d: {  	s5 =	simm.s32 @p1 $0x1;
	p0 =	seq.s32 s7, s2  }
0x1e: {  	s7 =	smul.u32 @!p0 $0xF7A, s2;
	p2 =	seq.s32 @!p0 s5, $0x0  }
0x1f: {  	s9 =	smul.u32 $0xF7A, s1;
	s8 =	simm.s32 @!p0 $0x1BF5;
	p2 =	por !p2, p0  }
0x20: {  	[sflag:s8] =	ssyncset.s32 @!p0 $0xFFFFF086;
	s6 =	sadd.s32 @!p0 s3, s7;
	s7 =	simm.s32 @!p0 $0x108  }
0x21: {  	s3 =	sadd.s32 s3, s9;
	s6 =	sadd.s32 @!p0 $0x88, s6;
	s7 =	simm.s32 @p2 $0x1082  }
0x22: {  	[simem:s7], [sflag:s8] =	dma.local @!p0 [hbm:s6], $0xF7A  }
0x23: {  	s9 =	sor.u32 $0xD0000000, s2;
	s6 =	simm.s32 $0x108;
	_ =	swait.ge @!p0 [sflag:s8], $0x0  }
0x24: {  	s3 =	sadd.s32 $0x88, s3;
	s6 =	simm.s32 @!p1 $0x1082;
	[sflag:s4] =	ssyncset.s32 $0xFFFFF086  }
0x25: {  	[simem:s6], [sflag:s4] =	dma.local [hbm:s3], $0xF7A  }
0x26: {  	[smem:$0x3F8B] =	sst s1;
	(tag) =	ssettag s2;
	_ =	strace s9  }
0x27: {  	s1 =	sld [smem:$0x3F9B]  }
0x28: {  	s2 =	sld [smem:$0x3F9C]  }
0x29: {  	s4 =	sld [smem:$0x3F9E]  }
0x2a: {  	p0 =	seq.s32 s5, $0x0;
	s5 =	sld [smem:$0x3F9F]  }
0x2b: {  	s6 =	sld [smem:$0x3FA0]  }
0x2c: {  	s7 =	sld [smem:$0x3FA1]  }
0x2d: {  	s3 =	simm.s32 $0x108;
	s8 =	sld [smem:$0x3FA2]  }
0x2e: {  	s3 =	simm.s32 @!p0 $0x1082;
	s9 =	sld [smem:$0x3FA3]  }
0x2f: {  	lr =	sadd.s32 s0, s3;
	s0 =	sld [smem:$0x3F9A]  }
0x30: {  	s3 =	sld [smem:$0x3F9D]  }
0x31: {  	[smem:$0x3FA6] =	sst s10  }
0x32: {  	s10 =	sld [smem:$0x3FA4];
	_ =	sdelay $0x3  }
0x33: {  	p0 =	seq.s32 s10, $0x1;
	s10 =	sld [smem:$0x3FA6];
	_ =	sdelay $0x3  }
0x34: {  	[smem:$0x3FA6] =	sst s10  }
0x35: {  	s10 =	sld [smem:$0x3FA5];
	_ =	sdelay $0x3  }
0x36: {  	p1 =	seq.s32 s10, $0x1;
	s10 =	sld [smem:$0x3FA6];
	_ =	sdelay $0x3  }
0x37: {  	[smem:$0x3FA6] =	sst s10  }
0x38: {  	s10 =	sld [smem:$0x3FA7]  }
0x39: {  	_ = 	snop;
	(pc) =	sbr.ind lr, $3  }
0x3a: {  	_ = 	snop  }
0x3b: {  	_ = 	snop  }
0x3c: {  	p2 =	seq.s32 s10, $0x1;
	s10 =	sld [smem:$0x3FA6]  }
0x3d: {  	_ =	shalt  }
0x3e: {  	_ =	shalt  }
0x3f: {  	_ =	shalt  }
0x40: {  	_ =	shalt  }
0x41: {  	_ =	shalt  }
0x42: {  	_ =	shalt  }
0x43: {  	_ =	shalt  }
0x44: {  	_ =	shalt  }
0x45: {  	_ =	shalt  }
0x46: {  	_ =	shalt  }
0x47: {  	_ =	shalt  }
0x48: {  	_ =	shalt  }
0x49: {  	_ =	shalt  }
0x4a: {  	_ =	shalt  }
0x4b: {  	_ =	shalt  }
0x4c: {  	_ =	shalt  }
0x4d: {  	_ =	shalt  }
0x4e: {  	_ =	shalt  }
0x4f: {  	_ =	shalt  }
0x50: {  	_ =	shalt  }
0x51: {  	_ =	shalt  }
0x52: {  	_ =	shalt  }
0x53: {  	_ =	shalt  }
0x54: {  	_ =	shalt  }
0x55: {  	_ =	shalt  }
0x56: {  	_ =	shalt  }
0x57: {  	_ =	shalt  }
0x58: {  	_ =	shalt  }
0x59: {  	_ =	shalt  }
0x5a: {  	_ =	shalt  }
0x5b: {  	_ =	shalt  }
0x5c: {  	_ =	shalt  }
0x5d: {  	_ =	shalt  }
0x5e: {  	_ =	shalt  }
0x5f: {  	_ =	shalt  }
0x60: {  	_ =	shalt  }
0x61: {  	_ =	shalt  }
0x62: {  	_ =	shalt  }
0x63: {  	_ =	shalt  }
0x64: {  	_ =	shalt  }
0x65: {  	_ =	shalt  }
0x66: {  	_ =	shalt  }
0x67: {  	_ =	shalt  }
0x68: {  	_ =	shalt  }
0x69: {  	_ =	shalt  }
0x6a: {  	_ =	shalt  }
0x6b: {  	_ =	shalt  }
0x6c: {  	_ =	shalt  }
0x6d: {  	_ =	shalt  }
0x6e: {  	_ =	shalt  }
0x6f: {  	_ =	shalt  }
0x70: {  	_ =	shalt  }
0x71: {  	_ =	shalt  }
0x72: {  	_ =	shalt  }
0x73: {  	_ =	shalt  }
0x74: {  	_ =	shalt  }
0x75: {  	_ =	shalt  }
0x76: {  	_ =	shalt  }
0x77: {  	_ =	shalt  }
0x78: {  	_ =	shalt  }
0x79: {  	_ =	shalt  }
0x7a: {  	_ =	shalt  }
0x7b: {  	_ =	shalt  }
0x7c: {  	_ =	shalt  }
0x7d: {  	_ =	shalt  }
0x7e: {  	_ =	shalt  }
0x7f: {  	_ =	shalt  }
0x80: {  	_ =	shalt  }
0x81: {  	_ =	shalt  }
0x82: {  	_ =	shalt  }
0x83: {  	_ =	shalt  }
0x84: {  	_ =	shalt  }
0x85: {  	_ =	shalt  }
0x86: {  	_ =	shalt  }
0x87: {  	_ =	shalt  }
.Lfunc_end0:
.L_simem_size_0:
called_computation_lowered:
.L_overlay_start_0:
0x88: {  	s2 =	sld [smem:$0x3FD9]  }
0x89: {  	s3 =	sld [smem:$0x3FFE];
	_ =	sdelay $0x1  }
0x8a: {  	s1 =	srdreg.scid  }
0x8b: {  	s0 =	sand.u32 $0x1, s1  }
0x8c: {  	s14 =	sshll.u32 s0, $0xA;
	s2 =	sadd.s32 s3, s2  }
0x8d: {  	s2 =	sadd.s32 s2, s14  }
0x8e: {  	[smem:$0x3FB2] =	sst s2  }
0x8f: {  	_ = 	snop  }
0x90: {  	s2 =	sld [smem:$0x3FD0];
	_ =	sdelay $0x2  }
0x91: {  	s15 =	simm.s32 $0xD;
	s4 =	simm.s32 $0x10  }
0x92: {  	[smem:s4], [sflag:s15] =	dma.local [hbm:s2], $0x1  }
0x93: {  	_ =	swait.eq [sflag:s15], $0x1  }
0x94: {  	[sflag:s15] =	ssyncset.done $0x0  }
0x95: {  	[sflag:s15] =	ssyncadd.s32 $0xFFFFFFFF  }
0x96: {  	s16 =	sld [smem:$0x11];
	(tm) =	ssettm $0x1  }
0x97: {  	s17 =	sld [smem:$0x3FFB];
	_ =	sdelay $0x3  }
0x98: {  	_ =	strace s17  }
0x99: {  	s3 =	sld [smem:$0x3FFC];
	_ =	sdelay $0x3  }
0x9a: {  	_ =	strace s3  }
0x9b: {  	s3 =	sld [smem:$0x3FFD];
	_ =	sdelay $0x3  }
0x9c: {  	_ =	strace s3  }
0x9d: {  	_ =	strace $0x8FFFFFFF  }
0x9e: {  	s18 =	sld [smem:$0x3FDB];
	_ =	sdelay $0x1  }
0x9f: {  	s19 =	simm.s32 $_scs_section_size  }
0xa0: {  	s5 =	simm.s32 $_size__tile_overlayer_lowered;
	s6 =	simm.s32 $_tile_overlayer_lowered  }
0xa1: {  	s22 =	simm.s32 $0x1BFF;
	s21 =	sshll.u32 s6, $0x1;
	s3 =	sadd.s32 s19, s18  }
0xa2: {  	s7 =	simm.s32 $0x0;
	s20 =	sshll.u32 s5, $0x1;
	s5 =	sadd.s32 s21, s3  }
0xa3: {  	[timem:s7], [sflag:s22] =	dma.local [hbm:s5], s20  }
0xa4: {  	_ =	swait.ge [sflag:s22], s20  }
0xa5: {  	s4 =	ssub.s32 $0x0, s20;
	[sflag:s22] =	ssyncset.done $0x0  }
0xa6: {  	[sflag:s22] =	ssyncadd.s32 s4;
	_ =	sdelay $0x1  }
0xa7: {  	s23 =	simm.s32 $0x1B8B  }
0xa8: {  	_ =	swait.ge [sflag:s23], $0x1  }
0xa9: {  	[sflag:s23] =	ssyncset.done $0x0  }
0xaa: {  	s25 =	simm.s32 $0x1B8E;
	s24 =	sld [smem:$0x3FFE];
	[sflag:s23] =	ssyncadd.s32 $0xFFFFFFFF  }
0xab: {  	s26 =	simm.s32 $execute0_lowered;
	[smem:$0x3FD2] =	sst s25  }
0xac: {  	s5 =	sshll.u32 s26, $0x1;
	_ =	strace $0x80000046;
	[dreg:$0x1] =	wrdreg $0xFFFFFFFF  }
0xad: {  	s28 =	simm.s32 $_size_execute0_lowered;
	s3 =	sadd.s32 s3, s5;
	[dreg:$0x0] =	wrdreg $0x0  }
0xae: {  	s5 =	sshll.u32 s28, $0x1;
	[dreg:$0x2] =	wrdreg s3  }
0xaf: {  	[dreg:$0x3] =	wrdreg s5  }
0xb0: {  	[dreg:$0x4] =	wrdreg $0xC0  }
0xb1: {  	_ =	task [dreg:s7], $0x5FFFF  }
0xb2: {  	[dreg:$0x1] =	wrdreg $0xFFFFFFFF  }
0xb3: {  	[dreg:$0x0] =	wrdreg $0x60  }
0xb4: {  	[dreg:$0x2] =	wrdreg s24  }
0xb5: {  	[dreg:$0x3] =	wrdreg s16  }
0xb6: {  	[dreg:$0x4] =	wrdreg $0x68000  }
0xb7: {  	[dreg:$0x5] =	wrdreg $0x9  }
0xb8: {  	_ =	task.clear_ibuf [dreg:s7], $0x6FFFF;
	_ =	strace $0x90000046  }
0xb9: {  	s29 =	simm.s32 $0x9;
	_ =	strace $0x80000048  }
0xba: {  	_ =	swait.ge [sflag:s29], $0x1  }
0xbb: {  	[sflag:s29] =	ssyncadd.s32 $0xFFFFFFFF  }
0xbc: {  	_ =	strace $0x90000048  }
0xbd: {  	_ =	sfence  }
0xbe: {  	s30 =	sld [smem:$0x0];
	_ =	sdelay $0x2  }
0xbf: {  	s31 =	sshll.u32 s1, $0xD;
	s1 =	sshrl.u32 s1, $0x2  }
0xc0: {  	s3 =	sand.u32 $0x4000, s31;
	s1 =	sadd.s32 s1, s30  }
0xc1: {  	s0 =	sor.u32 s3, s0;
	s1 =	sshll.u32 s1, $0x11  }
0xc2: {  	s0 =	sor.u32 s1, s0  }
0xc3: {  	s0 =	sadd.s32 $0x8F2B, s0  }
0xc4: {  	[sflag:s0] =	ssyncadd.remote.s32 $0x1  }
0xc5: {  	_ =	sfence.sel $0xFFFF  }
0xc6: {  	[dreg:$0x0] =	wrdreg $0xFFFFFFFF;
	(pc) =	sbr.abs _section_cstart, $3  }
0xc7: {  	[dreg:$0x1] =	wrdreg $0xFFFFFFFF  }
0xc8: {  	_ =	task.clear_ibuf [dreg:s7], $0x2FFFF;
	_ =	strace $0x9FFFFFFF  }
0xc9: {  	(tm) =	ssettm $0x7FFFFFFF  }
tec
execute0_lowered:
.L_overlay_start_1:
0x0: {  	(tag) =	ssettag $0x1  }
0x1: {  	s5 =	rddreg [dreg:$0x0]  }
0x2: {  	s7 =	rddreg [dreg:$0x1];
	s0 =	stileid.u32  }
0x3: {  	s1 =	srdreg.scid;
	s2 =	rddreg [dreg:$0x2]  }
0x4: {  	s3 =	simm.s32 $0x0;
	s13 =	simm.s32 $0x80;
	s14 =	simm.s32 $0x0  }
0x5: {  	s4 =	smul.u32 $0x13C00, s0;
	s6 =	sand.u32 $0x1, s1;
	s1 =	rddreg [dreg:$0x3]  }
0x6: {  	[smem:$0x7FF] =	sst s3;
	s11 =	smul.u32 $0x4F000, s0;
	s31 =	sshll.u32 s0, $0x6  }
0x7: {  	s8 =	smul.u32 $0x13C000, s6;
	_ =	strace $0x80000047;
	s10 =	ssub.s32 $0x2, s6  }
0x8: {  	s6 =	sshll.u32 s6, $0x4;
	s9 =	sshrl.u32 s4, $0x3;
	s28 =	sshrl.u32 s10, $0x1  }
0x9: {  	s6 =	sor.u32 s0, s6;
	s29 =	sshrl.u32 s11, $0x2;
	s11 =	simm.s32 $0x1  }
0xa: {  	s8 =	sadd.s32 s4, s8;
	s4 =	sadd.s32 $0x34000, s5;
	s9 =	sadd.s32 s9, s5  }
0xb: {  	s10 =	ssub.s32 s10, s28;
	s30 =	smul.u32 $0x500, s6;
	s8 =	sshrl.u32 s8, $0x3  }
0xc: {  	s12 =	sadd.s32 s29, s2;
	s6 =	sor.u32 $0x1C01, s31;
	s8 =	sadd.s32 s8, s5  }
0xd: {  	s5 =	sadd.s32 $0xC800, s9;
	s7 =	sadd.s32 s7, s30;
	s9 =	smax.u32 s10, $0x1  }
0xe: {  	s10 =	sshrl.u32 s12, $0x3;
	s12 =	simm.s32 $0x4000;
	s8 =	sadd.s32 $0x34800, s8  }
.LBB2_1:
0xf: {  	[spmem:s10], [sflag:s6] =	dma.local [hbm:s5], $0x2780  }
0x10: {  	_ =	swait.ge [sflag:s11], $0x2780  }
0x11: {  	[sflag:s11] =	ssyncset.done $0x0  }
0x12: {  	[sflag:s11] =	ssyncadd.s32 $0xFFFFD880  }
0x13: {  	[tilespmem:s12], [sflag:$0x1] =	stream.linear.gather [hbm4b:s7+s3], $0x2780, $0x38;
	[tilespmem:$0x8F80] =	vst v63  }
0x14: {  	_ =	swait.ge [sflag:s11], $0x2780  }
0x15: {  	[sflag:s11] =	ssyncset.done $0x0  }
0x16: {  	[sflag:s11] =	ssyncadd.s32 $0xFFFFD880  }
0x17: {  	[tilespmem:s3], [sflag:$0x1] =	stream.linear.gather [hbm4b:s4+s3], $0x4000, $0x38;
	[tilespmem:$0x8F80] =	vst v63  }
0x18: {  	_ =	swait.ge [sflag:s11], $0x4000  }
0x19: {  	[sflag:s11] =	ssyncset.done $0x0  }
0x1a: {  	[sflag:s11] =	ssyncadd.s32 $0xFFFFC000  }
0x1b: {  	s15 =	simm.s32 $0x4000;
	[bflag:$0x0] =	sbarrier.arrive $0xFFFF  }
0x1c: {  	[spmem:s2] =	stream.indirect.scatter.add.f32 [tilespmem:s3], [sflag:$0x1], $0x10, s15, s13, $0xb8;
	[tilespmem:$0x8F80] =	vst v63  }
0x1d: {  	s15 =	simm.s32 $0x200;
	_ =	swait.ge [sflag:s11], $0x800  }
.LBB2_2:
0x1e: {  	s16 =	sshra.s32 s15, $0x2;
	[sflag:s11] =	ssyncset.done $0x0;
	p0 =	sne.s32 s15, $0x9C00  }
.Ltmp0:
0x1f: {  	s16 =	sadd.s32 $0x4000, s16;
	[sflag:s11] =	ssyncadd.s32 $0xFFFFF800;
	(pc) =	sbr.rel @p0 .LBB2_2-.Ltmp0, $3  }
0x20: {  	[spmem:s2] =	stream.indirect.scatter.add.f32 [tilespmem:s3], [sflag:$0x1], $0x10, s16, s13, $0xb8;
	[tilespmem:$0x8F80] =	vst v63  }
0x21: {  	s15 =	sadd.s32 $0x200, s15;
	_ =	sdelay $0x1  }
0x22: {  	_ =	swait.ge [sflag:s11], $0x800  }
0x23: {  	[sflag:s11] =	ssyncset.done $0x0;
	s14 =	sadd.s32 $0x1, s14  }
0x24: {  	[sflag:s11] =	ssyncadd.s32 $0xFFFFF800;
	p0 =	sne.s32 s14, s9  }
.Ltmp1:
0x25: {  	[bflag:$0x0] =	sbarrier.arrive $0xFFFF;
	(pc) =	sbr.rel @p0 .LBB2_1-.Ltmp1, $4  }
0x26: {  	[hbm:s8], [sflag:s6] =	dma.local [spmem:s10], $0x2780  }
0x27: {  	_ =	swait.ge [sflag:s11], $0x2780  }
0x28: {  	[sflag:s11] =	ssyncset.done $0x0  }
0x29: {  	[sflag:s11] =	ssyncadd.s32 $0xFFFFD880  }
0x2a: {  	_ =	sfence.sel $0x180000  }
0x2b: {  	[bflag:$0x0] =	sbarrier.arrive $0xFFFF  }
0x2c: {  	p0 =	sne.s32 s0, $0x0;
	_ =	strace $0x90000047  }
0x2d: {  	s0 =	sadd.s32 @!p0 $0x100000, s1;
	[bflag:$0x2] =	sbarrier.arrive $0xFFFF  }
0x2e: {  	[sflag:s0] =	ssyncadd.tile.s32 @!p0 $0x1;
	_ =	shalt  }
.Lfunc_end2:
_tile_overlayer_lowered:
.L_overlay_start_2:
0x2f: {  	(tag) =	ssettag $0x2  }
0x30: {  	s0 =	rddreg [dreg:$0x0];
	s2 =	stileid.u32  }
0x31: {  	s1 =	rddreg [dreg:$0x1];
	p0 =	sne.s32 s2, $0x0  }
0x32: {  	s3 =	rddreg [dreg:$0x2];
	[bflag:$0x3] =	sbarrier.arrive $0xFFFF;
	s2 =	simm.s32 @!p0 $0x1C01  }
0x33: {  	[timem:s3], [sflag:s2] =	dma.local @!p0 [hbm:s0], s1  }
0x34: {  	s0 =	simm.s32 @!p0 $0x1  }
0x35: {  	_ =	swait.ge @!p0 [sflag:s0], s1  }
0x36: {  	s1 =	ssub.s32 @!p0 $0x0, s1;
	[sflag:s0] =	ssyncset.done @!p0 $0x0  }
0x37: {  	[sflag:s0] =	ssyncadd.s32 @!p0 s1  }
0x38: {  	[bflag:$0x3] =	sbarrier.arrive $0xFFFF  }
0x39: {  	_ =	shalt  }

// kernel: kernel.26.cloned.1.call-start
scs
__scs_entry_jumppad:
0x0: {  	(pc) =	sbr.rel $0x88, $3  }
0x1: {  	(tag) =	ssettag $0x0;
	lr =	simm.s32 $0x1  }
0x2: {  	[smem:$0x3F8B] =	sst lr;
	_ =	strace $0xD0000000  }
0x3: {  	_ = 	snop  }
0x4: {  	_ = 	snop  }
0x5: {  	_ = 	snop  }
0x6: {  	_ = 	snop  }
0x7: {  	_ = 	snop  }
__scs_overlays_trampoline_lowered:
0x8: {  	[smem:$0x3F9A] =	sst s0  }
0x9: {  	[smem:$0x3F9B] =	sst s1  }
0xa: {  	[smem:$0x3F9C] =	sst s2  }
0xb: {  	[smem:$0x3F9D] =	sst s3  }
0xc: {  	[smem:$0x3F9E] =	sst s4  }
0xd: {  	[smem:$0x3F9F] =	sst s5  }
0xe: {  	[smem:$0x3FA0] =	sst s6  }
0xf: {  	[smem:$0x3FA1] =	sst s7  }
0x10: {  	[smem:$0x3FA2] =	sst s8  }
0x11: {  	[smem:$0x3FA3] =	sst s9;
	s0 =	simm.s32 @!p0 $0x0  }
0x12: {  	s1 =	sld [smem:$0x3F89];
	s0 =	simm.s32 @p0 $0x1  }
0x13: {  	[smem:$0x3FA4] =	sst s0;
	s0 =	simm.s32 @!p1 $0x0  }
0x14: {  	s2 =	sld [smem:$0x3F88];
	s0 =	simm.s32 @p1 $0x1  }
0x15: {  	[smem:$0x3FA5] =	sst s0;
	s0 =	simm.s32 @!p2 $0x0  }
0x16: {  	s3 =	sld [smem:$0x3FDB];
	s0 =	simm.s32 @p2 $0x1  }
0x17: {  	s4 =	simm.s32 $0x1BF5;
	[smem:$0x3FA7] =	sst s0  }
0x18: {  	s0 =	sld [smem:$0x3F8A];
	_ =	swait.ge [sflag:s4], $0x0  }
0x19: {  	s7 =	sld [smem:$0x3F8B]  }
0x1a: {  	s8 =	sadd.s32 $0xFFFFE003, lr  }
0x1b: {  	s9 =	sadd.s32 $0xFFFFFEF7, lr;
	s5 =	simm.s32 $0xFFFFFFFF;
	p2 =	slt.u32 s8, $0xFFFFF086  }
0x1c: {  	p1 =	slt.u32 s9, $0xF7A;
	s5 =	simm.s32 @!p2 $0x0  }
0x1d: {  	s5 =	simm.s32 @p1 $0x1;
	p0 =	seq.s32 s7, s2  }
0x1e: {  	s7 =	smul.u32 @!p0 $0xF7A, s2;
	p2 =	seq.s32 @!p0 s5, $0x0  }
0x1f: {  	s9 =	smul.u32 $0xF7A, s1;
	s8 =	simm.s32 @!p0 $0x1BF5;
	p2 =	por !p2, p0  }
0x20: {  	[sflag:s8] =	ssyncset.s32 @!p0 $0xFFFFF086;
	s6 =	sadd.s32 @!p0 s3, s7;
	s7 =	simm.s32 @!p0 $0x108  }
0x21: {  	s3 =	sadd.s32 s3, s9;
	s6 =	sadd.s32 @!p0 $0x88, s6;
	s7 =	simm.s32 @p2 $0x1082  }
0x22: {  	[simem:s7], [sflag:s8] =	dma.local @!p0 [hbm:s6], $0xF7A  }
0x23: {  	s9 =	sor.u32 $0xD0000000, s2;
	s6 =	simm.s32 $0x108;
	_ =	swait.ge @!p0 [sflag:s8], $0x0  }
0x24: {  	s3 =	sadd.s32 $0x88, s3;
	s6 =	simm.s32 @!p1 $0x1082;
	[sflag:s4] =	ssyncset.s32 $0xFFFFF086  }
0x25: {  	[simem:s6], [sflag:s4] =	dma.local [hbm:s3], $0xF7A  }
0x26: {  	[smem:$0x3F8B] =	sst s1;
	(tag) =	ssettag s2;
	_ =	strace s9  }
0x27: {  	s1 =	sld [smem:$0x3F9B]  }
0x28: {  	s2 =	sld [smem:$0x3F9C]  }
0x29: {  	s4 =	sld [smem:$0x3F9E]  }
0x2a: {  	p0 =	seq.s32 s5, $0x0;
	s5 =	sld [smem:$0x3F9F]  }
0x2b: {  	s6 =	sld [smem:$0x3FA0]  }
0x2c: {  	s7 =	sld [smem:$0x3FA1]  }
0x2d: {  	s3 =	simm.s32 $0x108;
	s8 =	sld [smem:$0x3FA2]  }
0x2e: {  	s3 =	simm.s32 @!p0 $0x1082;
	s9 =	sld [smem:$0x3FA3]  }
0x2f: {  	lr =	sadd.s32 s0, s3;
	s0 =	sld [smem:$0x3F9A]  }
0x30: {  	s3 =	sld [smem:$0x3F9D]  }
0x31: {  	[smem:$0x3FA6] =	sst s10  }
0x32: {  	s10 =	sld [smem:$0x3FA4];
	_ =	sdelay $0x3  }
0x33: {  	p0 =	seq.s32 s10, $0x1;
	s10 =	sld [smem:$0x3FA6];
	_ =	sdelay $0x3  }
0x34: {  	[smem:$0x3FA6] =	sst s10  }
0x35: {  	s10 =	sld [smem:$0x3FA5];
	_ =	sdelay $0x3  }
0x36: {  	p1 =	seq.s32 s10, $0x1;
	s10 =	sld [smem:$0x3FA6];
	_ =	sdelay $0x3  }
0x37: {  	[smem:$0x3FA6] =	sst s10  }
0x38: {  	s10 =	sld [smem:$0x3FA7]  }
0x39: {  	_ = 	snop;
	(pc) =	sbr.ind lr, $3  }
0x3a: {  	_ = 	snop  }
0x3b: {  	_ = 	snop  }
0x3c: {  	p2 =	seq.s32 s10, $0x1;
	s10 =	sld [smem:$0x3FA6]  }
0x3d: {  	_ =	shalt  }
0x3e: {  	_ =	shalt  }
0x3f: {  	_ =	shalt  }
0x40: {  	_ =	shalt  }
0x41: {  	_ =	shalt  }
0x42: {  	_ =	shalt  }
0x43: {  	_ =	shalt  }
0x44: {  	_ =	shalt  }
0x45: {  	_ =	shalt  }
0x46: {  	_ =	shalt  }
0x47: {  	_ =	shalt  }
0x48: {  	_ =	shalt  }
0x49: {  	_ =	shalt  }
0x4a: {  	_ =	shalt  }
0x4b: {  	_ =	shalt  }
0x4c: {  	_ =	shalt  }
0x4d: {  	_ =	shalt  }
0x4e: {  	_ =	shalt  }
0x4f: {  	_ =	shalt  }
0x50: {  	_ =	shalt  }
0x51: {  	_ =	shalt  }
0x52: {  	_ =	shalt  }
0x53: {  	_ =	shalt  }
0x54: {  	_ =	shalt  }
0x55: {  	_ =	shalt  }
0x56: {  	_ =	shalt  }
0x57: {  	_ =	shalt  }
0x58: {  	_ =	shalt  }
0x59: {  	_ =	shalt  }
0x5a: {  	_ =	shalt  }
0x5b: {  	_ =	shalt  }
0x5c: {  	_ =	shalt  }
0x5d: {  	_ =	shalt  }
0x5e: {  	_ =	shalt  }
0x5f: {  	_ =	shalt  }
0x60: {  	_ =	shalt  }
0x61: {  	_ =	shalt  }
0x62: {  	_ =	shalt  }
0x63: {  	_ =	shalt  }
0x64: {  	_ =	shalt  }
0x65: {  	_ =	shalt  }
0x66: {  	_ =	shalt  }
0x67: {  	_ =	shalt  }
0x68: {  	_ =	shalt  }
0x69: {  	_ =	shalt  }
0x6a: {  	_ =	shalt  }
0x6b: {  	_ =	shalt  }
0x6c: {  	_ =	shalt  }
0x6d: {  	_ =	shalt  }
0x6e: {  	_ =	shalt  }
0x6f: {  	_ =	shalt  }
0x70: {  	_ =	shalt  }
0x71: {  	_ =	shalt  }
0x72: {  	_ =	shalt  }
0x73: {  	_ =	shalt  }
0x74: {  	_ =	shalt  }
0x75: {  	_ =	shalt  }
0x76: {  	_ =	shalt  }
0x77: {  	_ =	shalt  }
0x78: {  	_ =	shalt  }
0x79: {  	_ =	shalt  }
0x7a: {  	_ =	shalt  }
0x7b: {  	_ =	shalt  }
0x7c: {  	_ =	shalt  }
0x7d: {  	_ =	shalt  }
0x7e: {  	_ =	shalt  }
0x7f: {  	_ =	shalt  }
0x80: {  	_ =	shalt  }
0x81: {  	_ =	shalt  }
0x82: {  	_ =	shalt  }
0x83: {  	_ =	shalt  }
0x84: {  	_ =	shalt  }
0x85: {  	_ =	shalt  }
0x86: {  	_ =	shalt  }
0x87: {  	_ =	shalt  }
.Lfunc_end0:
.L_simem_size_0:
called_computation.1_lowered:
.L_overlay_start_0:
0x88: {  	s2 =	sld [smem:$0x3FD9]  }
0x89: {  	s3 =	sld [smem:$0x3FFE];
	_ =	sdelay $0x1  }
0x8a: {  	s1 =	srdreg.scid  }
0x8b: {  	s0 =	sand.u32 $0x1, s1  }
0x8c: {  	s15 =	sshll.u32 s0, $0xA;
	s2 =	sadd.s32 s3, s2  }
0x8d: {  	s2 =	sadd.s32 s2, s15  }
0x8e: {  	[smem:$0x3FB2] =	sst s2  }
0x8f: {  	_ = 	snop  }
0x90: {  	s2 =	sld [smem:$0x3FD0];
	_ =	sdelay $0x2  }
0x91: {  	s4 =	simm.s32 $0xD;
	s16 =	simm.s32 $0x10  }
0x92: {  	[smem:s16], [sflag:s4] =	dma.local [hbm:s2], $0x1  }
0x93: {  	_ =	swait.eq [sflag:s4], $0x1  }
0x94: {  	[sflag:s4] =	ssyncset.done $0x0  }
0x95: {  	s17 =	sld [smem:$0x10];
	[sflag:s4] =	ssyncadd.s32 $0xFFFFFFFF  }
0x96: {  	s18 =	sld [smem:$0x11];
	(tm) =	ssettm $0x1  }
0x97: {  	s19 =	sld [smem:$0x3FFB];
	_ =	sdelay $0x3  }
0x98: {  	_ =	strace s19  }
0x99: {  	s2 =	sld [smem:$0x3FFC];
	_ =	sdelay $0x3  }
0x9a: {  	_ =	strace s2  }
0x9b: {  	s2 =	sld [smem:$0x3FFD];
	_ =	sdelay $0x3  }
0x9c: {  	_ =	strace s2  }
0x9d: {  	_ =	strace $0x8FFFFFFF  }
0x9e: {  	s20 =	sld [smem:$0x3FDB];
	_ =	sdelay $0x1  }
0x9f: {  	s5 =	simm.s32 $_scs_section_size  }
0xa0: {  	s6 =	simm.s32 $_size__tile_overlayer_lowered;
	s7 =	simm.s32 $_tile_overlayer_lowered  }
0xa1: {  	s8 =	simm.s32 $0x1BFF;
	s21 =	sshll.u32 s7, $0x1;
	s5 =	sadd.s32 s5, s20  }
0xa2: {  	s22 =	simm.s32 $0x0;
	s6 =	sshll.u32 s6, $0x1;
	s7 =	sadd.s32 s21, s5  }
0xa3: {  	[timem:s22], [sflag:s8] =	dma.local [hbm:s7], s6  }
0xa4: {  	_ =	swait.ge [sflag:s8], s6  }
0xa5: {  	s6 =	ssub.s32 $0x0, s6;
	[sflag:s8] =	ssyncset.done $0x0  }
0xa6: {  	[sflag:s8] =	ssyncadd.s32 s6;
	_ =	sdelay $0x1  }
0xa7: {  	s23 =	simm.s32 $0x1B8B  }
0xa8: {  	_ =	swait.ge [sflag:s23], $0x1  }
0xa9: {  	[sflag:s23] =	ssyncset.done $0x0  }
0xaa: {  	[sflag:s23] =	ssyncadd.s32 $0xFFFFFFFF  }
0xab: {  	s6 =	sld [smem:$0x0]  }
0xac: {  	s7 =	sand.u32 $0xFFFFFFFE, s1  }
0xad: {  	p0 =	sne.s32 s1, s7  }
0xae: {  	s7 =	sshll.u32 @p0 s7, $0xE  }
0xaf: {  	s7 =	sadd.s32 @p0 $0x11B8D, s7;
	s8 =	sshll.u32 @p0 s6, $0x11  }
0xb0: {  	s7 =	sor.u32 @p0 s8, s7  }
0xb1: {  	[sflag:s7] =	ssyncadd.remote.s32 @p0 $0x1;
	_ =	sdelay $0x1  }
0xb2: {  	s7 =	simm.s32 @p0 $0x1B8D  }
0xb3: {  	_ =	swait.eq @p0 [sflag:s7], $0x1  }
0xb4: {  	[sflag:s7] =	ssyncadd.s32 @p0 $0xFFFFFFFF  }
0xb5: {  	s8 =	sshll.u32 @!p0 s1, $0xE  }
0xb6: {  	s8 =	sor.u32 @!p0 $0x4000, s8;
	s7 =	simm.s32 @!p0 $0x1B8D  }
0xb7: {  	s6 =	sshll.u32 @!p0 s6, $0x11;
	s8 =	sadd.s32 @!p0 $0x11B8D, s8;
	_ =	swait.eq @!p0 [sflag:s7], $0x1  }
0xb8: {  	s6 =	sor.u32 @!p0 s6, s8;
	[sflag:s7] =	ssyncadd.s32 @!p0 $0xFFFFFFFF  }
0xb9: {  	s25 =	simm.s32 $0x1B8E;
	s24 =	sld [smem:$0x3FFE];
	[sflag:s6] =	ssyncadd.remote.s32 @!p0 $0x1  }
0xba: {  	s26 =	simm.s32 $execute0_lowered;
	[smem:$0x3FD2] =	sst s25  }
0xbb: {  	s7 =	sshll.u32 s26, $0x1;
	_ =	strace $0x8000004C;
	[dreg:$0x1] =	wrdreg $0xFFFFFFFF  }
0xbc: {  	s28 =	simm.s32 $_size_execute0_lowered;
	s5 =	sadd.s32 s5, s7;
	[dreg:$0x0] =	wrdreg $0x0  }
0xbd: {  	s7 =	sshll.u32 s28, $0x1;
	[dreg:$0x2] =	wrdreg s5  }
0xbe: {  	[dreg:$0x3] =	wrdreg s7  }
0xbf: {  	[dreg:$0x4] =	wrdreg $0xC0  }
0xc0: {  	_ =	task [dreg:s22], $0x5FFFF  }
0xc1: {  	[dreg:$0x1] =	wrdreg $0xFFFFFFFF  }
0xc2: {  	[dreg:$0x0] =	wrdreg $0x60  }
0xc3: {  	[dreg:$0x2] =	wrdreg s24  }
0xc4: {  	[dreg:$0x3] =	wrdreg s17  }
0xc5: {  	[dreg:$0x4] =	wrdreg s18  }
0xc6: {  	[dreg:$0x5] =	wrdreg $0x90000  }
0xc7: {  	[dreg:$0x6] =	wrdreg $0xB  }
0xc8: {  	_ =	task.clear_ibuf [dreg:s22], $0x7FFFF;
	_ =	strace $0x9000004C  }
0xc9: {  	s29 =	simm.s32 $0xB;
	_ =	strace $0x8000004E  }
0xca: {  	_ =	swait.ge [sflag:s29], $0x1  }
0xcb: {  	[sflag:s29] =	ssyncadd.s32 $0xFFFFFFFF  }
0xcc: {  	_ =	strace $0x9000004E  }
0xcd: {  	_ =	sfence  }
0xce: {  	s30 =	sld [smem:$0x0];
	_ =	sdelay $0x2  }
0xcf: {  	s31 =	sshll.u32 s1, $0xD;
	s1 =	sshrl.u32 s1, $0x2  }
0xd0: {  	s4 =	sand.u32 $0x4000, s31;
	s1 =	sadd.s32 s1, s30  }
0xd1: {  	s0 =	sor.u32 s4, s0;
	s1 =	sshll.u32 s1, $0x11  }
0xd2: {  	s0 =	sor.u32 s1, s0  }
0xd3: {  	s0 =	sadd.s32 $0x8F2B, s0  }
0xd4: {  	[sflag:s0] =	ssyncadd.remote.s32 $0x1  }
0xd5: {  	_ =	sfence.sel $0xFFFF  }
0xd6: {  	[dreg:$0x0] =	wrdreg $0xFFFFFFFF;
	(pc) =	sbr.abs _section_cstart, $3  }
0xd7: {  	[dreg:$0x1] =	wrdreg $0xFFFFFFFF  }
0xd8: {  	_ =	task.clear_ibuf [dreg:s22], $0x2FFFF;
	_ =	strace $0x9FFFFFFF  }
0xd9: {  	(tm) =	ssettm $0x7FFFFFFF  }
tec
execute0_lowered:
.L_overlay_start_1:
0x0: {  	(tag) =	ssettag $0x1  }
0x1: {  	s5 =	rddreg [dreg:$0x0]  }
0x2: {  	s6 =	rddreg [dreg:$0x1]  }
0x3: {  	s7 =	rddreg [dreg:$0x2]  }
0x4: {  	s2 =	rddreg [dreg:$0x3]  }
0x5: {  	s0 =	rddreg [dreg:$0x4]  }
0x6: {  	s1 =	stileid.u32;
	s4 =	srdreg.scid  }
0x7: {  	s3 =	simm.s32 $0x0;
	s14 =	simm.s32 $0x80;
	s15 =	simm.s32 $0x5000  }
0x8: {  	s16 =	simm.s32 $0x1;
	s17 =	simm.s32 $0x4F00;
	s18 =	simm.s32 $0x0  }
0x9: {  	s8 =	smul.u32 $0x13C00, s1;
	s9 =	sand.u32 $0x1, s4;
	[smem:$0x7FF] =	sst s3  }
0xa: {  	s4 =	sadd.s32 $0x83800, s5;
	s29 =	smul.u32 $0x4F000, s1;
	s31 =	sshll.u32 s1, $0x6  }
0xb: {  	s10 =	smul.u32 $0x13C000, s9;
	s11 =	sshll.u32 s9, $0x4;
	_ =	strace $0x8000004D  }
0xc: {  	s9 =	ssub.s32 $0x2, s9;
	s11 =	sor.u32 s1, s11;
	s12 =	sshrl.u32 s8, $0x3  }
0xd: {  	s30 =	sshrl.u32 s9, $0x1;
	s8 =	sadd.s32 s8, s10;
	s28 =	smul.u32 $0x500, s11  }
0xe: {  	s12 =	sadd.s32 s12, s5;
	s9 =	ssub.s32 s9, s30;
	s11 =	sshrl.u32 s29, $0x2  }
0xf: {  	s10 =	simm.s32 $0x2;
	s8 =	sshrl.u32 s8, $0x3;
	s13 =	sadd.s32 s11, s2  }
0x10: {  	s9 =	smax.u32 s9, $0x1;
	s11 =	simm.s32 $0x2800;
	s8 =	sadd.s32 s8, s5  }
0x11: {  	s5 =	sadd.s32 s6, s28;
	s6 =	sadd.s32 s7, s28;
	s7 =	sadd.s32 $0xAAA00, s12  }
0x12: {  	s12 =	sor.u32 $0x1C02, s31;
	s13 =	sshrl.u32 s13, $0x3;
	s8 =	sadd.s32 $0x121200, s8  }
.LBB2_1:
0x13: {  	[tilespmem:s3], [sflag:$0x2] =	stream.linear.gather [hbm4b:s5+s3], $0x2780, $0x38;
	[tilespmem:$0x1CC00] =	vst v63  }
0x14: {  	_ =	swait.ge [sflag:s10], $0x2780  }
0x15: {  	[sflag:s10] =	ssyncset.done $0x0  }
0x16: {  	[sflag:s10] =	ssyncadd.s32 $0xFFFFD880  }
0x17: {  	[tilespmem:s11], [sflag:$0x2] =	stream.linear.gather [hbm4b:s6+s3], $0x2780, $0x38;
	[tilespmem:$0x1CC00] =	vst v63  }
0x18: {  	_ =	swait.ge [sflag:s10], $0x2780  }
0x19: {  	[sflag:s10] =	ssyncset.done $0x0  }
0x1a: {  	[sflag:s10] =	ssyncadd.s32 $0xFFFFD880  }
0x1b: {  	[spmem:s13], [sflag:s12] =	dma.local [hbm:s7], $0x2780  }
0x1c: {  	_ =	swait.ge [sflag:s10], $0x2780  }
0x1d: {  	[sflag:s10] =	ssyncset.done $0x0  }
0x1e: {  	[sflag:s10] =	ssyncadd.s32 $0xFFFFD880  }
0x1f: {  	[bflag:$0x0] =	sbarrier.arrive $0xFFFF  }
0x20: {  	[tilespmem:s15], [sflag:$0x1] =	stream.indirect.gather [hbm4b:s4+s14], $0x80, s3, s14, $0xb8;
	[tilespmem:$0x1CC00] =	vst v63  }
0x21: {  	_ =	swait.ge [sflag:s16], $0x4000  }
0x22: {  	[sflag:s16] =	ssyncset.done $0x0  }
0x23: {  	s19 =	simm.s32 $0x2800;
	[sflag:s16] =	ssyncadd.s32 $0xFFFFC000  }
0x24: {  	[spmem:s2] =	stream.indirect.scatter.add.f32 [tilespmem:s15], [sflag:$0x2], $0x80, s19, s14, $0xb8;
	[tilespmem:$0x1CC00] =	vst v63  }
0x25: {  	_ =	swait.ge [sflag:s10], $0x4000  }
0x26: {  	[sflag:s10] =	ssyncset.done $0x0  }
0x27: {  	s20 =	simm.s32 $0x80;
	s19 =	simm.s32 $0x200;
	[sflag:s10] =	ssyncadd.s32 $0xFFFFC000  }
.LBB2_2:
0x28: {  	[tilespmem:s15], [sflag:$0x1] =	stream.indirect.gather [hbm4b:s4+s14], $0x80, s20, s14, $0xb8;
	[tilespmem:$0x1CC00] =	vst v63  }
0x29: {  	s20 =	smov.u32 s19  }
0x2a: {  	p0 =	sne.s32 s19, $0x9A00;
	s19 =	sadd.s32 $0x200, s19;
	_ =	swait.ge [sflag:s16], $0x4000  }
0x2b: {  	s20 =	sshra.s32 s20, $0x2;
	[sflag:s16] =	ssyncset.done $0x0  }
.Ltmp0:
0x2c: {  	s21 =	sadd.s32 $0x2800, s20;
	[sflag:s16] =	ssyncadd.s32 $0xFFFFC000;
	(pc) =	sbr.rel @p0 .LBB2_2-.Ltmp0, $4  }
0x2d: {  	[spmem:s2] =	stream.indirect.scatter.add.f32 [tilespmem:s15], [sflag:$0x2], $0x80, s21, s14, $0xb8;
	[tilespmem:$0x1CC00] =	vst v63  }
0x2e: {  	_ =	swait.ge [sflag:s10], $0x4000  }
0x2f: {  	[sflag:s10] =	ssyncset.done $0x0  }
0x30: {  	s20 =	sadd.s32 $0x80, s20;
	[sflag:s10] =	ssyncadd.s32 $0xFFFFC000  }
0x31: {  	[tilespmem:s15], [sflag:$0x1] =	stream.indirect.gather [hbm4b:s4+s14], $0x80, s20, s14, $0xb8;
	[tilespmem:$0x1CC00] =	vst v63  }
0x32: {  	_ =	swait.ge [sflag:s16], $0x4000  }
0x33: {  	[sflag:s16] =	ssyncset.done $0x0  }
0x34: {  	[sflag:s16] =	ssyncadd.s32 $0xFFFFC000  }
0x35: {  	[spmem:s2] =	stream.indirect.scatter.add.f32 [tilespmem:s15], [sflag:$0x2], $0x80, s17, s14, $0xb8;
	[tilespmem:$0x1CC00] =	vst v63  }
0x36: {  	_ =	swait.ge [sflag:s10], $0x4000  }
0x37: {  	s18 =	sadd.s32 $0x1, s18;
	[sflag:s10] =	ssyncset.done $0x0  }
0x38: {  	p0 =	sne.s32 s18, s9;
	[sflag:s10] =	ssyncadd.s32 $0xFFFFC000  }
.Ltmp1:
0x39: {  	[bflag:$0x0] =	sbarrier.arrive $0xFFFF;
	(pc) =	sbr.rel @p0 .LBB2_1-.Ltmp1, $4  }
0x3a: {  	[hbm:s8], [sflag:s12] =	dma.local [spmem:s13], $0x2780  }
0x3b: {  	_ =	swait.ge [sflag:s10], $0x2780  }
0x3c: {  	[sflag:s10] =	ssyncset.done $0x0  }
0x3d: {  	[sflag:s10] =	ssyncadd.s32 $0xFFFFD880  }
0x3e: {  	_ =	sfence.sel $0x180000  }
0x3f: {  	[bflag:$0x0] =	sbarrier.arrive $0xFFFF  }
0x40: {  	p0 =	sne.s32 s1, $0x0;
	_ =	strace $0x9000004D  }
0x41: {  	s0 =	sadd.s32 @!p0 $0x100000, s0;
	[bflag:$0x2] =	sbarrier.arrive $0xFFFF  }
0x42: {  	[sflag:s0] =	ssyncadd.tile.s32 @!p0 $0x1;
	_ =	shalt  }
.Lfunc_end2:
_tile_overlayer_lowered:
.L_overlay_start_2:
0x43: {  	(tag) =	ssettag $0x2  }
0x44: {  	s0 =	rddreg [dreg:$0x0];
	s2 =	stileid.u32  }
0x45: {  	s1 =	rddreg [dreg:$0x1];
	p0 =	sne.s32 s2, $0x0  }
0x46: {  	s3 =	rddreg [dreg:$0x2];
	[bflag:$0x3] =	sbarrier.arrive $0xFFFF;
	s2 =	simm.s32 @!p0 $0x1C02  }
0x47: {  	[timem:s3], [sflag:s2] =	dma.local @!p0 [hbm:s0], s1  }
0x48: {  	s0 =	simm.s32 @!p0 $0x2  }
0x49: {  	_ =	swait.ge @!p0 [sflag:s0], s1  }
0x4a: {  	s1 =	ssub.s32 @!p0 $0x0, s1;
	[sflag:s0] =	ssyncset.done @!p0 $0x0  }
0x4b: {  	[sflag:s0] =	ssyncadd.s32 @!p0 s1  }
0x4c: {  	[bflag:$0x3] =	sbarrier.arrive $0xFFFF  }
0x4d: {  	_ =	shalt  }

// kernel: kernel.29.cloned.1.call-start
scs
__scs_entry_jumppad:
0x0: {  	(pc) =	sbr.rel $0x88, $3  }
0x1: {  	(tag) =	ssettag $0x0;
	lr =	simm.s32 $0x1  }
0x2: {  	[smem:$0x3F8B] =	sst lr;
	_ =	strace $0xD0000000  }
0x3: {  	_ = 	snop  }
0x4: {  	_ = 	snop  }
0x5: {  	_ = 	snop  }
0x6: {  	_ = 	snop  }
0x7: {  	_ = 	snop  }
__scs_overlays_trampoline_lowered:
0x8: {  	[smem:$0x3F9A] =	sst s0  }
0x9: {  	[smem:$0x3F9B] =	sst s1  }
0xa: {  	[smem:$0x3F9C] =	sst s2  }
0xb: {  	[smem:$0x3F9D] =	sst s3  }
0xc: {  	[smem:$0x3F9E] =	sst s4  }
0xd: {  	[smem:$0x3F9F] =	sst s5  }
0xe: {  	[smem:$0x3FA0] =	sst s6  }
0xf: {  	[smem:$0x3FA1] =	sst s7  }
0x10: {  	[smem:$0x3FA2] =	sst s8  }
0x11: {  	[smem:$0x3FA3] =	sst s9;
	s0 =	simm.s32 @!p0 $0x0  }
0x12: {  	s1 =	sld [smem:$0x3F89];
	s0 =	simm.s32 @p0 $0x1  }
0x13: {  	[smem:$0x3FA4] =	sst s0;
	s0 =	simm.s32 @!p1 $0x0  }
0x14: {  	s2 =	sld [smem:$0x3F88];
	s0 =	simm.s32 @p1 $0x1  }
0x15: {  	[smem:$0x3FA5] =	sst s0;
	s0 =	simm.s32 @!p2 $0x0  }
0x16: {  	s3 =	sld [smem:$0x3FDB];
	s0 =	simm.s32 @p2 $0x1  }
0x17: {  	s4 =	simm.s32 $0x1BF5;
	[smem:$0x3FA7] =	sst s0  }
0x18: {  	s0 =	sld [smem:$0x3F8A];
	_ =	swait.ge [sflag:s4], $0x0  }
0x19: {  	s7 =	sld [smem:$0x3F8B]  }
0x1a: {  	s8 =	sadd.s32 $0xFFFFE003, lr  }
0x1b: {  	s9 =	sadd.s32 $0xFFFFFEF7, lr;
	s5 =	simm.s32 $0xFFFFFFFF;
	p2 =	slt.u32 s8, $0xFFFFF086  }
0x1c: {  	p1 =	slt.u32 s9, $0xF7A;
	s5 =	simm.s32 @!p2 $0x0  }
0x1d: {  	s5 =	simm.s32 @p1 $0x1;
	p0 =	seq.s32 s7, s2  }
0x1e: {  	s7 =	smul.u32 @!p0 $0xF7A, s2;
	p2 =	seq.s32 @!p0 s5, $0x0  }
0x1f: {  	s9 =	smul.u32 $0xF7A, s1;
	s8 =	simm.s32 @!p0 $0x1BF5;
	p2 =	por !p2, p0  }
0x20: {  	[sflag:s8] =	ssyncset.s32 @!p0 $0xFFFFF086;
	s6 =	sadd.s32 @!p0 s3, s7;
	s7 =	simm.s32 @!p0 $0x108  }
0x21: {  	s3 =	sadd.s32 s3, s9;
	s6 =	sadd.s32 @!p0 $0x88, s6;
	s7 =	simm.s32 @p2 $0x1082  }
0x22: {  	[simem:s7], [sflag:s8] =	dma.local @!p0 [hbm:s6], $0xF7A  }
0x23: {  	s9 =	sor.u32 $0xD0000000, s2;
	s6 =	simm.s32 $0x108;
	_ =	swait.ge @!p0 [sflag:s8], $0x0  }
0x24: {  	s3 =	sadd.s32 $0x88, s3;
	s6 =	simm.s32 @!p1 $0x1082;
	[sflag:s4] =	ssyncset.s32 $0xFFFFF086  }
0x25: {  	[simem:s6], [sflag:s4] =	dma.local [hbm:s3], $0xF7A  }
0x26: {  	[smem:$0x3F8B] =	sst s1;
	(tag) =	ssettag s2;
	_ =	strace s9  }
0x27: {  	s1 =	sld [smem:$0x3F9B]  }
0x28: {  	s2 =	sld [smem:$0x3F9C]  }
0x29: {  	s4 =	sld [smem:$0x3F9E]  }
0x2a: {  	p0 =	seq.s32 s5, $0x0;
	s5 =	sld [smem:$0x3F9F]  }
0x2b: {  	s6 =	sld [smem:$0x3FA0]  }
0x2c: {  	s7 =	sld [smem:$0x3FA1]  }
0x2d: {  	s3 =	simm.s32 $0x108;
	s8 =	sld [smem:$0x3FA2]  }
0x2e: {  	s3 =	simm.s32 @!p0 $0x1082;
	s9 =	sld [smem:$0x3FA3]  }
0x2f: {  	lr =	sadd.s32 s0, s3;
	s0 =	sld [smem:$0x3F9A]  }
0x30: {  	s3 =	sld [smem:$0x3F9D]  }
0x31: {  	[smem:$0x3FA6] =	sst s10  }
0x32: {  	s10 =	sld [smem:$0x3FA4];
	_ =	sdelay $0x3  }
0x33: {  	p0 =	seq.s32 s10, $0x1;
	s10 =	sld [smem:$0x3FA6];
	_ =	sdelay $0x3  }
0x34: {  	[smem:$0x3FA6] =	sst s10  }
0x35: {  	s10 =	sld [smem:$0x3FA5];
	_ =	sdelay $0x3  }
0x36: {  	p1 =	seq.s32 s10, $0x1;
	s10 =	sld [smem:$0x3FA6];
	_ =	sdelay $0x3  }
0x37: {  	[smem:$0x3FA6] =	sst s10  }
0x38: {  	s10 =	sld [smem:$0x3FA7]  }
0x39: {  	_ = 	snop;
	(pc) =	sbr.ind lr, $3  }
0x3a: {  	_ = 	snop  }
0x3b: {  	_ = 	snop  }
0x3c: {  	p2 =	seq.s32 s10, $0x1;
	s10 =	sld [smem:$0x3FA6]  }
0x3d: {  	_ =	shalt  }
0x3e: {  	_ =	shalt  }
0x3f: {  	_ =	shalt  }
0x40: {  	_ =	shalt  }
0x41: {  	_ =	shalt  }
0x42: {  	_ =	shalt  }
0x43: {  	_ =	shalt  }
0x44: {  	_ =	shalt  }
0x45: {  	_ =	shalt  }
0x46: {  	_ =	shalt  }
0x47: {  	_ =	shalt  }
0x48: {  	_ =	shalt  }
0x49: {  	_ =	shalt  }
0x4a: {  	_ =	shalt  }
0x4b: {  	_ =	shalt  }
0x4c: {  	_ =	shalt  }
0x4d: {  	_ =	shalt  }
0x4e: {  	_ =	shalt  }
0x4f: {  	_ =	shalt  }
0x50: {  	_ =	shalt  }
0x51: {  	_ =	shalt  }
0x52: {  	_ =	shalt  }
0x53: {  	_ =	shalt  }
0x54: {  	_ =	shalt  }
0x55: {  	_ =	shalt  }
0x56: {  	_ =	shalt  }
0x57: {  	_ =	shalt  }
0x58: {  	_ =	shalt  }
0x59: {  	_ =	shalt  }
0x5a: {  	_ =	shalt  }
0x5b: {  	_ =	shalt  }
0x5c: {  	_ =	shalt  }
0x5d: {  	_ =	shalt  }
0x5e: {  	_ =	shalt  }
0x5f: {  	_ =	shalt  }
0x60: {  	_ =	shalt  }
0x61: {  	_ =	shalt  }
0x62: {  	_ =	shalt  }
0x63: {  	_ =	shalt  }
0x64: {  	_ =	shalt  }
0x65: {  	_ =	shalt  }
0x66: {  	_ =	shalt  }
0x67: {  	_ =	shalt  }
0x68: {  	_ =	shalt  }
0x69: {  	_ =	shalt  }
0x6a: {  	_ =	shalt  }
0x6b: {  	_ =	shalt  }
0x6c: {  	_ =	shalt  }
0x6d: {  	_ =	shalt  }
0x6e: {  	_ =	shalt  }
0x6f: {  	_ =	shalt  }
0x70: {  	_ =	shalt  }
0x71: {  	_ =	shalt  }
0x72: {  	_ =	shalt  }
0x73: {  	_ =	shalt  }
0x74: {  	_ =	shalt  }
0x75: {  	_ =	shalt  }
0x76: {  	_ =	shalt  }
0x77: {  	_ =	shalt  }
0x78: {  	_ =	shalt  }
0x79: {  	_ =	shalt  }
0x7a: {  	_ =	shalt  }
0x7b: {  	_ =	shalt  }
0x7c: {  	_ =	shalt  }
0x7d: {  	_ =	shalt  }
0x7e: {  	_ =	shalt  }
0x7f: {  	_ =	shalt  }
0x80: {  	_ =	shalt  }
0x81: {  	_ =	shalt  }
0x82: {  	_ =	shalt  }
0x83: {  	_ =	shalt  }
0x84: {  	_ =	shalt  }
0x85: {  	_ =	shalt  }
0x86: {  	_ =	shalt  }
0x87: {  	_ =	shalt  }
.Lfunc_end0:
.L_simem_size_0:
called_computation.2_lowered:
.L_overlay_start_0:
0x88: {  	s2 =	sld [smem:$0x3FD9]  }
0x89: {  	s3 =	sld [smem:$0x3FFE];
	_ =	sdelay $0x1  }
0x8a: {  	s1 =	srdreg.scid  }
0x8b: {  	s0 =	sand.u32 $0x1, s1  }
0x8c: {  	s14 =	sshll.u32 s0, $0xA;
	s2 =	sadd.s32 s3, s2  }
0x8d: {  	s2 =	sadd.s32 s2, s14  }
0x8e: {  	[smem:$0x3FB2] =	sst s2  }
0x8f: {  	_ = 	snop  }
0x90: {  	s2 =	sld [smem:$0x3FD0];
	_ =	sdelay $0x2  }
0x91: {  	s15 =	simm.s32 $0xD;
	s4 =	simm.s32 $0x10  }
0x92: {  	[smem:s4], [sflag:s15] =	dma.local [hbm:s2], $0x1  }
0x93: {  	_ =	swait.eq [sflag:s15], $0x1  }
0x94: {  	[sflag:s15] =	ssyncset.done $0x0  }
0x95: {  	s16 =	sld [smem:$0x10];
	[sflag:s15] =	ssyncadd.s32 $0xFFFFFFFF  }
0x96: {  	s17 =	sld [smem:$0x11];
	(tm) =	ssettm $0x1  }
0x97: {  	s18 =	sld [smem:$0x3FFB];
	_ =	sdelay $0x3  }
0x98: {  	_ =	strace s18  }
0x99: {  	s4 =	sld [smem:$0x3FFC];
	_ =	sdelay $0x3  }
0x9a: {  	_ =	strace s4  }
0x9b: {  	s4 =	sld [smem:$0x3FFD];
	_ =	sdelay $0x3  }
0x9c: {  	_ =	strace s4  }
0x9d: {  	_ =	strace $0x8FFFFFFF  }
0x9e: {  	s19 =	sld [smem:$0x3FDB];
	_ =	sdelay $0x1  }
0x9f: {  	s5 =	simm.s32 $_scs_section_size  }
0xa0: {  	s6 =	simm.s32 $_size__tile_overlayer_lowered;
	s7 =	simm.s32 $_tile_overlayer_lowered  }
0xa1: {  	s22 =	simm.s32 $0x1BFF;
	s21 =	sshll.u32 s7, $0x1;
	s4 =	sadd.s32 s5, s19  }
0xa2: {  	s8 =	simm.s32 $0x0;
	s20 =	sshll.u32 s6, $0x1;
	s6 =	sadd.s32 s21, s4  }
0xa3: {  	[timem:s8], [sflag:s22] =	dma.local [hbm:s6], s20  }
0xa4: {  	_ =	swait.ge [sflag:s22], s20  }
0xa5: {  	s5 =	ssub.s32 $0x0, s20;
	[sflag:s22] =	ssyncset.done $0x0  }
0xa6: {  	[sflag:s22] =	ssyncadd.s32 s5;
	_ =	sdelay $0x1  }
0xa7: {  	s23 =	simm.s32 $0x1B8B  }
0xa8: {  	_ =	swait.ge [sflag:s23], $0x1  }
0xa9: {  	[sflag:s23] =	ssyncset.done $0x0  }
0xaa: {  	s25 =	simm.s32 $0x1B8E;
	s24 =	sld [smem:$0x3FFE];
	[sflag:s23] =	ssyncadd.s32 $0xFFFFFFFF  }
0xab: {  	s26 =	simm.s32 $execute0_lowered;
	[smem:$0x3FD2] =	sst s25  }
0xac: {  	s6 =	sshll.u32 s26, $0x1;
	_ =	strace $0x80000049;
	[dreg:$0x1] =	wrdreg $0xFFFFFFFF  }
0xad: {  	s28 =	simm.s32 $_size_execute0_lowered;
	s4 =	sadd.s32 s4, s6;
	[dreg:$0x0] =	wrdreg $0x0  }
0xae: {  	s6 =	sshll.u32 s28, $0x1;
	[dreg:$0x2] =	wrdreg s4  }
0xaf: {  	[dreg:$0x3] =	wrdreg s6  }
0xb0: {  	[dreg:$0x4] =	wrdreg $0xC0  }
0xb1: {  	_ =	task [dreg:s8], $0x5FFFF  }
0xb2: {  	[dreg:$0x1] =	wrdreg $0xFFFFFFFF  }
0xb3: {  	[dreg:$0x0] =	wrdreg $0x60  }
0xb4: {  	[dreg:$0x2] =	wrdreg s24  }
0xb5: {  	[dreg:$0x3] =	wrdreg s16  }
0xb6: {  	[dreg:$0x4] =	wrdreg s17  }
0xb7: {  	[dreg:$0x5] =	wrdreg $0x90000  }
0xb8: {  	[dreg:$0x6] =	wrdreg $0x9  }
0xb9: {  	_ =	task.clear_ibuf [dreg:s8], $0x7FFFF;
	_ =	strace $0x90000049  }
0xba: {  	s29 =	simm.s32 $0x9;
	_ =	strace $0x8000004B  }
0xbb: {  	_ =	swait.ge [sflag:s29], $0x1  }
0xbc: {  	[sflag:s29] =	ssyncadd.s32 $0xFFFFFFFF  }
0xbd: {  	_ =	strace $0x9000004B  }
0xbe: {  	_ =	sfence  }
0xbf: {  	s30 =	sld [smem:$0x0];
	_ =	sdelay $0x2  }
0xc0: {  	s31 =	sshll.u32 s1, $0xD;
	s1 =	sshrl.u32 s1, $0x2  }
0xc1: {  	s3 =	sand.u32 $0x4000, s31;
	s1 =	sadd.s32 s1, s30  }
0xc2: {  	s0 =	sor.u32 s3, s0;
	s1 =	sshll.u32 s1, $0x11  }
0xc3: {  	s0 =	sor.u32 s1, s0  }
0xc4: {  	s0 =	sadd.s32 $0x8F2B, s0  }
0xc5: {  	[sflag:s0] =	ssyncadd.remote.s32 $0x1  }
0xc6: {  	_ =	sfence.sel $0xFFFF  }
0xc7: {  	[dreg:$0x0] =	wrdreg $0xFFFFFFFF;
	(pc) =	sbr.abs _section_cstart, $3  }
0xc8: {  	[dreg:$0x1] =	wrdreg $0xFFFFFFFF  }
0xc9: {  	_ =	task.clear_ibuf [dreg:s8], $0x2FFFF;
	_ =	strace $0x9FFFFFFF  }
0xca: {  	(tm) =	ssettm $0x7FFFFFFF  }
0xcb: {  	_ =	shalt  }
tec
execute0_lowered:
.L_overlay_start_1:
0x0: {  	(tag) =	ssettag $0x1  }
0x1: {  	s5 =	rddreg [dreg:$0x0]  }
0x2: {  	s6 =	rddreg [dreg:$0x1]  }
0x3: {  	s7 =	rddreg [dreg:$0x2]  }
0x4: {  	s2 =	rddreg [dreg:$0x3]  }
0x5: {  	s0 =	rddreg [dreg:$0x4]  }
0x6: {  	s1 =	stileid.u32;
	s4 =	srdreg.scid  }
0x7: {  	s3 =	simm.s32 $0x0;
	s14 =	simm.s32 $0x80;
	s15 =	simm.s32 $0x5000  }
0x8: {  	s16 =	simm.s32 $0x1;
	s17 =	simm.s32 $0x4F00;
	s18 =	simm.s32 $0x0  }
0x9: {  	s8 =	smul.u32 $0x13C00, s1;
	s9 =	sand.u32 $0x1, s4;
	[smem:$0x7FF] =	sst s3  }
0xa: {  	s4 =	sadd.s32 $0xC800, s5;
	s29 =	smul.u32 $0x4F000, s1;
	s31 =	sshll.u32 s1, $0x6  }
0xb: {  	s10 =	smul.u32 $0x13C000, s9;
	s11 =	sshll.u32 s9, $0x4;
	_ =	strace $0x8000004A  }
0xc: {  	s9 =	ssub.s32 $0x2, s9;
	s11 =	sor.u32 s1, s11;
	s12 =	sshrl.u32 s8, $0x3  }
0xd: {  	s30 =	sshrl.u32 s9, $0x1;
	s8 =	sadd.s32 s8, s10;
	s28 =	smul.u32 $0x500, s11  }
0xe: {  	s12 =	sadd.s32 s12, s5;
	s9 =	ssub.s32 s9, s30;
	s11 =	sshrl.u32 s29, $0x2  }
0xf: {  	s10 =	simm.s32 $0x2;
	s8 =	sshrl.u32 s8, $0x3;
	s13 =	sadd.s32 s11, s2  }
0x10: {  	s9 =	smax.u32 s9, $0x1;
	s11 =	simm.s32 $0x2800;
	s8 =	sadd.s32 s8, s5  }
0x11: {  	s5 =	sadd.s32 s6, s28;
	s6 =	sadd.s32 s7, s28;
	s7 =	sadd.s32 $0xAAA00, s12  }
0x12: {  	s12 =	sor.u32 $0x1C02, s31;
	s13 =	sshrl.u32 s13, $0x3;
	s8 =	sadd.s32 $0xD2200, s8  }
.LBB2_1:
0x13: {  	[tilespmem:s3], [sflag:$0x2] =	stream.linear.gather [hbm4b:s5+s3], $0x2780, $0x38;
	[tilespmem:$0x1CC00] =	vst v63  }
0x14: {  	_ =	swait.ge [sflag:s10], $0x2780  }
0x15: {  	[sflag:s10] =	ssyncset.done $0x0  }
0x16: {  	[sflag:s10] =	ssyncadd.s32 $0xFFFFD880  }
0x17: {  	[tilespmem:s11], [sflag:$0x2] =	stream.linear.gather [hbm4b:s6+s3], $0x2780, $0x38;
	[tilespmem:$0x1CC00] =	vst v63  }
0x18: {  	_ =	swait.ge [sflag:s10], $0x2780  }
0x19: {  	[sflag:s10] =	ssyncset.done $0x0  }
0x1a: {  	[sflag:s10] =	ssyncadd.s32 $0xFFFFD880  }
0x1b: {  	[spmem:s13], [sflag:s12] =	dma.local [hbm:s7], $0x2780  }
0x1c: {  	_ =	swait.ge [sflag:s10], $0x2780  }
0x1d: {  	[sflag:s10] =	ssyncset.done $0x0  }
0x1e: {  	[sflag:s10] =	ssyncadd.s32 $0xFFFFD880  }
0x1f: {  	[bflag:$0x0] =	sbarrier.arrive $0xFFFF  }
0x20: {  	[tilespmem:s15], [sflag:$0x1] =	stream.indirect.gather [hbm4b:s4+s14], $0x80, s3, s14, $0xb8;
	[tilespmem:$0x1CC00] =	vst v63  }
0x21: {  	_ =	swait.ge [sflag:s16], $0x4000  }
0x22: {  	[sflag:s16] =	ssyncset.done $0x0  }
0x23: {  	s19 =	simm.s32 $0x2800;
	[sflag:s16] =	ssyncadd.s32 $0xFFFFC000  }
0x24: {  	[spmem:s2] =	stream.indirect.scatter.add.f32 [tilespmem:s15], [sflag:$0x2], $0x80, s19, s14, $0xb8;
	[tilespmem:$0x1CC00] =	vst v63  }
0x25: {  	_ =	swait.ge [sflag:s10], $0x4000  }
0x26: {  	[sflag:s10] =	ssyncset.done $0x0  }
0x27: {  	s20 =	simm.s32 $0x80;
	s19 =	simm.s32 $0x200;
	[sflag:s10] =	ssyncadd.s32 $0xFFFFC000  }
.LBB2_2:
0x28: {  	[tilespmem:s15], [sflag:$0x1] =	stream.indirect.gather [hbm4b:s4+s14], $0x80, s20, s14, $0xb8;
	[tilespmem:$0x1CC00] =	vst v63  }
0x29: {  	s20 =	smov.u32 s19  }
0x2a: {  	p0 =	sne.s32 s19, $0x9A00;
	s19 =	sadd.s32 $0x200, s19;
	_ =	swait.ge [sflag:s16], $0x4000  }
0x2b: {  	s20 =	sshra.s32 s20, $0x2;
	[sflag:s16] =	ssyncset.done $0x0  }
.Ltmp0:
0x2c: {  	s21 =	sadd.s32 $0x2800, s20;
	[sflag:s16] =	ssyncadd.s32 $0xFFFFC000;
	(pc) =	sbr.rel @p0 .LBB2_2-.Ltmp0, $4  }
0x2d: {  	[spmem:s2] =	stream.indirect.scatter.add.f32 [tilespmem:s15], [sflag:$0x2], $0x80, s21, s14, $0xb8;
	[tilespmem:$0x1CC00] =	vst v63  }
0x2e: {  	_ =	swait.ge [sflag:s10], $0x4000  }
0x2f: {  	[sflag:s10] =	ssyncset.done $0x0  }
0x30: {  	s20 =	sadd.s32 $0x80, s20;
	[sflag:s10] =	ssyncadd.s32 $0xFFFFC000  }
0x31: {  	[tilespmem:s15], [sflag:$0x1] =	stream.indirect.gather [hbm4b:s4+s14], $0x80, s20, s14, $0xb8;
	[tilespmem:$0x1CC00] =	vst v63  }
0x32: {  	_ =	swait.ge [sflag:s16], $0x4000  }
0x33: {  	[sflag:s16] =	ssyncset.done $0x0  }
0x34: {  	[sflag:s16] =	ssyncadd.s32 $0xFFFFC000  }
0x35: {  	[spmem:s2] =	stream.indirect.scatter.add.f32 [tilespmem:s15], [sflag:$0x2], $0x80, s17, s14, $0xb8;
	[tilespmem:$0x1CC00] =	vst v63  }
0x36: {  	_ =	swait.ge [sflag:s10], $0x4000  }
0x37: {  	s18 =	sadd.s32 $0x1, s18;
	[sflag:s10] =	ssyncset.done $0x0  }
0x38: {  	p0 =	sne.s32 s18, s9;
	[sflag:s10] =	ssyncadd.s32 $0xFFFFC000  }
.Ltmp1:
0x39: {  	[bflag:$0x0] =	sbarrier.arrive $0xFFFF;
	(pc) =	sbr.rel @p0 .LBB2_1-.Ltmp1, $4  }
0x3a: {  	[hbm:s8], [sflag:s12] =	dma.local [spmem:s13], $0x2780  }
0x3b: {  	_ =	swait.ge [sflag:s10], $0x2780  }
0x3c: {  	[sflag:s10] =	ssyncset.done $0x0  }
0x3d: {  	[sflag:s10] =	ssyncadd.s32 $0xFFFFD880  }
0x3e: {  	_ =	sfence.sel $0x180000  }
0x3f: {  	[bflag:$0x0] =	sbarrier.arrive $0xFFFF  }
0x40: {  	p0 =	sne.s32 s1, $0x0;
	_ =	strace $0x9000004A  }
0x41: {  	s0 =	sadd.s32 @!p0 $0x100000, s0;
	[bflag:$0x2] =	sbarrier.arrive $0xFFFF  }
0x42: {  	[sflag:s0] =	ssyncadd.tile.s32 @!p0 $0x1;
	_ =	shalt  }
.Lfunc_end2:
_tile_overlayer_lowered:
.L_overlay_start_2:
0x43: {  	(tag) =	ssettag $0x2  }
0x44: {  	s0 =	rddreg [dreg:$0x0];
	s2 =	stileid.u32  }
0x45: {  	s1 =	rddreg [dreg:$0x1];
	p0 =	sne.s32 s2, $0x0  }
0x46: {  	s3 =	rddreg [dreg:$0x2];
	[bflag:$0x3] =	sbarrier.arrive $0xFFFF;
	s2 =	simm.s32 @!p0 $0x1C02  }
0x47: {  	[timem:s3], [sflag:s2] =	dma.local @!p0 [hbm:s0], s1  }
0x48: {  	s0 =	simm.s32 @!p0 $0x2  }
0x49: {  	_ =	swait.ge @!p0 [sflag:s0], s1  }
0x4a: {  	s1 =	ssub.s32 @!p0 $0x0, s1;
	[sflag:s0] =	ssyncset.done @!p0 $0x0  }
0x4b: {  	[sflag:s0] =	ssyncadd.s32 @!p0 s1  }
0x4c: {  	[bflag:$0x3] =	sbarrier.arrive $0xFFFF  }
0x4d: {  	_ =	shalt  }

// kernel: kernel.32.cloned.1.call-start
scs
__scs_entry_jumppad:
0x0: {  	(pc) =	sbr.rel $0x88, $3  }
0x1: {  	(tag) =	ssettag $0x0;
	lr =	simm.s32 $0x1  }
0x2: {  	[smem:$0x3F8B] =	sst lr;
	_ =	strace $0xD0000000  }
0x3: {  	_ = 	snop  }
0x4: {  	_ = 	snop  }
0x5: {  	_ = 	snop  }
0x6: {  	_ = 	snop  }
0x7: {  	_ = 	snop  }
__scs_overlays_trampoline_lowered:
0x8: {  	[smem:$0x3F9A] =	sst s0  }
0x9: {  	[smem:$0x3F9B] =	sst s1  }
0xa: {  	[smem:$0x3F9C] =	sst s2  }
0xb: {  	[smem:$0x3F9D] =	sst s3  }
0xc: {  	[smem:$0x3F9E] =	sst s4  }
0xd: {  	[smem:$0x3F9F] =	sst s5  }
0xe: {  	[smem:$0x3FA0] =	sst s6  }
0xf: {  	[smem:$0x3FA1] =	sst s7  }
0x10: {  	[smem:$0x3FA2] =	sst s8  }
0x11: {  	[smem:$0x3FA3] =	sst s9;
	s0 =	simm.s32 @!p0 $0x0  }
0x12: {  	s1 =	sld [smem:$0x3F89];
	s0 =	simm.s32 @p0 $0x1  }
0x13: {  	[smem:$0x3FA4] =	sst s0;
	s0 =	simm.s32 @!p1 $0x0  }
0x14: {  	s2 =	sld [smem:$0x3F88];
	s0 =	simm.s32 @p1 $0x1  }
0x15: {  	[smem:$0x3FA5] =	sst s0;
	s0 =	simm.s32 @!p2 $0x0  }
0x16: {  	s3 =	sld [smem:$0x3FDB];
	s0 =	simm.s32 @p2 $0x1  }
0x17: {  	s4 =	simm.s32 $0x1BF5;
	[smem:$0x3FA7] =	sst s0  }
0x18: {  	s0 =	sld [smem:$0x3F8A];
	_ =	swait.ge [sflag:s4], $0x0  }
0x19: {  	s7 =	sld [smem:$0x3F8B]  }
0x1a: {  	s8 =	sadd.s32 $0xFFFFE003, lr  }
0x1b: {  	s9 =	sadd.s32 $0xFFFFFEF7, lr;
	s5 =	simm.s32 $0xFFFFFFFF;
	p2 =	slt.u32 s8, $0xFFFFF086  }
0x1c: {  	p1 =	slt.u32 s9, $0xF7A;
	s5 =	simm.s32 @!p2 $0x0  }
0x1d: {  	s5 =	simm.s32 @p1 $0x1;
	p0 =	seq.s32 s7, s2  }
0x1e: {  	s7 =	smul.u32 @!p0 $0xF7A, s2;
	p2 =	seq.s32 @!p0 s5, $0x0  }
0x1f: {  	s9 =	smul.u32 $0xF7A, s1;
	s8 =	simm.s32 @!p0 $0x1BF5;
	p2 =	por !p2, p0  }
0x20: {  	[sflag:s8] =	ssyncset.s32 @!p0 $0xFFFFF086;
	s6 =	sadd.s32 @!p0 s3, s7;
	s7 =	simm.s32 @!p0 $0x108  }
0x21: {  	s3 =	sadd.s32 s3, s9;
	s6 =	sadd.s32 @!p0 $0x88, s6;
	s7 =	simm.s32 @p2 $0x1082  }
0x22: {  	[simem:s7], [sflag:s8] =	dma.local @!p0 [hbm:s6], $0xF7A  }
0x23: {  	s9 =	sor.u32 $0xD0000000, s2;
	s6 =	simm.s32 $0x108;
	_ =	swait.ge @!p0 [sflag:s8], $0x0  }
0x24: {  	s3 =	sadd.s32 $0x88, s3;
	s6 =	simm.s32 @!p1 $0x1082;
	[sflag:s4] =	ssyncset.s32 $0xFFFFF086  }
0x25: {  	[simem:s6], [sflag:s4] =	dma.local [hbm:s3], $0xF7A  }
0x26: {  	[smem:$0x3F8B] =	sst s1;
	(tag) =	ssettag s2;
	_ =	strace s9  }
0x27: {  	s1 =	sld [smem:$0x3F9B]  }
0x28: {  	s2 =	sld [smem:$0x3F9C]  }
0x29: {  	s4 =	sld [smem:$0x3F9E]  }
0x2a: {  	p0 =	seq.s32 s5, $0x0;
	s5 =	sld [smem:$0x3F9F]  }
0x2b: {  	s6 =	sld [smem:$0x3FA0]  }
0x2c: {  	s7 =	sld [smem:$0x3FA1]  }
0x2d: {  	s3 =	simm.s32 $0x108;
	s8 =	sld [smem:$0x3FA2]  }
0x2e: {  	s3 =	simm.s32 @!p0 $0x1082;
	s9 =	sld [smem:$0x3FA3]  }
0x2f: {  	lr =	sadd.s32 s0, s3;
	s0 =	sld [smem:$0x3F9A]  }
0x30: {  	s3 =	sld [smem:$0x3F9D]  }
0x31: {  	[smem:$0x3FA6] =	sst s10  }
0x32: {  	s10 =	sld [smem:$0x3FA4];
	_ =	sdelay $0x3  }
0x33: {  	p0 =	seq.s32 s10, $0x1;
	s10 =	sld [smem:$0x3FA6];
	_ =	sdelay $0x3  }
0x34: {  	[smem:$0x3FA6] =	sst s10  }
0x35: {  	s10 =	sld [smem:$0x3FA5];
	_ =	sdelay $0x3  }
0x36: {  	p1 =	seq.s32 s10, $0x1;
	s10 =	sld [smem:$0x3FA6];
	_ =	sdelay $0x3  }
0x37: {  	[smem:$0x3FA6] =	sst s10  }
0x38: {  	s10 =	sld [smem:$0x3FA7]  }
0x39: {  	_ = 	snop;
	(pc) =	sbr.ind lr, $3  }
0x3a: {  	_ = 	snop  }
0x3b: {  	_ = 	snop  }
0x3c: {  	p2 =	seq.s32 s10, $0x1;
	s10 =	sld [smem:$0x3FA6]  }
0x3d: {  	_ =	shalt  }
0x3e: {  	_ =	shalt  }
0x3f: {  	_ =	shalt  }
0x40: {  	_ =	shalt  }
0x41: {  	_ =	shalt  }
0x42: {  	_ =	shalt  }
0x43: {  	_ =	shalt  }
0x44: {  	_ =	shalt  }
0x45: {  	_ =	shalt  }
0x46: {  	_ =	shalt  }
0x47: {  	_ =	shalt  }
0x48: {  	_ =	shalt  }
0x49: {  	_ =	shalt  }
0x4a: {  	_ =	shalt  }
0x4b: {  	_ =	shalt  }
0x4c: {  	_ =	shalt  }
0x4d: {  	_ =	shalt  }
0x4e: {  	_ =	shalt  }
0x4f: {  	_ =	shalt  }
0x50: {  	_ =	shalt  }
0x51: {  	_ =	shalt  }
0x52: {  	_ =	shalt  }
0x53: {  	_ =	shalt  }
0x54: {  	_ =	shalt  }
0x55: {  	_ =	shalt  }
0x56: {  	_ =	shalt  }
0x57: {  	_ =	shalt  }
0x58: {  	_ =	shalt  }
0x59: {  	_ =	shalt  }
0x5a: {  	_ =	shalt  }
0x5b: {  	_ =	shalt  }
0x5c: {  	_ =	shalt  }
0x5d: {  	_ =	shalt  }
0x5e: {  	_ =	shalt  }
0x5f: {  	_ =	shalt  }
0x60: {  	_ =	shalt  }
0x61: {  	_ =	shalt  }
0x62: {  	_ =	shalt  }
0x63: {  	_ =	shalt  }
0x64: {  	_ =	shalt  }
0x65: {  	_ =	shalt  }
0x66: {  	_ =	shalt  }
0x67: {  	_ =	shalt  }
0x68: {  	_ =	shalt  }
0x69: {  	_ =	shalt  }
0x6a: {  	_ =	shalt  }
0x6b: {  	_ =	shalt  }
0x6c: {  	_ =	shalt  }
0x6d: {  	_ =	shalt  }
0x6e: {  	_ =	shalt  }
0x6f: {  	_ =	shalt  }
0x70: {  	_ =	shalt  }
0x71: {  	_ =	shalt  }
0x72: {  	_ =	shalt  }
0x73: {  	_ =	shalt  }
0x74: {  	_ =	shalt  }
0x75: {  	_ =	shalt  }
0x76: {  	_ =	shalt  }
0x77: {  	_ =	shalt  }
0x78: {  	_ =	shalt  }
0x79: {  	_ =	shalt  }
0x7a: {  	_ =	shalt  }
0x7b: {  	_ =	shalt  }
0x7c: {  	_ =	shalt  }
0x7d: {  	_ =	shalt  }
0x7e: {  	_ =	shalt  }
0x7f: {  	_ =	shalt  }
0x80: {  	_ =	shalt  }
0x81: {  	_ =	shalt  }
0x82: {  	_ =	shalt  }
0x83: {  	_ =	shalt  }
0x84: {  	_ =	shalt  }
0x85: {  	_ =	shalt  }
0x86: {  	_ =	shalt  }
0x87: {  	_ =	shalt  }
.Lfunc_end0:
.L_simem_size_0:
called_computation.3_lowered:
.L_overlay_start_0:
0x88: {  	s2 =	sld [smem:$0x3FD9]  }
0x89: {  	s3 =	sld [smem:$0x3FFE];
	_ =	sdelay $0x1  }
0x8a: {  	s1 =	srdreg.scid  }
0x8b: {  	s0 =	sand.u32 $0x1, s1  }
0x8c: {  	s15 =	sshll.u32 s0, $0xA;
	s2 =	sadd.s32 s3, s2  }
0x8d: {  	s2 =	sadd.s32 s2, s15  }
0x8e: {  	[smem:$0x3FB2] =	sst s2  }
0x8f: {  	_ = 	snop  }
0x90: {  	s2 =	sld [smem:$0x3FD0];
	_ =	sdelay $0x2  }
0x91: {  	s4 =	simm.s32 $0xD;
	s16 =	simm.s32 $0x10  }
0x92: {  	[smem:s16], [sflag:s4] =	dma.local [hbm:s2], $0x1  }
0x93: {  	_ =	swait.eq [sflag:s4], $0x1  }
0x94: {  	[sflag:s4] =	ssyncset.done $0x0  }
0x95: {  	s17 =	sld [smem:$0x10];
	[sflag:s4] =	ssyncadd.s32 $0xFFFFFFFF  }
0x96: {  	s18 =	sld [smem:$0x11];
	(tm) =	ssettm $0x1  }
0x97: {  	s19 =	sld [smem:$0x3FFB];
	_ =	sdelay $0x3  }
0x98: {  	_ =	strace s19  }
0x99: {  	s2 =	sld [smem:$0x3FFC];
	_ =	sdelay $0x3  }
0x9a: {  	_ =	strace s2  }
0x9b: {  	s2 =	sld [smem:$0x3FFD];
	_ =	sdelay $0x3  }
0x9c: {  	_ =	strace s2  }
0x9d: {  	_ =	strace $0x8FFFFFFF  }
0x9e: {  	s20 =	sld [smem:$0x3FDB];
	_ =	sdelay $0x1  }
0x9f: {  	s5 =	simm.s32 $_scs_section_size  }
0xa0: {  	s6 =	simm.s32 $_size__tile_overlayer_lowered;
	s7 =	simm.s32 $_tile_overlayer_lowered  }
0xa1: {  	s8 =	simm.s32 $0x1BFF;
	s21 =	sshll.u32 s7, $0x1;
	s5 =	sadd.s32 s5, s20  }
0xa2: {  	s22 =	simm.s32 $0x0;
	s6 =	sshll.u32 s6, $0x1;
	s7 =	sadd.s32 s21, s5  }
0xa3: {  	[timem:s22], [sflag:s8] =	dma.local [hbm:s7], s6  }
0xa4: {  	_ =	swait.ge [sflag:s8], s6  }
0xa5: {  	s6 =	ssub.s32 $0x0, s6;
	[sflag:s8] =	ssyncset.done $0x0  }
0xa6: {  	[sflag:s8] =	ssyncadd.s32 s6;
	_ =	sdelay $0x1  }
0xa7: {  	s23 =	simm.s32 $0x1B8B  }
0xa8: {  	_ =	swait.ge [sflag:s23], $0x1  }
0xa9: {  	[sflag:s23] =	ssyncset.done $0x0  }
0xaa: {  	[sflag:s23] =	ssyncadd.s32 $0xFFFFFFFF  }
0xab: {  	s6 =	sld [smem:$0x0]  }
0xac: {  	s7 =	sand.u32 $0xFFFFFFFE, s1  }
0xad: {  	p0 =	sne.s32 s1, s7  }
0xae: {  	s7 =	sshll.u32 @p0 s7, $0xE  }
0xaf: {  	s7 =	sadd.s32 @p0 $0x11B8D, s7;
	s8 =	sshll.u32 @p0 s6, $0x11  }
0xb0: {  	s7 =	sor.u32 @p0 s8, s7  }
0xb1: {  	[sflag:s7] =	ssyncadd.remote.s32 @p0 $0x1;
	_ =	sdelay $0x1  }
0xb2: {  	s7 =	simm.s32 @p0 $0x1B8D  }
0xb3: {  	_ =	swait.eq @p0 [sflag:s7], $0x1  }
0xb4: {  	[sflag:s7] =	ssyncadd.s32 @p0 $0xFFFFFFFF  }
0xb5: {  	s8 =	sshll.u32 @!p0 s1, $0xE  }
0xb6: {  	s8 =	sor.u32 @!p0 $0x4000, s8;
	s7 =	simm.s32 @!p0 $0x1B8D  }
0xb7: {  	s6 =	sshll.u32 @!p0 s6, $0x11;
	s8 =	sadd.s32 @!p0 $0x11B8D, s8;
	_ =	swait.eq @!p0 [sflag:s7], $0x1  }
0xb8: {  	s6 =	sor.u32 @!p0 s6, s8;
	[sflag:s7] =	ssyncadd.s32 @!p0 $0xFFFFFFFF  }
0xb9: {  	s25 =	simm.s32 $0x1B8E;
	s24 =	sld [smem:$0x3FFE];
	[sflag:s6] =	ssyncadd.remote.s32 @!p0 $0x1  }
0xba: {  	s26 =	simm.s32 $execute0_lowered;
	[smem:$0x3FD2] =	sst s25  }
0xbb: {  	s7 =	sshll.u32 s26, $0x1;
	_ =	strace $0x80000058;
	[dreg:$0x1] =	wrdreg $0xFFFFFFFF  }
0xbc: {  	s28 =	simm.s32 $_size_execute0_lowered;
	s5 =	sadd.s32 s5, s7;
	[dreg:$0x0] =	wrdreg $0x0  }
0xbd: {  	s7 =	sshll.u32 s28, $0x1;
	[dreg:$0x2] =	wrdreg s5  }
0xbe: {  	[dreg:$0x3] =	wrdreg s7  }
0xbf: {  	[dreg:$0x4] =	wrdreg $0xC0  }
0xc0: {  	_ =	task [dreg:s22], $0x5FFFF  }
0xc1: {  	[dreg:$0x1] =	wrdreg $0xFFFFFFFF  }
0xc2: {  	[dreg:$0x0] =	wrdreg $0x60  }
0xc3: {  	[dreg:$0x2] =	wrdreg s24  }
0xc4: {  	[dreg:$0x3] =	wrdreg s17  }
0xc5: {  	[dreg:$0x4] =	wrdreg s18  }
0xc6: {  	[dreg:$0x5] =	wrdreg $0x90000  }
0xc7: {  	[dreg:$0x6] =	wrdreg $0xB  }
0xc8: {  	_ =	task.clear_ibuf [dreg:s22], $0x7FFFF;
	_ =	strace $0x90000058  }
0xc9: {  	s29 =	simm.s32 $0xB;
	_ =	strace $0x8000005A  }
0xca: {  	_ =	swait.ge [sflag:s29], $0x1  }
0xcb: {  	[sflag:s29] =	ssyncadd.s32 $0xFFFFFFFF  }
0xcc: {  	_ =	strace $0x9000005A  }
0xcd: {  	_ =	sfence  }
0xce: {  	s30 =	sld [smem:$0x0];
	_ =	sdelay $0x2  }
0xcf: {  	s31 =	sshll.u32 s1, $0xD;
	s1 =	sshrl.u32 s1, $0x2  }
0xd0: {  	s4 =	sand.u32 $0x4000, s31;
	s1 =	sadd.s32 s1, s30  }
0xd1: {  	s0 =	sor.u32 s4, s0;
	s1 =	sshll.u32 s1, $0x11  }
0xd2: {  	s0 =	sor.u32 s1, s0  }
0xd3: {  	s0 =	sadd.s32 $0x8F2B, s0  }
0xd4: {  	[sflag:s0] =	ssyncadd.remote.s32 $0x1  }
0xd5: {  	_ =	sfence.sel $0xFFFF  }
0xd6: {  	[dreg:$0x0] =	wrdreg $0xFFFFFFFF;
	(pc) =	sbr.abs _section_cstart, $3  }
0xd7: {  	[dreg:$0x1] =	wrdreg $0xFFFFFFFF  }
0xd8: {  	_ =	task.clear_ibuf [dreg:s22], $0x2FFFF;
	_ =	strace $0x9FFFFFFF  }
0xd9: {  	(tm) =	ssettm $0x7FFFFFFF  }
tec
execute0_lowered:
.L_overlay_start_1:
0x0: {  	(tag) =	ssettag $0x1  }
0x1: {  	s5 =	rddreg [dreg:$0x0]  }
0x2: {  	s6 =	rddreg [dreg:$0x1]  }
0x3: {  	s7 =	rddreg [dreg:$0x2]  }
0x4: {  	s2 =	rddreg [dreg:$0x3]  }
0x5: {  	s0 =	rddreg [dreg:$0x4]  }
0x6: {  	s1 =	stileid.u32;
	s4 =	srdreg.scid  }
0x7: {  	s3 =	simm.s32 $0x0;
	s14 =	simm.s32 $0x80;
	s15 =	simm.s32 $0x5000  }
0x8: {  	s16 =	simm.s32 $0x1;
	s17 =	simm.s32 $0x4F00;
	s18 =	simm.s32 $0x0  }
0x9: {  	s8 =	smul.u32 $0x13C00, s1;
	s9 =	sand.u32 $0x1, s4;
	[smem:$0x7FF] =	sst s3  }
0xa: {  	s4 =	sadd.s32 $0x83800, s5;
	s29 =	smul.u32 $0x4F000, s1;
	s31 =	sshll.u32 s1, $0x6  }
0xb: {  	s10 =	smul.u32 $0x13C000, s9;
	s11 =	sshll.u32 s9, $0x4;
	_ =	strace $0x80000059  }
0xc: {  	s9 =	ssub.s32 $0x2, s9;
	s11 =	sor.u32 s1, s11;
	s12 =	sshrl.u32 s8, $0x3  }
0xd: {  	s30 =	sshrl.u32 s9, $0x1;
	s8 =	sadd.s32 s8, s10;
	s28 =	smul.u32 $0x500, s11  }
0xe: {  	s12 =	sadd.s32 s12, s5;
	s9 =	ssub.s32 s9, s30;
	s11 =	sshrl.u32 s29, $0x2  }
0xf: {  	s10 =	simm.s32 $0x2;
	s8 =	sshrl.u32 s8, $0x3;
	s13 =	sadd.s32 s11, s2  }
0x10: {  	s9 =	smax.u32 s9, $0x1;
	s11 =	simm.s32 $0x2800;
	s8 =	sadd.s32 s8, s5  }
0x11: {  	s5 =	sadd.s32 s6, s28;
	s6 =	sadd.s32 s7, s28;
	s7 =	sadd.s32 $0xAAA00, s12  }
0x12: {  	s12 =	sor.u32 $0x1C02, s31;
	s13 =	sshrl.u32 s13, $0x3;
	s8 =	sadd.s32 $0x20E200, s8  }
.LBB2_1:
0x13: {  	[tilespmem:s3], [sflag:$0x2] =	stream.linear.gather [hbm4b:s5+s3], $0x2780, $0x38;
	[tilespmem:$0x1CC00] =	vst v63  }
0x14: {  	_ =	swait.ge [sflag:s10], $0x2780  }
0x15: {  	[sflag:s10] =	ssyncset.done $0x0  }
0x16: {  	[sflag:s10] =	ssyncadd.s32 $0xFFFFD880  }
0x17: {  	[tilespmem:s11], [sflag:$0x2] =	stream.linear.gather [hbm4b:s6+s3], $0x2780, $0x38;
	[tilespmem:$0x1CC00] =	vst v63  }
0x18: {  	_ =	swait.ge [sflag:s10], $0x2780  }
0x19: {  	[sflag:s10] =	ssyncset.done $0x0  }
0x1a: {  	[sflag:s10] =	ssyncadd.s32 $0xFFFFD880  }
0x1b: {  	[spmem:s13], [sflag:s12] =	dma.local [hbm:s7], $0x2780  }
0x1c: {  	_ =	swait.ge [sflag:s10], $0x2780  }
0x1d: {  	[sflag:s10] =	ssyncset.done $0x0  }
0x1e: {  	[sflag:s10] =	ssyncadd.s32 $0xFFFFD880  }
0x1f: {  	[bflag:$0x0] =	sbarrier.arrive $0xFFFF  }
0x20: {  	[tilespmem:s15], [sflag:$0x1] =	stream.indirect.gather [hbm4b:s4+s14], $0x80, s3, s14, $0xb8;
	[tilespmem:$0x1CC00] =	vst v63  }
0x21: {  	_ =	swait.ge [sflag:s16], $0x4000  }
0x22: {  	[sflag:s16] =	ssyncset.done $0x0  }
0x23: {  	s19 =	simm.s32 $0x2800;
	[sflag:s16] =	ssyncadd.s32 $0xFFFFC000  }
0x24: {  	[spmem:s2] =	stream.indirect.scatter.add.f32 [tilespmem:s15], [sflag:$0x2], $0x80, s19, s14, $0xb8;
	[tilespmem:$0x1CC00] =	vst v63  }
0x25: {  	_ =	swait.ge [sflag:s10], $0x4000  }
0x26: {  	[sflag:s10] =	ssyncset.done $0x0  }
0x27: {  	s20 =	simm.s32 $0x80;
	s19 =	simm.s32 $0x200;
	[sflag:s10] =	ssyncadd.s32 $0xFFFFC000  }
.LBB2_2:
0x28: {  	[tilespmem:s15], [sflag:$0x1] =	stream.indirect.gather [hbm4b:s4+s14], $0x80, s20, s14, $0xb8;
	[tilespmem:$0x1CC00] =	vst v63  }
0x29: {  	s20 =	smov.u32 s19  }
0x2a: {  	p0 =	sne.s32 s19, $0x9A00;
	s19 =	sadd.s32 $0x200, s19;
	_ =	swait.ge [sflag:s16], $0x4000  }
0x2b: {  	s20 =	sshra.s32 s20, $0x2;
	[sflag:s16] =	ssyncset.done $0x0  }
.Ltmp0:
0x2c: {  	s21 =	sadd.s32 $0x2800, s20;
	[sflag:s16] =	ssyncadd.s32 $0xFFFFC000;
	(pc) =	sbr.rel @p0 .LBB2_2-.Ltmp0, $4  }
0x2d: {  	[spmem:s2] =	stream.indirect.scatter.add.f32 [tilespmem:s15], [sflag:$0x2], $0x80, s21, s14, $0xb8;
	[tilespmem:$0x1CC00] =	vst v63  }
0x2e: {  	_ =	swait.ge [sflag:s10], $0x4000  }
0x2f: {  	[sflag:s10] =	ssyncset.done $0x0  }
0x30: {  	s20 =	sadd.s32 $0x80, s20;
	[sflag:s10] =	ssyncadd.s32 $0xFFFFC000  }
0x31: {  	[tilespmem:s15], [sflag:$0x1] =	stream.indirect.gather [hbm4b:s4+s14], $0x80, s20, s14, $0xb8;
	[tilespmem:$0x1CC00] =	vst v63  }
0x32: {  	_ =	swait.ge [sflag:s16], $0x4000  }
0x33: {  	[sflag:s16] =	ssyncset.done $0x0  }
0x34: {  	[sflag:s16] =	ssyncadd.s32 $0xFFFFC000  }
0x35: {  	[spmem:s2] =	stream.indirect.scatter.add.f32 [tilespmem:s15], [sflag:$0x2], $0x80, s17, s14, $0xb8;
	[tilespmem:$0x1CC00] =	vst v63  }
0x36: {  	_ =	swait.ge [sflag:s10], $0x4000  }
0x37: {  	s18 =	sadd.s32 $0x1, s18;
	[sflag:s10] =	ssyncset.done $0x0  }
0x38: {  	p0 =	sne.s32 s18, s9;
	[sflag:s10] =	ssyncadd.s32 $0xFFFFC000  }
.Ltmp1:
0x39: {  	[bflag:$0x0] =	sbarrier.arrive $0xFFFF;
	(pc) =	sbr.rel @p0 .LBB2_1-.Ltmp1, $4  }
0x3a: {  	[hbm:s8], [sflag:s12] =	dma.local [spmem:s13], $0x2780  }
0x3b: {  	_ =	swait.ge [sflag:s10], $0x2780  }
0x3c: {  	[sflag:s10] =	ssyncset.done $0x0  }
0x3d: {  	[sflag:s10] =	ssyncadd.s32 $0xFFFFD880  }
0x3e: {  	_ =	sfence.sel $0x180000  }
0x3f: {  	[bflag:$0x0] =	sbarrier.arrive $0xFFFF  }
0x40: {  	p0 =	sne.s32 s1, $0x0;
	_ =	strace $0x90000059  }
0x41: {  	s0 =	sadd.s32 @!p0 $0x100000, s0;
	[bflag:$0x2] =	sbarrier.arrive $0xFFFF  }
0x42: {  	[sflag:s0] =	ssyncadd.tile.s32 @!p0 $0x1;
	_ =	shalt  }
.Lfunc_end2:
_tile_overlayer_lowered:
.L_overlay_start_2:
0x43: {  	(tag) =	ssettag $0x2  }
0x44: {  	s0 =	rddreg [dreg:$0x0];
	s2 =	stileid.u32  }
0x45: {  	s1 =	rddreg [dreg:$0x1];
	p0 =	sne.s32 s2, $0x0  }
0x46: {  	s3 =	rddreg [dreg:$0x2];
	[bflag:$0x3] =	sbarrier.arrive $0xFFFF;
	s2 =	simm.s32 @!p0 $0x1C02  }
0x47: {  	[timem:s3], [sflag:s2] =	dma.local @!p0 [hbm:s0], s1  }
0x48: {  	s0 =	simm.s32 @!p0 $0x2  }
0x49: {  	_ =	swait.ge @!p0 [sflag:s0], s1  }
0x4a: {  	s1 =	ssub.s32 @!p0 $0x0, s1;
	[sflag:s0] =	ssyncset.done @!p0 $0x0  }
0x4b: {  	[sflag:s0] =	ssyncadd.s32 @!p0 s1  }
0x4c: {  	[bflag:$0x3] =	sbarrier.arrive $0xFFFF  }
0x4d: {  	_ =	shalt  }

// kernel: kernel.35.cloned.1.call-start
scs
__scs_entry_jumppad:
0x0: {  	(pc) =	sbr.rel $0x88, $3  }
0x1: {  	(tag) =	ssettag $0x0;
	lr =	simm.s32 $0x1  }
0x2: {  	[smem:$0x3F8B] =	sst lr;
	_ =	strace $0xD0000000  }
0x3: {  	_ = 	snop  }
0x4: {  	_ = 	snop  }
0x5: {  	_ = 	snop  }
0x6: {  	_ = 	snop  }
0x7: {  	_ = 	snop  }
__scs_overlays_trampoline_lowered:
0x8: {  	[smem:$0x3F9A] =	sst s0  }
0x9: {  	[smem:$0x3F9B] =	sst s1  }
0xa: {  	[smem:$0x3F9C] =	sst s2  }
0xb: {  	[smem:$0x3F9D] =	sst s3  }
0xc: {  	[smem:$0x3F9E] =	sst s4  }
0xd: {  	[smem:$0x3F9F] =	sst s5  }
0xe: {  	[smem:$0x3FA0] =	sst s6  }
0xf: {  	[smem:$0x3FA1] =	sst s7  }
0x10: {  	[smem:$0x3FA2] =	sst s8  }
0x11: {  	[smem:$0x3FA3] =	sst s9;
	s0 =	simm.s32 @!p0 $0x0  }
0x12: {  	s1 =	sld [smem:$0x3F89];
	s0 =	simm.s32 @p0 $0x1  }
0x13: {  	[smem:$0x3FA4] =	sst s0;
	s0 =	simm.s32 @!p1 $0x0  }
0x14: {  	s2 =	sld [smem:$0x3F88];
	s0 =	simm.s32 @p1 $0x1  }
0x15: {  	[smem:$0x3FA5] =	sst s0;
	s0 =	simm.s32 @!p2 $0x0  }
0x16: {  	s3 =	sld [smem:$0x3FDB];
	s0 =	simm.s32 @p2 $0x1  }
0x17: {  	s4 =	simm.s32 $0x1BF5;
	[smem:$0x3FA7] =	sst s0  }
0x18: {  	s0 =	sld [smem:$0x3F8A];
	_ =	swait.ge [sflag:s4], $0x0  }
0x19: {  	s7 =	sld [smem:$0x3F8B]  }
0x1a: {  	s8 =	sadd.s32 $0xFFFFE003, lr  }
0x1b: {  	s9 =	sadd.s32 $0xFFFFFEF7, lr;
	s5 =	simm.s32 $0xFFFFFFFF;
	p2 =	slt.u32 s8, $0xFFFFF086  }
0x1c: {  	p1 =	slt.u32 s9, $0xF7A;
	s5 =	simm.s32 @!p2 $0x0  }
0x1d: {  	s5 =	simm.s32 @p1 $0x1;
	p0 =	seq.s32 s7, s2  }
0x1e: {  	s7 =	smul.u32 @!p0 $0xF7A, s2;
	p2 =	seq.s32 @!p0 s5, $0x0  }
0x1f: {  	s9 =	smul.u32 $0xF7A, s1;
	s8 =	simm.s32 @!p0 $0x1BF5;
	p2 =	por !p2, p0  }
0x20: {  	[sflag:s8] =	ssyncset.s32 @!p0 $0xFFFFF086;
	s6 =	sadd.s32 @!p0 s3, s7;
	s7 =	simm.s32 @!p0 $0x108  }
0x21: {  	s3 =	sadd.s32 s3, s9;
	s6 =	sadd.s32 @!p0 $0x88, s6;
	s7 =	simm.s32 @p2 $0x1082  }
0x22: {  	[simem:s7], [sflag:s8] =	dma.local @!p0 [hbm:s6], $0xF7A  }
0x23: {  	s9 =	sor.u32 $0xD0000000, s2;
	s6 =	simm.s32 $0x108;
	_ =	swait.ge @!p0 [sflag:s8], $0x0  }
0x24: {  	s3 =	sadd.s32 $0x88, s3;
	s6 =	simm.s32 @!p1 $0x1082;
	[sflag:s4] =	ssyncset.s32 $0xFFFFF086  }
0x25: {  	[simem:s6], [sflag:s4] =	dma.local [hbm:s3], $0xF7A  }
0x26: {  	[smem:$0x3F8B] =	sst s1;
	(tag) =	ssettag s2;
	_ =	strace s9  }
0x27: {  	s1 =	sld [smem:$0x3F9B]  }
0x28: {  	s2 =	sld [smem:$0x3F9C]  }
0x29: {  	s4 =	sld [smem:$0x3F9E]  }
0x2a: {  	p0 =	seq.s32 s5, $0x0;
	s5 =	sld [smem:$0x3F9F]  }
0x2b: {  	s6 =	sld [smem:$0x3FA0]  }
0x2c: {  	s7 =	sld [smem:$0x3FA1]  }
0x2d: {  	s3 =	simm.s32 $0x108;
	s8 =	sld [smem:$0x3FA2]  }
0x2e: {  	s3 =	simm.s32 @!p0 $0x1082;
	s9 =	sld [smem:$0x3FA3]  }
0x2f: {  	lr =	sadd.s32 s0, s3;
	s0 =	sld [smem:$0x3F9A]  }
0x30: {  	s3 =	sld [smem:$0x3F9D]  }
0x31: {  	[smem:$0x3FA6] =	sst s10  }
0x32: {  	s10 =	sld [smem:$0x3FA4];
	_ =	sdelay $0x3  }
0x33: {  	p0 =	seq.s32 s10, $0x1;
	s10 =	sld [smem:$0x3FA6];
	_ =	sdelay $0x3  }
0x34: {  	[smem:$0x3FA6] =	sst s10  }
0x35: {  	s10 =	sld [smem:$0x3FA5];
	_ =	sdelay $0x3  }
0x36: {  	p1 =	seq.s32 s10, $0x1;
	s10 =	sld [smem:$0x3FA6];
	_ =	sdelay $0x3  }
0x37: {  	[smem:$0x3FA6] =	sst s10  }
0x38: {  	s10 =	sld [smem:$0x3FA7]  }
0x39: {  	_ = 	snop;
	(pc) =	sbr.ind lr, $3  }
0x3a: {  	_ = 	snop  }
0x3b: {  	_ = 	snop  }
0x3c: {  	p2 =	seq.s32 s10, $0x1;
	s10 =	sld [smem:$0x3FA6]  }
0x3d: {  	_ =	shalt  }
0x3e: {  	_ =	shalt  }
0x3f: {  	_ =	shalt  }
0x40: {  	_ =	shalt  }
0x41: {  	_ =	shalt  }
0x42: {  	_ =	shalt  }
0x43: {  	_ =	shalt  }
0x44: {  	_ =	shalt  }
0x45: {  	_ =	shalt  }
0x46: {  	_ =	shalt  }
0x47: {  	_ =	shalt  }
0x48: {  	_ =	shalt  }
0x49: {  	_ =	shalt  }
0x4a: {  	_ =	shalt  }
0x4b: {  	_ =	shalt  }
0x4c: {  	_ =	shalt  }
0x4d: {  	_ =	shalt  }
0x4e: {  	_ =	shalt  }
0x4f: {  	_ =	shalt  }
0x50: {  	_ =	shalt  }
0x51: {  	_ =	shalt  }
0x52: {  	_ =	shalt  }
0x53: {  	_ =	shalt  }
0x54: {  	_ =	shalt  }
0x55: {  	_ =	shalt  }
0x56: {  	_ =	shalt  }
0x57: {  	_ =	shalt  }
0x58: {  	_ =	shalt  }
0x59: {  	_ =	shalt  }
0x5a: {  	_ =	shalt  }
0x5b: {  	_ =	shalt  }
0x5c: {  	_ =	shalt  }
0x5d: {  	_ =	shalt  }
0x5e: {  	_ =	shalt  }
0x5f: {  	_ =	shalt  }
0x60: {  	_ =	shalt  }
0x61: {  	_ =	shalt  }
0x62: {  	_ =	shalt  }
0x63: {  	_ =	shalt  }
0x64: {  	_ =	shalt  }
0x65: {  	_ =	shalt  }
0x66: {  	_ =	shalt  }
0x67: {  	_ =	shalt  }
0x68: {  	_ =	shalt  }
0x69: {  	_ =	shalt  }
0x6a: {  	_ =	shalt  }
0x6b: {  	_ =	shalt  }
0x6c: {  	_ =	shalt  }
0x6d: {  	_ =	shalt  }
0x6e: {  	_ =	shalt  }
0x6f: {  	_ =	shalt  }
0x70: {  	_ =	shalt  }
0x71: {  	_ =	shalt  }
0x72: {  	_ =	shalt  }
0x73: {  	_ =	shalt  }
0x74: {  	_ =	shalt  }
0x75: {  	_ =	shalt  }
0x76: {  	_ =	shalt  }
0x77: {  	_ =	shalt  }
0x78: {  	_ =	shalt  }
0x79: {  	_ =	shalt  }
0x7a: {  	_ =	shalt  }
0x7b: {  	_ =	shalt  }
0x7c: {  	_ =	shalt  }
0x7d: {  	_ =	shalt  }
0x7e: {  	_ =	shalt  }
0x7f: {  	_ =	shalt  }
0x80: {  	_ =	shalt  }
0x81: {  	_ =	shalt  }
0x82: {  	_ =	shalt  }
0x83: {  	_ =	shalt  }
0x84: {  	_ =	shalt  }
0x85: {  	_ =	shalt  }
0x86: {  	_ =	shalt  }
0x87: {  	_ =	shalt  }
.Lfunc_end0:
.L_simem_size_0:
called_computation.4_lowered:
.L_overlay_start_0:
0x88: {  	s2 =	sld [smem:$0x3FD9]  }
0x89: {  	s3 =	sld [smem:$0x3FFE];
	_ =	sdelay $0x1  }
0x8a: {  	s1 =	srdreg.scid  }
0x8b: {  	s0 =	sand.u32 $0x1, s1  }
0x8c: {  	s15 =	sshll.u32 s0, $0xA;
	s2 =	sadd.s32 s3, s2  }
0x8d: {  	s2 =	sadd.s32 s2, s15  }
0x8e: {  	[smem:$0x3FB2] =	sst s2  }
0x8f: {  	_ = 	snop  }
0x90: {  	s2 =	sld [smem:$0x3FD0];
	_ =	sdelay $0x2  }
0x91: {  	s4 =	simm.s32 $0xD;
	s16 =	simm.s32 $0x10  }
0x92: {  	[smem:s16], [sflag:s4] =	dma.local [hbm:s2], $0x1  }
0x93: {  	_ =	swait.eq [sflag:s4], $0x1  }
0x94: {  	[sflag:s4] =	ssyncset.done $0x0  }
0x95: {  	s17 =	sld [smem:$0x10];
	[sflag:s4] =	ssyncadd.s32 $0xFFFFFFFF  }
0x96: {  	s18 =	sld [smem:$0x11];
	(tm) =	ssettm $0x1  }
0x97: {  	s19 =	sld [smem:$0x3FFB];
	_ =	sdelay $0x3  }
0x98: {  	_ =	strace s19  }
0x99: {  	s2 =	sld [smem:$0x3FFC];
	_ =	sdelay $0x3  }
0x9a: {  	_ =	strace s2  }
0x9b: {  	s2 =	sld [smem:$0x3FFD];
	_ =	sdelay $0x3  }
0x9c: {  	_ =	strace s2  }
0x9d: {  	_ =	strace $0x8FFFFFFF  }
0x9e: {  	s20 =	sld [smem:$0x3FDB];
	_ =	sdelay $0x1  }
0x9f: {  	s5 =	simm.s32 $_scs_section_size  }
0xa0: {  	s6 =	simm.s32 $_size__tile_overlayer_lowered;
	s7 =	simm.s32 $_tile_overlayer_lowered  }
0xa1: {  	s8 =	simm.s32 $0x1BFF;
	s21 =	sshll.u32 s7, $0x1;
	s5 =	sadd.s32 s5, s20  }
0xa2: {  	s22 =	simm.s32 $0x0;
	s6 =	sshll.u32 s6, $0x1;
	s7 =	sadd.s32 s21, s5  }
0xa3: {  	[timem:s22], [sflag:s8] =	dma.local [hbm:s7], s6  }
0xa4: {  	_ =	swait.ge [sflag:s8], s6  }
0xa5: {  	s6 =	ssub.s32 $0x0, s6;
	[sflag:s8] =	ssyncset.done $0x0  }
0xa6: {  	[sflag:s8] =	ssyncadd.s32 s6;
	_ =	sdelay $0x1  }
0xa7: {  	s23 =	simm.s32 $0x1B8B  }
0xa8: {  	_ =	swait.ge [sflag:s23], $0x1  }
0xa9: {  	[sflag:s23] =	ssyncset.done $0x0  }
0xaa: {  	[sflag:s23] =	ssyncadd.s32 $0xFFFFFFFF  }
0xab: {  	s6 =	sld [smem:$0x0]  }
0xac: {  	s7 =	sand.u32 $0xFFFFFFFE, s1  }
0xad: {  	p0 =	sne.s32 s1, s7  }
0xae: {  	s7 =	sshll.u32 @p0 s7, $0xE  }
0xaf: {  	s7 =	sadd.s32 @p0 $0x11B8D, s7;
	s8 =	sshll.u32 @p0 s6, $0x11  }
0xb0: {  	s7 =	sor.u32 @p0 s8, s7  }
0xb1: {  	[sflag:s7] =	ssyncadd.remote.s32 @p0 $0x1;
	_ =	sdelay $0x1  }
0xb2: {  	s7 =	simm.s32 @p0 $0x1B8D  }
0xb3: {  	_ =	swait.eq @p0 [sflag:s7], $0x1  }
0xb4: {  	[sflag:s7] =	ssyncadd.s32 @p0 $0xFFFFFFFF  }
0xb5: {  	s8 =	sshll.u32 @!p0 s1, $0xE  }
0xb6: {  	s8 =	sor.u32 @!p0 $0x4000, s8;
	s7 =	simm.s32 @!p0 $0x1B8D  }
0xb7: {  	s6 =	sshll.u32 @!p0 s6, $0x11;
	s8 =	sadd.s32 @!p0 $0x11B8D, s8;
	_ =	swait.eq @!p0 [sflag:s7], $0x1  }
0xb8: {  	s6 =	sor.u32 @!p0 s6, s8;
	[sflag:s7] =	ssyncadd.s32 @!p0 $0xFFFFFFFF  }
0xb9: {  	s25 =	simm.s32 $0x1B8E;
	s24 =	sld [smem:$0x3FFE];
	[sflag:s6] =	ssyncadd.remote.s32 @!p0 $0x1  }
0xba: {  	s26 =	simm.s32 $execute0_lowered;
	[smem:$0x3FD2] =	sst s25  }
0xbb: {  	s7 =	sshll.u32 s26, $0x1;
	_ =	strace $0x80000055;
	[dreg:$0x1] =	wrdreg $0xFFFFFFFF  }
0xbc: {  	s28 =	simm.s32 $_size_execute0_lowered;
	s5 =	sadd.s32 s5, s7;
	[dreg:$0x0] =	wrdreg $0x0  }
0xbd: {  	s7 =	sshll.u32 s28, $0x1;
	[dreg:$0x2] =	wrdreg s5  }
0xbe: {  	[dreg:$0x3] =	wrdreg s7  }
0xbf: {  	[dreg:$0x4] =	wrdreg $0xC0  }
0xc0: {  	_ =	task [dreg:s22], $0x5FFFF  }
0xc1: {  	[dreg:$0x1] =	wrdreg $0xFFFFFFFF  }
0xc2: {  	[dreg:$0x0] =	wrdreg $0x60  }
0xc3: {  	[dreg:$0x2] =	wrdreg s24  }
0xc4: {  	[dreg:$0x3] =	wrdreg s17  }
0xc5: {  	[dreg:$0x4] =	wrdreg s18  }
0xc6: {  	[dreg:$0x5] =	wrdreg $0x90000  }
0xc7: {  	[dreg:$0x6] =	wrdreg $0xC  }
0xc8: {  	_ =	task.clear_ibuf [dreg:s22], $0x7FFFF;
	_ =	strace $0x90000055  }
0xc9: {  	s29 =	simm.s32 $0xC;
	_ =	strace $0x80000057  }
0xca: {  	_ =	swait.ge [sflag:s29], $0x1  }
0xcb: {  	[sflag:s29] =	ssyncadd.s32 $0xFFFFFFFF  }
0xcc: {  	_ =	strace $0x90000057  }
0xcd: {  	_ =	sfence  }
0xce: {  	s30 =	sld [smem:$0x0];
	_ =	sdelay $0x2  }
0xcf: {  	s31 =	sshll.u32 s1, $0xD;
	s1 =	sshrl.u32 s1, $0x2  }
0xd0: {  	s4 =	sand.u32 $0x4000, s31;
	s1 =	sadd.s32 s1, s30  }
0xd1: {  	s0 =	sor.u32 s4, s0;
	s1 =	sshll.u32 s1, $0x11  }
0xd2: {  	s0 =	sor.u32 s1, s0  }
0xd3: {  	s0 =	sadd.s32 $0x8F2B, s0  }
0xd4: {  	[sflag:s0] =	ssyncadd.remote.s32 $0x1  }
0xd5: {  	_ =	sfence.sel $0xFFFF  }
0xd6: {  	[dreg:$0x0] =	wrdreg $0xFFFFFFFF;
	(pc) =	sbr.abs _section_cstart, $3  }
0xd7: {  	[dreg:$0x1] =	wrdreg $0xFFFFFFFF  }
0xd8: {  	_ =	task.clear_ibuf [dreg:s22], $0x2FFFF;
	_ =	strace $0x9FFFFFFF  }
0xd9: {  	(tm) =	ssettm $0x7FFFFFFF  }
tec
execute0_lowered:
.L_overlay_start_1:
0x0: {  	(tag) =	ssettag $0x1  }
0x1: {  	s5 =	rddreg [dreg:$0x0]  }
0x2: {  	s6 =	rddreg [dreg:$0x1]  }
0x3: {  	s7 =	rddreg [dreg:$0x2]  }
0x4: {  	s2 =	rddreg [dreg:$0x3]  }
0x5: {  	s0 =	rddreg [dreg:$0x4]  }
0x6: {  	s1 =	stileid.u32;
	s4 =	srdreg.scid  }
0x7: {  	s3 =	simm.s32 $0x0;
	s14 =	simm.s32 $0x80;
	s15 =	simm.s32 $0x5000  }
0x8: {  	s16 =	simm.s32 $0x1;
	s17 =	simm.s32 $0x4F00;
	s18 =	simm.s32 $0x0  }
0x9: {  	s8 =	smul.u32 $0x13C00, s1;
	s9 =	sand.u32 $0x1, s4;
	[smem:$0x7FF] =	sst s3  }
0xa: {  	s4 =	sadd.s32 $0xF9400, s5;
	s29 =	smul.u32 $0x4F000, s1;
	s31 =	sshll.u32 s1, $0x6  }
0xb: {  	s10 =	smul.u32 $0x13C000, s9;
	s11 =	sshll.u32 s9, $0x4;
	_ =	strace $0x80000056  }
0xc: {  	s9 =	ssub.s32 $0x2, s9;
	s11 =	sor.u32 s1, s11;
	s12 =	sshrl.u32 s8, $0x3  }
0xd: {  	s30 =	sshrl.u32 s9, $0x1;
	s8 =	sadd.s32 s8, s10;
	s28 =	smul.u32 $0x500, s11  }
0xe: {  	s12 =	sadd.s32 s12, s5;
	s9 =	ssub.s32 s9, s30;
	s11 =	sshrl.u32 s29, $0x2  }
0xf: {  	s10 =	simm.s32 $0x2;
	s8 =	sshrl.u32 s8, $0x3;
	s13 =	sadd.s32 s11, s2  }
0x10: {  	s9 =	smax.u32 s9, $0x1;
	s11 =	simm.s32 $0x2800;
	s8 =	sadd.s32 s8, s5  }
0x11: {  	s5 =	sadd.s32 s6, s28;
	s6 =	sadd.s32 s7, s28;
	s7 =	sadd.s32 $0xAAA00, s12  }
0x12: {  	s12 =	sor.u32 $0x1C02, s31;
	s13 =	sshrl.u32 s13, $0x3;
	s8 =	sadd.s32 $0x120600, s8  }
.LBB2_1:
0x13: {  	[tilespmem:s3], [sflag:$0x2] =	stream.linear.gather [hbm4b:s5+s3], $0x2780, $0x38;
	[tilespmem:$0x1CC00] =	vst v63  }
0x14: {  	_ =	swait.ge [sflag:s10], $0x2780  }
0x15: {  	[sflag:s10] =	ssyncset.done $0x0  }
0x16: {  	[sflag:s10] =	ssyncadd.s32 $0xFFFFD880  }
0x17: {  	[tilespmem:s11], [sflag:$0x2] =	stream.linear.gather [hbm4b:s6+s3], $0x2780, $0x38;
	[tilespmem:$0x1CC00] =	vst v63  }
0x18: {  	_ =	swait.ge [sflag:s10], $0x2780  }
0x19: {  	[sflag:s10] =	ssyncset.done $0x0  }
0x1a: {  	[sflag:s10] =	ssyncadd.s32 $0xFFFFD880  }
0x1b: {  	[spmem:s13], [sflag:s12] =	dma.local [hbm:s7], $0x2780  }
0x1c: {  	_ =	swait.ge [sflag:s10], $0x2780  }
0x1d: {  	[sflag:s10] =	ssyncset.done $0x0  }
0x1e: {  	[sflag:s10] =	ssyncadd.s32 $0xFFFFD880  }
0x1f: {  	[bflag:$0x0] =	sbarrier.arrive $0xFFFF  }
0x20: {  	[tilespmem:s15], [sflag:$0x1] =	stream.indirect.gather [hbm4b:s4+s14], $0x80, s3, s14, $0xb8;
	[tilespmem:$0x1CC00] =	vst v63  }
0x21: {  	_ =	swait.ge [sflag:s16], $0x4000  }
0x22: {  	[sflag:s16] =	ssyncset.done $0x0  }
0x23: {  	s19 =	simm.s32 $0x2800;
	[sflag:s16] =	ssyncadd.s32 $0xFFFFC000  }
0x24: {  	[spmem:s2] =	stream.indirect.scatter.add.f32 [tilespmem:s15], [sflag:$0x2], $0x80, s19, s14, $0xb8;
	[tilespmem:$0x1CC00] =	vst v63  }
0x25: {  	_ =	swait.ge [sflag:s10], $0x4000  }
0x26: {  	[sflag:s10] =	ssyncset.done $0x0  }
0x27: {  	s20 =	simm.s32 $0x80;
	s19 =	simm.s32 $0x200;
	[sflag:s10] =	ssyncadd.s32 $0xFFFFC000  }
.LBB2_2:
0x28: {  	[tilespmem:s15], [sflag:$0x1] =	stream.indirect.gather [hbm4b:s4+s14], $0x80, s20, s14, $0xb8;
	[tilespmem:$0x1CC00] =	vst v63  }
0x29: {  	s20 =	smov.u32 s19  }
0x2a: {  	p0 =	sne.s32 s19, $0x9A00;
	s19 =	sadd.s32 $0x200, s19;
	_ =	swait.ge [sflag:s16], $0x4000  }
0x2b: {  	s20 =	sshra.s32 s20, $0x2;
	[sflag:s16] =	ssyncset.done $0x0  }
.Ltmp0:
0x2c: {  	s21 =	sadd.s32 $0x2800, s20;
	[sflag:s16] =	ssyncadd.s32 $0xFFFFC000;
	(pc) =	sbr.rel @p0 .LBB2_2-.Ltmp0, $4  }
0x2d: {  	[spmem:s2] =	stream.indirect.scatter.add.f32 [tilespmem:s15], [sflag:$0x2], $0x80, s21, s14, $0xb8;
	[tilespmem:$0x1CC00] =	vst v63  }
0x2e: {  	_ =	swait.ge [sflag:s10], $0x4000  }
0x2f: {  	[sflag:s10] =	ssyncset.done $0x0  }
0x30: {  	s20 =	sadd.s32 $0x80, s20;
	[sflag:s10] =	ssyncadd.s32 $0xFFFFC000  }
0x31: {  	[tilespmem:s15], [sflag:$0x1] =	stream.indirect.gather [hbm4b:s4+s14], $0x80, s20, s14, $0xb8;
	[tilespmem:$0x1CC00] =	vst v63  }
0x32: {  	_ =	swait.ge [sflag:s16], $0x4000  }
0x33: {  	[sflag:s16] =	ssyncset.done $0x0  }
0x34: {  	[sflag:s16] =	ssyncadd.s32 $0xFFFFC000  }
0x35: {  	[spmem:s2] =	stream.indirect.scatter.add.f32 [tilespmem:s15], [sflag:$0x2], $0x80, s17, s14, $0xb8;
	[tilespmem:$0x1CC00] =	vst v63  }
0x36: {  	_ =	swait.ge [sflag:s10], $0x4000  }
0x37: {  	s18 =	sadd.s32 $0x1, s18;
	[sflag:s10] =	ssyncset.done $0x0  }
0x38: {  	p0 =	sne.s32 s18, s9;
	[sflag:s10] =	ssyncadd.s32 $0xFFFFC000  }
.Ltmp1:
0x39: {  	[bflag:$0x0] =	sbarrier.arrive $0xFFFF;
	(pc) =	sbr.rel @p0 .LBB2_1-.Ltmp1, $4  }
0x3a: {  	[hbm:s8], [sflag:s12] =	dma.local [spmem:s13], $0x2780  }
0x3b: {  	_ =	swait.ge [sflag:s10], $0x2780  }
0x3c: {  	[sflag:s10] =	ssyncset.done $0x0  }
0x3d: {  	[sflag:s10] =	ssyncadd.s32 $0xFFFFD880  }
0x3e: {  	_ =	sfence.sel $0x180000  }
0x3f: {  	[bflag:$0x0] =	sbarrier.arrive $0xFFFF  }
0x40: {  	p0 =	sne.s32 s1, $0x0;
	_ =	strace $0x90000056  }
0x41: {  	s0 =	sadd.s32 @!p0 $0x100000, s0;
	[bflag:$0x2] =	sbarrier.arrive $0xFFFF  }
0x42: {  	[sflag:s0] =	ssyncadd.tile.s32 @!p0 $0x1;
	_ =	shalt  }
.Lfunc_end2:
_tile_overlayer_lowered:
.L_overlay_start_2:
0x43: {  	(tag) =	ssettag $0x2  }
0x44: {  	s0 =	rddreg [dreg:$0x0];
	s2 =	stileid.u32  }
0x45: {  	s1 =	rddreg [dreg:$0x1];
	p0 =	sne.s32 s2, $0x0  }
0x46: {  	s3 =	rddreg [dreg:$0x2];
	[bflag:$0x3] =	sbarrier.arrive $0xFFFF;
	s2 =	simm.s32 @!p0 $0x1C02  }
0x47: {  	[timem:s3], [sflag:s2] =	dma.local @!p0 [hbm:s0], s1  }
0x48: {  	s0 =	simm.s32 @!p0 $0x2  }
0x49: {  	_ =	swait.ge @!p0 [sflag:s0], s1  }
0x4a: {  	s1 =	ssub.s32 @!p0 $0x0, s1;
	[sflag:s0] =	ssyncset.done @!p0 $0x0  }
0x4b: {  	[sflag:s0] =	ssyncadd.s32 @!p0 s1  }
0x4c: {  	[bflag:$0x3] =	sbarrier.arrive $0xFFFF  }
0x4d: {  	_ =	shalt  }

// kernel: kernel.38.cloned.1.call-start
scs
__scs_entry_jumppad:
0x0: {  	(pc) =	sbr.rel $0x88, $3  }
0x1: {  	(tag) =	ssettag $0x0;
	lr =	simm.s32 $0x1  }
0x2: {  	[smem:$0x3F8B] =	sst lr;
	_ =	strace $0xD0000000  }
0x3: {  	_ = 	snop  }
0x4: {  	_ = 	snop  }
0x5: {  	_ = 	snop  }
0x6: {  	_ = 	snop  }
0x7: {  	_ = 	snop  }
__scs_overlays_trampoline_lowered:
0x8: {  	[smem:$0x3F9A] =	sst s0  }
0x9: {  	[smem:$0x3F9B] =	sst s1  }
0xa: {  	[smem:$0x3F9C] =	sst s2  }
0xb: {  	[smem:$0x3F9D] =	sst s3  }
0xc: {  	[smem:$0x3F9E] =	sst s4  }
0xd: {  	[smem:$0x3F9F] =	sst s5  }
0xe: {  	[smem:$0x3FA0] =	sst s6  }
0xf: {  	[smem:$0x3FA1] =	sst s7  }
0x10: {  	[smem:$0x3FA2] =	sst s8  }
0x11: {  	[smem:$0x3FA3] =	sst s9;
	s0 =	simm.s32 @!p0 $0x0  }
0x12: {  	s1 =	sld [smem:$0x3F89];
	s0 =	simm.s32 @p0 $0x1  }
0x13: {  	[smem:$0x3FA4] =	sst s0;
	s0 =	simm.s32 @!p1 $0x0  }
0x14: {  	s2 =	sld [smem:$0x3F88];
	s0 =	simm.s32 @p1 $0x1  }
0x15: {  	[smem:$0x3FA5] =	sst s0;
	s0 =	simm.s32 @!p2 $0x0  }
0x16: {  	s3 =	sld [smem:$0x3FDB];
	s0 =	simm.s32 @p2 $0x1  }
0x17: {  	s4 =	simm.s32 $0x1BF5;
	[smem:$0x3FA7] =	sst s0  }
0x18: {  	s0 =	sld [smem:$0x3F8A];
	_ =	swait.ge [sflag:s4], $0x0  }
0x19: {  	s7 =	sld [smem:$0x3F8B]  }
0x1a: {  	s8 =	sadd.s32 $0xFFFFE003, lr  }
0x1b: {  	s9 =	sadd.s32 $0xFFFFFEF7, lr;
	s5 =	simm.s32 $0xFFFFFFFF;
	p2 =	slt.u32 s8, $0xFFFFF086  }
0x1c: {  	p1 =	slt.u32 s9, $0xF7A;
	s5 =	simm.s32 @!p2 $0x0  }
0x1d: {  	s5 =	simm.s32 @p1 $0x1;
	p0 =	seq.s32 s7, s2  }
0x1e: {  	s7 =	smul.u32 @!p0 $0xF7A, s2;
	p2 =	seq.s32 @!p0 s5, $0x0  }
0x1f: {  	s9 =	smul.u32 $0xF7A, s1;
	s8 =	simm.s32 @!p0 $0x1BF5;
	p2 =	por !p2, p0  }
0x20: {  	[sflag:s8] =	ssyncset.s32 @!p0 $0xFFFFF086;
	s6 =	sadd.s32 @!p0 s3, s7;
	s7 =	simm.s32 @!p0 $0x108  }
0x21: {  	s3 =	sadd.s32 s3, s9;
	s6 =	sadd.s32 @!p0 $0x88, s6;
	s7 =	simm.s32 @p2 $0x1082  }
0x22: {  	[simem:s7], [sflag:s8] =	dma.local @!p0 [hbm:s6], $0xF7A  }
0x23: {  	s9 =	sor.u32 $0xD0000000, s2;
	s6 =	simm.s32 $0x108;
	_ =	swait.ge @!p0 [sflag:s8], $0x0  }
0x24: {  	s3 =	sadd.s32 $0x88, s3;
	s6 =	simm.s32 @!p1 $0x1082;
	[sflag:s4] =	ssyncset.s32 $0xFFFFF086  }
0x25: {  	[simem:s6], [sflag:s4] =	dma.local [hbm:s3], $0xF7A  }
0x26: {  	[smem:$0x3F8B] =	sst s1;
	(tag) =	ssettag s2;
	_ =	strace s9  }
0x27: {  	s1 =	sld [smem:$0x3F9B]  }
0x28: {  	s2 =	sld [smem:$0x3F9C]  }
0x29: {  	s4 =	sld [smem:$0x3F9E]  }
0x2a: {  	p0 =	seq.s32 s5, $0x0;
	s5 =	sld [smem:$0x3F9F]  }
0x2b: {  	s6 =	sld [smem:$0x3FA0]  }
0x2c: {  	s7 =	sld [smem:$0x3FA1]  }
0x2d: {  	s3 =	simm.s32 $0x108;
	s8 =	sld [smem:$0x3FA2]  }
0x2e: {  	s3 =	simm.s32 @!p0 $0x1082;
	s9 =	sld [smem:$0x3FA3]  }
0x2f: {  	lr =	sadd.s32 s0, s3;
	s0 =	sld [smem:$0x3F9A]  }
0x30: {  	s3 =	sld [smem:$0x3F9D]  }
0x31: {  	[smem:$0x3FA6] =	sst s10  }
0x32: {  	s10 =	sld [smem:$0x3FA4];
	_ =	sdelay $0x3  }
0x33: {  	p0 =	seq.s32 s10, $0x1;
	s10 =	sld [smem:$0x3FA6];
	_ =	sdelay $0x3  }
0x34: {  	[smem:$0x3FA6] =	sst s10  }
0x35: {  	s10 =	sld [smem:$0x3FA5];
	_ =	sdelay $0x3  }
0x36: {  	p1 =	seq.s32 s10, $0x1;
	s10 =	sld [smem:$0x3FA6];
	_ =	sdelay $0x3  }
0x37: {  	[smem:$0x3FA6] =	sst s10  }
0x38: {  	s10 =	sld [smem:$0x3FA7]  }
0x39: {  	_ = 	snop;
	(pc) =	sbr.ind lr, $3  }
0x3a: {  	_ = 	snop  }
0x3b: {  	_ = 	snop  }
0x3c: {  	p2 =	seq.s32 s10, $0x1;
	s10 =	sld [smem:$0x3FA6]  }
0x3d: {  	_ =	shalt  }
0x3e: {  	_ =	shalt  }
0x3f: {  	_ =	shalt  }
0x40: {  	_ =	shalt  }
0x41: {  	_ =	shalt  }
0x42: {  	_ =	shalt  }
0x43: {  	_ =	shalt  }
0x44: {  	_ =	shalt  }
0x45: {  	_ =	shalt  }
0x46: {  	_ =	shalt  }
0x47: {  	_ =	shalt  }
0x48: {  	_ =	shalt  }
0x49: {  	_ =	shalt  }
0x4a: {  	_ =	shalt  }
0x4b: {  	_ =	shalt  }
0x4c: {  	_ =	shalt  }
0x4d: {  	_ =	shalt  }
0x4e: {  	_ =	shalt  }
0x4f: {  	_ =	shalt  }
0x50: {  	_ =	shalt  }
0x51: {  	_ =	shalt  }
0x52: {  	_ =	shalt  }
0x53: {  	_ =	shalt  }
0x54: {  	_ =	shalt  }
0x55: {  	_ =	shalt  }
0x56: {  	_ =	shalt  }
0x57: {  	_ =	shalt  }
0x58: {  	_ =	shalt  }
0x59: {  	_ =	shalt  }
0x5a: {  	_ =	shalt  }
0x5b: {  	_ =	shalt  }
0x5c: {  	_ =	shalt  }
0x5d: {  	_ =	shalt  }
0x5e: {  	_ =	shalt  }
0x5f: {  	_ =	shalt  }
0x60: {  	_ =	shalt  }
0x61: {  	_ =	shalt  }
0x62: {  	_ =	shalt  }
0x63: {  	_ =	shalt  }
0x64: {  	_ =	shalt  }
0x65: {  	_ =	shalt  }
0x66: {  	_ =	shalt  }
0x67: {  	_ =	shalt  }
0x68: {  	_ =	shalt  }
0x69: {  	_ =	shalt  }
0x6a: {  	_ =	shalt  }
0x6b: {  	_ =	shalt  }
0x6c: {  	_ =	shalt  }
0x6d: {  	_ =	shalt  }
0x6e: {  	_ =	shalt  }
0x6f: {  	_ =	shalt  }
0x70: {  	_ =	shalt  }
0x71: {  	_ =	shalt  }
0x72: {  	_ =	shalt  }
0x73: {  	_ =	shalt  }
0x74: {  	_ =	shalt  }
0x75: {  	_ =	shalt  }
0x76: {  	_ =	shalt  }
0x77: {  	_ =	shalt  }
0x78: {  	_ =	shalt  }
0x79: {  	_ =	shalt  }
0x7a: {  	_ =	shalt  }
0x7b: {  	_ =	shalt  }
0x7c: {  	_ =	shalt  }
0x7d: {  	_ =	shalt  }
0x7e: {  	_ =	shalt  }
0x7f: {  	_ =	shalt  }
0x80: {  	_ =	shalt  }
0x81: {  	_ =	shalt  }
0x82: {  	_ =	shalt  }
0x83: {  	_ =	shalt  }
0x84: {  	_ =	shalt  }
0x85: {  	_ =	shalt  }
0x86: {  	_ =	shalt  }
0x87: {  	_ =	shalt  }
.Lfunc_end0:
.L_simem_size_0:
called_computation.5_lowered:
.L_overlay_start_0:
0x88: {  	s2 =	sld [smem:$0x3FD9]  }
0x89: {  	s3 =	sld [smem:$0x3FFE];
	_ =	sdelay $0x1  }
0x8a: {  	s1 =	srdreg.scid  }
0x8b: {  	s0 =	sand.u32 $0x1, s1  }
0x8c: {  	s15 =	sshll.u32 s0, $0xA;
	s2 =	sadd.s32 s3, s2  }
0x8d: {  	s2 =	sadd.s32 s2, s15  }
0x8e: {  	[smem:$0x3FB2] =	sst s2  }
0x8f: {  	_ = 	snop  }
0x90: {  	s2 =	sld [smem:$0x3FD0];
	_ =	sdelay $0x2  }
0x91: {  	s4 =	simm.s32 $0xD;
	s16 =	simm.s32 $0x10  }
0x92: {  	[smem:s16], [sflag:s4] =	dma.local [hbm:s2], $0x1  }
0x93: {  	_ =	swait.eq [sflag:s4], $0x1  }
0x94: {  	[sflag:s4] =	ssyncset.done $0x0  }
0x95: {  	s17 =	sld [smem:$0x10];
	[sflag:s4] =	ssyncadd.s32 $0xFFFFFFFF  }
0x96: {  	s18 =	sld [smem:$0x11];
	(tm) =	ssettm $0x1  }
0x97: {  	s19 =	sld [smem:$0x3FFB];
	_ =	sdelay $0x3  }
0x98: {  	_ =	strace s19  }
0x99: {  	s2 =	sld [smem:$0x3FFC];
	_ =	sdelay $0x3  }
0x9a: {  	_ =	strace s2  }
0x9b: {  	s2 =	sld [smem:$0x3FFD];
	_ =	sdelay $0x3  }
0x9c: {  	_ =	strace s2  }
0x9d: {  	_ =	strace $0x8FFFFFFF  }
0x9e: {  	s20 =	sld [smem:$0x3FDB];
	_ =	sdelay $0x1  }
0x9f: {  	s5 =	simm.s32 $_scs_section_size  }
0xa0: {  	s6 =	simm.s32 $_size__tile_overlayer_lowered;
	s7 =	simm.s32 $_tile_overlayer_lowered  }
0xa1: {  	s8 =	simm.s32 $0x1BFF;
	s21 =	sshll.u32 s7, $0x1;
	s5 =	sadd.s32 s5, s20  }
0xa2: {  	s22 =	simm.s32 $0x0;
	s6 =	sshll.u32 s6, $0x1;
	s7 =	sadd.s32 s21, s5  }
0xa3: {  	[timem:s22], [sflag:s8] =	dma.local [hbm:s7], s6  }
0xa4: {  	_ =	swait.ge [sflag:s8], s6  }
0xa5: {  	s6 =	ssub.s32 $0x0, s6;
	[sflag:s8] =	ssyncset.done $0x0  }
0xa6: {  	[sflag:s8] =	ssyncadd.s32 s6;
	_ =	sdelay $0x1  }
0xa7: {  	s23 =	simm.s32 $0x1B8B  }
0xa8: {  	_ =	swait.ge [sflag:s23], $0x1  }
0xa9: {  	[sflag:s23] =	ssyncset.done $0x0  }
0xaa: {  	[sflag:s23] =	ssyncadd.s32 $0xFFFFFFFF  }
0xab: {  	s6 =	sld [smem:$0x0]  }
0xac: {  	s7 =	sand.u32 $0xFFFFFFFE, s1  }
0xad: {  	p0 =	sne.s32 s1, s7  }
0xae: {  	s7 =	sshll.u32 @p0 s7, $0xE  }
0xaf: {  	s7 =	sadd.s32 @p0 $0x11B8D, s7;
	s8 =	sshll.u32 @p0 s6, $0x11  }
0xb0: {  	s7 =	sor.u32 @p0 s8, s7  }
0xb1: {  	[sflag:s7] =	ssyncadd.remote.s32 @p0 $0x1;
	_ =	sdelay $0x1  }
0xb2: {  	s7 =	simm.s32 @p0 $0x1B8D  }
0xb3: {  	_ =	swait.eq @p0 [sflag:s7], $0x1  }
0xb4: {  	[sflag:s7] =	ssyncadd.s32 @p0 $0xFFFFFFFF  }
0xb5: {  	s8 =	sshll.u32 @!p0 s1, $0xE  }
0xb6: {  	s8 =	sor.u32 @!p0 $0x4000, s8;
	s7 =	simm.s32 @!p0 $0x1B8D  }
0xb7: {  	s6 =	sshll.u32 @!p0 s6, $0x11;
	s8 =	sadd.s32 @!p0 $0x11B8D, s8;
	_ =	swait.eq @!p0 [sflag:s7], $0x1  }
0xb8: {  	s6 =	sor.u32 @!p0 s6, s8;
	[sflag:s7] =	ssyncadd.s32 @!p0 $0xFFFFFFFF  }
0xb9: {  	s25 =	simm.s32 $0x1B8E;
	s24 =	sld [smem:$0x3FFE];
	[sflag:s6] =	ssyncadd.remote.s32 @!p0 $0x1  }
0xba: {  	s26 =	simm.s32 $execute0_lowered;
	[smem:$0x3FD2] =	sst s25  }
0xbb: {  	s7 =	sshll.u32 s26, $0x1;
	_ =	strace $0x80000052;
	[dreg:$0x1] =	wrdreg $0xFFFFFFFF  }
0xbc: {  	s28 =	simm.s32 $_size_execute0_lowered;
	s5 =	sadd.s32 s5, s7;
	[dreg:$0x0] =	wrdreg $0x0  }
0xbd: {  	s7 =	sshll.u32 s28, $0x1;
	[dreg:$0x2] =	wrdreg s5  }
0xbe: {  	[dreg:$0x3] =	wrdreg s7  }
0xbf: {  	[dreg:$0x4] =	wrdreg $0xC0  }
0xc0: {  	_ =	task [dreg:s22], $0x5FFFF  }
0xc1: {  	[dreg:$0x1] =	wrdreg $0xFFFFFFFF  }
0xc2: {  	[dreg:$0x0] =	wrdreg $0x60  }
0xc3: {  	[dreg:$0x2] =	wrdreg s24  }
0xc4: {  	[dreg:$0x3] =	wrdreg s17  }
0xc5: {  	[dreg:$0x4] =	wrdreg s18  }
0xc6: {  	[dreg:$0x5] =	wrdreg $0x90000  }
0xc7: {  	[dreg:$0x6] =	wrdreg $0x9  }
0xc8: {  	_ =	task.clear_ibuf [dreg:s22], $0x7FFFF;
	_ =	strace $0x90000052  }
0xc9: {  	s29 =	simm.s32 $0x9;
	_ =	strace $0x80000054  }
0xca: {  	_ =	swait.ge [sflag:s29], $0x1  }
0xcb: {  	[sflag:s29] =	ssyncadd.s32 $0xFFFFFFFF  }
0xcc: {  	_ =	strace $0x90000054  }
0xcd: {  	_ =	sfence  }
0xce: {  	s30 =	sld [smem:$0x0];
	_ =	sdelay $0x2  }
0xcf: {  	s31 =	sshll.u32 s1, $0xD;
	s1 =	sshrl.u32 s1, $0x2  }
0xd0: {  	s4 =	sand.u32 $0x4000, s31;
	s1 =	sadd.s32 s1, s30  }
0xd1: {  	s0 =	sor.u32 s4, s0;
	s1 =	sshll.u32 s1, $0x11  }
0xd2: {  	s0 =	sor.u32 s1, s0  }
0xd3: {  	s0 =	sadd.s32 $0x8F2B, s0  }
0xd4: {  	[sflag:s0] =	ssyncadd.remote.s32 $0x1  }
0xd5: {  	_ =	sfence.sel $0xFFFF  }
0xd6: {  	[dreg:$0x0] =	wrdreg $0xFFFFFFFF;
	(pc) =	sbr.abs _section_cstart, $3  }
0xd7: {  	[dreg:$0x1] =	wrdreg $0xFFFFFFFF  }
0xd8: {  	_ =	task.clear_ibuf [dreg:s22], $0x2FFFF;
	_ =	strace $0x9FFFFFFF  }
0xd9: {  	(tm) =	ssettm $0x7FFFFFFF  }
tec
execute0_lowered:
.L_overlay_start_1:
0x0: {  	(tag) =	ssettag $0x1  }
0x1: {  	s5 =	rddreg [dreg:$0x0]  }
0x2: {  	s6 =	rddreg [dreg:$0x1]  }
0x3: {  	s7 =	rddreg [dreg:$0x2]  }
0x4: {  	s2 =	rddreg [dreg:$0x3]  }
0x5: {  	s0 =	rddreg [dreg:$0x4]  }
0x6: {  	s1 =	stileid.u32;
	s4 =	srdreg.scid  }
0x7: {  	s3 =	simm.s32 $0x0;
	s14 =	simm.s32 $0x80;
	s15 =	simm.s32 $0x5000  }
0x8: {  	s16 =	simm.s32 $0x1;
	s17 =	simm.s32 $0x4F00;
	s18 =	simm.s32 $0x0  }
0x9: {  	s8 =	smul.u32 $0x13C00, s1;
	s9 =	sand.u32 $0x1, s4;
	[smem:$0x7FF] =	sst s3  }
0xa: {  	s4 =	sadd.s32 $0xD2200, s5;
	s29 =	smul.u32 $0x4F000, s1;
	s31 =	sshll.u32 s1, $0x6  }
0xb: {  	s10 =	smul.u32 $0x13C000, s9;
	s11 =	sshll.u32 s9, $0x4;
	_ =	strace $0x80000053  }
0xc: {  	s9 =	ssub.s32 $0x2, s9;
	s11 =	sor.u32 s1, s11;
	s12 =	sshrl.u32 s8, $0x3  }
0xd: {  	s30 =	sshrl.u32 s9, $0x1;
	s8 =	sadd.s32 s8, s10;
	s28 =	smul.u32 $0x500, s11  }
0xe: {  	s12 =	sadd.s32 s12, s5;
	s9 =	ssub.s32 s9, s30;
	s11 =	sshrl.u32 s29, $0x2  }
0xf: {  	s10 =	simm.s32 $0x2;
	s8 =	sshrl.u32 s8, $0x3;
	s13 =	sadd.s32 s11, s2  }
0x10: {  	s9 =	smax.u32 s9, $0x1;
	s11 =	simm.s32 $0x2800;
	s8 =	sadd.s32 s8, s5  }
0x11: {  	s5 =	sadd.s32 s6, s28;
	s6 =	sadd.s32 s7, s28;
	s7 =	sadd.s32 $0xAAA00, s12  }
0x12: {  	s12 =	sor.u32 $0x1C02, s31;
	s13 =	sshrl.u32 s13, $0x3;
	s8 =	sadd.s32 $0x1BF200, s8  }
.LBB2_1:
0x13: {  	[tilespmem:s3], [sflag:$0x2] =	stream.linear.gather [hbm4b:s5+s3], $0x2780, $0x38;
	[tilespmem:$0x1CC00] =	vst v63  }
0x14: {  	_ =	swait.ge [sflag:s10], $0x2780  }
0x15: {  	[sflag:s10] =	ssyncset.done $0x0  }
0x16: {  	[sflag:s10] =	ssyncadd.s32 $0xFFFFD880  }
0x17: {  	[tilespmem:s11], [sflag:$0x2] =	stream.linear.gather [hbm4b:s6+s3], $0x2780, $0x38;
	[tilespmem:$0x1CC00] =	vst v63  }
0x18: {  	_ =	swait.ge [sflag:s10], $0x2780  }
0x19: {  	[sflag:s10] =	ssyncset.done $0x0  }
0x1a: {  	[sflag:s10] =	ssyncadd.s32 $0xFFFFD880  }
0x1b: {  	[spmem:s13], [sflag:s12] =	dma.local [hbm:s7], $0x2780  }
0x1c: {  	_ =	swait.ge [sflag:s10], $0x2780  }
0x1d: {  	[sflag:s10] =	ssyncset.done $0x0  }
0x1e: {  	[sflag:s10] =	ssyncadd.s32 $0xFFFFD880  }
0x1f: {  	[bflag:$0x0] =	sbarrier.arrive $0xFFFF  }
0x20: {  	[tilespmem:s15], [sflag:$0x1] =	stream.indirect.gather [hbm4b:s4+s14], $0x80, s3, s14, $0xb8;
	[tilespmem:$0x1CC00] =	vst v63  }
0x21: {  	_ =	swait.ge [sflag:s16], $0x4000  }
0x22: {  	[sflag:s16] =	ssyncset.done $0x0  }
0x23: {  	s19 =	simm.s32 $0x2800;
	[sflag:s16] =	ssyncadd.s32 $0xFFFFC000  }
0x24: {  	[spmem:s2] =	stream.indirect.scatter.add.f32 [tilespmem:s15], [sflag:$0x2], $0x80, s19, s14, $0xb8;
	[tilespmem:$0x1CC00] =	vst v63  }
0x25: {  	_ =	swait.ge [sflag:s10], $0x4000  }
0x26: {  	[sflag:s10] =	ssyncset.done $0x0  }
0x27: {  	s20 =	simm.s32 $0x80;
	s19 =	simm.s32 $0x200;
	[sflag:s10] =	ssyncadd.s32 $0xFFFFC000  }
.LBB2_2:
0x28: {  	[tilespmem:s15], [sflag:$0x1] =	stream.indirect.gather [hbm4b:s4+s14], $0x80, s20, s14, $0xb8;
	[tilespmem:$0x1CC00] =	vst v63  }
0x29: {  	s20 =	smov.u32 s19  }
0x2a: {  	p0 =	sne.s32 s19, $0x9A00;
	s19 =	sadd.s32 $0x200, s19;
	_ =	swait.ge [sflag:s16], $0x4000  }
0x2b: {  	s20 =	sshra.s32 s20, $0x2;
	[sflag:s16] =	ssyncset.done $0x0  }
.Ltmp0:
0x2c: {  	s21 =	sadd.s32 $0x2800, s20;
	[sflag:s16] =	ssyncadd.s32 $0xFFFFC000;
	(pc) =	sbr.rel @p0 .LBB2_2-.Ltmp0, $4  }
0x2d: {  	[spmem:s2] =	stream.indirect.scatter.add.f32 [tilespmem:s15], [sflag:$0x2], $0x80, s21, s14, $0xb8;
	[tilespmem:$0x1CC00] =	vst v63  }
0x2e: {  	_ =	swait.ge [sflag:s10], $0x4000  }
0x2f: {  	[sflag:s10] =	ssyncset.done $0x0  }
0x30: {  	s20 =	sadd.s32 $0x80, s20;
	[sflag:s10] =	ssyncadd.s32 $0xFFFFC000  }
0x31: {  	[tilespmem:s15], [sflag:$0x1] =	stream.indirect.gather [hbm4b:s4+s14], $0x80, s20, s14, $0xb8;
	[tilespmem:$0x1CC00] =	vst v63  }
0x32: {  	_ =	swait.ge [sflag:s16], $0x4000  }
0x33: {  	[sflag:s16] =	ssyncset.done $0x0  }
0x34: {  	[sflag:s16] =	ssyncadd.s32 $0xFFFFC000  }
0x35: {  	[spmem:s2] =	stream.indirect.scatter.add.f32 [tilespmem:s15], [sflag:$0x2], $0x80, s17, s14, $0xb8;
	[tilespmem:$0x1CC00] =	vst v63  }
0x36: {  	_ =	swait.ge [sflag:s10], $0x4000  }
0x37: {  	s18 =	sadd.s32 $0x1, s18;
	[sflag:s10] =	ssyncset.done $0x0  }
0x38: {  	p0 =	sne.s32 s18, s9;
	[sflag:s10] =	ssyncadd.s32 $0xFFFFC000  }
.Ltmp1:
0x39: {  	[bflag:$0x0] =	sbarrier.arrive $0xFFFF;
	(pc) =	sbr.rel @p0 .LBB2_1-.Ltmp1, $4  }
0x3a: {  	[hbm:s8], [sflag:s12] =	dma.local [spmem:s13], $0x2780  }
0x3b: {  	_ =	swait.ge [sflag:s10], $0x2780  }
0x3c: {  	[sflag:s10] =	ssyncset.done $0x0  }
0x3d: {  	[sflag:s10] =	ssyncadd.s32 $0xFFFFD880  }
0x3e: {  	_ =	sfence.sel $0x180000  }
0x3f: {  	[bflag:$0x0] =	sbarrier.arrive $0xFFFF  }
0x40: {  	p0 =	sne.s32 s1, $0x0;
	_ =	strace $0x90000053  }
0x41: {  	s0 =	sadd.s32 @!p0 $0x100000, s0;
	[bflag:$0x2] =	sbarrier.arrive $0xFFFF  }
0x42: {  	[sflag:s0] =	ssyncadd.tile.s32 @!p0 $0x1;
	_ =	shalt  }
.Lfunc_end2:
_tile_overlayer_lowered:
.L_overlay_start_2:
0x43: {  	(tag) =	ssettag $0x2  }
0x44: {  	s0 =	rddreg [dreg:$0x0];
	s2 =	stileid.u32  }
0x45: {  	s1 =	rddreg [dreg:$0x1];
	p0 =	sne.s32 s2, $0x0  }
0x46: {  	s3 =	rddreg [dreg:$0x2];
	[bflag:$0x3] =	sbarrier.arrive $0xFFFF;
	s2 =	simm.s32 @!p0 $0x1C02  }
0x47: {  	[timem:s3], [sflag:s2] =	dma.local @!p0 [hbm:s0], s1  }
0x48: {  	s0 =	simm.s32 @!p0 $0x2  }
0x49: {  	_ =	swait.ge @!p0 [sflag:s0], s1  }
0x4a: {  	s1 =	ssub.s32 @!p0 $0x0, s1;
	[sflag:s0] =	ssyncset.done @!p0 $0x0  }
0x4b: {  	[sflag:s0] =	ssyncadd.s32 @!p0 s1  }
0x4c: {  	[bflag:$0x3] =	sbarrier.arrive $0xFFFF  }
0x4d: {  	_ =	shalt  }

// kernel: kernel.41.cloned.1.call-start
scs
__scs_entry_jumppad:
0x0: {  	(pc) =	sbr.rel $0x88, $3  }
0x1: {  	(tag) =	ssettag $0x0;
	lr =	simm.s32 $0x1  }
0x2: {  	[smem:$0x3F8B] =	sst lr;
	_ =	strace $0xD0000000  }
0x3: {  	_ = 	snop  }
0x4: {  	_ = 	snop  }
0x5: {  	_ = 	snop  }
0x6: {  	_ = 	snop  }
0x7: {  	_ = 	snop  }
__scs_overlays_trampoline_lowered:
0x8: {  	[smem:$0x3F9A] =	sst s0  }
0x9: {  	[smem:$0x3F9B] =	sst s1  }
0xa: {  	[smem:$0x3F9C] =	sst s2  }
0xb: {  	[smem:$0x3F9D] =	sst s3  }
0xc: {  	[smem:$0x3F9E] =	sst s4  }
0xd: {  	[smem:$0x3F9F] =	sst s5  }
0xe: {  	[smem:$0x3FA0] =	sst s6  }
0xf: {  	[smem:$0x3FA1] =	sst s7  }
0x10: {  	[smem:$0x3FA2] =	sst s8  }
0x11: {  	[smem:$0x3FA3] =	sst s9;
	s0 =	simm.s32 @!p0 $0x0  }
0x12: {  	s1 =	sld [smem:$0x3F89];
	s0 =	simm.s32 @p0 $0x1  }
0x13: {  	[smem:$0x3FA4] =	sst s0;
	s0 =	simm.s32 @!p1 $0x0  }
0x14: {  	s2 =	sld [smem:$0x3F88];
	s0 =	simm.s32 @p1 $0x1  }
0x15: {  	[smem:$0x3FA5] =	sst s0;
	s0 =	simm.s32 @!p2 $0x0  }
0x16: {  	s3 =	sld [smem:$0x3FDB];
	s0 =	simm.s32 @p2 $0x1  }
0x17: {  	s4 =	simm.s32 $0x1BF5;
	[smem:$0x3FA7] =	sst s0  }
0x18: {  	s0 =	sld [smem:$0x3F8A];
	_ =	swait.ge [sflag:s4], $0x0  }
0x19: {  	s7 =	sld [smem:$0x3F8B]  }
0x1a: {  	s8 =	sadd.s32 $0xFFFFE003, lr  }
0x1b: {  	s9 =	sadd.s32 $0xFFFFFEF7, lr;
	s5 =	simm.s32 $0xFFFFFFFF;
	p2 =	slt.u32 s8, $0xFFFFF086  }
0x1c: {  	p1 =	slt.u32 s9, $0xF7A;
	s5 =	simm.s32 @!p2 $0x0  }
0x1d: {  	s5 =	simm.s32 @p1 $0x1;
	p0 =	seq.s32 s7, s2  }
0x1e: {  	s7 =	smul.u32 @!p0 $0xF7A, s2;
	p2 =	seq.s32 @!p0 s5, $0x0  }
0x1f: {  	s9 =	smul.u32 $0xF7A, s1;
	s8 =	simm.s32 @!p0 $0x1BF5;
	p2 =	por !p2, p0  }
0x20: {  	[sflag:s8] =	ssyncset.s32 @!p0 $0xFFFFF086;
	s6 =	sadd.s32 @!p0 s3, s7;
	s7 =	simm.s32 @!p0 $0x108  }
0x21: {  	s3 =	sadd.s32 s3, s9;
	s6 =	sadd.s32 @!p0 $0x88, s6;
	s7 =	simm.s32 @p2 $0x1082  }
0x22: {  	[simem:s7], [sflag:s8] =	dma.local @!p0 [hbm:s6], $0xF7A  }
0x23: {  	s9 =	sor.u32 $0xD0000000, s2;
	s6 =	simm.s32 $0x108;
	_ =	swait.ge @!p0 [sflag:s8], $0x0  }
0x24: {  	s3 =	sadd.s32 $0x88, s3;
	s6 =	simm.s32 @!p1 $0x1082;
	[sflag:s4] =	ssyncset.s32 $0xFFFFF086  }
0x25: {  	[simem:s6], [sflag:s4] =	dma.local [hbm:s3], $0xF7A  }
0x26: {  	[smem:$0x3F8B] =	sst s1;
	(tag) =	ssettag s2;
	_ =	strace s9  }
0x27: {  	s1 =	sld [smem:$0x3F9B]  }
0x28: {  	s2 =	sld [smem:$0x3F9C]  }
0x29: {  	s4 =	sld [smem:$0x3F9E]  }
0x2a: {  	p0 =	seq.s32 s5, $0x0;
	s5 =	sld [smem:$0x3F9F]  }
0x2b: {  	s6 =	sld [smem:$0x3FA0]  }
0x2c: {  	s7 =	sld [smem:$0x3FA1]  }
0x2d: {  	s3 =	simm.s32 $0x108;
	s8 =	sld [smem:$0x3FA2]  }
0x2e: {  	s3 =	simm.s32 @!p0 $0x1082;
	s9 =	sld [smem:$0x3FA3]  }
0x2f: {  	lr =	sadd.s32 s0, s3;
	s0 =	sld [smem:$0x3F9A]  }
0x30: {  	s3 =	sld [smem:$0x3F9D]  }
0x31: {  	[smem:$0x3FA6] =	sst s10  }
0x32: {  	s10 =	sld [smem:$0x3FA4];
	_ =	sdelay $0x3  }
0x33: {  	p0 =	seq.s32 s10, $0x1;
	s10 =	sld [smem:$0x3FA6];
	_ =	sdelay $0x3  }
0x34: {  	[smem:$0x3FA6] =	sst s10  }
0x35: {  	s10 =	sld [smem:$0x3FA5];
	_ =	sdelay $0x3  }
0x36: {  	p1 =	seq.s32 s10, $0x1;
	s10 =	sld [smem:$0x3FA6];
	_ =	sdelay $0x3  }
0x37: {  	[smem:$0x3FA6] =	sst s10  }
0x38: {  	s10 =	sld [smem:$0x3FA7]  }
0x39: {  	_ = 	snop;
	(pc) =	sbr.ind lr, $3  }
0x3a: {  	_ = 	snop  }
0x3b: {  	_ = 	snop  }
0x3c: {  	p2 =	seq.s32 s10, $0x1;
	s10 =	sld [smem:$0x3FA6]  }
0x3d: {  	_ =	shalt  }
0x3e: {  	_ =	shalt  }
0x3f: {  	_ =	shalt  }
0x40: {  	_ =	shalt  }
0x41: {  	_ =	shalt  }
0x42: {  	_ =	shalt  }
0x43: {  	_ =	shalt  }
0x44: {  	_ =	shalt  }
0x45: {  	_ =	shalt  }
0x46: {  	_ =	shalt  }
0x47: {  	_ =	shalt  }
0x48: {  	_ =	shalt  }
0x49: {  	_ =	shalt  }
0x4a: {  	_ =	shalt  }
0x4b: {  	_ =	shalt  }
0x4c: {  	_ =	shalt  }
0x4d: {  	_ =	shalt  }
0x4e: {  	_ =	shalt  }
0x4f: {  	_ =	shalt  }
0x50: {  	_ =	shalt  }
0x51: {  	_ =	shalt  }
0x52: {  	_ =	shalt  }
0x53: {  	_ =	shalt  }
0x54: {  	_ =	shalt  }
0x55: {  	_ =	shalt  }
0x56: {  	_ =	shalt  }
0x57: {  	_ =	shalt  }
0x58: {  	_ =	shalt  }
0x59: {  	_ =	shalt  }
0x5a: {  	_ =	shalt  }
0x5b: {  	_ =	shalt  }
0x5c: {  	_ =	shalt  }
0x5d: {  	_ =	shalt  }
0x5e: {  	_ =	shalt  }
0x5f: {  	_ =	shalt  }
0x60: {  	_ =	shalt  }
0x61: {  	_ =	shalt  }
0x62: {  	_ =	shalt  }
0x63: {  	_ =	shalt  }
0x64: {  	_ =	shalt  }
0x65: {  	_ =	shalt  }
0x66: {  	_ =	shalt  }
0x67: {  	_ =	shalt  }
0x68: {  	_ =	shalt  }
0x69: {  	_ =	shalt  }
0x6a: {  	_ =	shalt  }
0x6b: {  	_ =	shalt  }
0x6c: {  	_ =	shalt  }
0x6d: {  	_ =	shalt  }
0x6e: {  	_ =	shalt  }
0x6f: {  	_ =	shalt  }
0x70: {  	_ =	shalt  }
0x71: {  	_ =	shalt  }
0x72: {  	_ =	shalt  }
0x73: {  	_ =	shalt  }
0x74: {  	_ =	shalt  }
0x75: {  	_ =	shalt  }
0x76: {  	_ =	shalt  }
0x77: {  	_ =	shalt  }
0x78: {  	_ =	shalt  }
0x79: {  	_ =	shalt  }
0x7a: {  	_ =	shalt  }
0x7b: {  	_ =	shalt  }
0x7c: {  	_ =	shalt  }
0x7d: {  	_ =	shalt  }
0x7e: {  	_ =	shalt  }
0x7f: {  	_ =	shalt  }
0x80: {  	_ =	shalt  }
0x81: {  	_ =	shalt  }
0x82: {  	_ =	shalt  }
0x83: {  	_ =	shalt  }
0x84: {  	_ =	shalt  }
0x85: {  	_ =	shalt  }
0x86: {  	_ =	shalt  }
0x87: {  	_ =	shalt  }
.Lfunc_end0:
.L_simem_size_0:
called_computation.6_lowered:
.L_overlay_start_0:
0x88: {  	s2 =	sld [smem:$0x3FD9]  }
0x89: {  	s3 =	sld [smem:$0x3FFE];
	_ =	sdelay $0x1  }
0x8a: {  	s1 =	srdreg.scid  }
0x8b: {  	s0 =	sand.u32 $0x1, s1  }
0x8c: {  	s15 =	sshll.u32 s0, $0xA;
	s2 =	sadd.s32 s3, s2  }
0x8d: {  	s2 =	sadd.s32 s2, s15  }
0x8e: {  	[smem:$0x3FB2] =	sst s2  }
0x8f: {  	_ = 	snop  }
0x90: {  	s2 =	sld [smem:$0x3FD0];
	_ =	sdelay $0x2  }
0x91: {  	s4 =	simm.s32 $0xD;
	s16 =	simm.s32 $0x10  }
0x92: {  	[smem:s16], [sflag:s4] =	dma.local [hbm:s2], $0x1  }
0x93: {  	_ =	swait.eq [sflag:s4], $0x1  }
0x94: {  	[sflag:s4] =	ssyncset.done $0x0  }
0x95: {  	s17 =	sld [smem:$0x10];
	[sflag:s4] =	ssyncadd.s32 $0xFFFFFFFF  }
0x96: {  	s18 =	sld [smem:$0x11];
	(tm) =	ssettm $0x1  }
0x97: {  	s19 =	sld [smem:$0x3FFB];
	_ =	sdelay $0x3  }
0x98: {  	_ =	strace s19  }
0x99: {  	s2 =	sld [smem:$0x3FFC];
	_ =	sdelay $0x3  }
0x9a: {  	_ =	strace s2  }
0x9b: {  	s2 =	sld [smem:$0x3FFD];
	_ =	sdelay $0x3  }
0x9c: {  	_ =	strace s2  }
0x9d: {  	_ =	strace $0x8FFFFFFF  }
0x9e: {  	s20 =	sld [smem:$0x3FDB];
	_ =	sdelay $0x1  }
0x9f: {  	s5 =	simm.s32 $_scs_section_size  }
0xa0: {  	s6 =	simm.s32 $_size__tile_overlayer_lowered;
	s7 =	simm.s32 $_tile_overlayer_lowered  }
0xa1: {  	s8 =	simm.s32 $0x1BFF;
	s21 =	sshll.u32 s7, $0x1;
	s5 =	sadd.s32 s5, s20  }
0xa2: {  	s22 =	simm.s32 $0x0;
	s6 =	sshll.u32 s6, $0x1;
	s7 =	sadd.s32 s21, s5  }
0xa3: {  	[timem:s22], [sflag:s8] =	dma.local [hbm:s7], s6  }
0xa4: {  	_ =	swait.ge [sflag:s8], s6  }
0xa5: {  	s6 =	ssub.s32 $0x0, s6;
	[sflag:s8] =	ssyncset.done $0x0  }
0xa6: {  	[sflag:s8] =	ssyncadd.s32 s6;
	_ =	sdelay $0x1  }
0xa7: {  	s23 =	simm.s32 $0x1B8B  }
0xa8: {  	_ =	swait.ge [sflag:s23], $0x1  }
0xa9: {  	[sflag:s23] =	ssyncset.done $0x0  }
0xaa: {  	[sflag:s23] =	ssyncadd.s32 $0xFFFFFFFF  }
0xab: {  	s6 =	sld [smem:$0x0]  }
0xac: {  	s7 =	sand.u32 $0xFFFFFFFE, s1  }
0xad: {  	p0 =	sne.s32 s1, s7  }
0xae: {  	s7 =	sshll.u32 @p0 s7, $0xE  }
0xaf: {  	s7 =	sadd.s32 @p0 $0x11B8D, s7;
	s8 =	sshll.u32 @p0 s6, $0x11  }
0xb0: {  	s7 =	sor.u32 @p0 s8, s7  }
0xb1: {  	[sflag:s7] =	ssyncadd.remote.s32 @p0 $0x1;
	_ =	sdelay $0x1  }
0xb2: {  	s7 =	simm.s32 @p0 $0x1B8D  }
0xb3: {  	_ =	swait.eq @p0 [sflag:s7], $0x1  }
0xb4: {  	[sflag:s7] =	ssyncadd.s32 @p0 $0xFFFFFFFF  }
0xb5: {  	s8 =	sshll.u32 @!p0 s1, $0xE  }
0xb6: {  	s8 =	sor.u32 @!p0 $0x4000, s8;
	s7 =	simm.s32 @!p0 $0x1B8D  }
0xb7: {  	s6 =	sshll.u32 @!p0 s6, $0x11;
	s8 =	sadd.s32 @!p0 $0x11B8D, s8;
	_ =	swait.eq @!p0 [sflag:s7], $0x1  }
0xb8: {  	s6 =	sor.u32 @!p0 s6, s8;
	[sflag:s7] =	ssyncadd.s32 @!p0 $0xFFFFFFFF  }
0xb9: {  	s25 =	simm.s32 $0x1B8E;
	s24 =	sld [smem:$0x3FFE];
	[sflag:s6] =	ssyncadd.remote.s32 @!p0 $0x1  }
0xba: {  	s26 =	simm.s32 $execute0_lowered;
	[smem:$0x3FD2] =	sst s25  }
0xbb: {  	s7 =	sshll.u32 s26, $0x1;
	_ =	strace $0x8000004F;
	[dreg:$0x1] =	wrdreg $0xFFFFFFFF  }
0xbc: {  	s28 =	simm.s32 $_size_execute0_lowered;
	s5 =	sadd.s32 s5, s7;
	[dreg:$0x0] =	wrdreg $0x0  }
0xbd: {  	s7 =	sshll.u32 s28, $0x1;
	[dreg:$0x2] =	wrdreg s5  }
0xbe: {  	[dreg:$0x3] =	wrdreg s7  }
0xbf: {  	[dreg:$0x4] =	wrdreg $0xC0  }
0xc0: {  	_ =	task [dreg:s22], $0x5FFFF  }
0xc1: {  	[dreg:$0x1] =	wrdreg $0xFFFFFFFF  }
0xc2: {  	[dreg:$0x0] =	wrdreg $0x60  }
0xc3: {  	[dreg:$0x2] =	wrdreg s24  }
0xc4: {  	[dreg:$0x3] =	wrdreg s17  }
0xc5: {  	[dreg:$0x4] =	wrdreg s18  }
0xc6: {  	[dreg:$0x5] =	wrdreg $0x90000  }
0xc7: {  	[dreg:$0x6] =	wrdreg $0xA  }
0xc8: {  	_ =	task.clear_ibuf [dreg:s22], $0x7FFFF;
	_ =	strace $0x9000004F  }
0xc9: {  	s29 =	simm.s32 $0xA;
	_ =	strace $0x80000051  }
0xca: {  	_ =	swait.ge [sflag:s29], $0x1  }
0xcb: {  	[sflag:s29] =	ssyncadd.s32 $0xFFFFFFFF  }
0xcc: {  	_ =	strace $0x90000051  }
0xcd: {  	_ =	sfence  }
0xce: {  	s30 =	sld [smem:$0x0];
	_ =	sdelay $0x2  }
0xcf: {  	s31 =	sshll.u32 s1, $0xD;
	s1 =	sshrl.u32 s1, $0x2  }
0xd0: {  	s4 =	sand.u32 $0x4000, s31;
	s1 =	sadd.s32 s1, s30  }
0xd1: {  	s0 =	sor.u32 s4, s0;
	s1 =	sshll.u32 s1, $0x11  }
0xd2: {  	s0 =	sor.u32 s1, s0  }
0xd3: {  	s0 =	sadd.s32 $0x8F2B, s0  }
0xd4: {  	[sflag:s0] =	ssyncadd.remote.s32 $0x1  }
0xd5: {  	_ =	sfence.sel $0xFFFF  }
0xd6: {  	[dreg:$0x0] =	wrdreg $0xFFFFFFFF;
	(pc) =	sbr.abs _section_cstart, $3  }
0xd7: {  	[dreg:$0x1] =	wrdreg $0xFFFFFFFF  }
0xd8: {  	_ =	task.clear_ibuf [dreg:s22], $0x2FFFF;
	_ =	strace $0x9FFFFFFF  }
0xd9: {  	(tm) =	ssettm $0x7FFFFFFF  }
tec
execute0_lowered:
.L_overlay_start_1:
0x0: {  	(tag) =	ssettag $0x1  }
0x1: {  	s5 =	rddreg [dreg:$0x0]  }
0x2: {  	s6 =	rddreg [dreg:$0x1]  }
0x3: {  	s7 =	rddreg [dreg:$0x2]  }
0x4: {  	s2 =	rddreg [dreg:$0x3]  }
0x5: {  	s0 =	rddreg [dreg:$0x4]  }
0x6: {  	s1 =	stileid.u32;
	s4 =	srdreg.scid  }
0x7: {  	s3 =	simm.s32 $0x0;
	s14 =	simm.s32 $0x80;
	s15 =	simm.s32 $0x5000  }
0x8: {  	s16 =	simm.s32 $0x1;
	s17 =	simm.s32 $0x4F00;
	s18 =	simm.s32 $0x0  }
0x9: {  	s8 =	smul.u32 $0x13C00, s1;
	s9 =	sand.u32 $0x1, s4;
	[smem:$0x7FF] =	sst s3  }
0xa: {  	s4 =	sadd.s32 $0xC800, s5;
	s29 =	smul.u32 $0x4F000, s1;
	s31 =	sshll.u32 s1, $0x6  }
0xb: {  	s10 =	smul.u32 $0x13C000, s9;
	s11 =	sshll.u32 s9, $0x4;
	_ =	strace $0x80000050  }
0xc: {  	s9 =	ssub.s32 $0x2, s9;
	s11 =	sor.u32 s1, s11;
	s12 =	sshrl.u32 s8, $0x3  }
0xd: {  	s30 =	sshrl.u32 s9, $0x1;
	s8 =	sadd.s32 s8, s10;
	s28 =	smul.u32 $0x500, s11  }
0xe: {  	s12 =	sadd.s32 s12, s5;
	s9 =	ssub.s32 s9, s30;
	s11 =	sshrl.u32 s29, $0x2  }
0xf: {  	s10 =	simm.s32 $0x2;
	s8 =	sshrl.u32 s8, $0x3;
	s13 =	sadd.s32 s11, s2  }
0x10: {  	s9 =	smax.u32 s9, $0x1;
	s11 =	simm.s32 $0x2800;
	s8 =	sadd.s32 s8, s5  }
0x11: {  	s5 =	sadd.s32 s6, s28;
	s6 =	sadd.s32 s7, s28;
	s7 =	sadd.s32 $0xAAA00, s12  }
0x12: {  	s12 =	sor.u32 $0x1C02, s31;
	s13 =	sshrl.u32 s13, $0x3;
	s8 =	sadd.s32 $0x170200, s8  }
.LBB2_1:
0x13: {  	[tilespmem:s3], [sflag:$0x2] =	stream.linear.gather [hbm4b:s5+s3], $0x2780, $0x38;
	[tilespmem:$0x1CC00] =	vst v63  }
0x14: {  	_ =	swait.ge [sflag:s10], $0x2780  }
0x15: {  	[sflag:s10] =	ssyncset.done $0x0  }
0x16: {  	[sflag:s10] =	ssyncadd.s32 $0xFFFFD880  }
0x17: {  	[tilespmem:s11], [sflag:$0x2] =	stream.linear.gather [hbm4b:s6+s3], $0x2780, $0x38;
	[tilespmem:$0x1CC00] =	vst v63  }
0x18: {  	_ =	swait.ge [sflag:s10], $0x2780  }
0x19: {  	[sflag:s10] =	ssyncset.done $0x0  }
0x1a: {  	[sflag:s10] =	ssyncadd.s32 $0xFFFFD880  }
0x1b: {  	[spmem:s13], [sflag:s12] =	dma.local [hbm:s7], $0x2780  }
0x1c: {  	_ =	swait.ge [sflag:s10], $0x2780  }
0x1d: {  	[sflag:s10] =	ssyncset.done $0x0  }
0x1e: {  	[sflag:s10] =	ssyncadd.s32 $0xFFFFD880  }
0x1f: {  	[bflag:$0x0] =	sbarrier.arrive $0xFFFF  }
0x20: {  	[tilespmem:s15], [sflag:$0x1] =	stream.indirect.gather [hbm4b:s4+s14], $0x80, s3, s14, $0xb8;
	[tilespmem:$0x1CC00] =	vst v63  }
0x21: {  	_ =	swait.ge [sflag:s16], $0x4000  }
0x22: {  	[sflag:s16] =	ssyncset.done $0x0  }
0x23: {  	s19 =	simm.s32 $0x2800;
	[sflag:s16] =	ssyncadd.s32 $0xFFFFC000  }
0x24: {  	[spmem:s2] =	stream.indirect.scatter.add.f32 [tilespmem:s15], [sflag:$0x2], $0x80, s19, s14, $0xb8;
	[tilespmem:$0x1CC00] =	vst v63  }
0x25: {  	_ =	swait.ge [sflag:s10], $0x4000  }
0x26: {  	[sflag:s10] =	ssyncset.done $0x0  }
0x27: {  	s20 =	simm.s32 $0x80;
	s19 =	simm.s32 $0x200;
	[sflag:s10] =	ssyncadd.s32 $0xFFFFC000  }
.LBB2_2:
0x28: {  	[tilespmem:s15], [sflag:$0x1] =	stream.indirect.gather [hbm4b:s4+s14], $0x80, s20, s14, $0xb8;
	[tilespmem:$0x1CC00] =	vst v63  }
0x29: {  	s20 =	smov.u32 s19  }
0x2a: {  	p0 =	sne.s32 s19, $0x9A00;
	s19 =	sadd.s32 $0x200, s19;
	_ =	swait.ge [sflag:s16], $0x4000  }
0x2b: {  	s20 =	sshra.s32 s20, $0x2;
	[sflag:s16] =	ssyncset.done $0x0  }
.Ltmp0:
0x2c: {  	s21 =	sadd.s32 $0x2800, s20;
	[sflag:s16] =	ssyncadd.s32 $0xFFFFC000;
	(pc) =	sbr.rel @p0 .LBB2_2-.Ltmp0, $4  }
0x2d: {  	[spmem:s2] =	stream.indirect.scatter.add.f32 [tilespmem:s15], [sflag:$0x2], $0x80, s21, s14, $0xb8;
	[tilespmem:$0x1CC00] =	vst v63  }
0x2e: {  	_ =	swait.ge [sflag:s10], $0x4000  }
0x2f: {  	[sflag:s10] =	ssyncset.done $0x0  }
0x30: {  	s20 =	sadd.s32 $0x80, s20;
	[sflag:s10] =	ssyncadd.s32 $0xFFFFC000  }
0x31: {  	[tilespmem:s15], [sflag:$0x1] =	stream.indirect.gather [hbm4b:s4+s14], $0x80, s20, s14, $0xb8;
	[tilespmem:$0x1CC00] =	vst v63  }
0x32: {  	_ =	swait.ge [sflag:s16], $0x4000  }
0x33: {  	[sflag:s16] =	ssyncset.done $0x0  }
0x34: {  	[sflag:s16] =	ssyncadd.s32 $0xFFFFC000  }
0x35: {  	[spmem:s2] =	stream.indirect.scatter.add.f32 [tilespmem:s15], [sflag:$0x2], $0x80, s17, s14, $0xb8;
	[tilespmem:$0x1CC00] =	vst v63  }
0x36: {  	_ =	swait.ge [sflag:s10], $0x4000  }
0x37: {  	s18 =	sadd.s32 $0x1, s18;
	[sflag:s10] =	ssyncset.done $0x0  }
0x38: {  	p0 =	sne.s32 s18, s9;
	[sflag:s10] =	ssyncadd.s32 $0xFFFFC000  }
.Ltmp1:
0x39: {  	[bflag:$0x0] =	sbarrier.arrive $0xFFFF;
	(pc) =	sbr.rel @p0 .LBB2_1-.Ltmp1, $4  }
0x3a: {  	[hbm:s8], [sflag:s12] =	dma.local [spmem:s13], $0x2780  }
0x3b: {  	_ =	swait.ge [sflag:s10], $0x2780  }
0x3c: {  	[sflag:s10] =	ssyncset.done $0x0  }
0x3d: {  	[sflag:s10] =	ssyncadd.s32 $0xFFFFD880  }
0x3e: {  	_ =	sfence.sel $0x180000  }
0x3f: {  	[bflag:$0x0] =	sbarrier.arrive $0xFFFF  }
0x40: {  	p0 =	sne.s32 s1, $0x0;
	_ =	strace $0x90000050  }
0x41: {  	s0 =	sadd.s32 @!p0 $0x100000, s0;
	[bflag:$0x2] =	sbarrier.arrive $0xFFFF  }
0x42: {  	[sflag:s0] =	ssyncadd.tile.s32 @!p0 $0x1;
	_ =	shalt  }
.Lfunc_end2:
_tile_overlayer_lowered:
.L_overlay_start_2:
0x43: {  	(tag) =	ssettag $0x2  }
0x44: {  	s0 =	rddreg [dreg:$0x0];
	s2 =	stileid.u32  }
0x45: {  	s1 =	rddreg [dreg:$0x1];
	p0 =	sne.s32 s2, $0x0  }
0x46: {  	s3 =	rddreg [dreg:$0x2];
	[bflag:$0x3] =	sbarrier.arrive $0xFFFF;
	s2 =	simm.s32 @!p0 $0x1C02  }
0x47: {  	[timem:s3], [sflag:s2] =	dma.local @!p0 [hbm:s0], s1  }
0x48: {  	s0 =	simm.s32 @!p0 $0x2  }
0x49: {  	_ =	swait.ge @!p0 [sflag:s0], s1  }
0x4a: {  	s1 =	ssub.s32 @!p0 $0x0, s1;
	[sflag:s0] =	ssyncset.done @!p0 $0x0  }
0x4b: {  	[sflag:s0] =	ssyncadd.s32 @!p0 s1  }
0x4c: {  	[bflag:$0x3] =	sbarrier.arrive $0xFFFF  }
0x4d: {  	_ =	shalt  }

// kernel: kernel.44.cloned.1.call-start
scs
__scs_entry_jumppad:
0x0: {  	(pc) =	sbr.rel $0x88, $3  }
0x1: {  	(tag) =	ssettag $0x0;
	lr =	simm.s32 $0x1  }
0x2: {  	[smem:$0x3F8B] =	sst lr;
	_ =	strace $0xD0000000  }
0x3: {  	_ = 	snop  }
0x4: {  	_ = 	snop  }
0x5: {  	_ = 	snop  }
0x6: {  	_ = 	snop  }
0x7: {  	_ = 	snop  }
__scs_overlays_trampoline_lowered:
0x8: {  	[smem:$0x3F9A] =	sst s0  }
0x9: {  	[smem:$0x3F9B] =	sst s1  }
0xa: {  	[smem:$0x3F9C] =	sst s2  }
0xb: {  	[smem:$0x3F9D] =	sst s3  }
0xc: {  	[smem:$0x3F9E] =	sst s4  }
0xd: {  	[smem:$0x3F9F] =	sst s5  }
0xe: {  	[smem:$0x3FA0] =	sst s6  }
0xf: {  	[smem:$0x3FA1] =	sst s7  }
0x10: {  	[smem:$0x3FA2] =	sst s8  }
0x11: {  	[smem:$0x3FA3] =	sst s9;
	s0 =	simm.s32 @!p0 $0x0  }
0x12: {  	s1 =	sld [smem:$0x3F89];
	s0 =	simm.s32 @p0 $0x1  }
0x13: {  	[smem:$0x3FA4] =	sst s0;
	s0 =	simm.s32 @!p1 $0x0  }
0x14: {  	s2 =	sld [smem:$0x3F88];
	s0 =	simm.s32 @p1 $0x1  }
0x15: {  	[smem:$0x3FA5] =	sst s0;
	s0 =	simm.s32 @!p2 $0x0  }
0x16: {  	s3 =	sld [smem:$0x3FDB];
	s0 =	simm.s32 @p2 $0x1  }
0x17: {  	s4 =	simm.s32 $0x1BF5;
	[smem:$0x3FA7] =	sst s0  }
0x18: {  	s0 =	sld [smem:$0x3F8A];
	_ =	swait.ge [sflag:s4], $0x0  }
0x19: {  	s7 =	sld [smem:$0x3F8B]  }
0x1a: {  	s8 =	sadd.s32 $0xFFFFE003, lr  }
0x1b: {  	s9 =	sadd.s32 $0xFFFFFEF7, lr;
	s5 =	simm.s32 $0xFFFFFFFF;
	p2 =	slt.u32 s8, $0xFFFFF086  }
0x1c: {  	p1 =	slt.u32 s9, $0xF7A;
	s5 =	simm.s32 @!p2 $0x0  }
0x1d: {  	s5 =	simm.s32 @p1 $0x1;
	p0 =	seq.s32 s7, s2  }
0x1e: {  	s7 =	smul.u32 @!p0 $0xF7A, s2;
	p2 =	seq.s32 @!p0 s5, $0x0  }
0x1f: {  	s9 =	smul.u32 $0xF7A, s1;
	s8 =	simm.s32 @!p0 $0x1BF5;
	p2 =	por !p2, p0  }
0x20: {  	[sflag:s8] =	ssyncset.s32 @!p0 $0xFFFFF086;
	s6 =	sadd.s32 @!p0 s3, s7;
	s7 =	simm.s32 @!p0 $0x108  }
0x21: {  	s3 =	sadd.s32 s3, s9;
	s6 =	sadd.s32 @!p0 $0x88, s6;
	s7 =	simm.s32 @p2 $0x1082  }
0x22: {  	[simem:s7], [sflag:s8] =	dma.local @!p0 [hbm:s6], $0xF7A  }
0x23: {  	s9 =	sor.u32 $0xD0000000, s2;
	s6 =	simm.s32 $0x108;
	_ =	swait.ge @!p0 [sflag:s8], $0x0  }
0x24: {  	s3 =	sadd.s32 $0x88, s3;
	s6 =	simm.s32 @!p1 $0x1082;
	[sflag:s4] =	ssyncset.s32 $0xFFFFF086  }
0x25: {  	[simem:s6], [sflag:s4] =	dma.local [hbm:s3], $0xF7A  }
0x26: {  	[smem:$0x3F8B] =	sst s1;
	(tag) =	ssettag s2;
	_ =	strace s9  }
0x27: {  	s1 =	sld [smem:$0x3F9B]  }
0x28: {  	s2 =	sld [smem:$0x3F9C]  }
0x29: {  	s4 =	sld [smem:$0x3F9E]  }
0x2a: {  	p0 =	seq.s32 s5, $0x0;
	s5 =	sld [smem:$0x3F9F]  }
0x2b: {  	s6 =	sld [smem:$0x3FA0]  }
0x2c: {  	s7 =	sld [smem:$0x3FA1]  }
0x2d: {  	s3 =	simm.s32 $0x108;
	s8 =	sld [smem:$0x3FA2]  }
0x2e: {  	s3 =	simm.s32 @!p0 $0x1082;
	s9 =	sld [smem:$0x3FA3]  }
0x2f: {  	lr =	sadd.s32 s0, s3;
	s0 =	sld [smem:$0x3F9A]  }
0x30: {  	s3 =	sld [smem:$0x3F9D]  }
0x31: {  	[smem:$0x3FA6] =	sst s10  }
0x32: {  	s10 =	sld [smem:$0x3FA4];
	_ =	sdelay $0x3  }
0x33: {  	p0 =	seq.s32 s10, $0x1;
	s10 =	sld [smem:$0x3FA6];
	_ =	sdelay $0x3  }
0x34: {  	[smem:$0x3FA6] =	sst s10  }
0x35: {  	s10 =	sld [smem:$0x3FA5];
	_ =	sdelay $0x3  }
0x36: {  	p1 =	seq.s32 s10, $0x1;
	s10 =	sld [smem:$0x3FA6];
	_ =	sdelay $0x3  }
0x37: {  	[smem:$0x3FA6] =	sst s10  }
0x38: {  	s10 =	sld [smem:$0x3FA7]  }
0x39: {  	_ = 	snop;
	(pc) =	sbr.ind lr, $3  }
0x3a: {  	_ = 	snop  }
0x3b: {  	_ = 	snop  }
0x3c: {  	p2 =	seq.s32 s10, $0x1;
	s10 =	sld [smem:$0x3FA6]  }
0x3d: {  	_ =	shalt  }
0x3e: {  	_ =	shalt  }
0x3f: {  	_ =	shalt  }
0x40: {  	_ =	shalt  }
0x41: {  	_ =	shalt  }
0x42: {  	_ =	shalt  }
0x43: {  	_ =	shalt  }
0x44: {  	_ =	shalt  }
0x45: {  	_ =	shalt  }
0x46: {  	_ =	shalt  }
0x47: {  	_ =	shalt  }
0x48: {  	_ =	shalt  }
0x49: {  	_ =	shalt  }
0x4a: {  	_ =	shalt  }
0x4b: {  	_ =	shalt  }
0x4c: {  	_ =	shalt  }
0x4d: {  	_ =	shalt  }
0x4e: {  	_ =	shalt  }
0x4f: {  	_ =	shalt  }
0x50: {  	_ =	shalt  }
0x51: {  	_ =	shalt  }
0x52: {  	_ =	shalt  }
0x53: {  	_ =	shalt  }
0x54: {  	_ =	shalt  }
0x55: {  	_ =	shalt  }
0x56: {  	_ =	shalt  }
0x57: {  	_ =	shalt  }
0x58: {  	_ =	shalt  }
0x59: {  	_ =	shalt  }
0x5a: {  	_ =	shalt  }
0x5b: {  	_ =	shalt  }
0x5c: {  	_ =	shalt  }
0x5d: {  	_ =	shalt  }
0x5e: {  	_ =	shalt  }
0x5f: {  	_ =	shalt  }
0x60: {  	_ =	shalt  }
0x61: {  	_ =	shalt  }
0x62: {  	_ =	shalt  }
0x63: {  	_ =	shalt  }
0x64: {  	_ =	shalt  }
0x65: {  	_ =	shalt  }
0x66: {  	_ =	shalt  }
0x67: {  	_ =	shalt  }
0x68: {  	_ =	shalt  }
0x69: {  	_ =	shalt  }
0x6a: {  	_ =	shalt  }
0x6b: {  	_ =	shalt  }
0x6c: {  	_ =	shalt  }
0x6d: {  	_ =	shalt  }
0x6e: {  	_ =	shalt  }
0x6f: {  	_ =	shalt  }
0x70: {  	_ =	shalt  }
0x71: {  	_ =	shalt  }
0x72: {  	_ =	shalt  }
0x73: {  	_ =	shalt  }
0x74: {  	_ =	shalt  }
0x75: {  	_ =	shalt  }
0x76: {  	_ =	shalt  }
0x77: {  	_ =	shalt  }
0x78: {  	_ =	shalt  }
0x79: {  	_ =	shalt  }
0x7a: {  	_ =	shalt  }
0x7b: {  	_ =	shalt  }
0x7c: {  	_ =	shalt  }
0x7d: {  	_ =	shalt  }
0x7e: {  	_ =	shalt  }
0x7f: {  	_ =	shalt  }
0x80: {  	_ =	shalt  }
0x81: {  	_ =	shalt  }
0x82: {  	_ =	shalt  }
0x83: {  	_ =	shalt  }
0x84: {  	_ =	shalt  }
0x85: {  	_ =	shalt  }
0x86: {  	_ =	shalt  }
0x87: {  	_ =	shalt  }
.Lfunc_end0:
.L_simem_size_0:
called_computation.7_lowered:
.L_overlay_start_0:
0x88: {  	s2 =	sld [smem:$0x3FD9]  }
0x89: {  	s3 =	sld [smem:$0x3FFE];
	_ =	sdelay $0x1  }
0x8a: {  	s1 =	srdreg.scid  }
0x8b: {  	s0 =	sand.u32 $0x1, s1  }
0x8c: {  	s14 =	sshll.u32 s0, $0xA;
	s2 =	sadd.s32 s3, s2  }
0x8d: {  	s2 =	sadd.s32 s2, s14  }
0x8e: {  	[smem:$0x3FB2] =	sst s2  }
0x8f: {  	_ = 	snop  }
0x90: {  	s2 =	sld [smem:$0x3FD0];
	_ =	sdelay $0x2  }
0x91: {  	s15 =	simm.s32 $0xD;
	s4 =	simm.s32 $0x10  }
0x92: {  	[smem:s4], [sflag:s15] =	dma.local [hbm:s2], $0x1  }
0x93: {  	_ =	swait.eq [sflag:s15], $0x1  }
0x94: {  	[sflag:s15] =	ssyncset.done $0x0  }
0x95: {  	s16 =	sld [smem:$0x10];
	[sflag:s15] =	ssyncadd.s32 $0xFFFFFFFF  }
0x96: {  	s17 =	sld [smem:$0x11];
	(tm) =	ssettm $0x1  }
0x97: {  	s18 =	sld [smem:$0x3FFB];
	_ =	sdelay $0x3  }
0x98: {  	_ =	strace s18  }
0x99: {  	s4 =	sld [smem:$0x3FFC];
	_ =	sdelay $0x3  }
0x9a: {  	_ =	strace s4  }
0x9b: {  	s4 =	sld [smem:$0x3FFD];
	_ =	sdelay $0x3  }
0x9c: {  	_ =	strace s4  }
0x9d: {  	_ =	strace $0x8FFFFFFF  }
0x9e: {  	s19 =	sld [smem:$0x3FDB];
	_ =	sdelay $0x1  }
0x9f: {  	s5 =	simm.s32 $_scs_section_size  }
0xa0: {  	s6 =	simm.s32 $_size__tile_overlayer_lowered;
	s7 =	simm.s32 $_tile_overlayer_lowered  }
0xa1: {  	s22 =	simm.s32 $0x1BFF;
	s21 =	sshll.u32 s7, $0x1;
	s4 =	sadd.s32 s5, s19  }
0xa2: {  	s8 =	simm.s32 $0x0;
	s20 =	sshll.u32 s6, $0x1;
	s6 =	sadd.s32 s21, s4  }
0xa3: {  	[timem:s8], [sflag:s22] =	dma.local [hbm:s6], s20  }
0xa4: {  	_ =	swait.ge [sflag:s22], s20  }
0xa5: {  	s5 =	ssub.s32 $0x0, s20;
	[sflag:s22] =	ssyncset.done $0x0  }
0xa6: {  	[sflag:s22] =	ssyncadd.s32 s5;
	_ =	sdelay $0x1  }
0xa7: {  	s23 =	simm.s32 $0x1B8B  }
0xa8: {  	_ =	swait.ge [sflag:s23], $0x1  }
0xa9: {  	[sflag:s23] =	ssyncset.done $0x0  }
0xaa: {  	s25 =	simm.s32 $0x1B8E;
	s24 =	sld [smem:$0x3FFE];
	[sflag:s23] =	ssyncadd.s32 $0xFFFFFFFF  }
0xab: {  	s26 =	simm.s32 $execute0_lowered;
	[smem:$0x3FD2] =	sst s25  }
0xac: {  	s6 =	sshll.u32 s26, $0x1;
	_ =	strace $0x8000005B;
	[dreg:$0x1] =	wrdreg $0xFFFFFFFF  }
0xad: {  	s28 =	simm.s32 $_size_execute0_lowered;
	s4 =	sadd.s32 s4, s6;
	[dreg:$0x0] =	wrdreg $0x0  }
0xae: {  	s6 =	sshll.u32 s28, $0x1;
	[dreg:$0x2] =	wrdreg s4  }
0xaf: {  	[dreg:$0x3] =	wrdreg s6  }
0xb0: {  	[dreg:$0x4] =	wrdreg $0xC0  }
0xb1: {  	_ =	task [dreg:s8], $0x5FFFF  }
0xb2: {  	[dreg:$0x1] =	wrdreg $0xFFFFFFFF  }
0xb3: {  	[dreg:$0x0] =	wrdreg $0x60  }
0xb4: {  	[dreg:$0x2] =	wrdreg s24  }
0xb5: {  	[dreg:$0x3] =	wrdreg s16  }
0xb6: {  	[dreg:$0x4] =	wrdreg s17  }
0xb7: {  	[dreg:$0x5] =	wrdreg $0x90000  }
0xb8: {  	[dreg:$0x6] =	wrdreg $0x9  }
0xb9: {  	_ =	task.clear_ibuf [dreg:s8], $0x7FFFF;
	_ =	strace $0x9000005B  }
0xba: {  	s29 =	simm.s32 $0x9;
	_ =	strace $0x8000005D  }
0xbb: {  	_ =	swait.ge [sflag:s29], $0x1  }
0xbc: {  	[sflag:s29] =	ssyncadd.s32 $0xFFFFFFFF  }
0xbd: {  	_ =	strace $0x9000005D  }
0xbe: {  	_ =	sfence  }
0xbf: {  	s30 =	sld [smem:$0x0];
	_ =	sdelay $0x2  }
0xc0: {  	s31 =	sshll.u32 s1, $0xD;
	s1 =	sshrl.u32 s1, $0x2  }
0xc1: {  	s3 =	sand.u32 $0x4000, s31;
	s1 =	sadd.s32 s1, s30  }
0xc2: {  	s0 =	sor.u32 s3, s0;
	s1 =	sshll.u32 s1, $0x11  }
0xc3: {  	s0 =	sor.u32 s1, s0  }
0xc4: {  	s0 =	sadd.s32 $0x8F2B, s0  }
0xc5: {  	[sflag:s0] =	ssyncadd.remote.s32 $0x1  }
0xc6: {  	_ =	sfence.sel $0xFFFF  }
0xc7: {  	[dreg:$0x0] =	wrdreg $0xFFFFFFFF;
	(pc) =	sbr.abs _section_cstart, $3  }
0xc8: {  	[dreg:$0x1] =	wrdreg $0xFFFFFFFF  }
0xc9: {  	_ =	task.clear_ibuf [dreg:s8], $0x2FFFF;
	_ =	strace $0x9FFFFFFF  }
0xca: {  	(tm) =	ssettm $0x7FFFFFFF  }
0xcb: {  	_ =	shalt  }
tec
execute0_lowered:
.L_overlay_start_1:
0x0: {  	(tag) =	ssettag $0x1  }
0x1: {  	s5 =	rddreg [dreg:$0x0]  }
0x2: {  	s6 =	rddreg [dreg:$0x1]  }
0x3: {  	s7 =	rddreg [dreg:$0x2]  }
0x4: {  	s2 =	rddreg [dreg:$0x3]  }
0x5: {  	s0 =	rddreg [dreg:$0x4]  }
0x6: {  	s1 =	stileid.u32;
	s4 =	srdreg.scid  }
0x7: {  	s3 =	simm.s32 $0x0;
	s14 =	simm.s32 $0x80;
	s15 =	simm.s32 $0x5000  }
0x8: {  	s16 =	simm.s32 $0x1;
	s17 =	simm.s32 $0x4F00;
	s18 =	simm.s32 $0x0  }
0x9: {  	s8 =	smul.u32 $0x13C00, s1;
	s9 =	sand.u32 $0x1, s4;
	[smem:$0x7FF] =	sst s3  }
0xa: {  	s4 =	sadd.s32 $0x83800, s5;
	s29 =	smul.u32 $0x4F000, s1;
	s31 =	sshll.u32 s1, $0x6  }
0xb: {  	s10 =	smul.u32 $0x13C000, s9;
	s11 =	sshll.u32 s9, $0x4;
	_ =	strace $0x8000005C  }
0xc: {  	s9 =	ssub.s32 $0x2, s9;
	s11 =	sor.u32 s1, s11;
	s12 =	sshrl.u32 s8, $0x3  }
0xd: {  	s30 =	sshrl.u32 s9, $0x1;
	s8 =	sadd.s32 s8, s10;
	s28 =	smul.u32 $0x500, s11  }
0xe: {  	s12 =	sadd.s32 s12, s5;
	s9 =	ssub.s32 s9, s30;
	s11 =	sshrl.u32 s29, $0x2  }
0xf: {  	s10 =	simm.s32 $0x2;
	s8 =	sshrl.u32 s8, $0x3;
	s13 =	sadd.s32 s11, s2  }
0x10: {  	s9 =	smax.u32 s9, $0x1;
	s11 =	simm.s32 $0x2800;
	s8 =	sadd.s32 s8, s5  }
0x11: {  	s5 =	sadd.s32 s6, s28;
	s6 =	sadd.s32 s7, s28;
	s7 =	sadd.s32 $0xAAA00, s12  }
0x12: {  	s12 =	sor.u32 $0x1C02, s31;
	s13 =	sshrl.u32 s13, $0x3;
	s8 =	sadd.s32 $0xD2200, s8  }
.LBB2_1:
0x13: {  	[tilespmem:s3], [sflag:$0x2] =	stream.linear.gather [hbm4b:s5+s3], $0x2780, $0x38;
	[tilespmem:$0x1CC00] =	vst v63  }
0x14: {  	_ =	swait.ge [sflag:s10], $0x2780  }
0x15: {  	[sflag:s10] =	ssyncset.done $0x0  }
0x16: {  	[sflag:s10] =	ssyncadd.s32 $0xFFFFD880  }
0x17: {  	[tilespmem:s11], [sflag:$0x2] =	stream.linear.gather [hbm4b:s6+s3], $0x2780, $0x38;
	[tilespmem:$0x1CC00] =	vst v63  }
0x18: {  	_ =	swait.ge [sflag:s10], $0x2780  }
0x19: {  	[sflag:s10] =	ssyncset.done $0x0  }
0x1a: {  	[sflag:s10] =	ssyncadd.s32 $0xFFFFD880  }
0x1b: {  	[spmem:s13], [sflag:s12] =	dma.local [hbm:s7], $0x2780  }
0x1c: {  	_ =	swait.ge [sflag:s10], $0x2780  }
0x1d: {  	[sflag:s10] =	ssyncset.done $0x0  }
0x1e: {  	[sflag:s10] =	ssyncadd.s32 $0xFFFFD880  }
0x1f: {  	[bflag:$0x0] =	sbarrier.arrive $0xFFFF  }
0x20: {  	[tilespmem:s15], [sflag:$0x1] =	stream.indirect.gather [hbm4b:s4+s14], $0x80, s3, s14, $0xb8;
	[tilespmem:$0x1CC00] =	vst v63  }
0x21: {  	_ =	swait.ge [sflag:s16], $0x4000  }
0x22: {  	[sflag:s16] =	ssyncset.done $0x0  }
0x23: {  	s19 =	simm.s32 $0x2800;
	[sflag:s16] =	ssyncadd.s32 $0xFFFFC000  }
0x24: {  	[spmem:s2] =	stream.indirect.scatter.add.f32 [tilespmem:s15], [sflag:$0x2], $0x80, s19, s14, $0xb8;
	[tilespmem:$0x1CC00] =	vst v63  }
0x25: {  	_ =	swait.ge [sflag:s10], $0x4000  }
0x26: {  	[sflag:s10] =	ssyncset.done $0x0  }
0x27: {  	s20 =	simm.s32 $0x80;
	s19 =	simm.s32 $0x200;
	[sflag:s10] =	ssyncadd.s32 $0xFFFFC000  }
.LBB2_2:
0x28: {  	[tilespmem:s15], [sflag:$0x1] =	stream.indirect.gather [hbm4b:s4+s14], $0x80, s20, s14, $0xb8;
	[tilespmem:$0x1CC00] =	vst v63  }
0x29: {  	s20 =	smov.u32 s19  }
0x2a: {  	p0 =	sne.s32 s19, $0x9A00;
	s19 =	sadd.s32 $0x200, s19;
	_ =	swait.ge [sflag:s16], $0x4000  }
0x2b: {  	s20 =	sshra.s32 s20, $0x2;
	[sflag:s16] =	ssyncset.done $0x0  }
.Ltmp0:
0x2c: {  	s21 =	sadd.s32 $0x2800, s20;
	[sflag:s16] =	ssyncadd.s32 $0xFFFFC000;
	(pc) =	sbr.rel @p0 .LBB2_2-.Ltmp0, $4  }
0x2d: {  	[spmem:s2] =	stream.indirect.scatter.add.f32 [tilespmem:s15], [sflag:$0x2], $0x80, s21, s14, $0xb8;
	[tilespmem:$0x1CC00] =	vst v63  }
0x2e: {  	_ =	swait.ge [sflag:s10], $0x4000  }
0x2f: {  	[sflag:s10] =	ssyncset.done $0x0  }
0x30: {  	s20 =	sadd.s32 $0x80, s20;
	[sflag:s10] =	ssyncadd.s32 $0xFFFFC000  }
0x31: {  	[tilespmem:s15], [sflag:$0x1] =	stream.indirect.gather [hbm4b:s4+s14], $0x80, s20, s14, $0xb8;
	[tilespmem:$0x1CC00] =	vst v63  }
0x32: {  	_ =	swait.ge [sflag:s16], $0x4000  }
0x33: {  	[sflag:s16] =	ssyncset.done $0x0  }
0x34: {  	[sflag:s16] =	ssyncadd.s32 $0xFFFFC000  }
0x35: {  	[spmem:s2] =	stream.indirect.scatter.add.f32 [tilespmem:s15], [sflag:$0x2], $0x80, s17, s14, $0xb8;
	[tilespmem:$0x1CC00] =	vst v63  }
0x36: {  	_ =	swait.ge [sflag:s10], $0x4000  }
0x37: {  	s18 =	sadd.s32 $0x1, s18;
	[sflag:s10] =	ssyncset.done $0x0  }
0x38: {  	p0 =	sne.s32 s18, s9;
	[sflag:s10] =	ssyncadd.s32 $0xFFFFC000  }
.Ltmp1:
0x39: {  	[bflag:$0x0] =	sbarrier.arrive $0xFFFF;
	(pc) =	sbr.rel @p0 .LBB2_1-.Ltmp1, $4  }
0x3a: {  	[hbm:s8], [sflag:s12] =	dma.local [spmem:s13], $0x2780  }
0x3b: {  	_ =	swait.ge [sflag:s10], $0x2780  }
0x3c: {  	[sflag:s10] =	ssyncset.done $0x0  }
0x3d: {  	[sflag:s10] =	ssyncadd.s32 $0xFFFFD880  }
0x3e: {  	_ =	sfence.sel $0x180000  }
0x3f: {  	[bflag:$0x0] =	sbarrier.arrive $0xFFFF  }
0x40: {  	p0 =	sne.s32 s1, $0x0;
	_ =	strace $0x9000005C  }
0x41: {  	s0 =	sadd.s32 @!p0 $0x100000, s0;
	[bflag:$0x2] =	sbarrier.arrive $0xFFFF  }
0x42: {  	[sflag:s0] =	ssyncadd.tile.s32 @!p0 $0x1;
	_ =	shalt  }
.Lfunc_end2:
_tile_overlayer_lowered:
.L_overlay_start_2:
0x43: {  	(tag) =	ssettag $0x2  }
0x44: {  	s0 =	rddreg [dreg:$0x0];
	s2 =	stileid.u32  }
0x45: {  	s1 =	rddreg [dreg:$0x1];
	p0 =	sne.s32 s2, $0x0  }
0x46: {  	s3 =	rddreg [dreg:$0x2];
	[bflag:$0x3] =	sbarrier.arrive $0xFFFF;
	s2 =	simm.s32 @!p0 $0x1C02  }
0x47: {  	[timem:s3], [sflag:s2] =	dma.local @!p0 [hbm:s0], s1  }
0x48: {  	s0 =	simm.s32 @!p0 $0x2  }
0x49: {  	_ =	swait.ge @!p0 [sflag:s0], s1  }
0x4a: {  	s1 =	ssub.s32 @!p0 $0x0, s1;
	[sflag:s0] =	ssyncset.done @!p0 $0x0  }
0x4b: {  	[sflag:s0] =	ssyncadd.s32 @!p0 s1  }
0x4c: {  	[bflag:$0x3] =	sbarrier.arrive $0xFFFF  }
0x4d: {  	_ =	shalt  }

</sc_bundles>
